<compile_context>
chip_gen: v7x
topology: tpu7x:2x2x1
jax: 0.10.2.dev20260603
libtpu: 0.0.44.dev20260713+nightly
codegen_flags: <defaults>
</compile_context>

<pallas_src>
import jax
import jax.numpy as jnp
from jax import lax
from jax.experimental import pallas as pl
from jax.experimental.pallas import tpu as pltpu
from jax.experimental.pallas import tpu_sc as plsc

D = 128
N = 100000
C = 1000
CPAD = 1024
B = 1024
TEMP = 0.05
TRASH = CPAD - 1
NC, NS = 2, 16
NW = NC * NS
BLK = 128
NFULL = N // BLK
TAIL = N - NFULL * BLK
TPT = (NFULL + NW - 1) // NW
RPT = CPAD // NS
TGT = B // NW


def _sc_body(feat_hbm, lab_hbm, idx_hbm, zr_hbm, zc_hbm, on_hbm,
             sums_out, cnts_out, tgt_out,
             rows0, rows1, rows2, labs0, labs1, labs2,
             rows_t, labels_t, ones_v,
             idx_b, tgt_b, sem, semf0, semf1, semf2, seml0, seml1, seml2,
             semr0, semr1, semc0, semc1, sum_acc, cnt_acc):
  c = lax.axis_index("c")
  s = lax.axis_index("s")
  w = c * NS + s
  rows = (rows0, rows1, rows2)
  labs = (labs0, labs1, labs2)
  semf = (semf0, semf1, semf2)
  seml = (seml0, seml1, seml2)
  semr = (semr0, semr1)
  semc = (semc0, semc1)

  def issue(t):
    b = jnp.minimum(w + NW * t, NFULL - 1)
    base = b * BLK
    pltpu.async_copy(feat_hbm.at[pl.ds(base, BLK)], rows[t % 3],
                     semf[t % 3])
    pltpu.async_copy(lab_hbm.at[pl.ds(base, BLK)], labs[t % 3],
                     seml[t % 3])

  issue(0)
  issue(1)

  pltpu.sync_copy(idx_hbm.at[pl.ds(w * TGT, TGT)], idx_b)
  pltpu.async_copy(lab_hbm.at[idx_b], tgt_b, sem).wait()
  pltpu.sync_copy(tgt_b, tgt_out.at[pl.ds(w * TGT, TGT)])

  pltpu.sync_copy(zr_hbm, sum_acc.at[pl.ds(s * RPT, RPT)])
  pltpu.sync_copy(zc_hbm, cnt_acc.at[pl.ds(s * RPT, RPT)])
  pltpu.sync_copy(on_hbm, ones_v)
  plsc.subcore_barrier()

  pend = None
  for t in range(TPT):
    if pend is not None:
      for d in pend:
        d.wait()
      pend = None
    if t + 2 < TPT:
      issue(t + 2)
    pltpu.make_async_copy(feat_hbm.at[pl.ds(0, BLK)], rows[t % 3],
                          semf[t % 3]).wait()
    pltpu.make_async_copy(lab_hbm.at[pl.ds(0, BLK)], labs[t % 3],
                          seml[t % 3]).wait()

    @pl.when(w + NW * t >= NFULL)
    def _():
      trash = jnp.full((16,), TRASH, jnp.int32)
      for j in range(BLK // 16):
        labs[t % 3][pl.ds(j * 16, 16)] = trash

    d1 = pltpu.async_copy(rows[t % 3], sum_acc.at[labs[t % 3]],
                          semr[t % 2], add=True)
    d2 = pltpu.async_copy(ones_v, cnt_acc.at[labs[t % 3]],
                          semc[t % 2], add=True)
    pend = (d1, d2)
  if pend is not None:
    for d in pend:
      d.wait()

  @pl.when(w == NW - 1)
  def _():
    pltpu.sync_copy(feat_hbm.at[pl.ds(NFULL * BLK, TAIL)], rows_t)
    pltpu.sync_copy(lab_hbm.at[pl.ds(NFULL * BLK, TAIL)], labels_t)
    pltpu.sync_copy(rows_t, sum_acc.at[labels_t], add=True)
    pltpu.sync_copy(ones_v.at[pl.ds(0, TAIL)], cnt_acc.at[labels_t],
                    add=True)

  plsc.subcore_barrier()

  off = c * CPAD + s * RPT
  pltpu.sync_copy(sum_acc.at[pl.ds(s * RPT, RPT)],
                  sums_out.at[pl.ds(off, RPT)])
  pltpu.sync_copy(cnt_acc.at[pl.ds(s * RPT, RPT)],
                  cnts_out.at[pl.ds(off, RPT)])


def _make_sc():
  mesh = plsc.VectorSubcoreMesh(core_axis_name="c", subcore_axis_name="s",
                                num_cores=NC, num_subcores=NS)
  return pl.kernel(
      _sc_body,
      out_type=(
          jax.ShapeDtypeStruct((NC * CPAD, D), jnp.float32),
          jax.ShapeDtypeStruct((NC * CPAD, 16), jnp.float32),
          jax.ShapeDtypeStruct((B,), jnp.int32),
      ),
      mesh=mesh,
      scratch_types=[
          pltpu.VMEM((BLK, D), jnp.float32),
          pltpu.VMEM((BLK, D), jnp.float32),
          pltpu.VMEM((BLK, D), jnp.float32),
          pltpu.VMEM((BLK,), jnp.int32),
          pltpu.VMEM((BLK,), jnp.int32),
          pltpu.VMEM((BLK,), jnp.int32),
          pltpu.VMEM((TAIL, D), jnp.float32),
          pltpu.VMEM((TAIL,), jnp.int32),
          pltpu.VMEM((BLK, 16), jnp.float32),
          pltpu.VMEM((TGT,), jnp.int32),
          pltpu.VMEM((TGT,), jnp.int32),
          pltpu.SemaphoreType.DMA,
          pltpu.SemaphoreType.DMA,
          pltpu.SemaphoreType.DMA,
          pltpu.SemaphoreType.DMA,
          pltpu.SemaphoreType.DMA,
          pltpu.SemaphoreType.DMA,
          pltpu.SemaphoreType.DMA,
          pltpu.SemaphoreType.DMA,
          pltpu.SemaphoreType.DMA,
          pltpu.SemaphoreType.DMA,
          pltpu.SemaphoreType.DMA,
          pltpu.VMEM_SHARED((CPAD, D), jnp.float32),
          pltpu.VMEM_SHARED((CPAD, 16), jnp.float32),
      ],
  )


def _tc_body(inp_ref, sums_ref, cnts_ref, tgt_ref, out_ref):
  S = sums_ref[0:CPAD, :] + sums_ref[CPAD:2 * CPAD, :]
  cn = cnts_ref[0:CPAD, :] + cnts_ref[CPAD:2 * CPAD, :]
  nums = cn[:, 0:1]
  valid = lax.broadcasted_iota(jnp.int32, (CPAD, 1), 0) < C
  mask = jnp.logical_and(nums > 0.0, valid)
  denom = jnp.where(mask, nums, 1.0) * TEMP
  Ss = S / denom
  x = inp_ref[...]
  VT = lax.dot_general(Ss, x, (((1,), (1,)), ((), ())),
                       preferred_element_type=jnp.float32)
  exps = jnp.exp(VT) * jnp.where(mask, 1.0, 0.0)
  ssum = jnp.sum(exps, axis=0, keepdims=True) + 1e-6
  logp = jnp.log(exps / ssum + 1e-6)
  t = tgt_ref[...]
  oh = (lax.broadcasted_iota(jnp.int32, (CPAD, B), 0) ==
        t[None, :]).astype(jnp.float32)
  tot = jnp.sum(jnp.sum(logp * oh, axis=0, keepdims=True),
                axis=1, keepdims=True)
  out_ref[...] = -tot / B


_tc_loss = pl.pallas_call(
    _tc_body,
    out_shape=jax.ShapeDtypeStruct((1, 1), jnp.float32),
)


def kernel(inputs, indexes, features, labels):
  labels = labels.astype(jnp.int32)
  indexes = indexes.astype(jnp.int32)
  zr = jnp.zeros((RPT, D), jnp.float32)
  zc = jnp.zeros((RPT, 16), jnp.float32)
  on = jnp.ones((BLK, 16), jnp.float32)
  sums2, cnts2, targets = _make_sc()(features, labels, indexes, zr, zc, on)
  loss = _tc_loss(inputs, sums2, cnts2, targets)
  return loss[0, 0]

# --- scband reference (transcript-rebuilt; emitter-appended) ---
"""Pipeline reference for scband-hybrid-memory-63745904607642 (READ-ONLY COPY).

The authoritative reference and input builder live on the scoring server;
editing this copy changes nothing except your own understanding.
"""

import jax, jax.numpy as jnp
import numpy as np

NUM_FEATURES = 128
NUM_SAMPLES = 100000
NUM_CLASSES = 1000
BATCH = 1024
TEMP = 0.05


def setup_inputs(seed: int = 0) -> dict:
    key = jax.random.key(seed)
    k1, k2, k3, k4 = jax.random.split(key, 4)
    inputs = jax.random.normal(k1, (BATCH, NUM_FEATURES), dtype=jnp.float32)
    indexes = jax.random.randint(k2, (BATCH,), 0, NUM_SAMPLES, dtype=jnp.int64) if jax.config.jax_enable_x64 else jax.random.randint(k2, (BATCH,), 0, NUM_SAMPLES, dtype=jnp.int32)
    # features buffer: in the torch module this is a running memory bank; we materialize
    # it as L2-normalized random state (the zero-init state is degenerate).
    features = jax.random.normal(k3, (NUM_SAMPLES, NUM_FEATURES), dtype=jnp.float32)
    features = features / (jnp.linalg.norm(features, axis=1, keepdims=True) + 1e-12)
    # labels buffer (pseudo-label state); random class ids in [0, NUM_CLASSES)
    labels = jax.random.randint(k4, (NUM_SAMPLES,), 0, NUM_CLASSES, dtype=jnp.int32)
    # guarantee labels.max()+1 == NUM_CLASSES for stable shapes
    labels = labels.at[0].set(NUM_CLASSES - 1)
    return {"inputs": inputs, "indexes": indexes, "features": features, "labels": labels}


def reference(inputs, indexes, features, labels):
    # HM.forward: outputs = inputs.mm(features.t())
    logits = jnp.matmul(inputs, features.T)
    # inputs /= self.temp
    logits = logits / TEMP
    B = inputs.shape[0]
    num_samples = features.shape[0]
    targets = labels[indexes]
    num_classes = NUM_CLASSES
    # sim.index_add_(0, labels, inputs.t()) -> scatter-add rows of logits.T by labels
    sim = jnp.zeros((num_classes, B), dtype=jnp.float32).at[labels].add(logits.T)
    nums = jnp.zeros((num_classes, 1), dtype=jnp.float32).at[labels].add(
        jnp.ones((num_samples, 1), dtype=jnp.float32))
    mask = (nums > 0).astype(jnp.float32)
    sim = sim / (mask * nums + (1.0 - mask))
    mask_full = jnp.broadcast_to(mask, sim.shape)
    # masked_softmax(sim.t(), mask.t())
    vec = sim.T
    m = mask_full.T
    exps = jnp.exp(vec)
    masked_exps = exps * m
    masked_sums = jnp.sum(masked_exps, axis=1, keepdims=True) + 1e-6
    masked_sim = masked_exps / masked_sums
    logp = jnp.log(masked_sim + 1e-6)
    # F.nll_loss(logp, targets) with mean reduction
    loss = -jnp.mean(logp[jnp.arange(B), targets])
    return loss

if __name__ == "__main__":
    import jax
    _d = setup_inputs()
    print(jax.jit(kernel)(*tuple(_d.values())))

</pallas_src>

<mosaic_0001>
#map = affine_map<(d0, d1) -> (0, 0)>
#map1 = affine_map<(d0, d1) -> (0)>
module attributes {stable_mosaic.version = 14 : i64} {
  func.func @_sc_body(%arg0: i32, %arg1: i32, %arg2: memref<100000x128xf32, #tpu.memory_space<hbm>>, %arg3: memref<100000xi32, #tpu.memory_space<hbm>>, %arg4: memref<1024xi32, #tpu.memory_space<hbm>>, %arg5: memref<64x128xf32, #tpu.memory_space<hbm>>, %arg6: memref<64x16xf32, #tpu.memory_space<hbm>>, %arg7: memref<128x16xf32, #tpu.memory_space<hbm>>, %arg8: memref<2048x128xf32, #tpu.memory_space<hbm>>, %arg9: memref<2048x16xf32, #tpu.memory_space<hbm>>, %arg10: memref<1024xi32, #tpu.memory_space<hbm>>, %arg11: memref<128x128xf32, #tpu.memory_space<vmem>>, %arg12: memref<128x128xf32, #tpu.memory_space<vmem>>, %arg13: memref<128x128xf32, #tpu.memory_space<vmem>>, %arg14: memref<128xi32, #tpu.memory_space<vmem>>, %arg15: memref<128xi32, #tpu.memory_space<vmem>>, %arg16: memref<128xi32, #tpu.memory_space<vmem>>, %arg17: memref<32x128xf32, #tpu.memory_space<vmem>>, %arg18: memref<32xi32, #tpu.memory_space<vmem>>, %arg19: memref<128x16xf32, #tpu.memory_space<vmem>>, %arg20: memref<32xi32, #tpu.memory_space<vmem>>, %arg21: memref<32xi32, #tpu.memory_space<vmem>>, %arg22: memref<!tpu.dma_semaphore, #tpu.memory_space<semaphore_mem>>, %arg23: memref<!tpu.dma_semaphore, #tpu.memory_space<semaphore_mem>>, %arg24: memref<!tpu.dma_semaphore, #tpu.memory_space<semaphore_mem>>, %arg25: memref<!tpu.dma_semaphore, #tpu.memory_space<semaphore_mem>>, %arg26: memref<!tpu.dma_semaphore, #tpu.memory_space<semaphore_mem>>, %arg27: memref<!tpu.dma_semaphore, #tpu.memory_space<semaphore_mem>>, %arg28: memref<!tpu.dma_semaphore, #tpu.memory_space<semaphore_mem>>, %arg29: memref<!tpu.dma_semaphore, #tpu.memory_space<semaphore_mem>>, %arg30: memref<!tpu.dma_semaphore, #tpu.memory_space<semaphore_mem>>, %arg31: memref<!tpu.dma_semaphore, #tpu.memory_space<semaphore_mem>>, %arg32: memref<!tpu.dma_semaphore, #tpu.memory_space<semaphore_mem>>, %arg33: memref<1024x128xf32, #tpu.memory_space<vmem_shared>>, %arg34: memref<1024x16xf32, #tpu.memory_space<vmem_shared>>) attributes {dimension_semantics = [#tpu.dimension_semantics<core_parallel>, #tpu.dimension_semantics<subcore_parallel>], iteration_bounds = array<i64: 2, 16>, scalar_prefetch = 0 : i64, scratch_operands = 24 : i64, tpu.core_type = #tpu.core_type<sc_vector_subcore>, window_params = [{transform_indices = #map}, {transform_indices = #map1}, {transform_indices = #map1}, {transform_indices = #map}, {transform_indices = #map}, {transform_indices = #map}, {transform_indices = #map}, {transform_indices = #map}, {transform_indices = #map1}]} {
    %mul3A = arith.constant 16 : i32
    %mul3A_0 = arith.muli %arg0, %mul3A : i32
    %add3A = arith.addi %mul3A_0, %arg1 : i32
    %add3A_1 = arith.constant 0 : i32
    %add3A_2 = arith.addi %add3A, %add3A_1 : i32
    %min3A = arith.constant 780 : i32
    %min3A_3 = arith.minsi %add3A_2, %min3A : i32
    %mul3A_4 = arith.constant 128 : i32
    %mul3A_5 = arith.muli %min3A_3, %mul3A_4 : i32
    %dma_start3A = arith.constant 0 : i32
    %dma_start3A_6 = tpu.memref_slice %arg2[%mul3A_5, %dma_start3A] : memref<100000x128xf32, #tpu.memory_space<hbm>> -> memref<128x128xf32, #tpu.memory_space<hbm>>
    %dma_start3A_7 = arith.constant 0 : i32
    %dma_start3A_8 = tpu.memref_slice %arg2[%mul3A_5, %dma_start3A_7] : memref<100000x128xf32, #tpu.memory_space<hbm>> -> memref<128x128xf32, #tpu.memory_space<hbm>>
    tpu.enqueue_dma source(%dma_start3A_8 : memref<128x128xf32, #tpu.memory_space<hbm>>) target(%arg11 : memref<128x128xf32, #tpu.memory_space<vmem>>) target_semaphore(%arg23 : memref<!tpu.dma_semaphore, #tpu.memory_space<semaphore_mem>>)
    %dma_start3A_9 = tpu.memref_slice %arg3[%mul3A_5] : memref<100000xi32, #tpu.memory_space<hbm>> -> memref<128xi32, #tpu.memory_space<hbm>>
    %dma_start3A_10 = tpu.memref_slice %arg3[%mul3A_5] : memref<100000xi32, #tpu.memory_space<hbm>> -> memref<128xi32, #tpu.memory_space<hbm>>
    tpu.enqueue_dma source(%dma_start3A_10 : memref<128xi32, #tpu.memory_space<hbm>>) target(%arg14 : memref<128xi32, #tpu.memory_space<vmem>>) target_semaphore(%arg26 : memref<!tpu.dma_semaphore, #tpu.memory_space<semaphore_mem>>)
    %add3A_11 = arith.constant 32 : i32
    %add3A_12 = arith.addi %add3A, %add3A_11 : i32
    %min3A_13 = arith.constant 780 : i32
    %min3A_14 = arith.minsi %add3A_12, %min3A_13 : i32
    %mul3A_15 = arith.constant 128 : i32
    %mul3A_16 = arith.muli %min3A_14, %mul3A_15 : i32
    %dma_start3A_17 = arith.constant 0 : i32
    %dma_start3A_18 = tpu.memref_slice %arg2[%mul3A_16, %dma_start3A_17] : memref<100000x128xf32, #tpu.memory_space<hbm>> -> memref<128x128xf32, #tpu.memory_space<hbm>>
    %dma_start3A_19 = arith.constant 0 : i32
    %dma_start3A_20 = tpu.memref_slice %arg2[%mul3A_16, %dma_start3A_19] : memref<100000x128xf32, #tpu.memory_space<hbm>> -> memref<128x128xf32, #tpu.memory_space<hbm>>
    tpu.enqueue_dma source(%dma_start3A_20 : memref<128x128xf32, #tpu.memory_space<hbm>>) target(%arg12 : memref<128x128xf32, #tpu.memory_space<vmem>>) target_semaphore(%arg24 : memref<!tpu.dma_semaphore, #tpu.memory_space<semaphore_mem>>)
    %dma_start3A_21 = tpu.memref_slice %arg3[%mul3A_16] : memref<100000xi32, #tpu.memory_space<hbm>> -> memref<128xi32, #tpu.memory_space<hbm>>
    %dma_start3A_22 = tpu.memref_slice %arg3[%mul3A_16] : memref<100000xi32, #tpu.memory_space<hbm>> -> memref<128xi32, #tpu.memory_space<hbm>>
    tpu.enqueue_dma source(%dma_start3A_22 : memref<128xi32, #tpu.memory_space<hbm>>) target(%arg15 : memref<128xi32, #tpu.memory_space<vmem>>) target_semaphore(%arg27 : memref<!tpu.dma_semaphore, #tpu.memory_space<semaphore_mem>>)
    %mul3A_23 = arith.constant 32 : i32
    %mul3A_24 = arith.muli %add3A, %mul3A_23 : i32
    "tpu.region"() ({
      %run_scoped3A = tpu.sem_alloc : memref<!tpu.dma_semaphore, #tpu.memory_space<semaphore_mem>>
      %dma_start3A_1046 = tpu.memref_slice %arg4[%mul3A_24] : memref<1024xi32, #tpu.memory_space<hbm>> -> memref<32xi32, #tpu.memory_space<hbm>>
      %dma_start3A_1047 = tpu.memref_slice %arg4[%mul3A_24] : memref<1024xi32, #tpu.memory_space<hbm>> -> memref<32xi32, #tpu.memory_space<hbm>>
      tpu.enqueue_dma source(%dma_start3A_1047 : memref<32xi32, #tpu.memory_space<hbm>>) target(%arg20 : memref<32xi32, #tpu.memory_space<vmem>>) target_semaphore(%run_scoped3A : memref<!tpu.dma_semaphore, #tpu.memory_space<semaphore_mem>>)
      %dma_wait3A_1048 = tpu.memref_slice %arg4[%mul3A_24] : memref<1024xi32, #tpu.memory_space<hbm>> -> memref<32xi32, #tpu.memory_space<hbm>>
      %dma_wait3A_1049 = tpu.memref_slice %arg4[%mul3A_24] : memref<1024xi32, #tpu.memory_space<hbm>> -> memref<32xi32, #tpu.memory_space<hbm>>
      tpu.wait_dma2 semaphore(%run_scoped3A : memref<!tpu.dma_semaphore, #tpu.memory_space<semaphore_mem>>) src(%dma_wait3A_1049 : memref<32xi32, #tpu.memory_space<hbm>>) dst(%arg20 : memref<32xi32, #tpu.memory_space<vmem>>)
      tpu.yield
    }) : () -> ()
    %dma_start3A_25 = arith.constant 0 : i32
    %dma_start3A_26 = tpu.memref_slice %arg3[%dma_start3A_25] : memref<100000xi32, #tpu.memory_space<hbm>> -> memref<100000xi32, #tpu.memory_space<hbm>>
    tpu.enqueue_indirect_dma source(%dma_start3A_26 : memref<100000xi32, #tpu.memory_space<hbm>>) target(%arg21 : memref<32xi32, #tpu.memory_space<vmem>>) offsets(%arg20 : memref<32xi32, #tpu.memory_space<vmem>>) semaphore(%arg22 : memref<!tpu.dma_semaphore, #tpu.memory_space<semaphore_mem>>)
    %dma_wait3A = arith.constant 0 : i32
    %dma_wait3A_27 = tpu.memref_slice %arg3[%dma_wait3A] : memref<100000xi32, #tpu.memory_space<hbm>> -> memref<100000xi32, #tpu.memory_space<hbm>>
    tpu.wait_indirect_dma semaphore(%arg22 : memref<!tpu.dma_semaphore, #tpu.memory_space<semaphore_mem>>) src(%dma_wait3A_27 : memref<100000xi32, #tpu.memory_space<hbm>>) dst(%arg21 : memref<32xi32, #tpu.memory_space<vmem>>)
    %mul3A_28 = arith.constant 32 : i32
    %mul3A_29 = arith.muli %add3A, %mul3A_28 : i32
    "tpu.region"() ({
      %run_scoped3A = tpu.sem_alloc : memref<!tpu.dma_semaphore, #tpu.memory_space<semaphore_mem>>
      %dma_start3A_1046 = tpu.memref_slice %arg10[%mul3A_29] : memref<1024xi32, #tpu.memory_space<hbm>> -> memref<32xi32, #tpu.memory_space<hbm>>
      %dma_start3A_1047 = tpu.memref_slice %arg10[%mul3A_29] : memref<1024xi32, #tpu.memory_space<hbm>> -> memref<32xi32, #tpu.memory_space<hbm>>
      tpu.enqueue_dma source(%arg21 : memref<32xi32, #tpu.memory_space<vmem>>) target(%dma_start3A_1047 : memref<32xi32, #tpu.memory_space<hbm>>) target_semaphore(%run_scoped3A : memref<!tpu.dma_semaphore, #tpu.memory_space<semaphore_mem>>)
      %dma_wait3A_1048 = tpu.memref_slice %arg10[%mul3A_29] : memref<1024xi32, #tpu.memory_space<hbm>> -> memref<32xi32, #tpu.memory_space<hbm>>
      %dma_wait3A_1049 = tpu.memref_slice %arg10[%mul3A_29] : memref<1024xi32, #tpu.memory_space<hbm>> -> memref<32xi32, #tpu.memory_space<hbm>>
      tpu.wait_dma2 semaphore(%run_scoped3A : memref<!tpu.dma_semaphore, #tpu.memory_space<semaphore_mem>>) src(%arg21 : memref<32xi32, #tpu.memory_space<vmem>>) dst(%dma_wait3A_1049 : memref<32xi32, #tpu.memory_space<hbm>>)
      tpu.yield
    }) : () -> ()
    %mul3A_30 = arith.constant 64 : i32
    %mul3A_31 = arith.muli %arg1, %mul3A_30 : i32
    "tpu.region"() ({
      %run_scoped3A = tpu.sem_alloc : memref<!tpu.dma_semaphore, #tpu.memory_space<semaphore_mem>>
      %dma_start3A_1046 = arith.constant 0 : i32
      %dma_start3A_1047 = tpu.memref_slice %arg33[%mul3A_31, %dma_start3A_1046] : memref<1024x128xf32, #tpu.memory_space<vmem_shared>> -> memref<64x128xf32, #tpu.memory_space<vmem_shared>>
      tpu.enqueue_dma source(%arg5 : memref<64x128xf32, #tpu.memory_space<hbm>>) target(%dma_start3A_1047 : memref<64x128xf32, #tpu.memory_space<vmem_shared>>) target_semaphore(%run_scoped3A : memref<!tpu.dma_semaphore, #tpu.memory_space<semaphore_mem>>)
      %dma_wait3A_1048 = arith.constant 0 : i32
      %dma_wait3A_1049 = tpu.memref_slice %arg33[%mul3A_31, %dma_wait3A_1048] : memref<1024x128xf32, #tpu.memory_space<vmem_shared>> -> memref<64x128xf32, #tpu.memory_space<vmem_shared>>
      tpu.wait_dma2 semaphore(%run_scoped3A : memref<!tpu.dma_semaphore, #tpu.memory_space<semaphore_mem>>) src(%arg5 : memref<64x128xf32, #tpu.memory_space<hbm>>) dst(%dma_wait3A_1049 : memref<64x128xf32, #tpu.memory_space<vmem_shared>>)
      tpu.yield
    }) : () -> ()
    %mul3A_32 = arith.constant 64 : i32
    %mul3A_33 = arith.muli %arg1, %mul3A_32 : i32
    "tpu.region"() ({
      %run_scoped3A = tpu.sem_alloc : memref<!tpu.dma_semaphore, #tpu.memory_space<semaphore_mem>>
      %dma_start3A_1046 = arith.constant 0 : i32
      %dma_start3A_1047 = tpu.memref_slice %arg34[%mul3A_33, %dma_start3A_1046] : memref<1024x16xf32, #tpu.memory_space<vmem_shared>> -> memref<64x16xf32, #tpu.memory_space<vmem_shared>>
      tpu.enqueue_dma source(%arg6 : memref<64x16xf32, #tpu.memory_space<hbm>>) target(%dma_start3A_1047 : memref<64x16xf32, #tpu.memory_space<vmem_shared>>) target_semaphore(%run_scoped3A : memref<!tpu.dma_semaphore, #tpu.memory_space<semaphore_mem>>)
      %dma_wait3A_1048 = arith.constant 0 : i32
      %dma_wait3A_1049 = tpu.memref_slice %arg34[%mul3A_33, %dma_wait3A_1048] : memref<1024x16xf32, #tpu.memory_space<vmem_shared>> -> memref<64x16xf32, #tpu.memory_space<vmem_shared>>
      tpu.wait_dma2 semaphore(%run_scoped3A : memref<!tpu.dma_semaphore, #tpu.memory_space<semaphore_mem>>) src(%arg6 : memref<64x16xf32, #tpu.memory_space<hbm>>) dst(%dma_wait3A_1049 : memref<64x16xf32, #tpu.memory_space<vmem_shared>>)
      tpu.yield
    }) : () -> ()
    "tpu.region"() ({
      %run_scoped3A = tpu.sem_alloc : memref<!tpu.dma_semaphore, #tpu.memory_space<semaphore_mem>>
      tpu.enqueue_dma source(%arg7 : memref<128x16xf32, #tpu.memory_space<hbm>>) target(%arg19 : memref<128x16xf32, #tpu.memory_space<vmem>>) target_semaphore(%run_scoped3A : memref<!tpu.dma_semaphore, #tpu.memory_space<semaphore_mem>>)
      tpu.wait_dma2 semaphore(%run_scoped3A : memref<!tpu.dma_semaphore, #tpu.memory_space<semaphore_mem>>) src(%arg7 : memref<128x16xf32, #tpu.memory_space<hbm>>) dst(%arg19 : memref<128x16xf32, #tpu.memory_space<vmem>>)
      tpu.yield
    }) : () -> ()
    %barrier3A = arith.constant 0 : index
    tpu.barrier barrier_id(%barrier3A)
    %add3A_34 = arith.constant 64 : i32
    %add3A_35 = arith.addi %add3A, %add3A_34 : i32
    %min3A_36 = arith.constant 780 : i32
    %min3A_37 = arith.minsi %add3A_35, %min3A_36 : i32
    %mul3A_38 = arith.constant 128 : i32
    %mul3A_39 = arith.muli %min3A_37, %mul3A_38 : i32
    %dma_start3A_40 = arith.constant 0 : i32
    %dma_start3A_41 = tpu.memref_slice %arg2[%mul3A_39, %dma_start3A_40] : memref<100000x128xf32, #tpu.memory_space<hbm>> -> memref<128x128xf32, #tpu.memory_space<hbm>>
    %dma_start3A_42 = arith.constant 0 : i32
    %dma_start3A_43 = tpu.memref_slice %arg2[%mul3A_39, %dma_start3A_42] : memref<100000x128xf32, #tpu.memory_space<hbm>> -> memref<128x128xf32, #tpu.memory_space<hbm>>
    tpu.enqueue_dma source(%dma_start3A_43 : memref<128x128xf32, #tpu.memory_space<hbm>>) target(%arg13 : memref<128x128xf32, #tpu.memory_space<vmem>>) target_semaphore(%arg25 : memref<!tpu.dma_semaphore, #tpu.memory_space<semaphore_mem>>)
    %dma_start3A_44 = tpu.memref_slice %arg3[%mul3A_39] : memref<100000xi32, #tpu.memory_space<hbm>> -> memref<128xi32, #tpu.memory_space<hbm>>
    %dma_start3A_45 = tpu.memref_slice %arg3[%mul3A_39] : memref<100000xi32, #tpu.memory_space<hbm>> -> memref<128xi32, #tpu.memory_space<hbm>>
    tpu.enqueue_dma source(%dma_start3A_45 : memref<128xi32, #tpu.memory_space<hbm>>) target(%arg16 : memref<128xi32, #tpu.memory_space<vmem>>) target_semaphore(%arg28 : memref<!tpu.dma_semaphore, #tpu.memory_space<semaphore_mem>>)
    %dma_wait3A_46 = arith.constant 0 : i32
    %dma_wait3A_47 = arith.constant 0 : i32
    %dma_wait3A_48 = tpu.memref_slice %arg2[%dma_wait3A_46, %dma_wait3A_47] : memref<100000x128xf32, #tpu.memory_space<hbm>> -> memref<128x128xf32, #tpu.memory_space<hbm>>
    %dma_wait3A_49 = arith.constant 0 : i32
    %dma_wait3A_50 = arith.constant 0 : i32
    %dma_wait3A_51 = tpu.memref_slice %arg2[%dma_wait3A_49, %dma_wait3A_50] : memref<100000x128xf32, #tpu.memory_space<hbm>> -> memref<128x128xf32, #tpu.memory_space<hbm>>
    tpu.wait_dma2 semaphore(%arg23 : memref<!tpu.dma_semaphore, #tpu.memory_space<semaphore_mem>>) src(%dma_wait3A_51 : memref<128x128xf32, #tpu.memory_space<hbm>>) dst(%arg11 : memref<128x128xf32, #tpu.memory_space<vmem>>)
    %dma_wait3A_52 = arith.constant 0 : i32
    %dma_wait3A_53 = tpu.memref_slice %arg3[%dma_wait3A_52] : memref<100000xi32, #tpu.memory_space<hbm>> -> memref<128xi32, #tpu.memory_space<hbm>>
    %dma_wait3A_54 = arith.constant 0 : i32
    %dma_wait3A_55 = tpu.memref_slice %arg3[%dma_wait3A_54] : memref<100000xi32, #tpu.memory_space<hbm>> -> memref<128xi32, #tpu.memory_space<hbm>>
    tpu.wait_dma2 semaphore(%arg26 : memref<!tpu.dma_semaphore, #tpu.memory_space<semaphore_mem>>) src(%dma_wait3A_55 : memref<128xi32, #tpu.memory_space<hbm>>) dst(%arg14 : memref<128xi32, #tpu.memory_space<vmem>>)
    %add3A_56 = arith.constant 0 : i32
    %add3A_57 = arith.addi %add3A, %add3A_56 : i32
    %ge3A = arith.constant 781 : i32
    %ge3A_58 = arith.cmpi sge, %add3A_57, %ge3A : i32
    %convert_element_type3A = arith.extui %ge3A_58 : i1 to i32
    %cond3A = arith.constant 0 : i32
    %cond3A_59 = arith.cmpi ne, %convert_element_type3A, %cond3A : i32
    scf.if %cond3A_59 {
      %broadcast_in_dim3A = arith.constant 1023 : i32
      %broadcast_in_dim3A_1046 = vector.broadcast %broadcast_in_dim3A : i32 to vector<16xi32>
      %swap3A = arith.constant 0 : index
      %swap3A_1047 = tpu.vector_load %arg14[%swap3A] {strides = array<i32>} : memref<128xi32, #tpu.memory_space<vmem>>, vector<16xi32>,
      %swap3A_1048 = vector.shape_cast %swap3A_1047 : vector<16xi32> to vector<16xi32>
      %swap3A_1049 = vector.shape_cast %broadcast_in_dim3A_1046 : vector<16xi32> to vector<16xi32>
      tpu.vector_store %arg14[%swap3A], %swap3A_1049 {strides = array<i32>} : memref<128xi32, #tpu.memory_space<vmem>>, vector<16xi32>,
      %swap3A_1050 = arith.constant 16 : index
      %swap3A_1051 = tpu.vector_load %arg14[%swap3A_1050] {strides = array<i32>} : memref<128xi32, #tpu.memory_space<vmem>>, vector<16xi32>,
      %swap3A_1052 = vector.shape_cast %swap3A_1051 : vector<16xi32> to vector<16xi32>
      %swap3A_1053 = vector.shape_cast %broadcast_in_dim3A_1046 : vector<16xi32> to vector<16xi32>
      tpu.vector_store %arg14[%swap3A_1050], %swap3A_1053 {strides = array<i32>} : memref<128xi32, #tpu.memory_space<vmem>>, vector<16xi32>,
      %swap3A_1054 = arith.constant 32 : index
      %swap3A_1055 = tpu.vector_load %arg14[%swap3A_1054] {strides = array<i32>} : memref<128xi32, #tpu.memory_space<vmem>>, vector<16xi32>,
      %swap3A_1056 = vector.shape_cast %swap3A_1055 : vector<16xi32> to vector<16xi32>
      %swap3A_1057 = vector.shape_cast %broadcast_in_dim3A_1046 : vector<16xi32> to vector<16xi32>
      tpu.vector_store %arg14[%swap3A_1054], %swap3A_1057 {strides = array<i32>} : memref<128xi32, #tpu.memory_space<vmem>>, vector<16xi32>,
      %swap3A_1058 = arith.constant 48 : index
      %swap3A_1059 = tpu.vector_load %arg14[%swap3A_1058] {strides = array<i32>} : memref<128xi32, #tpu.memory_space<vmem>>, vector<16xi32>,
      %swap3A_1060 = vector.shape_cast %swap3A_1059 : vector<16xi32> to vector<16xi32>
      %swap3A_1061 = vector.shape_cast %broadcast_in_dim3A_1046 : vector<16xi32> to vector<16xi32>
      tpu.vector_store %arg14[%swap3A_1058], %swap3A_1061 {strides = array<i32>} : memref<128xi32, #tpu.memory_space<vmem>>, vector<16xi32>,
      %swap3A_1062 = arith.constant 64 : index
      %swap3A_1063 = tpu.vector_load %arg14[%swap3A_1062] {strides = array<i32>} : memref<128xi32, #tpu.memory_space<vmem>>, vector<16xi32>,
      %swap3A_1064 = vector.shape_cast %swap3A_1063 : vector<16xi32> to vector<16xi32>
      %swap3A_1065 = vector.shape_cast %broadcast_in_dim3A_1046 : vector<16xi32> to vector<16xi32>
      tpu.vector_store %arg14[%swap3A_1062], %swap3A_1065 {strides = array<i32>} : memref<128xi32, #tpu.memory_space<vmem>>, vector<16xi32>,
      %swap3A_1066 = arith.constant 80 : index
      %swap3A_1067 = tpu.vector_load %arg14[%swap3A_1066] {strides = array<i32>} : memref<128xi32, #tpu.memory_space<vmem>>, vector<16xi32>,
      %swap3A_1068 = vector.shape_cast %swap3A_1067 : vector<16xi32> to vector<16xi32>
      %swap3A_1069 = vector.shape_cast %broadcast_in_dim3A_1046 : vector<16xi32> to vector<16xi32>
      tpu.vector_store %arg14[%swap3A_1066], %swap3A_1069 {strides = array<i32>} : memref<128xi32, #tpu.memory_space<vmem>>, vector<16xi32>,
      %swap3A_1070 = arith.constant 96 : index
      %swap3A_1071 = tpu.vector_load %arg14[%swap3A_1070] {strides = array<i32>} : memref<128xi32, #tpu.memory_space<vmem>>, vector<16xi32>,
      %swap3A_1072 = vector.shape_cast %swap3A_1071 : vector<16xi32> to vector<16xi32>
      %swap3A_1073 = vector.shape_cast %broadcast_in_dim3A_1046 : vector<16xi32> to vector<16xi32>
      tpu.vector_store %arg14[%swap3A_1070], %swap3A_1073 {strides = array<i32>} : memref<128xi32, #tpu.memory_space<vmem>>, vector<16xi32>,
      %swap3A_1074 = arith.constant 112 : index
      %swap3A_1075 = tpu.vector_load %arg14[%swap3A_1074] {strides = array<i32>} : memref<128xi32, #tpu.memory_space<vmem>>, vector<16xi32>,
      %swap3A_1076 = vector.shape_cast %swap3A_1075 : vector<16xi32> to vector<16xi32>
      %swap3A_1077 = vector.shape_cast %broadcast_in_dim3A_1046 : vector<16xi32> to vector<16xi32>
      tpu.vector_store %arg14[%swap3A_1074], %swap3A_1077 {strides = array<i32>} : memref<128xi32, #tpu.memory_space<vmem>>, vector<16xi32>,
    } else {
    }
    %dma_start3A_60 = arith.constant 0 : i32
    %dma_start3A_61 = arith.constant 0 : i32
    %dma_start3A_62 = tpu.memref_slice %arg33[%dma_start3A_60, %dma_start3A_61] : memref<1024x128xf32, #tpu.memory_space<vmem_shared>> -> memref<1024x128xf32, #tpu.memory_space<vmem_shared>>
    tpu.enqueue_indirect_dma source(%arg11 : memref<128x128xf32, #tpu.memory_space<vmem>>) target(%dma_start3A_62 : memref<1024x128xf32, #tpu.memory_space<vmem_shared>>) offsets(%arg14 : memref<128xi32, #tpu.memory_space<vmem>>) semaphore(%arg29 : memref<!tpu.dma_semaphore, #tpu.memory_space<semaphore_mem>>) {add = true}
    %dma_start3A_63 = arith.constant 0 : i32
    %dma_start3A_64 = arith.constant 0 : i32
    %dma_start3A_65 = tpu.memref_slice %arg34[%dma_start3A_63, %dma_start3A_64] : memref<1024x16xf32, #tpu.memory_space<vmem_shared>> -> memref<1024x16xf32, #tpu.memory_space<vmem_shared>>
    tpu.enqueue_indirect_dma source(%arg19 : memref<128x16xf32, #tpu.memory_space<vmem>>) target(%dma_start3A_65 : memref<1024x16xf32, #tpu.memory_space<vmem_shared>>) offsets(%arg14 : memref<128xi32, #tpu.memory_space<vmem>>) semaphore(%arg31 : memref<!tpu.dma_semaphore, #tpu.memory_space<semaphore_mem>>) {add = true}
    %dma_wait3A_66 = arith.constant 0 : i32
    %dma_wait3A_67 = arith.constant 0 : i32
    %dma_wait3A_68 = tpu.memref_slice %arg33[%dma_wait3A_66, %dma_wait3A_67] : memref<1024x128xf32, #tpu.memory_space<vmem_shared>> -> memref<1024x128xf32, #tpu.memory_space<vmem_shared>>
    tpu.wait_indirect_dma semaphore(%arg29 : memref<!tpu.dma_semaphore, #tpu.memory_space<semaphore_mem>>) src(%arg11 : memref<128x128xf32, #tpu.memory_space<vmem>>) dst(%dma_wait3A_68 : memref<1024x128xf32, #tpu.memory_space<vmem_shared>>)
    %dma_wait3A_69 = arith.constant 0 : i32
    %dma_wait3A_70 = arith.constant 0 : i32
    %dma_wait3A_71 = tpu.memref_slice %arg34[%dma_wait3A_69, %dma_wait3A_70] : memref<1024x16xf32, #tpu.memory_space<vmem_shared>> -> memref<1024x16xf32, #tpu.memory_space<vmem_shared>>
    tpu.wait_indirect_dma semaphore(%arg31 : memref<!tpu.dma_semaphore, #tpu.memory_space<semaphore_mem>>) src(%arg19 : memref<128x16xf32, #tpu.memory_space<vmem>>) dst(%dma_wait3A_71 : memref<1024x16xf32, #tpu.memory_space<vmem_shared>>)
    %add3A_72 = arith.constant 96 : i32
    %add3A_73 = arith.addi %add3A, %add3A_72 : i32
    %min3A_74 = arith.constant 780 : i32
    %min3A_75 = arith.minsi %add3A_73, %min3A_74 : i32
    %mul3A_76 = arith.constant 128 : i32
    %mul3A_77 = arith.muli %min3A_75, %mul3A_76 : i32
    %dma_start3A_78 = arith.constant 0 : i32
    %dma_start3A_79 = tpu.memref_slice %arg2[%mul3A_77, %dma_start3A_78] : memref<100000x128xf32, #tpu.memory_space<hbm>> -> memref<128x128xf32, #tpu.memory_space<hbm>>
    %dma_start3A_80 = arith.constant 0 : i32
    %dma_start3A_81 = tpu.memref_slice %arg2[%mul3A_77, %dma_start3A_80] : memref<100000x128xf32, #tpu.memory_space<hbm>> -> memref<128x128xf32, #tpu.memory_space<hbm>>
    tpu.enqueue_dma source(%dma_start3A_81 : memref<128x128xf32, #tpu.memory_space<hbm>>) target(%arg11 : memref<128x128xf32, #tpu.memory_space<vmem>>) target_semaphore(%arg23 : memref<!tpu.dma_semaphore, #tpu.memory_space<semaphore_mem>>)
    %dma_start3A_82 = tpu.memref_slice %arg3[%mul3A_77] : memref<100000xi32, #tpu.memory_space<hbm>> -> memref<128xi32, #tpu.memory_space<hbm>>
    %dma_start3A_83 = tpu.memref_slice %arg3[%mul3A_77] : memref<100000xi32, #tpu.memory_space<hbm>> -> memref<128xi32, #tpu.memory_space<hbm>>
    tpu.enqueue_dma source(%dma_start3A_83 : memref<128xi32, #tpu.memory_space<hbm>>) target(%arg14 : memref<128xi32, #tpu.memory_space<vmem>>) target_semaphore(%arg26 : memref<!tpu.dma_semaphore, #tpu.memory_space<semaphore_mem>>)
    %dma_wait3A_84 = arith.constant 0 : i32
    %dma_wait3A_85 = arith.constant 0 : i32
    %dma_wait3A_86 = tpu.memref_slice %arg2[%dma_wait3A_84, %dma_wait3A_85] : memref<100000x128xf32, #tpu.memory_space<hbm>> -> memref<128x128xf32, #tpu.memory_space<hbm>>
    %dma_wait3A_87 = arith.constant 0 : i32
    %dma_wait3A_88 = arith.constant 0 : i32
    %dma_wait3A_89 = tpu.memref_slice %arg2[%dma_wait3A_87, %dma_wait3A_88] : memref<100000x128xf32, #tpu.memory_space<hbm>> -> memref<128x128xf32, #tpu.memory_space<hbm>>
    tpu.wait_dma2 semaphore(%arg24 : memref<!tpu.dma_semaphore, #tpu.memory_space<semaphore_mem>>) src(%dma_wait3A_89 : memref<128x128xf32, #tpu.memory_space<hbm>>) dst(%arg12 : memref<128x128xf32, #tpu.memory_space<vmem>>)
    %dma_wait3A_90 = arith.constant 0 : i32
    %dma_wait3A_91 = tpu.memref_slice %arg3[%dma_wait3A_90] : memref<100000xi32, #tpu.memory_space<hbm>> -> memref<128xi32, #tpu.memory_space<hbm>>
    %dma_wait3A_92 = arith.constant 0 : i32
    %dma_wait3A_93 = tpu.memref_slice %arg3[%dma_wait3A_92] : memref<100000xi32, #tpu.memory_space<hbm>> -> memref<128xi32, #tpu.memory_space<hbm>>
    tpu.wait_dma2 semaphore(%arg27 : memref<!tpu.dma_semaphore, #tpu.memory_space<semaphore_mem>>) src(%dma_wait3A_93 : memref<128xi32, #tpu.memory_space<hbm>>) dst(%arg15 : memref<128xi32, #tpu.memory_space<vmem>>)
    %add3A_94 = arith.constant 32 : i32
    %add3A_95 = arith.addi %add3A, %add3A_94 : i32
    %ge3A_96 = arith.constant 781 : i32
    %ge3A_97 = arith.cmpi sge, %add3A_95, %ge3A_96 : i32
    %convert_element_type3A_98 = arith.extui %ge3A_97 : i1 to i32
    %cond3A_99 = arith.constant 0 : i32
    %cond3A_100 = arith.cmpi ne, %convert_element_type3A_98, %cond3A_99 : i32
    scf.if %cond3A_100 {
      %broadcast_in_dim3A = arith.constant 1023 : i32
      %broadcast_in_dim3A_1046 = vector.broadcast %broadcast_in_dim3A : i32 to vector<16xi32>
      %swap3A = arith.constant 0 : index
      %swap3A_1047 = tpu.vector_load %arg15[%swap3A] {strides = array<i32>} : memref<128xi32, #tpu.memory_space<vmem>>, vector<16xi32>,
      %swap3A_1048 = vector.shape_cast %swap3A_1047 : vector<16xi32> to vector<16xi32>
      %swap3A_1049 = vector.shape_cast %broadcast_in_dim3A_1046 : vector<16xi32> to vector<16xi32>
      tpu.vector_store %arg15[%swap3A], %swap3A_1049 {strides = array<i32>} : memref<128xi32, #tpu.memory_space<vmem>>, vector<16xi32>,
      %swap3A_1050 = arith.constant 16 : index
      %swap3A_1051 = tpu.vector_load %arg15[%swap3A_1050] {strides = array<i32>} : memref<128xi32, #tpu.memory_space<vmem>>, vector<16xi32>,
      %swap3A_1052 = vector.shape_cast %swap3A_1051 : vector<16xi32> to vector<16xi32>
      %swap3A_1053 = vector.shape_cast %broadcast_in_dim3A_1046 : vector<16xi32> to vector<16xi32>
      tpu.vector_store %arg15[%swap3A_1050], %swap3A_1053 {strides = array<i32>} : memref<128xi32, #tpu.memory_space<vmem>>, vector<16xi32>,
      %swap3A_1054 = arith.constant 32 : index
      %swap3A_1055 = tpu.vector_load %arg15[%swap3A_1054] {strides = array<i32>} : memref<128xi32, #tpu.memory_space<vmem>>, vector<16xi32>,
      %swap3A_1056 = vector.shape_cast %swap3A_1055 : vector<16xi32> to vector<16xi32>
      %swap3A_1057 = vector.shape_cast %broadcast_in_dim3A_1046 : vector<16xi32> to vector<16xi32>
      tpu.vector_store %arg15[%swap3A_1054], %swap3A_1057 {strides = array<i32>} : memref<128xi32, #tpu.memory_space<vmem>>, vector<16xi32>,
      %swap3A_1058 = arith.constant 48 : index
      %swap3A_1059 = tpu.vector_load %arg15[%swap3A_1058] {strides = array<i32>} : memref<128xi32, #tpu.memory_space<vmem>>, vector<16xi32>,
      %swap3A_1060 = vector.shape_cast %swap3A_1059 : vector<16xi32> to vector<16xi32>
      %swap3A_1061 = vector.shape_cast %broadcast_in_dim3A_1046 : vector<16xi32> to vector<16xi32>
      tpu.vector_store %arg15[%swap3A_1058], %swap3A_1061 {strides = array<i32>} : memref<128xi32, #tpu.memory_space<vmem>>, vector<16xi32>,
      %swap3A_1062 = arith.constant 64 : index
      %swap3A_1063 = tpu.vector_load %arg15[%swap3A_1062] {strides = array<i32>} : memref<128xi32, #tpu.memory_space<vmem>>, vector<16xi32>,
      %swap3A_1064 = vector.shape_cast %swap3A_1063 : vector<16xi32> to vector<16xi32>
      %swap3A_1065 = vector.shape_cast %broadcast_in_dim3A_1046 : vector<16xi32> to vector<16xi32>
      tpu.vector_store %arg15[%swap3A_1062], %swap3A_1065 {strides = array<i32>} : memref<128xi32, #tpu.memory_space<vmem>>, vector<16xi32>,
      %swap3A_1066 = arith.constant 80 : index
      %swap3A_1067 = tpu.vector_load %arg15[%swap3A_1066] {strides = array<i32>} : memref<128xi32, #tpu.memory_space<vmem>>, vector<16xi32>,
      %swap3A_1068 = vector.shape_cast %swap3A_1067 : vector<16xi32> to vector<16xi32>
      %swap3A_1069 = vector.shape_cast %broadcast_in_dim3A_1046 : vector<16xi32> to vector<16xi32>
      tpu.vector_store %arg15[%swap3A_1066], %swap3A_1069 {strides = array<i32>} : memref<128xi32, #tpu.memory_space<vmem>>, vector<16xi32>,
      %swap3A_1070 = arith.constant 96 : index
      %swap3A_1071 = tpu.vector_load %arg15[%swap3A_1070] {strides = array<i32>} : memref<128xi32, #tpu.memory_space<vmem>>, vector<16xi32>,
      %swap3A_1072 = vector.shape_cast %swap3A_1071 : vector<16xi32> to vector<16xi32>
      %swap3A_1073 = vector.shape_cast %broadcast_in_dim3A_1046 : vector<16xi32> to vector<16xi32>
      tpu.vector_store %arg15[%swap3A_1070], %swap3A_1073 {strides = array<i32>} : memref<128xi32, #tpu.memory_space<vmem>>, vector<16xi32>,
      %swap3A_1074 = arith.constant 112 : index
      %swap3A_1075 = tpu.vector_load %arg15[%swap3A_1074] {strides = array<i32>} : memref<128xi32, #tpu.memory_space<vmem>>, vector<16xi32>,
      %swap3A_1076 = vector.shape_cast %swap3A_1075 : vector<16xi32> to vector<16xi32>
      %swap3A_1077 = vector.shape_cast %broadcast_in_dim3A_1046 : vector<16xi32> to vector<16xi32>
      tpu.vector_store %arg15[%swap3A_1074], %swap3A_1077 {strides = array<i32>} : memref<128xi32, #tpu.memory_space<vmem>>, vector<16xi32>,
    } else {
    }
    %dma_start3A_101 = arith.constant 0 : i32
    %dma_start3A_102 = arith.constant 0 : i32
    %dma_start3A_103 = tpu.memref_slice %arg33[%dma_start3A_101, %dma_start3A_102] : memref<1024x128xf32, #tpu.memory_space<vmem_shared>> -> memref<1024x128xf32, #tpu.memory_space<vmem_shared>>
    tpu.enqueue_indirect_dma source(%arg12 : memref<128x128xf32, #tpu.memory_space<vmem>>) target(%dma_start3A_103 : memref<1024x128xf32, #tpu.memory_space<vmem_shared>>) offsets(%arg15 : memref<128xi32, #tpu.memory_space<vmem>>) semaphore(%arg30 : memref<!tpu.dma_semaphore, #tpu.memory_space<semaphore_mem>>) {add = true}
    %dma_start3A_104 = arith.constant 0 : i32
    %dma_start3A_105 = arith.constant 0 : i32
    %dma_start3A_106 = tpu.memref_slice %arg34[%dma_start3A_104, %dma_start3A_105] : memref<1024x16xf32, #tpu.memory_space<vmem_shared>> -> memref<1024x16xf32, #tpu.memory_space<vmem_shared>>
    tpu.enqueue_indirect_dma source(%arg19 : memref<128x16xf32, #tpu.memory_space<vmem>>) target(%dma_start3A_106 : memref<1024x16xf32, #tpu.memory_space<vmem_shared>>) offsets(%arg15 : memref<128xi32, #tpu.memory_space<vmem>>) semaphore(%arg32 : memref<!tpu.dma_semaphore, #tpu.memory_space<semaphore_mem>>) {add = true}
    %dma_wait3A_107 = arith.constant 0 : i32
    %dma_wait3A_108 = arith.constant 0 : i32
    %dma_wait3A_109 = tpu.memref_slice %arg33[%dma_wait3A_107, %dma_wait3A_108] : memref<1024x128xf32, #tpu.memory_space<vmem_shared>> -> memref<1024x128xf32, #tpu.memory_space<vmem_shared>>
    tpu.wait_indirect_dma semaphore(%arg30 : memref<!tpu.dma_semaphore, #tpu.memory_space<semaphore_mem>>) src(%arg12 : memref<128x128xf32, #tpu.memory_space<vmem>>) dst(%dma_wait3A_109 : memref<1024x128xf32, #tpu.memory_space<vmem_shared>>)
    %dma_wait3A_110 = arith.constant 0 : i32
    %dma_wait3A_111 = arith.constant 0 : i32
    %dma_wait3A_112 = tpu.memref_slice %arg34[%dma_wait3A_110, %dma_wait3A_111] : memref<1024x16xf32, #tpu.memory_space<vmem_shared>> -> memref<1024x16xf32, #tpu.memory_space<vmem_shared>>
    tpu.wait_indirect_dma semaphore(%arg32 : memref<!tpu.dma_semaphore, #tpu.memory_space<semaphore_mem>>) src(%arg19 : memref<128x16xf32, #tpu.memory_space<vmem>>) dst(%dma_wait3A_112 : memref<1024x16xf32, #tpu.memory_space<vmem_shared>>)
    %add3A_113 = arith.constant 128 : i32
    %add3A_114 = arith.addi %add3A, %add3A_113 : i32
    %min3A_115 = arith.constant 780 : i32
    %min3A_116 = arith.minsi %add3A_114, %min3A_115 : i32
    %mul3A_117 = arith.constant 128 : i32
    %mul3A_118 = arith.muli %min3A_116, %mul3A_117 : i32
    %dma_start3A_119 = arith.constant 0 : i32
    %dma_start3A_120 = tpu.memref_slice %arg2[%mul3A_118, %dma_start3A_119] : memref<100000x128xf32, #tpu.memory_space<hbm>> -> memref<128x128xf32, #tpu.memory_space<hbm>>
    %dma_start3A_121 = arith.constant 0 : i32
    %dma_start3A_122 = tpu.memref_slice %arg2[%mul3A_118, %dma_start3A_121] : memref<100000x128xf32, #tpu.memory_space<hbm>> -> memref<128x128xf32, #tpu.memory_space<hbm>>
    tpu.enqueue_dma source(%dma_start3A_122 : memref<128x128xf32, #tpu.memory_space<hbm>>) target(%arg12 : memref<128x128xf32, #tpu.memory_space<vmem>>) target_semaphore(%arg24 : memref<!tpu.dma_semaphore, #tpu.memory_space<semaphore_mem>>)
    %dma_start3A_123 = tpu.memref_slice %arg3[%mul3A_118] : memref<100000xi32, #tpu.memory_space<hbm>> -> memref<128xi32, #tpu.memory_space<hbm>>
    %dma_start3A_124 = tpu.memref_slice %arg3[%mul3A_118] : memref<100000xi32, #tpu.memory_space<hbm>> -> memref<128xi32, #tpu.memory_space<hbm>>
    tpu.enqueue_dma source(%dma_start3A_124 : memref<128xi32, #tpu.memory_space<hbm>>) target(%arg15 : memref<128xi32, #tpu.memory_space<vmem>>) target_semaphore(%arg27 : memref<!tpu.dma_semaphore, #tpu.memory_space<semaphore_mem>>)
    %dma_wait3A_125 = arith.constant 0 : i32
    %dma_wait3A_126 = arith.constant 0 : i32
    %dma_wait3A_127 = tpu.memref_slice %arg2[%dma_wait3A_125, %dma_wait3A_126] : memref<100000x128xf32, #tpu.memory_space<hbm>> -> memref<128x128xf32, #tpu.memory_space<hbm>>
    %dma_wait3A_128 = arith.constant 0 : i32
    %dma_wait3A_129 = arith.constant 0 : i32
    %dma_wait3A_130 = tpu.memref_slice %arg2[%dma_wait3A_128, %dma_wait3A_129] : memref<100000x128xf32, #tpu.memory_space<hbm>> -> memref<128x128xf32, #tpu.memory_space<hbm>>
    tpu.wait_dma2 semaphore(%arg25 : memref<!tpu.dma_semaphore, #tpu.memory_space<semaphore_mem>>) src(%dma_wait3A_130 : memref<128x128xf32, #tpu.memory_space<hbm>>) dst(%arg13 : memref<128x128xf32, #tpu.memory_space<vmem>>)
    %dma_wait3A_131 = arith.constant 0 : i32
    %dma_wait3A_132 = tpu.memref_slice %arg3[%dma_wait3A_131] : memref<100000xi32, #tpu.memory_space<hbm>> -> memref<128xi32, #tpu.memory_space<hbm>>
    %dma_wait3A_133 = arith.constant 0 : i32
    %dma_wait3A_134 = tpu.memref_slice %arg3[%dma_wait3A_133] : memref<100000xi32, #tpu.memory_space<hbm>> -> memref<128xi32, #tpu.memory_space<hbm>>
    tpu.wait_dma2 semaphore(%arg28 : memref<!tpu.dma_semaphore, #tpu.memory_space<semaphore_mem>>) src(%dma_wait3A_134 : memref<128xi32, #tpu.memory_space<hbm>>) dst(%arg16 : memref<128xi32, #tpu.memory_space<vmem>>)
    %add3A_135 = arith.constant 64 : i32
    %add3A_136 = arith.addi %add3A, %add3A_135 : i32
    %ge3A_137 = arith.constant 781 : i32
    %ge3A_138 = arith.cmpi sge, %add3A_136, %ge3A_137 : i32
    %convert_element_type3A_139 = arith.extui %ge3A_138 : i1 to i32
    %cond3A_140 = arith.constant 0 : i32
    %cond3A_141 = arith.cmpi ne, %convert_element_type3A_139, %cond3A_140 : i32
    scf.if %cond3A_141 {
      %broadcast_in_dim3A = arith.constant 1023 : i32
      %broadcast_in_dim3A_1046 = vector.broadcast %broadcast_in_dim3A : i32 to vector<16xi32>
      %swap3A = arith.constant 0 : index
      %swap3A_1047 = tpu.vector_load %arg16[%swap3A] {strides = array<i32>} : memref<128xi32, #tpu.memory_space<vmem>>, vector<16xi32>,
      %swap3A_1048 = vector.shape_cast %swap3A_1047 : vector<16xi32> to vector<16xi32>
      %swap3A_1049 = vector.shape_cast %broadcast_in_dim3A_1046 : vector<16xi32> to vector<16xi32>
      tpu.vector_store %arg16[%swap3A], %swap3A_1049 {strides = array<i32>} : memref<128xi32, #tpu.memory_space<vmem>>, vector<16xi32>,
      %swap3A_1050 = arith.constant 16 : index
      %swap3A_1051 = tpu.vector_load %arg16[%swap3A_1050] {strides = array<i32>} : memref<128xi32, #tpu.memory_space<vmem>>, vector<16xi32>,
      %swap3A_1052 = vector.shape_cast %swap3A_1051 : vector<16xi32> to vector<16xi32>
      %swap3A_1053 = vector.shape_cast %broadcast_in_dim3A_1046 : vector<16xi32> to vector<16xi32>
      tpu.vector_store %arg16[%swap3A_1050], %swap3A_1053 {strides = array<i32>} : memref<128xi32, #tpu.memory_space<vmem>>, vector<16xi32>,
      %swap3A_1054 = arith.constant 32 : index
      %swap3A_1055 = tpu.vector_load %arg16[%swap3A_1054] {strides = array<i32>} : memref<128xi32, #tpu.memory_space<vmem>>, vector<16xi32>,
      %swap3A_1056 = vector.shape_cast %swap3A_1055 : vector<16xi32> to vector<16xi32>
      %swap3A_1057 = vector.shape_cast %broadcast_in_dim3A_1046 : vector<16xi32> to vector<16xi32>
      tpu.vector_store %arg16[%swap3A_1054], %swap3A_1057 {strides = array<i32>} : memref<128xi32, #tpu.memory_space<vmem>>, vector<16xi32>,
      %swap3A_1058 = arith.constant 48 : index
      %swap3A_1059 = tpu.vector_load %arg16[%swap3A_1058] {strides = array<i32>} : memref<128xi32, #tpu.memory_space<vmem>>, vector<16xi32>,
      %swap3A_1060 = vector.shape_cast %swap3A_1059 : vector<16xi32> to vector<16xi32>
      %swap3A_1061 = vector.shape_cast %broadcast_in_dim3A_1046 : vector<16xi32> to vector<16xi32>
      tpu.vector_store %arg16[%swap3A_1058], %swap3A_1061 {strides = array<i32>} : memref<128xi32, #tpu.memory_space<vmem>>, vector<16xi32>,
      %swap3A_1062 = arith.constant 64 : index
      %swap3A_1063 = tpu.vector_load %arg16[%swap3A_1062] {strides = array<i32>} : memref<128xi32, #tpu.memory_space<vmem>>, vector<16xi32>,
      %swap3A_1064 = vector.shape_cast %swap3A_1063 : vector<16xi32> to vector<16xi32>
      %swap3A_1065 = vector.shape_cast %broadcast_in_dim3A_1046 : vector<16xi32> to vector<16xi32>
      tpu.vector_store %arg16[%swap3A_1062], %swap3A_1065 {strides = array<i32>} : memref<128xi32, #tpu.memory_space<vmem>>, vector<16xi32>,
      %swap3A_1066 = arith.constant 80 : index
      %swap3A_1067 = tpu.vector_load %arg16[%swap3A_1066] {strides = array<i32>} : memref<128xi32, #tpu.memory_space<vmem>>, vector<16xi32>,
      %swap3A_1068 = vector.shape_cast %swap3A_1067 : vector<16xi32> to vector<16xi32>
      %swap3A_1069 = vector.shape_cast %broadcast_in_dim3A_1046 : vector<16xi32> to vector<16xi32>
      tpu.vector_store %arg16[%swap3A_1066], %swap3A_1069 {strides = array<i32>} : memref<128xi32, #tpu.memory_space<vmem>>, vector<16xi32>,
      %swap3A_1070 = arith.constant 96 : index
      %swap3A_1071 = tpu.vector_load %arg16[%swap3A_1070] {strides = array<i32>} : memref<128xi32, #tpu.memory_space<vmem>>, vector<16xi32>,
      %swap3A_1072 = vector.shape_cast %swap3A_1071 : vector<16xi32> to vector<16xi32>
      %swap3A_1073 = vector.shape_cast %broadcast_in_dim3A_1046 : vector<16xi32> to vector<16xi32>
      tpu.vector_store %arg16[%swap3A_1070], %swap3A_1073 {strides = array<i32>} : memref<128xi32, #tpu.memory_space<vmem>>, vector<16xi32>,
      %swap3A_1074 = arith.constant 112 : index
      %swap3A_1075 = tpu.vector_load %arg16[%swap3A_1074] {strides = array<i32>} : memref<128xi32, #tpu.memory_space<vmem>>, vector<16xi32>,
      %swap3A_1076 = vector.shape_cast %swap3A_1075 : vector<16xi32> to vector<16xi32>
      %swap3A_1077 = vector.shape_cast %broadcast_in_dim3A_1046 : vector<16xi32> to vector<16xi32>
      tpu.vector_store %arg16[%swap3A_1074], %swap3A_1077 {strides = array<i32>} : memref<128xi32, #tpu.memory_space<vmem>>, vector<16xi32>,
    } else {
    }
    %dma_start3A_142 = arith.constant 0 : i32
    %dma_start3A_143 = arith.constant 0 : i32
    %dma_start3A_144 = tpu.memref_slice %arg33[%dma_start3A_142, %dma_start3A_143] : memref<1024x128xf32, #tpu.memory_space<vmem_shared>> -> memref<1024x128xf32, #tpu.memory_space<vmem_shared>>
    tpu.enqueue_indirect_dma source(%arg13 : memref<128x128xf32, #tpu.memory_space<vmem>>) target(%dma_start3A_144 : memref<1024x128xf32, #tpu.memory_space<vmem_shared>>) offsets(%arg16 : memref<128xi32, #tpu.memory_space<vmem>>) semaphore(%arg29 : memref<!tpu.dma_semaphore, #tpu.memory_space<semaphore_mem>>) {add = true}
    %dma_start3A_145 = arith.constant 0 : i32
    %dma_start3A_146 = arith.constant 0 : i32
    %dma_start3A_147 = tpu.memref_slice %arg34[%dma_start3A_145, %dma_start3A_146] : memref<1024x16xf32, #tpu.memory_space<vmem_shared>> -> memref<1024x16xf32, #tpu.memory_space<vmem_shared>>
    tpu.enqueue_indirect_dma source(%arg19 : memref<128x16xf32, #tpu.memory_space<vmem>>) target(%dma_start3A_147 : memref<1024x16xf32, #tpu.memory_space<vmem_shared>>) offsets(%arg16 : memref<128xi32, #tpu.memory_space<vmem>>) semaphore(%arg31 : memref<!tpu.dma_semaphore, #tpu.memory_space<semaphore_mem>>) {add = true}
    %dma_wait3A_148 = arith.constant 0 : i32
    %dma_wait3A_149 = arith.constant 0 : i32
    %dma_wait3A_150 = tpu.memref_slice %arg33[%dma_wait3A_148, %dma_wait3A_149] : memref<1024x128xf32, #tpu.memory_space<vmem_shared>> -> memref<1024x128xf32, #tpu.memory_space<vmem_shared>>
    tpu.wait_indirect_dma semaphore(%arg29 : memref<!tpu.dma_semaphore, #tpu.memory_space<semaphore_mem>>) src(%arg13 : memref<128x128xf32, #tpu.memory_space<vmem>>) dst(%dma_wait3A_150 : memref<1024x128xf32, #tpu.memory_space<vmem_shared>>)
    %dma_wait3A_151 = arith.constant 0 : i32
    %dma_wait3A_152 = arith.constant 0 : i32
    %dma_wait3A_153 = tpu.memref_slice %arg34[%dma_wait3A_151, %dma_wait3A_152] : memref<1024x16xf32, #tpu.memory_space<vmem_shared>> -> memref<1024x16xf32, #tpu.memory_space<vmem_shared>>
    tpu.wait_indirect_dma semaphore(%arg31 : memref<!tpu.dma_semaphore, #tpu.memory_space<semaphore_mem>>) src(%arg19 : memref<128x16xf32, #tpu.memory_space<vmem>>) dst(%dma_wait3A_153 : memref<1024x16xf32, #tpu.memory_space<vmem_shared>>)
    %add3A_154 = arith.constant 160 : i32
    %add3A_155 = arith.addi %add3A, %add3A_154 : i32
    %min3A_156 = arith.constant 780 : i32
    %min3A_157 = arith.minsi %add3A_155, %min3A_156 : i32
    %mul3A_158 = arith.constant 128 : i32
    %mul3A_159 = arith.muli %min3A_157, %mul3A_158 : i32
    %dma_start3A_160 = arith.constant 0 : i32
    %dma_start3A_161 = tpu.memref_slice %arg2[%mul3A_159, %dma_start3A_160] : memref<100000x128xf32, #tpu.memory_space<hbm>> -> memref<128x128xf32, #tpu.memory_space<hbm>>
    %dma_start3A_162 = arith.constant 0 : i32
    %dma_start3A_163 = tpu.memref_slice %arg2[%mul3A_159, %dma_start3A_162] : memref<100000x128xf32, #tpu.memory_space<hbm>> -> memref<128x128xf32, #tpu.memory_space<hbm>>
    tpu.enqueue_dma source(%dma_start3A_163 : memref<128x128xf32, #tpu.memory_space<hbm>>) target(%arg13 : memref<128x128xf32, #tpu.memory_space<vmem>>) target_semaphore(%arg25 : memref<!tpu.dma_semaphore, #tpu.memory_space<semaphore_mem>>)
    %dma_start3A_164 = tpu.memref_slice %arg3[%mul3A_159] : memref<100000xi32, #tpu.memory_space<hbm>> -> memref<128xi32, #tpu.memory_space<hbm>>
    %dma_start3A_165 = tpu.memref_slice %arg3[%mul3A_159] : memref<100000xi32, #tpu.memory_space<hbm>> -> memref<128xi32, #tpu.memory_space<hbm>>
    tpu.enqueue_dma source(%dma_start3A_165 : memref<128xi32, #tpu.memory_space<hbm>>) target(%arg16 : memref<128xi32, #tpu.memory_space<vmem>>) target_semaphore(%arg28 : memref<!tpu.dma_semaphore, #tpu.memory_space<semaphore_mem>>)
    %dma_wait3A_166 = arith.constant 0 : i32
    %dma_wait3A_167 = arith.constant 0 : i32
    %dma_wait3A_168 = tpu.memref_slice %arg2[%dma_wait3A_166, %dma_wait3A_167] : memref<100000x128xf32, #tpu.memory_space<hbm>> -> memref<128x128xf32, #tpu.memory_space<hbm>>
    %dma_wait3A_169 = arith.constant 0 : i32
    %dma_wait3A_170 = arith.constant 0 : i32
    %dma_wait3A_171 = tpu.memref_slice %arg2[%dma_wait3A_169, %dma_wait3A_170] : memref<100000x128xf32, #tpu.memory_space<hbm>> -> memref<128x128xf32, #tpu.memory_space<hbm>>
    tpu.wait_dma2 semaphore(%arg23 : memref<!tpu.dma_semaphore, #tpu.memory_space<semaphore_mem>>) src(%dma_wait3A_171 : memref<128x128xf32, #tpu.memory_space<hbm>>) dst(%arg11 : memref<128x128xf32, #tpu.memory_space<vmem>>)
    %dma_wait3A_172 = arith.constant 0 : i32
    %dma_wait3A_173 = tpu.memref_slice %arg3[%dma_wait3A_172] : memref<100000xi32, #tpu.memory_space<hbm>> -> memref<128xi32, #tpu.memory_space<hbm>>
    %dma_wait3A_174 = arith.constant 0 : i32
    %dma_wait3A_175 = tpu.memref_slice %arg3[%dma_wait3A_174] : memref<100000xi32, #tpu.memory_space<hbm>> -> memref<128xi32, #tpu.memory_space<hbm>>
    tpu.wait_dma2 semaphore(%arg26 : memref<!tpu.dma_semaphore, #tpu.memory_space<semaphore_mem>>) src(%dma_wait3A_175 : memref<128xi32, #tpu.memory_space<hbm>>) dst(%arg14 : memref<128xi32, #tpu.memory_space<vmem>>)
    %add3A_176 = arith.constant 96 : i32
    %add3A_177 = arith.addi %add3A, %add3A_176 : i32
    %ge3A_178 = arith.constant 781 : i32
    %ge3A_179 = arith.cmpi sge, %add3A_177, %ge3A_178 : i32
    %convert_element_type3A_180 = arith.extui %ge3A_179 : i1 to i32
    %cond3A_181 = arith.constant 0 : i32
    %cond3A_182 = arith.cmpi ne, %convert_element_type3A_180, %cond3A_181 : i32
    scf.if %cond3A_182 {
      %broadcast_in_dim3A = arith.constant 1023 : i32
      %broadcast_in_dim3A_1046 = vector.broadcast %broadcast_in_dim3A : i32 to vector<16xi32>
      %swap3A = arith.constant 0 : index
      %swap3A_1047 = tpu.vector_load %arg14[%swap3A] {strides = array<i32>} : memref<128xi32, #tpu.memory_space<vmem>>, vector<16xi32>,
      %swap3A_1048 = vector.shape_cast %swap3A_1047 : vector<16xi32> to vector<16xi32>
      %swap3A_1049 = vector.shape_cast %broadcast_in_dim3A_1046 : vector<16xi32> to vector<16xi32>
      tpu.vector_store %arg14[%swap3A], %swap3A_1049 {strides = array<i32>} : memref<128xi32, #tpu.memory_space<vmem>>, vector<16xi32>,
      %swap3A_1050 = arith.constant 16 : index
      %swap3A_1051 = tpu.vector_load %arg14[%swap3A_1050] {strides = array<i32>} : memref<128xi32, #tpu.memory_space<vmem>>, vector<16xi32>,
      %swap3A_1052 = vector.shape_cast %swap3A_1051 : vector<16xi32> to vector<16xi32>
      %swap3A_1053 = vector.shape_cast %broadcast_in_dim3A_1046 : vector<16xi32> to vector<16xi32>
      tpu.vector_store %arg14[%swap3A_1050], %swap3A_1053 {strides = array<i32>} : memref<128xi32, #tpu.memory_space<vmem>>, vector<16xi32>,
      %swap3A_1054 = arith.constant 32 : index
      %swap3A_1055 = tpu.vector_load %arg14[%swap3A_1054] {strides = array<i32>} : memref<128xi32, #tpu.memory_space<vmem>>, vector<16xi32>,
      %swap3A_1056 = vector.shape_cast %swap3A_1055 : vector<16xi32> to vector<16xi32>
      %swap3A_1057 = vector.shape_cast %broadcast_in_dim3A_1046 : vector<16xi32> to vector<16xi32>
      tpu.vector_store %arg14[%swap3A_1054], %swap3A_1057 {strides = array<i32>} : memref<128xi32, #tpu.memory_space<vmem>>, vector<16xi32>,
      %swap3A_1058 = arith.constant 48 : index
      %swap3A_1059 = tpu.vector_load %arg14[%swap3A_1058] {strides = array<i32>} : memref<128xi32, #tpu.memory_space<vmem>>, vector<16xi32>,
      %swap3A_1060 = vector.shape_cast %swap3A_1059 : vector<16xi32> to vector<16xi32>
      %swap3A_1061 = vector.shape_cast %broadcast_in_dim3A_1046 : vector<16xi32> to vector<16xi32>
      tpu.vector_store %arg14[%swap3A_1058], %swap3A_1061 {strides = array<i32>} : memref<128xi32, #tpu.memory_space<vmem>>, vector<16xi32>,
      %swap3A_1062 = arith.constant 64 : index
      %swap3A_1063 = tpu.vector_load %arg14[%swap3A_1062] {strides = array<i32>} : memref<128xi32, #tpu.memory_space<vmem>>, vector<16xi32>,
      %swap3A_1064 = vector.shape_cast %swap3A_1063 : vector<16xi32> to vector<16xi32>
      %swap3A_1065 = vector.shape_cast %broadcast_in_dim3A_1046 : vector<16xi32> to vector<16xi32>
      tpu.vector_store %arg14[%swap3A_1062], %swap3A_1065 {strides = array<i32>} : memref<128xi32, #tpu.memory_space<vmem>>, vector<16xi32>,
      %swap3A_1066 = arith.constant 80 : index
      %swap3A_1067 = tpu.vector_load %arg14[%swap3A_1066] {strides = array<i32>} : memref<128xi32, #tpu.memory_space<vmem>>, vector<16xi32>,
      %swap3A_1068 = vector.shape_cast %swap3A_1067 : vector<16xi32> to vector<16xi32>
      %swap3A_1069 = vector.shape_cast %broadcast_in_dim3A_1046 : vector<16xi32> to vector<16xi32>
      tpu.vector_store %arg14[%swap3A_1066], %swap3A_1069 {strides = array<i32>} : memref<128xi32, #tpu.memory_space<vmem>>, vector<16xi32>,
      %swap3A_1070 = arith.constant 96 : index
      %swap3A_1071 = tpu.vector_load %arg14[%swap3A_1070] {strides = array<i32>} : memref<128xi32, #tpu.memory_space<vmem>>, vector<16xi32>,
      %swap3A_1072 = vector.shape_cast %swap3A_1071 : vector<16xi32> to vector<16xi32>
      %swap3A_1073 = vector.shape_cast %broadcast_in_dim3A_1046 : vector<16xi32> to vector<16xi32>
      tpu.vector_store %arg14[%swap3A_1070], %swap3A_1073 {strides = array<i32>} : memref<128xi32, #tpu.memory_space<vmem>>, vector<16xi32>,
      %swap3A_1074 = arith.constant 112 : index
      %swap3A_1075 = tpu.vector_load %arg14[%swap3A_1074] {strides = array<i32>} : memref<128xi32, #tpu.memory_space<vmem>>, vector<16xi32>,
      %swap3A_1076 = vector.shape_cast %swap3A_1075 : vector<16xi32> to vector<16xi32>
      %swap3A_1077 = vector.shape_cast %broadcast_in_dim3A_1046 : vector<16xi32> to vector<16xi32>
      tpu.vector_store %arg14[%swap3A_1074], %swap3A_1077 {strides = array<i32>} : memref<128xi32, #tpu.memory_space<vmem>>, vector<16xi32>,
    } else {
    }
    %dma_start3A_183 = arith.constant 0 : i32
    %dma_start3A_184 = arith.constant 0 : i32
    %dma_start3A_185 = tpu.memref_slice %arg33[%dma_start3A_183, %dma_start3A_184] : memref<1024x128xf32, #tpu.memory_space<vmem_shared>> -> memref<1024x128xf32, #tpu.memory_space<vmem_shared>>
    tpu.enqueue_indirect_dma source(%arg11 : memref<128x128xf32, #tpu.memory_space<vmem>>) target(%dma_start3A_185 : memref<1024x128xf32, #tpu.memory_space<vmem_shared>>) offsets(%arg14 : memref<128xi32, #tpu.memory_space<vmem>>) semaphore(%arg30 : memref<!tpu.dma_semaphore, #tpu.memory_space<semaphore_mem>>) {add = true}
    %dma_start3A_186 = arith.constant 0 : i32
    %dma_start3A_187 = arith.constant 0 : i32
    %dma_start3A_188 = tpu.memref_slice %arg34[%dma_start3A_186, %dma_start3A_187] : memref<1024x16xf32, #tpu.memory_space<vmem_shared>> -> memref<1024x16xf32, #tpu.memory_space<vmem_shared>>
    tpu.enqueue_indirect_dma source(%arg19 : memref<128x16xf32, #tpu.memory_space<vmem>>) target(%dma_start3A_188 : memref<1024x16xf32, #tpu.memory_space<vmem_shared>>) offsets(%arg14 : memref<128xi32, #tpu.memory_space<vmem>>) semaphore(%arg32 : memref<!tpu.dma_semaphore, #tpu.memory_space<semaphore_mem>>) {add = true}
    %dma_wait3A_189 = arith.constant 0 : i32
    %dma_wait3A_190 = arith.constant 0 : i32
    %dma_wait3A_191 = tpu.memref_slice %arg33[%dma_wait3A_189, %dma_wait3A_190] : memref<1024x128xf32, #tpu.memory_space<vmem_shared>> -> memref<1024x128xf32, #tpu.memory_space<vmem_shared>>
    tpu.wait_indirect_dma semaphore(%arg30 : memref<!tpu.dma_semaphore, #tpu.memory_space<semaphore_mem>>) src(%arg11 : memref<128x128xf32, #tpu.memory_space<vmem>>) dst(%dma_wait3A_191 : memref<1024x128xf32, #tpu.memory_space<vmem_shared>>)
    %dma_wait3A_192 = arith.constant 0 : i32
    %dma_wait3A_193 = arith.constant 0 : i32
    %dma_wait3A_194 = tpu.memref_slice %arg34[%dma_wait3A_192, %dma_wait3A_193] : memref<1024x16xf32, #tpu.memory_space<vmem_shared>> -> memref<1024x16xf32, #tpu.memory_space<vmem_shared>>
    tpu.wait_indirect_dma semaphore(%arg32 : memref<!tpu.dma_semaphore, #tpu.memory_space<semaphore_mem>>) src(%arg19 : memref<128x16xf32, #tpu.memory_space<vmem>>) dst(%dma_wait3A_194 : memref<1024x16xf32, #tpu.memory_space<vmem_shared>>)
    %add3A_195 = arith.constant 192 : i32
    %add3A_196 = arith.addi %add3A, %add3A_195 : i32
    %min3A_197 = arith.constant 780 : i32
    %min3A_198 = arith.minsi %add3A_196, %min3A_197 : i32
    %mul3A_199 = arith.constant 128 : i32
    %mul3A_200 = arith.muli %min3A_198, %mul3A_199 : i32
    %dma_start3A_201 = arith.constant 0 : i32
    %dma_start3A_202 = tpu.memref_slice %arg2[%mul3A_200, %dma_start3A_201] : memref<100000x128xf32, #tpu.memory_space<hbm>> -> memref<128x128xf32, #tpu.memory_space<hbm>>
    %dma_start3A_203 = arith.constant 0 : i32
    %dma_start3A_204 = tpu.memref_slice %arg2[%mul3A_200, %dma_start3A_203] : memref<100000x128xf32, #tpu.memory_space<hbm>> -> memref<128x128xf32, #tpu.memory_space<hbm>>
    tpu.enqueue_dma source(%dma_start3A_204 : memref<128x128xf32, #tpu.memory_space<hbm>>) target(%arg11 : memref<128x128xf32, #tpu.memory_space<vmem>>) target_semaphore(%arg23 : memref<!tpu.dma_semaphore, #tpu.memory_space<semaphore_mem>>)
    %dma_start3A_205 = tpu.memref_slice %arg3[%mul3A_200] : memref<100000xi32, #tpu.memory_space<hbm>> -> memref<128xi32, #tpu.memory_space<hbm>>
    %dma_start3A_206 = tpu.memref_slice %arg3[%mul3A_200] : memref<100000xi32, #tpu.memory_space<hbm>> -> memref<128xi32, #tpu.memory_space<hbm>>
    tpu.enqueue_dma source(%dma_start3A_206 : memref<128xi32, #tpu.memory_space<hbm>>) target(%arg14 : memref<128xi32, #tpu.memory_space<vmem>>) target_semaphore(%arg26 : memref<!tpu.dma_semaphore, #tpu.memory_space<semaphore_mem>>)
    %dma_wait3A_207 = arith.constant 0 : i32
    %dma_wait3A_208 = arith.constant 0 : i32
    %dma_wait3A_209 = tpu.memref_slice %arg2[%dma_wait3A_207, %dma_wait3A_208] : memref<100000x128xf32, #tpu.memory_space<hbm>> -> memref<128x128xf32, #tpu.memory_space<hbm>>
    %dma_wait3A_210 = arith.constant 0 : i32
    %dma_wait3A_211 = arith.constant 0 : i32
    %dma_wait3A_212 = tpu.memref_slice %arg2[%dma_wait3A_210, %dma_wait3A_211] : memref<100000x128xf32, #tpu.memory_space<hbm>> -> memref<128x128xf32, #tpu.memory_space<hbm>>
    tpu.wait_dma2 semaphore(%arg24 : memref<!tpu.dma_semaphore, #tpu.memory_space<semaphore_mem>>) src(%dma_wait3A_212 : memref<128x128xf32, #tpu.memory_space<hbm>>) dst(%arg12 : memref<128x128xf32, #tpu.memory_space<vmem>>)
    %dma_wait3A_213 = arith.constant 0 : i32
    %dma_wait3A_214 = tpu.memref_slice %arg3[%dma_wait3A_213] : memref<100000xi32, #tpu.memory_space<hbm>> -> memref<128xi32, #tpu.memory_space<hbm>>
    %dma_wait3A_215 = arith.constant 0 : i32
    %dma_wait3A_216 = tpu.memref_slice %arg3[%dma_wait3A_215] : memref<100000xi32, #tpu.memory_space<hbm>> -> memref<128xi32, #tpu.memory_space<hbm>>
    tpu.wait_dma2 semaphore(%arg27 : memref<!tpu.dma_semaphore, #tpu.memory_space<semaphore_mem>>) src(%dma_wait3A_216 : memref<128xi32, #tpu.memory_space<hbm>>) dst(%arg15 : memref<128xi32, #tpu.memory_space<vmem>>)
    %add3A_217 = arith.constant 128 : i32
    %add3A_218 = arith.addi %add3A, %add3A_217 : i32
    %ge3A_219 = arith.constant 781 : i32
    %ge3A_220 = arith.cmpi sge, %add3A_218, %ge3A_219 : i32
    %convert_element_type3A_221 = arith.extui %ge3A_220 : i1 to i32
    %cond3A_222 = arith.constant 0 : i32
    %cond3A_223 = arith.cmpi ne, %convert_element_type3A_221, %cond3A_222 : i32
    scf.if %cond3A_223 {
      %broadcast_in_dim3A = arith.constant 1023 : i32
      %broadcast_in_dim3A_1046 = vector.broadcast %broadcast_in_dim3A : i32 to vector<16xi32>
      %swap3A = arith.constant 0 : index
      %swap3A_1047 = tpu.vector_load %arg15[%swap3A] {strides = array<i32>} : memref<128xi32, #tpu.memory_space<vmem>>, vector<16xi32>,
      %swap3A_1048 = vector.shape_cast %swap3A_1047 : vector<16xi32> to vector<16xi32>
      %swap3A_1049 = vector.shape_cast %broadcast_in_dim3A_1046 : vector<16xi32> to vector<16xi32>
      tpu.vector_store %arg15[%swap3A], %swap3A_1049 {strides = array<i32>} : memref<128xi32, #tpu.memory_space<vmem>>, vector<16xi32>,
      %swap3A_1050 = arith.constant 16 : index
      %swap3A_1051 = tpu.vector_load %arg15[%swap3A_1050] {strides = array<i32>} : memref<128xi32, #tpu.memory_space<vmem>>, vector<16xi32>,
      %swap3A_1052 = vector.shape_cast %swap3A_1051 : vector<16xi32> to vector<16xi32>
      %swap3A_1053 = vector.shape_cast %broadcast_in_dim3A_1046 : vector<16xi32> to vector<16xi32>
      tpu.vector_store %arg15[%swap3A_1050], %swap3A_1053 {strides = array<i32>} : memref<128xi32, #tpu.memory_space<vmem>>, vector<16xi32>,
      %swap3A_1054 = arith.constant 32 : index
      %swap3A_1055 = tpu.vector_load %arg15[%swap3A_1054] {strides = array<i32>} : memref<128xi32, #tpu.memory_space<vmem>>, vector<16xi32>,
      %swap3A_1056 = vector.shape_cast %swap3A_1055 : vector<16xi32> to vector<16xi32>
      %swap3A_1057 = vector.shape_cast %broadcast_in_dim3A_1046 : vector<16xi32> to vector<16xi32>
      tpu.vector_store %arg15[%swap3A_1054], %swap3A_1057 {strides = array<i32>} : memref<128xi32, #tpu.memory_space<vmem>>, vector<16xi32>,
      %swap3A_1058 = arith.constant 48 : index
      %swap3A_1059 = tpu.vector_load %arg15[%swap3A_1058] {strides = array<i32>} : memref<128xi32, #tpu.memory_space<vmem>>, vector<16xi32>,
      %swap3A_1060 = vector.shape_cast %swap3A_1059 : vector<16xi32> to vector<16xi32>
      %swap3A_1061 = vector.shape_cast %broadcast_in_dim3A_1046 : vector<16xi32> to vector<16xi32>
      tpu.vector_store %arg15[%swap3A_1058], %swap3A_1061 {strides = array<i32>} : memref<128xi32, #tpu.memory_space<vmem>>, vector<16xi32>,
      %swap3A_1062 = arith.constant 64 : index
      %swap3A_1063 = tpu.vector_load %arg15[%swap3A_1062] {strides = array<i32>} : memref<128xi32, #tpu.memory_space<vmem>>, vector<16xi32>,
      %swap3A_1064 = vector.shape_cast %swap3A_1063 : vector<16xi32> to vector<16xi32>
      %swap3A_1065 = vector.shape_cast %broadcast_in_dim3A_1046 : vector<16xi32> to vector<16xi32>
      tpu.vector_store %arg15[%swap3A_1062], %swap3A_1065 {strides = array<i32>} : memref<128xi32, #tpu.memory_space<vmem>>, vector<16xi32>,
      %swap3A_1066 = arith.constant 80 : index
      %swap3A_1067 = tpu.vector_load %arg15[%swap3A_1066] {strides = array<i32>} : memref<128xi32, #tpu.memory_space<vmem>>, vector<16xi32>,
      %swap3A_1068 = vector.shape_cast %swap3A_1067 : vector<16xi32> to vector<16xi32>
      %swap3A_1069 = vector.shape_cast %broadcast_in_dim3A_1046 : vector<16xi32> to vector<16xi32>
      tpu.vector_store %arg15[%swap3A_1066], %swap3A_1069 {strides = array<i32>} : memref<128xi32, #tpu.memory_space<vmem>>, vector<16xi32>,
      %swap3A_1070 = arith.constant 96 : index
      %swap3A_1071 = tpu.vector_load %arg15[%swap3A_1070] {strides = array<i32>} : memref<128xi32, #tpu.memory_space<vmem>>, vector<16xi32>,
      %swap3A_1072 = vector.shape_cast %swap3A_1071 : vector<16xi32> to vector<16xi32>
      %swap3A_1073 = vector.shape_cast %broadcast_in_dim3A_1046 : vector<16xi32> to vector<16xi32>
      tpu.vector_store %arg15[%swap3A_1070], %swap3A_1073 {strides = array<i32>} : memref<128xi32, #tpu.memory_space<vmem>>, vector<16xi32>,
      %swap3A_1074 = arith.constant 112 : index
      %swap3A_1075 = tpu.vector_load %arg15[%swap3A_1074] {strides = array<i32>} : memref<128xi32, #tpu.memory_space<vmem>>, vector<16xi32>,
      %swap3A_1076 = vector.shape_cast %swap3A_1075 : vector<16xi32> to vector<16xi32>
      %swap3A_1077 = vector.shape_cast %broadcast_in_dim3A_1046 : vector<16xi32> to vector<16xi32>
      tpu.vector_store %arg15[%swap3A_1074], %swap3A_1077 {strides = array<i32>} : memref<128xi32, #tpu.memory_space<vmem>>, vector<16xi32>,
    } else {
    }
    %dma_start3A_224 = arith.constant 0 : i32
    %dma_start3A_225 = arith.constant 0 : i32
    %dma_start3A_226 = tpu.memref_slice %arg33[%dma_start3A_224, %dma_start3A_225] : memref<1024x128xf32, #tpu.memory_space<vmem_shared>> -> memref<1024x128xf32, #tpu.memory_space<vmem_shared>>
    tpu.enqueue_indirect_dma source(%arg12 : memref<128x128xf32, #tpu.memory_space<vmem>>) target(%dma_start3A_226 : memref<1024x128xf32, #tpu.memory_space<vmem_shared>>) offsets(%arg15 : memref<128xi32, #tpu.memory_space<vmem>>) semaphore(%arg29 : memref<!tpu.dma_semaphore, #tpu.memory_space<semaphore_mem>>) {add = true}
    %dma_start3A_227 = arith.constant 0 : i32
    %dma_start3A_228 = arith.constant 0 : i32
    %dma_start3A_229 = tpu.memref_slice %arg34[%dma_start3A_227, %dma_start3A_228] : memref<1024x16xf32, #tpu.memory_space<vmem_shared>> -> memref<1024x16xf32, #tpu.memory_space<vmem_shared>>
    tpu.enqueue_indirect_dma source(%arg19 : memref<128x16xf32, #tpu.memory_space<vmem>>) target(%dma_start3A_229 : memref<1024x16xf32, #tpu.memory_space<vmem_shared>>) offsets(%arg15 : memref<128xi32, #tpu.memory_space<vmem>>) semaphore(%arg31 : memref<!tpu.dma_semaphore, #tpu.memory_space<semaphore_mem>>) {add = true}
    %dma_wait3A_230 = arith.constant 0 : i32
    %dma_wait3A_231 = arith.constant 0 : i32
    %dma_wait3A_232 = tpu.memref_slice %arg33[%dma_wait3A_230, %dma_wait3A_231] : memref<1024x128xf32, #tpu.memory_space<vmem_shared>> -> memref<1024x128xf32, #tpu.memory_space<vmem_shared>>
    tpu.wait_indirect_dma semaphore(%arg29 : memref<!tpu.dma_semaphore, #tpu.memory_space<semaphore_mem>>) src(%arg12 : memref<128x128xf32, #tpu.memory_space<vmem>>) dst(%dma_wait3A_232 : memref<1024x128xf32, #tpu.memory_space<vmem_shared>>)
    %dma_wait3A_233 = arith.constant 0 : i32
    %dma_wait3A_234 = arith.constant 0 : i32
    %dma_wait3A_235 = tpu.memref_slice %arg34[%dma_wait3A_233, %dma_wait3A_234] : memref<1024x16xf32, #tpu.memory_space<vmem_shared>> -> memref<1024x16xf32, #tpu.memory_space<vmem_shared>>
    tpu.wait_indirect_dma semaphore(%arg31 : memref<!tpu.dma_semaphore, #tpu.memory_space<semaphore_mem>>) src(%arg19 : memref<128x16xf32, #tpu.memory_space<vmem>>) dst(%dma_wait3A_235 : memref<1024x16xf32, #tpu.memory_space<vmem_shared>>)
    %add3A_236 = arith.constant 224 : i32
    %add3A_237 = arith.addi %add3A, %add3A_236 : i32
    %min3A_238 = arith.constant 780 : i32
    %min3A_239 = arith.minsi %add3A_237, %min3A_238 : i32
    %mul3A_240 = arith.constant 128 : i32
    %mul3A_241 = arith.muli %min3A_239, %mul3A_240 : i32
    %dma_start3A_242 = arith.constant 0 : i32
    %dma_start3A_243 = tpu.memref_slice %arg2[%mul3A_241, %dma_start3A_242] : memref<100000x128xf32, #tpu.memory_space<hbm>> -> memref<128x128xf32, #tpu.memory_space<hbm>>
    %dma_start3A_244 = arith.constant 0 : i32
    %dma_start3A_245 = tpu.memref_slice %arg2[%mul3A_241, %dma_start3A_244] : memref<100000x128xf32, #tpu.memory_space<hbm>> -> memref<128x128xf32, #tpu.memory_space<hbm>>
    tpu.enqueue_dma source(%dma_start3A_245 : memref<128x128xf32, #tpu.memory_space<hbm>>) target(%arg12 : memref<128x128xf32, #tpu.memory_space<vmem>>) target_semaphore(%arg24 : memref<!tpu.dma_semaphore, #tpu.memory_space<semaphore_mem>>)
    %dma_start3A_246 = tpu.memref_slice %arg3[%mul3A_241] : memref<100000xi32, #tpu.memory_space<hbm>> -> memref<128xi32, #tpu.memory_space<hbm>>
    %dma_start3A_247 = tpu.memref_slice %arg3[%mul3A_241] : memref<100000xi32, #tpu.memory_space<hbm>> -> memref<128xi32, #tpu.memory_space<hbm>>
    tpu.enqueue_dma source(%dma_start3A_247 : memref<128xi32, #tpu.memory_space<hbm>>) target(%arg15 : memref<128xi32, #tpu.memory_space<vmem>>) target_semaphore(%arg27 : memref<!tpu.dma_semaphore, #tpu.memory_space<semaphore_mem>>)
    %dma_wait3A_248 = arith.constant 0 : i32
    %dma_wait3A_249 = arith.constant 0 : i32
    %dma_wait3A_250 = tpu.memref_slice %arg2[%dma_wait3A_248, %dma_wait3A_249] : memref<100000x128xf32, #tpu.memory_space<hbm>> -> memref<128x128xf32, #tpu.memory_space<hbm>>
    %dma_wait3A_251 = arith.constant 0 : i32
    %dma_wait3A_252 = arith.constant 0 : i32
    %dma_wait3A_253 = tpu.memref_slice %arg2[%dma_wait3A_251, %dma_wait3A_252] : memref<100000x128xf32, #tpu.memory_space<hbm>> -> memref<128x128xf32, #tpu.memory_space<hbm>>
    tpu.wait_dma2 semaphore(%arg25 : memref<!tpu.dma_semaphore, #tpu.memory_space<semaphore_mem>>) src(%dma_wait3A_253 : memref<128x128xf32, #tpu.memory_space<hbm>>) dst(%arg13 : memref<128x128xf32, #tpu.memory_space<vmem>>)
    %dma_wait3A_254 = arith.constant 0 : i32
    %dma_wait3A_255 = tpu.memref_slice %arg3[%dma_wait3A_254] : memref<100000xi32, #tpu.memory_space<hbm>> -> memref<128xi32, #tpu.memory_space<hbm>>
    %dma_wait3A_256 = arith.constant 0 : i32
    %dma_wait3A_257 = tpu.memref_slice %arg3[%dma_wait3A_256] : memref<100000xi32, #tpu.memory_space<hbm>> -> memref<128xi32, #tpu.memory_space<hbm>>
    tpu.wait_dma2 semaphore(%arg28 : memref<!tpu.dma_semaphore, #tpu.memory_space<semaphore_mem>>) src(%dma_wait3A_257 : memref<128xi32, #tpu.memory_space<hbm>>) dst(%arg16 : memref<128xi32, #tpu.memory_space<vmem>>)
    %add3A_258 = arith.constant 160 : i32
    %add3A_259 = arith.addi %add3A, %add3A_258 : i32
    %ge3A_260 = arith.constant 781 : i32
    %ge3A_261 = arith.cmpi sge, %add3A_259, %ge3A_260 : i32
    %convert_element_type3A_262 = arith.extui %ge3A_261 : i1 to i32
    %cond3A_263 = arith.constant 0 : i32
    %cond3A_264 = arith.cmpi ne, %convert_element_type3A_262, %cond3A_263 : i32
    scf.if %cond3A_264 {
      %broadcast_in_dim3A = arith.constant 1023 : i32
      %broadcast_in_dim3A_1046 = vector.broadcast %broadcast_in_dim3A : i32 to vector<16xi32>
      %swap3A = arith.constant 0 : index
      %swap3A_1047 = tpu.vector_load %arg16[%swap3A] {strides = array<i32>} : memref<128xi32, #tpu.memory_space<vmem>>, vector<16xi32>,
      %swap3A_1048 = vector.shape_cast %swap3A_1047 : vector<16xi32> to vector<16xi32>
      %swap3A_1049 = vector.shape_cast %broadcast_in_dim3A_1046 : vector<16xi32> to vector<16xi32>
      tpu.vector_store %arg16[%swap3A], %swap3A_1049 {strides = array<i32>} : memref<128xi32, #tpu.memory_space<vmem>>, vector<16xi32>,
      %swap3A_1050 = arith.constant 16 : index
      %swap3A_1051 = tpu.vector_load %arg16[%swap3A_1050] {strides = array<i32>} : memref<128xi32, #tpu.memory_space<vmem>>, vector<16xi32>,
      %swap3A_1052 = vector.shape_cast %swap3A_1051 : vector<16xi32> to vector<16xi32>
      %swap3A_1053 = vector.shape_cast %broadcast_in_dim3A_1046 : vector<16xi32> to vector<16xi32>
      tpu.vector_store %arg16[%swap3A_1050], %swap3A_1053 {strides = array<i32>} : memref<128xi32, #tpu.memory_space<vmem>>, vector<16xi32>,
      %swap3A_1054 = arith.constant 32 : index
      %swap3A_1055 = tpu.vector_load %arg16[%swap3A_1054] {strides = array<i32>} : memref<128xi32, #tpu.memory_space<vmem>>, vector<16xi32>,
      %swap3A_1056 = vector.shape_cast %swap3A_1055 : vector<16xi32> to vector<16xi32>
      %swap3A_1057 = vector.shape_cast %broadcast_in_dim3A_1046 : vector<16xi32> to vector<16xi32>
      tpu.vector_store %arg16[%swap3A_1054], %swap3A_1057 {strides = array<i32>} : memref<128xi32, #tpu.memory_space<vmem>>, vector<16xi32>,
      %swap3A_1058 = arith.constant 48 : index
      %swap3A_1059 = tpu.vector_load %arg16[%swap3A_1058] {strides = array<i32>} : memref<128xi32, #tpu.memory_space<vmem>>, vector<16xi32>,
      %swap3A_1060 = vector.shape_cast %swap3A_1059 : vector<16xi32> to vector<16xi32>
      %swap3A_1061 = vector.shape_cast %broadcast_in_dim3A_1046 : vector<16xi32> to vector<16xi32>
      tpu.vector_store %arg16[%swap3A_1058], %swap3A_1061 {strides = array<i32>} : memref<128xi32, #tpu.memory_space<vmem>>, vector<16xi32>,
      %swap3A_1062 = arith.constant 64 : index
      %swap3A_1063 = tpu.vector_load %arg16[%swap3A_1062] {strides = array<i32>} : memref<128xi32, #tpu.memory_space<vmem>>, vector<16xi32>,
      %swap3A_1064 = vector.shape_cast %swap3A_1063 : vector<16xi32> to vector<16xi32>
      %swap3A_1065 = vector.shape_cast %broadcast_in_dim3A_1046 : vector<16xi32> to vector<16xi32>
      tpu.vector_store %arg16[%swap3A_1062], %swap3A_1065 {strides = array<i32>} : memref<128xi32, #tpu.memory_space<vmem>>, vector<16xi32>,
      %swap3A_1066 = arith.constant 80 : index
      %swap3A_1067 = tpu.vector_load %arg16[%swap3A_1066] {strides = array<i32>} : memref<128xi32, #tpu.memory_space<vmem>>, vector<16xi32>,
      %swap3A_1068 = vector.shape_cast %swap3A_1067 : vector<16xi32> to vector<16xi32>
      %swap3A_1069 = vector.shape_cast %broadcast_in_dim3A_1046 : vector<16xi32> to vector<16xi32>
      tpu.vector_store %arg16[%swap3A_1066], %swap3A_1069 {strides = array<i32>} : memref<128xi32, #tpu.memory_space<vmem>>, vector<16xi32>,
      %swap3A_1070 = arith.constant 96 : index
      %swap3A_1071 = tpu.vector_load %arg16[%swap3A_1070] {strides = array<i32>} : memref<128xi32, #tpu.memory_space<vmem>>, vector<16xi32>,
      %swap3A_1072 = vector.shape_cast %swap3A_1071 : vector<16xi32> to vector<16xi32>
      %swap3A_1073 = vector.shape_cast %broadcast_in_dim3A_1046 : vector<16xi32> to vector<16xi32>
      tpu.vector_store %arg16[%swap3A_1070], %swap3A_1073 {strides = array<i32>} : memref<128xi32, #tpu.memory_space<vmem>>, vector<16xi32>,
      %swap3A_1074 = arith.constant 112 : index
      %swap3A_1075 = tpu.vector_load %arg16[%swap3A_1074] {strides = array<i32>} : memref<128xi32, #tpu.memory_space<vmem>>, vector<16xi32>,
      %swap3A_1076 = vector.shape_cast %swap3A_1075 : vector<16xi32> to vector<16xi32>
      %swap3A_1077 = vector.shape_cast %broadcast_in_dim3A_1046 : vector<16xi32> to vector<16xi32>
      tpu.vector_store %arg16[%swap3A_1074], %swap3A_1077 {strides = array<i32>} : memref<128xi32, #tpu.memory_space<vmem>>, vector<16xi32>,
    } else {
    }
    %dma_start3A_265 = arith.constant 0 : i32
    %dma_start3A_266 = arith.constant 0 : i32
    %dma_start3A_267 = tpu.memref_slice %arg33[%dma_start3A_265, %dma_start3A_266] : memref<1024x128xf32, #tpu.memory_space<vmem_shared>> -> memref<1024x128xf32, #tpu.memory_space<vmem_shared>>
    tpu.enqueue_indirect_dma source(%arg13 : memref<128x128xf32, #tpu.memory_space<vmem>>) target(%dma_start3A_267 : memref<1024x128xf32, #tpu.memory_space<vmem_shared>>) offsets(%arg16 : memref<128xi32, #tpu.memory_space<vmem>>) semaphore(%arg30 : memref<!tpu.dma_semaphore, #tpu.memory_space<semaphore_mem>>) {add = true}
    %dma_start3A_268 = arith.constant 0 : i32
    %dma_start3A_269 = arith.constant 0 : i32
    %dma_start3A_270 = tpu.memref_slice %arg34[%dma_start3A_268, %dma_start3A_269] : memref<1024x16xf32, #tpu.memory_space<vmem_shared>> -> memref<1024x16xf32, #tpu.memory_space<vmem_shared>>
    tpu.enqueue_indirect_dma source(%arg19 : memref<128x16xf32, #tpu.memory_space<vmem>>) target(%dma_start3A_270 : memref<1024x16xf32, #tpu.memory_space<vmem_shared>>) offsets(%arg16 : memref<128xi32, #tpu.memory_space<vmem>>) semaphore(%arg32 : memref<!tpu.dma_semaphore, #tpu.memory_space<semaphore_mem>>) {add = true}
    %dma_wait3A_271 = arith.constant 0 : i32
    %dma_wait3A_272 = arith.constant 0 : i32
    %dma_wait3A_273 = tpu.memref_slice %arg33[%dma_wait3A_271, %dma_wait3A_272] : memref<1024x128xf32, #tpu.memory_space<vmem_shared>> -> memref<1024x128xf32, #tpu.memory_space<vmem_shared>>
    tpu.wait_indirect_dma semaphore(%arg30 : memref<!tpu.dma_semaphore, #tpu.memory_space<semaphore_mem>>) src(%arg13 : memref<128x128xf32, #tpu.memory_space<vmem>>) dst(%dma_wait3A_273 : memref<1024x128xf32, #tpu.memory_space<vmem_shared>>)
    %dma_wait3A_274 = arith.constant 0 : i32
    %dma_wait3A_275 = arith.constant 0 : i32
    %dma_wait3A_276 = tpu.memref_slice %arg34[%dma_wait3A_274, %dma_wait3A_275] : memref<1024x16xf32, #tpu.memory_space<vmem_shared>> -> memref<1024x16xf32, #tpu.memory_space<vmem_shared>>
    tpu.wait_indirect_dma semaphore(%arg32 : memref<!tpu.dma_semaphore, #tpu.memory_space<semaphore_mem>>) src(%arg19 : memref<128x16xf32, #tpu.memory_space<vmem>>) dst(%dma_wait3A_276 : memref<1024x16xf32, #tpu.memory_space<vmem_shared>>)
    %add3A_277 = arith.constant 256 : i32
    %add3A_278 = arith.addi %add3A, %add3A_277 : i32
    %min3A_279 = arith.constant 780 : i32
    %min3A_280 = arith.minsi %add3A_278, %min3A_279 : i32
    %mul3A_281 = arith.constant 128 : i32
    %mul3A_282 = arith.muli %min3A_280, %mul3A_281 : i32
    %dma_start3A_283 = arith.constant 0 : i32
    %dma_start3A_284 = tpu.memref_slice %arg2[%mul3A_282, %dma_start3A_283] : memref<100000x128xf32, #tpu.memory_space<hbm>> -> memref<128x128xf32, #tpu.memory_space<hbm>>
    %dma_start3A_285 = arith.constant 0 : i32
    %dma_start3A_286 = tpu.memref_slice %arg2[%mul3A_282, %dma_start3A_285] : memref<100000x128xf32, #tpu.memory_space<hbm>> -> memref<128x128xf32, #tpu.memory_space<hbm>>
    tpu.enqueue_dma source(%dma_start3A_286 : memref<128x128xf32, #tpu.memory_space<hbm>>) target(%arg13 : memref<128x128xf32, #tpu.memory_space<vmem>>) target_semaphore(%arg25 : memref<!tpu.dma_semaphore, #tpu.memory_space<semaphore_mem>>)
    %dma_start3A_287 = tpu.memref_slice %arg3[%mul3A_282] : memref<100000xi32, #tpu.memory_space<hbm>> -> memref<128xi32, #tpu.memory_space<hbm>>
    %dma_start3A_288 = tpu.memref_slice %arg3[%mul3A_282] : memref<100000xi32, #tpu.memory_space<hbm>> -> memref<128xi32, #tpu.memory_space<hbm>>
    tpu.enqueue_dma source(%dma_start3A_288 : memref<128xi32, #tpu.memory_space<hbm>>) target(%arg16 : memref<128xi32, #tpu.memory_space<vmem>>) target_semaphore(%arg28 : memref<!tpu.dma_semaphore, #tpu.memory_space<semaphore_mem>>)
    %dma_wait3A_289 = arith.constant 0 : i32
    %dma_wait3A_290 = arith.constant 0 : i32
    %dma_wait3A_291 = tpu.memref_slice %arg2[%dma_wait3A_289, %dma_wait3A_290] : memref<100000x128xf32, #tpu.memory_space<hbm>> -> memref<128x128xf32, #tpu.memory_space<hbm>>
    %dma_wait3A_292 = arith.constant 0 : i32
    %dma_wait3A_293 = arith.constant 0 : i32
    %dma_wait3A_294 = tpu.memref_slice %arg2[%dma_wait3A_292, %dma_wait3A_293] : memref<100000x128xf32, #tpu.memory_space<hbm>> -> memref<128x128xf32, #tpu.memory_space<hbm>>
    tpu.wait_dma2 semaphore(%arg23 : memref<!tpu.dma_semaphore, #tpu.memory_space<semaphore_mem>>) src(%dma_wait3A_294 : memref<128x128xf32, #tpu.memory_space<hbm>>) dst(%arg11 : memref<128x128xf32, #tpu.memory_space<vmem>>)
    %dma_wait3A_295 = arith.constant 0 : i32
    %dma_wait3A_296 = tpu.memref_slice %arg3[%dma_wait3A_295] : memref<100000xi32, #tpu.memory_space<hbm>> -> memref<128xi32, #tpu.memory_space<hbm>>
    %dma_wait3A_297 = arith.constant 0 : i32
    %dma_wait3A_298 = tpu.memref_slice %arg3[%dma_wait3A_297] : memref<100000xi32, #tpu.memory_space<hbm>> -> memref<128xi32, #tpu.memory_space<hbm>>
    tpu.wait_dma2 semaphore(%arg26 : memref<!tpu.dma_semaphore, #tpu.memory_space<semaphore_mem>>) src(%dma_wait3A_298 : memref<128xi32, #tpu.memory_space<hbm>>) dst(%arg14 : memref<128xi32, #tpu.memory_space<vmem>>)
    %add3A_299 = arith.constant 192 : i32
    %add3A_300 = arith.addi %add3A, %add3A_299 : i32
    %ge3A_301 = arith.constant 781 : i32
    %ge3A_302 = arith.cmpi sge, %add3A_300, %ge3A_301 : i32
    %convert_element_type3A_303 = arith.extui %ge3A_302 : i1 to i32
    %cond3A_304 = arith.constant 0 : i32
    %cond3A_305 = arith.cmpi ne, %convert_element_type3A_303, %cond3A_304 : i32
    scf.if %cond3A_305 {
      %broadcast_in_dim3A = arith.constant 1023 : i32
      %broadcast_in_dim3A_1046 = vector.broadcast %broadcast_in_dim3A : i32 to vector<16xi32>
      %swap3A = arith.constant 0 : index
      %swap3A_1047 = tpu.vector_load %arg14[%swap3A] {strides = array<i32>} : memref<128xi32, #tpu.memory_space<vmem>>, vector<16xi32>,
      %swap3A_1048 = vector.shape_cast %swap3A_1047 : vector<16xi32> to vector<16xi32>
      %swap3A_1049 = vector.shape_cast %broadcast_in_dim3A_1046 : vector<16xi32> to vector<16xi32>
      tpu.vector_store %arg14[%swap3A], %swap3A_1049 {strides = array<i32>} : memref<128xi32, #tpu.memory_space<vmem>>, vector<16xi32>,
      %swap3A_1050 = arith.constant 16 : index
      %swap3A_1051 = tpu.vector_load %arg14[%swap3A_1050] {strides = array<i32>} : memref<128xi32, #tpu.memory_space<vmem>>, vector<16xi32>,
      %swap3A_1052 = vector.shape_cast %swap3A_1051 : vector<16xi32> to vector<16xi32>
      %swap3A_1053 = vector.shape_cast %broadcast_in_dim3A_1046 : vector<16xi32> to vector<16xi32>
      tpu.vector_store %arg14[%swap3A_1050], %swap3A_1053 {strides = array<i32>} : memref<128xi32, #tpu.memory_space<vmem>>, vector<16xi32>,
      %swap3A_1054 = arith.constant 32 : index
      %swap3A_1055 = tpu.vector_load %arg14[%swap3A_1054] {strides = array<i32>} : memref<128xi32, #tpu.memory_space<vmem>>, vector<16xi32>,
      %swap3A_1056 = vector.shape_cast %swap3A_1055 : vector<16xi32> to vector<16xi32>
      %swap3A_1057 = vector.shape_cast %broadcast_in_dim3A_1046 : vector<16xi32> to vector<16xi32>
      tpu.vector_store %arg14[%swap3A_1054], %swap3A_1057 {strides = array<i32>} : memref<128xi32, #tpu.memory_space<vmem>>, vector<16xi32>,
      %swap3A_1058 = arith.constant 48 : index
      %swap3A_1059 = tpu.vector_load %arg14[%swap3A_1058] {strides = array<i32>} : memref<128xi32, #tpu.memory_space<vmem>>, vector<16xi32>,
      %swap3A_1060 = vector.shape_cast %swap3A_1059 : vector<16xi32> to vector<16xi32>
      %swap3A_1061 = vector.shape_cast %broadcast_in_dim3A_1046 : vector<16xi32> to vector<16xi32>
      tpu.vector_store %arg14[%swap3A_1058], %swap3A_1061 {strides = array<i32>} : memref<128xi32, #tpu.memory_space<vmem>>, vector<16xi32>,
      %swap3A_1062 = arith.constant 64 : index
      %swap3A_1063 = tpu.vector_load %arg14[%swap3A_1062] {strides = array<i32>} : memref<128xi32, #tpu.memory_space<vmem>>, vector<16xi32>,
      %swap3A_1064 = vector.shape_cast %swap3A_1063 : vector<16xi32> to vector<16xi32>
      %swap3A_1065 = vector.shape_cast %broadcast_in_dim3A_1046 : vector<16xi32> to vector<16xi32>
      tpu.vector_store %arg14[%swap3A_1062], %swap3A_1065 {strides = array<i32>} : memref<128xi32, #tpu.memory_space<vmem>>, vector<16xi32>,
      %swap3A_1066 = arith.constant 80 : index
      %swap3A_1067 = tpu.vector_load %arg14[%swap3A_1066] {strides = array<i32>} : memref<128xi32, #tpu.memory_space<vmem>>, vector<16xi32>,
      %swap3A_1068 = vector.shape_cast %swap3A_1067 : vector<16xi32> to vector<16xi32>
      %swap3A_1069 = vector.shape_cast %broadcast_in_dim3A_1046 : vector<16xi32> to vector<16xi32>
      tpu.vector_store %arg14[%swap3A_1066], %swap3A_1069 {strides = array<i32>} : memref<128xi32, #tpu.memory_space<vmem>>, vector<16xi32>,
      %swap3A_1070 = arith.constant 96 : index
      %swap3A_1071 = tpu.vector_load %arg14[%swap3A_1070] {strides = array<i32>} : memref<128xi32, #tpu.memory_space<vmem>>, vector<16xi32>,
      %swap3A_1072 = vector.shape_cast %swap3A_1071 : vector<16xi32> to vector<16xi32>
      %swap3A_1073 = vector.shape_cast %broadcast_in_dim3A_1046 : vector<16xi32> to vector<16xi32>
      tpu.vector_store %arg14[%swap3A_1070], %swap3A_1073 {strides = array<i32>} : memref<128xi32, #tpu.memory_space<vmem>>, vector<16xi32>,
      %swap3A_1074 = arith.constant 112 : index
      %swap3A_1075 = tpu.vector_load %arg14[%swap3A_1074] {strides = array<i32>} : memref<128xi32, #tpu.memory_space<vmem>>, vector<16xi32>,
      %swap3A_1076 = vector.shape_cast %swap3A_1075 : vector<16xi32> to vector<16xi32>
      %swap3A_1077 = vector.shape_cast %broadcast_in_dim3A_1046 : vector<16xi32> to vector<16xi32>
      tpu.vector_store %arg14[%swap3A_1074], %swap3A_1077 {strides = array<i32>} : memref<128xi32, #tpu.memory_space<vmem>>, vector<16xi32>,
    } else {
    }
    %dma_start3A_306 = arith.constant 0 : i32
    %dma_start3A_307 = arith.constant 0 : i32
    %dma_start3A_308 = tpu.memref_slice %arg33[%dma_start3A_306, %dma_start3A_307] : memref<1024x128xf32, #tpu.memory_space<vmem_shared>> -> memref<1024x128xf32, #tpu.memory_space<vmem_shared>>
    tpu.enqueue_indirect_dma source(%arg11 : memref<128x128xf32, #tpu.memory_space<vmem>>) target(%dma_start3A_308 : memref<1024x128xf32, #tpu.memory_space<vmem_shared>>) offsets(%arg14 : memref<128xi32, #tpu.memory_space<vmem>>) semaphore(%arg29 : memref<!tpu.dma_semaphore, #tpu.memory_space<semaphore_mem>>) {add = true}
    %dma_start3A_309 = arith.constant 0 : i32
    %dma_start3A_310 = arith.constant 0 : i32
    %dma_start3A_311 = tpu.memref_slice %arg34[%dma_start3A_309, %dma_start3A_310] : memref<1024x16xf32, #tpu.memory_space<vmem_shared>> -> memref<1024x16xf32, #tpu.memory_space<vmem_shared>>
    tpu.enqueue_indirect_dma source(%arg19 : memref<128x16xf32, #tpu.memory_space<vmem>>) target(%dma_start3A_311 : memref<1024x16xf32, #tpu.memory_space<vmem_shared>>) offsets(%arg14 : memref<128xi32, #tpu.memory_space<vmem>>) semaphore(%arg31 : memref<!tpu.dma_semaphore, #tpu.memory_space<semaphore_mem>>) {add = true}
    %dma_wait3A_312 = arith.constant 0 : i32
    %dma_wait3A_313 = arith.constant 0 : i32
    %dma_wait3A_314 = tpu.memref_slice %arg33[%dma_wait3A_312, %dma_wait3A_313] : memref<1024x128xf32, #tpu.memory_space<vmem_shared>> -> memref<1024x128xf32, #tpu.memory_space<vmem_shared>>
    tpu.wait_indirect_dma semaphore(%arg29 : memref<!tpu.dma_semaphore, #tpu.memory_space<semaphore_mem>>) src(%arg11 : memref<128x128xf32, #tpu.memory_space<vmem>>) dst(%dma_wait3A_314 : memref<1024x128xf32, #tpu.memory_space<vmem_shared>>)
    %dma_wait3A_315 = arith.constant 0 : i32
    %dma_wait3A_316 = arith.constant 0 : i32
    %dma_wait3A_317 = tpu.memref_slice %arg34[%dma_wait3A_315, %dma_wait3A_316] : memref<1024x16xf32, #tpu.memory_space<vmem_shared>> -> memref<1024x16xf32, #tpu.memory_space<vmem_shared>>
    tpu.wait_indirect_dma semaphore(%arg31 : memref<!tpu.dma_semaphore, #tpu.memory_space<semaphore_mem>>) src(%arg19 : memref<128x16xf32, #tpu.memory_space<vmem>>) dst(%dma_wait3A_317 : memref<1024x16xf32, #tpu.memory_space<vmem_shared>>)
    %add3A_318 = arith.constant 288 : i32
    %add3A_319 = arith.addi %add3A, %add3A_318 : i32
    %min3A_320 = arith.constant 780 : i32
    %min3A_321 = arith.minsi %add3A_319, %min3A_320 : i32
    %mul3A_322 = arith.constant 128 : i32
    %mul3A_323 = arith.muli %min3A_321, %mul3A_322 : i32
    %dma_start3A_324 = arith.constant 0 : i32
    %dma_start3A_325 = tpu.memref_slice %arg2[%mul3A_323, %dma_start3A_324] : memref<100000x128xf32, #tpu.memory_space<hbm>> -> memref<128x128xf32, #tpu.memory_space<hbm>>
    %dma_start3A_326 = arith.constant 0 : i32
    %dma_start3A_327 = tpu.memref_slice %arg2[%mul3A_323, %dma_start3A_326] : memref<100000x128xf32, #tpu.memory_space<hbm>> -> memref<128x128xf32, #tpu.memory_space<hbm>>
    tpu.enqueue_dma source(%dma_start3A_327 : memref<128x128xf32, #tpu.memory_space<hbm>>) target(%arg11 : memref<128x128xf32, #tpu.memory_space<vmem>>) target_semaphore(%arg23 : memref<!tpu.dma_semaphore, #tpu.memory_space<semaphore_mem>>)
    %dma_start3A_328 = tpu.memref_slice %arg3[%mul3A_323] : memref<100000xi32, #tpu.memory_space<hbm>> -> memref<128xi32, #tpu.memory_space<hbm>>
    %dma_start3A_329 = tpu.memref_slice %arg3[%mul3A_323] : memref<100000xi32, #tpu.memory_space<hbm>> -> memref<128xi32, #tpu.memory_space<hbm>>
    tpu.enqueue_dma source(%dma_start3A_329 : memref<128xi32, #tpu.memory_space<hbm>>) target(%arg14 : memref<128xi32, #tpu.memory_space<vmem>>) target_semaphore(%arg26 : memref<!tpu.dma_semaphore, #tpu.memory_space<semaphore_mem>>)
    %dma_wait3A_330 = arith.constant 0 : i32
    %dma_wait3A_331 = arith.constant 0 : i32
    %dma_wait3A_332 = tpu.memref_slice %arg2[%dma_wait3A_330, %dma_wait3A_331] : memref<100000x128xf32, #tpu.memory_space<hbm>> -> memref<128x128xf32, #tpu.memory_space<hbm>>
    %dma_wait3A_333 = arith.constant 0 : i32
    %dma_wait3A_334 = arith.constant 0 : i32
    %dma_wait3A_335 = tpu.memref_slice %arg2[%dma_wait3A_333, %dma_wait3A_334] : memref<100000x128xf32, #tpu.memory_space<hbm>> -> memref<128x128xf32, #tpu.memory_space<hbm>>
    tpu.wait_dma2 semaphore(%arg24 : memref<!tpu.dma_semaphore, #tpu.memory_space<semaphore_mem>>) src(%dma_wait3A_335 : memref<128x128xf32, #tpu.memory_space<hbm>>) dst(%arg12 : memref<128x128xf32, #tpu.memory_space<vmem>>)
    %dma_wait3A_336 = arith.constant 0 : i32
    %dma_wait3A_337 = tpu.memref_slice %arg3[%dma_wait3A_336] : memref<100000xi32, #tpu.memory_space<hbm>> -> memref<128xi32, #tpu.memory_space<hbm>>
    %dma_wait3A_338 = arith.constant 0 : i32
    %dma_wait3A_339 = tpu.memref_slice %arg3[%dma_wait3A_338] : memref<100000xi32, #tpu.memory_space<hbm>> -> memref<128xi32, #tpu.memory_space<hbm>>
    tpu.wait_dma2 semaphore(%arg27 : memref<!tpu.dma_semaphore, #tpu.memory_space<semaphore_mem>>) src(%dma_wait3A_339 : memref<128xi32, #tpu.memory_space<hbm>>) dst(%arg15 : memref<128xi32, #tpu.memory_space<vmem>>)
    %add3A_340 = arith.constant 224 : i32
    %add3A_341 = arith.addi %add3A, %add3A_340 : i32
    %ge3A_342 = arith.constant 781 : i32
    %ge3A_343 = arith.cmpi sge, %add3A_341, %ge3A_342 : i32
    %convert_element_type3A_344 = arith.extui %ge3A_343 : i1 to i32
    %cond3A_345 = arith.constant 0 : i32
    %cond3A_346 = arith.cmpi ne, %convert_element_type3A_344, %cond3A_345 : i32
    scf.if %cond3A_346 {
      %broadcast_in_dim3A = arith.constant 1023 : i32
      %broadcast_in_dim3A_1046 = vector.broadcast %broadcast_in_dim3A : i32 to vector<16xi32>
      %swap3A = arith.constant 0 : index
      %swap3A_1047 = tpu.vector_load %arg15[%swap3A] {strides = array<i32>} : memref<128xi32, #tpu.memory_space<vmem>>, vector<16xi32>,
      %swap3A_1048 = vector.shape_cast %swap3A_1047 : vector<16xi32> to vector<16xi32>
      %swap3A_1049 = vector.shape_cast %broadcast_in_dim3A_1046 : vector<16xi32> to vector<16xi32>
      tpu.vector_store %arg15[%swap3A], %swap3A_1049 {strides = array<i32>} : memref<128xi32, #tpu.memory_space<vmem>>, vector<16xi32>,
      %swap3A_1050 = arith.constant 16 : index
      %swap3A_1051 = tpu.vector_load %arg15[%swap3A_1050] {strides = array<i32>} : memref<128xi32, #tpu.memory_space<vmem>>, vector<16xi32>,
      %swap3A_1052 = vector.shape_cast %swap3A_1051 : vector<16xi32> to vector<16xi32>
      %swap3A_1053 = vector.shape_cast %broadcast_in_dim3A_1046 : vector<16xi32> to vector<16xi32>
      tpu.vector_store %arg15[%swap3A_1050], %swap3A_1053 {strides = array<i32>} : memref<128xi32, #tpu.memory_space<vmem>>, vector<16xi32>,
      %swap3A_1054 = arith.constant 32 : index
      %swap3A_1055 = tpu.vector_load %arg15[%swap3A_1054] {strides = array<i32>} : memref<128xi32, #tpu.memory_space<vmem>>, vector<16xi32>,
      %swap3A_1056 = vector.shape_cast %swap3A_1055 : vector<16xi32> to vector<16xi32>
      %swap3A_1057 = vector.shape_cast %broadcast_in_dim3A_1046 : vector<16xi32> to vector<16xi32>
      tpu.vector_store %arg15[%swap3A_1054], %swap3A_1057 {strides = array<i32>} : memref<128xi32, #tpu.memory_space<vmem>>, vector<16xi32>,
      %swap3A_1058 = arith.constant 48 : index
      %swap3A_1059 = tpu.vector_load %arg15[%swap3A_1058] {strides = array<i32>} : memref<128xi32, #tpu.memory_space<vmem>>, vector<16xi32>,
      %swap3A_1060 = vector.shape_cast %swap3A_1059 : vector<16xi32> to vector<16xi32>
      %swap3A_1061 = vector.shape_cast %broadcast_in_dim3A_1046 : vector<16xi32> to vector<16xi32>
      tpu.vector_store %arg15[%swap3A_1058], %swap3A_1061 {strides = array<i32>} : memref<128xi32, #tpu.memory_space<vmem>>, vector<16xi32>,
      %swap3A_1062 = arith.constant 64 : index
      %swap3A_1063 = tpu.vector_load %arg15[%swap3A_1062] {strides = array<i32>} : memref<128xi32, #tpu.memory_space<vmem>>, vector<16xi32>,
      %swap3A_1064 = vector.shape_cast %swap3A_1063 : vector<16xi32> to vector<16xi32>
      %swap3A_1065 = vector.shape_cast %broadcast_in_dim3A_1046 : vector<16xi32> to vector<16xi32>
      tpu.vector_store %arg15[%swap3A_1062], %swap3A_1065 {strides = array<i32>} : memref<128xi32, #tpu.memory_space<vmem>>, vector<16xi32>,
      %swap3A_1066 = arith.constant 80 : index
      %swap3A_1067 = tpu.vector_load %arg15[%swap3A_1066] {strides = array<i32>} : memref<128xi32, #tpu.memory_space<vmem>>, vector<16xi32>,
      %swap3A_1068 = vector.shape_cast %swap3A_1067 : vector<16xi32> to vector<16xi32>
      %swap3A_1069 = vector.shape_cast %broadcast_in_dim3A_1046 : vector<16xi32> to vector<16xi32>
      tpu.vector_store %arg15[%swap3A_1066], %swap3A_1069 {strides = array<i32>} : memref<128xi32, #tpu.memory_space<vmem>>, vector<16xi32>,
      %swap3A_1070 = arith.constant 96 : index
      %swap3A_1071 = tpu.vector_load %arg15[%swap3A_1070] {strides = array<i32>} : memref<128xi32, #tpu.memory_space<vmem>>, vector<16xi32>,
      %swap3A_1072 = vector.shape_cast %swap3A_1071 : vector<16xi32> to vector<16xi32>
      %swap3A_1073 = vector.shape_cast %broadcast_in_dim3A_1046 : vector<16xi32> to vector<16xi32>
      tpu.vector_store %arg15[%swap3A_1070], %swap3A_1073 {strides = array<i32>} : memref<128xi32, #tpu.memory_space<vmem>>, vector<16xi32>,
      %swap3A_1074 = arith.constant 112 : index
      %swap3A_1075 = tpu.vector_load %arg15[%swap3A_1074] {strides = array<i32>} : memref<128xi32, #tpu.memory_space<vmem>>, vector<16xi32>,
      %swap3A_1076 = vector.shape_cast %swap3A_1075 : vector<16xi32> to vector<16xi32>
      %swap3A_1077 = vector.shape_cast %broadcast_in_dim3A_1046 : vector<16xi32> to vector<16xi32>
      tpu.vector_store %arg15[%swap3A_1074], %swap3A_1077 {strides = array<i32>} : memref<128xi32, #tpu.memory_space<vmem>>, vector<16xi32>,
    } else {
    }
    %dma_start3A_347 = arith.constant 0 : i32
    %dma_start3A_348 = arith.constant 0 : i32
    %dma_start3A_349 = tpu.memref_slice %arg33[%dma_start3A_347, %dma_start3A_348] : memref<1024x128xf32, #tpu.memory_space<vmem_shared>> -> memref<1024x128xf32, #tpu.memory_space<vmem_shared>>
    tpu.enqueue_indirect_dma source(%arg12 : memref<128x128xf32, #tpu.memory_space<vmem>>) target(%dma_start3A_349 : memref<1024x128xf32, #tpu.memory_space<vmem_shared>>) offsets(%arg15 : memref<128xi32, #tpu.memory_space<vmem>>) semaphore(%arg30 : memref<!tpu.dma_semaphore, #tpu.memory_space<semaphore_mem>>) {add = true}
    %dma_start3A_350 = arith.constant 0 : i32
    %dma_start3A_351 = arith.constant 0 : i32
    %dma_start3A_352 = tpu.memref_slice %arg34[%dma_start3A_350, %dma_start3A_351] : memref<1024x16xf32, #tpu.memory_space<vmem_shared>> -> memref<1024x16xf32, #tpu.memory_space<vmem_shared>>
    tpu.enqueue_indirect_dma source(%arg19 : memref<128x16xf32, #tpu.memory_space<vmem>>) target(%dma_start3A_352 : memref<1024x16xf32, #tpu.memory_space<vmem_shared>>) offsets(%arg15 : memref<128xi32, #tpu.memory_space<vmem>>) semaphore(%arg32 : memref<!tpu.dma_semaphore, #tpu.memory_space<semaphore_mem>>) {add = true}
    %dma_wait3A_353 = arith.constant 0 : i32
    %dma_wait3A_354 = arith.constant 0 : i32
    %dma_wait3A_355 = tpu.memref_slice %arg33[%dma_wait3A_353, %dma_wait3A_354] : memref<1024x128xf32, #tpu.memory_space<vmem_shared>> -> memref<1024x128xf32, #tpu.memory_space<vmem_shared>>
    tpu.wait_indirect_dma semaphore(%arg30 : memref<!tpu.dma_semaphore, #tpu.memory_space<semaphore_mem>>) src(%arg12 : memref<128x128xf32, #tpu.memory_space<vmem>>) dst(%dma_wait3A_355 : memref<1024x128xf32, #tpu.memory_space<vmem_shared>>)
    %dma_wait3A_356 = arith.constant 0 : i32
    %dma_wait3A_357 = arith.constant 0 : i32
    %dma_wait3A_358 = tpu.memref_slice %arg34[%dma_wait3A_356, %dma_wait3A_357] : memref<1024x16xf32, #tpu.memory_space<vmem_shared>> -> memref<1024x16xf32, #tpu.memory_space<vmem_shared>>
    tpu.wait_indirect_dma semaphore(%arg32 : memref<!tpu.dma_semaphore, #tpu.memory_space<semaphore_mem>>) src(%arg19 : memref<128x16xf32, #tpu.memory_space<vmem>>) dst(%dma_wait3A_358 : memref<1024x16xf32, #tpu.memory_space<vmem_shared>>)
    %add3A_359 = arith.constant 320 : i32
    %add3A_360 = arith.addi %add3A, %add3A_359 : i32
    %min3A_361 = arith.constant 780 : i32
    %min3A_362 = arith.minsi %add3A_360, %min3A_361 : i32
    %mul3A_363 = arith.constant 128 : i32
    %mul3A_364 = arith.muli %min3A_362, %mul3A_363 : i32
    %dma_start3A_365 = arith.constant 0 : i32
    %dma_start3A_366 = tpu.memref_slice %arg2[%mul3A_364, %dma_start3A_365] : memref<100000x128xf32, #tpu.memory_space<hbm>> -> memref<128x128xf32, #tpu.memory_space<hbm>>
    %dma_start3A_367 = arith.constant 0 : i32
    %dma_start3A_368 = tpu.memref_slice %arg2[%mul3A_364, %dma_start3A_367] : memref<100000x128xf32, #tpu.memory_space<hbm>> -> memref<128x128xf32, #tpu.memory_space<hbm>>
    tpu.enqueue_dma source(%dma_start3A_368 : memref<128x128xf32, #tpu.memory_space<hbm>>) target(%arg12 : memref<128x128xf32, #tpu.memory_space<vmem>>) target_semaphore(%arg24 : memref<!tpu.dma_semaphore, #tpu.memory_space<semaphore_mem>>)
    %dma_start3A_369 = tpu.memref_slice %arg3[%mul3A_364] : memref<100000xi32, #tpu.memory_space<hbm>> -> memref<128xi32, #tpu.memory_space<hbm>>
    %dma_start3A_370 = tpu.memref_slice %arg3[%mul3A_364] : memref<100000xi32, #tpu.memory_space<hbm>> -> memref<128xi32, #tpu.memory_space<hbm>>
    tpu.enqueue_dma source(%dma_start3A_370 : memref<128xi32, #tpu.memory_space<hbm>>) target(%arg15 : memref<128xi32, #tpu.memory_space<vmem>>) target_semaphore(%arg27 : memref<!tpu.dma_semaphore, #tpu.memory_space<semaphore_mem>>)
    %dma_wait3A_371 = arith.constant 0 : i32
    %dma_wait3A_372 = arith.constant 0 : i32
    %dma_wait3A_373 = tpu.memref_slice %arg2[%dma_wait3A_371, %dma_wait3A_372] : memref<100000x128xf32, #tpu.memory_space<hbm>> -> memref<128x128xf32, #tpu.memory_space<hbm>>
    %dma_wait3A_374 = arith.constant 0 : i32
    %dma_wait3A_375 = arith.constant 0 : i32
    %dma_wait3A_376 = tpu.memref_slice %arg2[%dma_wait3A_374, %dma_wait3A_375] : memref<100000x128xf32, #tpu.memory_space<hbm>> -> memref<128x128xf32, #tpu.memory_space<hbm>>
    tpu.wait_dma2 semaphore(%arg25 : memref<!tpu.dma_semaphore, #tpu.memory_space<semaphore_mem>>) src(%dma_wait3A_376 : memref<128x128xf32, #tpu.memory_space<hbm>>) dst(%arg13 : memref<128x128xf32, #tpu.memory_space<vmem>>)
    %dma_wait3A_377 = arith.constant 0 : i32
    %dma_wait3A_378 = tpu.memref_slice %arg3[%dma_wait3A_377] : memref<100000xi32, #tpu.memory_space<hbm>> -> memref<128xi32, #tpu.memory_space<hbm>>
    %dma_wait3A_379 = arith.constant 0 : i32
    %dma_wait3A_380 = tpu.memref_slice %arg3[%dma_wait3A_379] : memref<100000xi32, #tpu.memory_space<hbm>> -> memref<128xi32, #tpu.memory_space<hbm>>
    tpu.wait_dma2 semaphore(%arg28 : memref<!tpu.dma_semaphore, #tpu.memory_space<semaphore_mem>>) src(%dma_wait3A_380 : memref<128xi32, #tpu.memory_space<hbm>>) dst(%arg16 : memref<128xi32, #tpu.memory_space<vmem>>)
    %add3A_381 = arith.constant 256 : i32
    %add3A_382 = arith.addi %add3A, %add3A_381 : i32
    %ge3A_383 = arith.constant 781 : i32
    %ge3A_384 = arith.cmpi sge, %add3A_382, %ge3A_383 : i32
    %convert_element_type3A_385 = arith.extui %ge3A_384 : i1 to i32
    %cond3A_386 = arith.constant 0 : i32
    %cond3A_387 = arith.cmpi ne, %convert_element_type3A_385, %cond3A_386 : i32
    scf.if %cond3A_387 {
      %broadcast_in_dim3A = arith.constant 1023 : i32
      %broadcast_in_dim3A_1046 = vector.broadcast %broadcast_in_dim3A : i32 to vector<16xi32>
      %swap3A = arith.constant 0 : index
      %swap3A_1047 = tpu.vector_load %arg16[%swap3A] {strides = array<i32>} : memref<128xi32, #tpu.memory_space<vmem>>, vector<16xi32>,
      %swap3A_1048 = vector.shape_cast %swap3A_1047 : vector<16xi32> to vector<16xi32>
      %swap3A_1049 = vector.shape_cast %broadcast_in_dim3A_1046 : vector<16xi32> to vector<16xi32>
      tpu.vector_store %arg16[%swap3A], %swap3A_1049 {strides = array<i32>} : memref<128xi32, #tpu.memory_space<vmem>>, vector<16xi32>,
      %swap3A_1050 = arith.constant 16 : index
      %swap3A_1051 = tpu.vector_load %arg16[%swap3A_1050] {strides = array<i32>} : memref<128xi32, #tpu.memory_space<vmem>>, vector<16xi32>,
      %swap3A_1052 = vector.shape_cast %swap3A_1051 : vector<16xi32> to vector<16xi32>
      %swap3A_1053 = vector.shape_cast %broadcast_in_dim3A_1046 : vector<16xi32> to vector<16xi32>
      tpu.vector_store %arg16[%swap3A_1050], %swap3A_1053 {strides = array<i32>} : memref<128xi32, #tpu.memory_space<vmem>>, vector<16xi32>,
      %swap3A_1054 = arith.constant 32 : index
      %swap3A_1055 = tpu.vector_load %arg16[%swap3A_1054] {strides = array<i32>} : memref<128xi32, #tpu.memory_space<vmem>>, vector<16xi32>,
      %swap3A_1056 = vector.shape_cast %swap3A_1055 : vector<16xi32> to vector<16xi32>
      %swap3A_1057 = vector.shape_cast %broadcast_in_dim3A_1046 : vector<16xi32> to vector<16xi32>
      tpu.vector_store %arg16[%swap3A_1054], %swap3A_1057 {strides = array<i32>} : memref<128xi32, #tpu.memory_space<vmem>>, vector<16xi32>,
      %swap3A_1058 = arith.constant 48 : index
      %swap3A_1059 = tpu.vector_load %arg16[%swap3A_1058] {strides = array<i32>} : memref<128xi32, #tpu.memory_space<vmem>>, vector<16xi32>,
      %swap3A_1060 = vector.shape_cast %swap3A_1059 : vector<16xi32> to vector<16xi32>
      %swap3A_1061 = vector.shape_cast %broadcast_in_dim3A_1046 : vector<16xi32> to vector<16xi32>
      tpu.vector_store %arg16[%swap3A_1058], %swap3A_1061 {strides = array<i32>} : memref<128xi32, #tpu.memory_space<vmem>>, vector<16xi32>,
      %swap3A_1062 = arith.constant 64 : index
      %swap3A_1063 = tpu.vector_load %arg16[%swap3A_1062] {strides = array<i32>} : memref<128xi32, #tpu.memory_space<vmem>>, vector<16xi32>,
      %swap3A_1064 = vector.shape_cast %swap3A_1063 : vector<16xi32> to vector<16xi32>
      %swap3A_1065 = vector.shape_cast %broadcast_in_dim3A_1046 : vector<16xi32> to vector<16xi32>
      tpu.vector_store %arg16[%swap3A_1062], %swap3A_1065 {strides = array<i32>} : memref<128xi32, #tpu.memory_space<vmem>>, vector<16xi32>,
      %swap3A_1066 = arith.constant 80 : index
      %swap3A_1067 = tpu.vector_load %arg16[%swap3A_1066] {strides = array<i32>} : memref<128xi32, #tpu.memory_space<vmem>>, vector<16xi32>,
      %swap3A_1068 = vector.shape_cast %swap3A_1067 : vector<16xi32> to vector<16xi32>
      %swap3A_1069 = vector.shape_cast %broadcast_in_dim3A_1046 : vector<16xi32> to vector<16xi32>
      tpu.vector_store %arg16[%swap3A_1066], %swap3A_1069 {strides = array<i32>} : memref<128xi32, #tpu.memory_space<vmem>>, vector<16xi32>,
      %swap3A_1070 = arith.constant 96 : index
      %swap3A_1071 = tpu.vector_load %arg16[%swap3A_1070] {strides = array<i32>} : memref<128xi32, #tpu.memory_space<vmem>>, vector<16xi32>,
      %swap3A_1072 = vector.shape_cast %swap3A_1071 : vector<16xi32> to vector<16xi32>
      %swap3A_1073 = vector.shape_cast %broadcast_in_dim3A_1046 : vector<16xi32> to vector<16xi32>
      tpu.vector_store %arg16[%swap3A_1070], %swap3A_1073 {strides = array<i32>} : memref<128xi32, #tpu.memory_space<vmem>>, vector<16xi32>,
      %swap3A_1074 = arith.constant 112 : index
      %swap3A_1075 = tpu.vector_load %arg16[%swap3A_1074] {strides = array<i32>} : memref<128xi32, #tpu.memory_space<vmem>>, vector<16xi32>,
      %swap3A_1076 = vector.shape_cast %swap3A_1075 : vector<16xi32> to vector<16xi32>
      %swap3A_1077 = vector.shape_cast %broadcast_in_dim3A_1046 : vector<16xi32> to vector<16xi32>
      tpu.vector_store %arg16[%swap3A_1074], %swap3A_1077 {strides = array<i32>} : memref<128xi32, #tpu.memory_space<vmem>>, vector<16xi32>,
    } else {
    }
    %dma_start3A_388 = arith.constant 0 : i32
    %dma_start3A_389 = arith.constant 0 : i32
    %dma_start3A_390 = tpu.memref_slice %arg33[%dma_start3A_388, %dma_start3A_389] : memref<1024x128xf32, #tpu.memory_space<vmem_shared>> -> memref<1024x128xf32, #tpu.memory_space<vmem_shared>>
    tpu.enqueue_indirect_dma source(%arg13 : memref<128x128xf32, #tpu.memory_space<vmem>>) target(%dma_start3A_390 : memref<1024x128xf32, #tpu.memory_space<vmem_shared>>) offsets(%arg16 : memref<128xi32, #tpu.memory_space<vmem>>) semaphore(%arg29 : memref<!tpu.dma_semaphore, #tpu.memory_space<semaphore_mem>>) {add = true}
    %dma_start3A_391 = arith.constant 0 : i32
    %dma_start3A_392 = arith.constant 0 : i32
    %dma_start3A_393 = tpu.memref_slice %arg34[%dma_start3A_391, %dma_start3A_392] : memref<1024x16xf32, #tpu.memory_space<vmem_shared>> -> memref<1024x16xf32, #tpu.memory_space<vmem_shared>>
    tpu.enqueue_indirect_dma source(%arg19 : memref<128x16xf32, #tpu.memory_space<vmem>>) target(%dma_start3A_393 : memref<1024x16xf32, #tpu.memory_space<vmem_shared>>) offsets(%arg16 : memref<128xi32, #tpu.memory_space<vmem>>) semaphore(%arg31 : memref<!tpu.dma_semaphore, #tpu.memory_space<semaphore_mem>>) {add = true}
    %dma_wait3A_394 = arith.constant 0 : i32
    %dma_wait3A_395 = arith.constant 0 : i32
    %dma_wait3A_396 = tpu.memref_slice %arg33[%dma_wait3A_394, %dma_wait3A_395] : memref<1024x128xf32, #tpu.memory_space<vmem_shared>> -> memref<1024x128xf32, #tpu.memory_space<vmem_shared>>
    tpu.wait_indirect_dma semaphore(%arg29 : memref<!tpu.dma_semaphore, #tpu.memory_space<semaphore_mem>>) src(%arg13 : memref<128x128xf32, #tpu.memory_space<vmem>>) dst(%dma_wait3A_396 : memref<1024x128xf32, #tpu.memory_space<vmem_shared>>)
    %dma_wait3A_397 = arith.constant 0 : i32
    %dma_wait3A_398 = arith.constant 0 : i32
    %dma_wait3A_399 = tpu.memref_slice %arg34[%dma_wait3A_397, %dma_wait3A_398] : memref<1024x16xf32, #tpu.memory_space<vmem_shared>> -> memref<1024x16xf32, #tpu.memory_space<vmem_shared>>
    tpu.wait_indirect_dma semaphore(%arg31 : memref<!tpu.dma_semaphore, #tpu.memory_space<semaphore_mem>>) src(%arg19 : memref<128x16xf32, #tpu.memory_space<vmem>>) dst(%dma_wait3A_399 : memref<1024x16xf32, #tpu.memory_space<vmem_shared>>)
    %add3A_400 = arith.constant 352 : i32
    %add3A_401 = arith.addi %add3A, %add3A_400 : i32
    %min3A_402 = arith.constant 780 : i32
    %min3A_403 = arith.minsi %add3A_401, %min3A_402 : i32
    %mul3A_404 = arith.constant 128 : i32
    %mul3A_405 = arith.muli %min3A_403, %mul3A_404 : i32
    %dma_start3A_406 = arith.constant 0 : i32
    %dma_start3A_407 = tpu.memref_slice %arg2[%mul3A_405, %dma_start3A_406] : memref<100000x128xf32, #tpu.memory_space<hbm>> -> memref<128x128xf32, #tpu.memory_space<hbm>>
    %dma_start3A_408 = arith.constant 0 : i32
    %dma_start3A_409 = tpu.memref_slice %arg2[%mul3A_405, %dma_start3A_408] : memref<100000x128xf32, #tpu.memory_space<hbm>> -> memref<128x128xf32, #tpu.memory_space<hbm>>
    tpu.enqueue_dma source(%dma_start3A_409 : memref<128x128xf32, #tpu.memory_space<hbm>>) target(%arg13 : memref<128x128xf32, #tpu.memory_space<vmem>>) target_semaphore(%arg25 : memref<!tpu.dma_semaphore, #tpu.memory_space<semaphore_mem>>)
    %dma_start3A_410 = tpu.memref_slice %arg3[%mul3A_405] : memref<100000xi32, #tpu.memory_space<hbm>> -> memref<128xi32, #tpu.memory_space<hbm>>
    %dma_start3A_411 = tpu.memref_slice %arg3[%mul3A_405] : memref<100000xi32, #tpu.memory_space<hbm>> -> memref<128xi32, #tpu.memory_space<hbm>>
    tpu.enqueue_dma source(%dma_start3A_411 : memref<128xi32, #tpu.memory_space<hbm>>) target(%arg16 : memref<128xi32, #tpu.memory_space<vmem>>) target_semaphore(%arg28 : memref<!tpu.dma_semaphore, #tpu.memory_space<semaphore_mem>>)
    %dma_wait3A_412 = arith.constant 0 : i32
    %dma_wait3A_413 = arith.constant 0 : i32
    %dma_wait3A_414 = tpu.memref_slice %arg2[%dma_wait3A_412, %dma_wait3A_413] : memref<100000x128xf32, #tpu.memory_space<hbm>> -> memref<128x128xf32, #tpu.memory_space<hbm>>
    %dma_wait3A_415 = arith.constant 0 : i32
    %dma_wait3A_416 = arith.constant 0 : i32
    %dma_wait3A_417 = tpu.memref_slice %arg2[%dma_wait3A_415, %dma_wait3A_416] : memref<100000x128xf32, #tpu.memory_space<hbm>> -> memref<128x128xf32, #tpu.memory_space<hbm>>
    tpu.wait_dma2 semaphore(%arg23 : memref<!tpu.dma_semaphore, #tpu.memory_space<semaphore_mem>>) src(%dma_wait3A_417 : memref<128x128xf32, #tpu.memory_space<hbm>>) dst(%arg11 : memref<128x128xf32, #tpu.memory_space<vmem>>)
    %dma_wait3A_418 = arith.constant 0 : i32
    %dma_wait3A_419 = tpu.memref_slice %arg3[%dma_wait3A_418] : memref<100000xi32, #tpu.memory_space<hbm>> -> memref<128xi32, #tpu.memory_space<hbm>>
    %dma_wait3A_420 = arith.constant 0 : i32
    %dma_wait3A_421 = tpu.memref_slice %arg3[%dma_wait3A_420] : memref<100000xi32, #tpu.memory_space<hbm>> -> memref<128xi32, #tpu.memory_space<hbm>>
    tpu.wait_dma2 semaphore(%arg26 : memref<!tpu.dma_semaphore, #tpu.memory_space<semaphore_mem>>) src(%dma_wait3A_421 : memref<128xi32, #tpu.memory_space<hbm>>) dst(%arg14 : memref<128xi32, #tpu.memory_space<vmem>>)
    %add3A_422 = arith.constant 288 : i32
    %add3A_423 = arith.addi %add3A, %add3A_422 : i32
    %ge3A_424 = arith.constant 781 : i32
    %ge3A_425 = arith.cmpi sge, %add3A_423, %ge3A_424 : i32
    %convert_element_type3A_426 = arith.extui %ge3A_425 : i1 to i32
    %cond3A_427 = arith.constant 0 : i32
    %cond3A_428 = arith.cmpi ne, %convert_element_type3A_426, %cond3A_427 : i32
    scf.if %cond3A_428 {
      %broadcast_in_dim3A = arith.constant 1023 : i32
      %broadcast_in_dim3A_1046 = vector.broadcast %broadcast_in_dim3A : i32 to vector<16xi32>
      %swap3A = arith.constant 0 : index
      %swap3A_1047 = tpu.vector_load %arg14[%swap3A] {strides = array<i32>} : memref<128xi32, #tpu.memory_space<vmem>>, vector<16xi32>,
      %swap3A_1048 = vector.shape_cast %swap3A_1047 : vector<16xi32> to vector<16xi32>
      %swap3A_1049 = vector.shape_cast %broadcast_in_dim3A_1046 : vector<16xi32> to vector<16xi32>
      tpu.vector_store %arg14[%swap3A], %swap3A_1049 {strides = array<i32>} : memref<128xi32, #tpu.memory_space<vmem>>, vector<16xi32>,
      %swap3A_1050 = arith.constant 16 : index
      %swap3A_1051 = tpu.vector_load %arg14[%swap3A_1050] {strides = array<i32>} : memref<128xi32, #tpu.memory_space<vmem>>, vector<16xi32>,
      %swap3A_1052 = vector.shape_cast %swap3A_1051 : vector<16xi32> to vector<16xi32>
      %swap3A_1053 = vector.shape_cast %broadcast_in_dim3A_1046 : vector<16xi32> to vector<16xi32>
      tpu.vector_store %arg14[%swap3A_1050], %swap3A_1053 {strides = array<i32>} : memref<128xi32, #tpu.memory_space<vmem>>, vector<16xi32>,
      %swap3A_1054 = arith.constant 32 : index
      %swap3A_1055 = tpu.vector_load %arg14[%swap3A_1054] {strides = array<i32>} : memref<128xi32, #tpu.memory_space<vmem>>, vector<16xi32>,
      %swap3A_1056 = vector.shape_cast %swap3A_1055 : vector<16xi32> to vector<16xi32>
      %swap3A_1057 = vector.shape_cast %broadcast_in_dim3A_1046 : vector<16xi32> to vector<16xi32>
      tpu.vector_store %arg14[%swap3A_1054], %swap3A_1057 {strides = array<i32>} : memref<128xi32, #tpu.memory_space<vmem>>, vector<16xi32>,
      %swap3A_1058 = arith.constant 48 : index
      %swap3A_1059 = tpu.vector_load %arg14[%swap3A_1058] {strides = array<i32>} : memref<128xi32, #tpu.memory_space<vmem>>, vector<16xi32>,
      %swap3A_1060 = vector.shape_cast %swap3A_1059 : vector<16xi32> to vector<16xi32>
      %swap3A_1061 = vector.shape_cast %broadcast_in_dim3A_1046 : vector<16xi32> to vector<16xi32>
      tpu.vector_store %arg14[%swap3A_1058], %swap3A_1061 {strides = array<i32>} : memref<128xi32, #tpu.memory_space<vmem>>, vector<16xi32>,
      %swap3A_1062 = arith.constant 64 : index
      %swap3A_1063 = tpu.vector_load %arg14[%swap3A_1062] {strides = array<i32>} : memref<128xi32, #tpu.memory_space<vmem>>, vector<16xi32>,
      %swap3A_1064 = vector.shape_cast %swap3A_1063 : vector<16xi32> to vector<16xi32>
      %swap3A_1065 = vector.shape_cast %broadcast_in_dim3A_1046 : vector<16xi32> to vector<16xi32>
      tpu.vector_store %arg14[%swap3A_1062], %swap3A_1065 {strides = array<i32>} : memref<128xi32, #tpu.memory_space<vmem>>, vector<16xi32>,
      %swap3A_1066 = arith.constant 80 : index
      %swap3A_1067 = tpu.vector_load %arg14[%swap3A_1066] {strides = array<i32>} : memref<128xi32, #tpu.memory_space<vmem>>, vector<16xi32>,
      %swap3A_1068 = vector.shape_cast %swap3A_1067 : vector<16xi32> to vector<16xi32>
      %swap3A_1069 = vector.shape_cast %broadcast_in_dim3A_1046 : vector<16xi32> to vector<16xi32>
      tpu.vector_store %arg14[%swap3A_1066], %swap3A_1069 {strides = array<i32>} : memref<128xi32, #tpu.memory_space<vmem>>, vector<16xi32>,
      %swap3A_1070 = arith.constant 96 : index
      %swap3A_1071 = tpu.vector_load %arg14[%swap3A_1070] {strides = array<i32>} : memref<128xi32, #tpu.memory_space<vmem>>, vector<16xi32>,
      %swap3A_1072 = vector.shape_cast %swap3A_1071 : vector<16xi32> to vector<16xi32>
      %swap3A_1073 = vector.shape_cast %broadcast_in_dim3A_1046 : vector<16xi32> to vector<16xi32>
      tpu.vector_store %arg14[%swap3A_1070], %swap3A_1073 {strides = array<i32>} : memref<128xi32, #tpu.memory_space<vmem>>, vector<16xi32>,
      %swap3A_1074 = arith.constant 112 : index
      %swap3A_1075 = tpu.vector_load %arg14[%swap3A_1074] {strides = array<i32>} : memref<128xi32, #tpu.memory_space<vmem>>, vector<16xi32>,
      %swap3A_1076 = vector.shape_cast %swap3A_1075 : vector<16xi32> to vector<16xi32>
      %swap3A_1077 = vector.shape_cast %broadcast_in_dim3A_1046 : vector<16xi32> to vector<16xi32>
      tpu.vector_store %arg14[%swap3A_1074], %swap3A_1077 {strides = array<i32>} : memref<128xi32, #tpu.memory_space<vmem>>, vector<16xi32>,
    } else {
    }
    %dma_start3A_429 = arith.constant 0 : i32
    %dma_start3A_430 = arith.constant 0 : i32
    %dma_start3A_431 = tpu.memref_slice %arg33[%dma_start3A_429, %dma_start3A_430] : memref<1024x128xf32, #tpu.memory_space<vmem_shared>> -> memref<1024x128xf32, #tpu.memory_space<vmem_shared>>
    tpu.enqueue_indirect_dma source(%arg11 : memref<128x128xf32, #tpu.memory_space<vmem>>) target(%dma_start3A_431 : memref<1024x128xf32, #tpu.memory_space<vmem_shared>>) offsets(%arg14 : memref<128xi32, #tpu.memory_space<vmem>>) semaphore(%arg30 : memref<!tpu.dma_semaphore, #tpu.memory_space<semaphore_mem>>) {add = true}
    %dma_start3A_432 = arith.constant 0 : i32
    %dma_start3A_433 = arith.constant 0 : i32
    %dma_start3A_434 = tpu.memref_slice %arg34[%dma_start3A_432, %dma_start3A_433] : memref<1024x16xf32, #tpu.memory_space<vmem_shared>> -> memref<1024x16xf32, #tpu.memory_space<vmem_shared>>
    tpu.enqueue_indirect_dma source(%arg19 : memref<128x16xf32, #tpu.memory_space<vmem>>) target(%dma_start3A_434 : memref<1024x16xf32, #tpu.memory_space<vmem_shared>>) offsets(%arg14 : memref<128xi32, #tpu.memory_space<vmem>>) semaphore(%arg32 : memref<!tpu.dma_semaphore, #tpu.memory_space<semaphore_mem>>) {add = true}
    %dma_wait3A_435 = arith.constant 0 : i32
    %dma_wait3A_436 = arith.constant 0 : i32
    %dma_wait3A_437 = tpu.memref_slice %arg33[%dma_wait3A_435, %dma_wait3A_436] : memref<1024x128xf32, #tpu.memory_space<vmem_shared>> -> memref<1024x128xf32, #tpu.memory_space<vmem_shared>>
    tpu.wait_indirect_dma semaphore(%arg30 : memref<!tpu.dma_semaphore, #tpu.memory_space<semaphore_mem>>) src(%arg11 : memref<128x128xf32, #tpu.memory_space<vmem>>) dst(%dma_wait3A_437 : memref<1024x128xf32, #tpu.memory_space<vmem_shared>>)
    %dma_wait3A_438 = arith.constant 0 : i32
    %dma_wait3A_439 = arith.constant 0 : i32
    %dma_wait3A_440 = tpu.memref_slice %arg34[%dma_wait3A_438, %dma_wait3A_439] : memref<1024x16xf32, #tpu.memory_space<vmem_shared>> -> memref<1024x16xf32, #tpu.memory_space<vmem_shared>>
    tpu.wait_indirect_dma semaphore(%arg32 : memref<!tpu.dma_semaphore, #tpu.memory_space<semaphore_mem>>) src(%arg19 : memref<128x16xf32, #tpu.memory_space<vmem>>) dst(%dma_wait3A_440 : memref<1024x16xf32, #tpu.memory_space<vmem_shared>>)
    %add3A_441 = arith.constant 384 : i32
    %add3A_442 = arith.addi %add3A, %add3A_441 : i32
    %min3A_443 = arith.constant 780 : i32
    %min3A_444 = arith.minsi %add3A_442, %min3A_443 : i32
    %mul3A_445 = arith.constant 128 : i32
    %mul3A_446 = arith.muli %min3A_444, %mul3A_445 : i32
    %dma_start3A_447 = arith.constant 0 : i32
    %dma_start3A_448 = tpu.memref_slice %arg2[%mul3A_446, %dma_start3A_447] : memref<100000x128xf32, #tpu.memory_space<hbm>> -> memref<128x128xf32, #tpu.memory_space<hbm>>
    %dma_start3A_449 = arith.constant 0 : i32
    %dma_start3A_450 = tpu.memref_slice %arg2[%mul3A_446, %dma_start3A_449] : memref<100000x128xf32, #tpu.memory_space<hbm>> -> memref<128x128xf32, #tpu.memory_space<hbm>>
    tpu.enqueue_dma source(%dma_start3A_450 : memref<128x128xf32, #tpu.memory_space<hbm>>) target(%arg11 : memref<128x128xf32, #tpu.memory_space<vmem>>) target_semaphore(%arg23 : memref<!tpu.dma_semaphore, #tpu.memory_space<semaphore_mem>>)
    %dma_start3A_451 = tpu.memref_slice %arg3[%mul3A_446] : memref<100000xi32, #tpu.memory_space<hbm>> -> memref<128xi32, #tpu.memory_space<hbm>>
    %dma_start3A_452 = tpu.memref_slice %arg3[%mul3A_446] : memref<100000xi32, #tpu.memory_space<hbm>> -> memref<128xi32, #tpu.memory_space<hbm>>
    tpu.enqueue_dma source(%dma_start3A_452 : memref<128xi32, #tpu.memory_space<hbm>>) target(%arg14 : memref<128xi32, #tpu.memory_space<vmem>>) target_semaphore(%arg26 : memref<!tpu.dma_semaphore, #tpu.memory_space<semaphore_mem>>)
    %dma_wait3A_453 = arith.constant 0 : i32
    %dma_wait3A_454 = arith.constant 0 : i32
    %dma_wait3A_455 = tpu.memref_slice %arg2[%dma_wait3A_453, %dma_wait3A_454] : memref<100000x128xf32, #tpu.memory_space<hbm>> -> memref<128x128xf32, #tpu.memory_space<hbm>>
    %dma_wait3A_456 = arith.constant 0 : i32
    %dma_wait3A_457 = arith.constant 0 : i32
    %dma_wait3A_458 = tpu.memref_slice %arg2[%dma_wait3A_456, %dma_wait3A_457] : memref<100000x128xf32, #tpu.memory_space<hbm>> -> memref<128x128xf32, #tpu.memory_space<hbm>>
    tpu.wait_dma2 semaphore(%arg24 : memref<!tpu.dma_semaphore, #tpu.memory_space<semaphore_mem>>) src(%dma_wait3A_458 : memref<128x128xf32, #tpu.memory_space<hbm>>) dst(%arg12 : memref<128x128xf32, #tpu.memory_space<vmem>>)
    %dma_wait3A_459 = arith.constant 0 : i32
    %dma_wait3A_460 = tpu.memref_slice %arg3[%dma_wait3A_459] : memref<100000xi32, #tpu.memory_space<hbm>> -> memref<128xi32, #tpu.memory_space<hbm>>
    %dma_wait3A_461 = arith.constant 0 : i32
    %dma_wait3A_462 = tpu.memref_slice %arg3[%dma_wait3A_461] : memref<100000xi32, #tpu.memory_space<hbm>> -> memref<128xi32, #tpu.memory_space<hbm>>
    tpu.wait_dma2 semaphore(%arg27 : memref<!tpu.dma_semaphore, #tpu.memory_space<semaphore_mem>>) src(%dma_wait3A_462 : memref<128xi32, #tpu.memory_space<hbm>>) dst(%arg15 : memref<128xi32, #tpu.memory_space<vmem>>)
    %add3A_463 = arith.constant 320 : i32
    %add3A_464 = arith.addi %add3A, %add3A_463 : i32
    %ge3A_465 = arith.constant 781 : i32
    %ge3A_466 = arith.cmpi sge, %add3A_464, %ge3A_465 : i32
    %convert_element_type3A_467 = arith.extui %ge3A_466 : i1 to i32
    %cond3A_468 = arith.constant 0 : i32
    %cond3A_469 = arith.cmpi ne, %convert_element_type3A_467, %cond3A_468 : i32
    scf.if %cond3A_469 {
      %broadcast_in_dim3A = arith.constant 1023 : i32
      %broadcast_in_dim3A_1046 = vector.broadcast %broadcast_in_dim3A : i32 to vector<16xi32>
      %swap3A = arith.constant 0 : index
      %swap3A_1047 = tpu.vector_load %arg15[%swap3A] {strides = array<i32>} : memref<128xi32, #tpu.memory_space<vmem>>, vector<16xi32>,
      %swap3A_1048 = vector.shape_cast %swap3A_1047 : vector<16xi32> to vector<16xi32>
      %swap3A_1049 = vector.shape_cast %broadcast_in_dim3A_1046 : vector<16xi32> to vector<16xi32>
      tpu.vector_store %arg15[%swap3A], %swap3A_1049 {strides = array<i32>} : memref<128xi32, #tpu.memory_space<vmem>>, vector<16xi32>,
      %swap3A_1050 = arith.constant 16 : index
      %swap3A_1051 = tpu.vector_load %arg15[%swap3A_1050] {strides = array<i32>} : memref<128xi32, #tpu.memory_space<vmem>>, vector<16xi32>,
      %swap3A_1052 = vector.shape_cast %swap3A_1051 : vector<16xi32> to vector<16xi32>
      %swap3A_1053 = vector.shape_cast %broadcast_in_dim3A_1046 : vector<16xi32> to vector<16xi32>
      tpu.vector_store %arg15[%swap3A_1050], %swap3A_1053 {strides = array<i32>} : memref<128xi32, #tpu.memory_space<vmem>>, vector<16xi32>,
      %swap3A_1054 = arith.constant 32 : index
      %swap3A_1055 = tpu.vector_load %arg15[%swap3A_1054] {strides = array<i32>} : memref<128xi32, #tpu.memory_space<vmem>>, vector<16xi32>,
      %swap3A_1056 = vector.shape_cast %swap3A_1055 : vector<16xi32> to vector<16xi32>
      %swap3A_1057 = vector.shape_cast %broadcast_in_dim3A_1046 : vector<16xi32> to vector<16xi32>
      tpu.vector_store %arg15[%swap3A_1054], %swap3A_1057 {strides = array<i32>} : memref<128xi32, #tpu.memory_space<vmem>>, vector<16xi32>,
      %swap3A_1058 = arith.constant 48 : index
      %swap3A_1059 = tpu.vector_load %arg15[%swap3A_1058] {strides = array<i32>} : memref<128xi32, #tpu.memory_space<vmem>>, vector<16xi32>,
      %swap3A_1060 = vector.shape_cast %swap3A_1059 : vector<16xi32> to vector<16xi32>
      %swap3A_1061 = vector.shape_cast %broadcast_in_dim3A_1046 : vector<16xi32> to vector<16xi32>
      tpu.vector_store %arg15[%swap3A_1058], %swap3A_1061 {strides = array<i32>} : memref<128xi32, #tpu.memory_space<vmem>>, vector<16xi32>,
      %swap3A_1062 = arith.constant 64 : index
      %swap3A_1063 = tpu.vector_load %arg15[%swap3A_1062] {strides = array<i32>} : memref<128xi32, #tpu.memory_space<vmem>>, vector<16xi32>,
      %swap3A_1064 = vector.shape_cast %swap3A_1063 : vector<16xi32> to vector<16xi32>
      %swap3A_1065 = vector.shape_cast %broadcast_in_dim3A_1046 : vector<16xi32> to vector<16xi32>
      tpu.vector_store %arg15[%swap3A_1062], %swap3A_1065 {strides = array<i32>} : memref<128xi32, #tpu.memory_space<vmem>>, vector<16xi32>,
      %swap3A_1066 = arith.constant 80 : index
      %swap3A_1067 = tpu.vector_load %arg15[%swap3A_1066] {strides = array<i32>} : memref<128xi32, #tpu.memory_space<vmem>>, vector<16xi32>,
      %swap3A_1068 = vector.shape_cast %swap3A_1067 : vector<16xi32> to vector<16xi32>
      %swap3A_1069 = vector.shape_cast %broadcast_in_dim3A_1046 : vector<16xi32> to vector<16xi32>
      tpu.vector_store %arg15[%swap3A_1066], %swap3A_1069 {strides = array<i32>} : memref<128xi32, #tpu.memory_space<vmem>>, vector<16xi32>,
      %swap3A_1070 = arith.constant 96 : index
      %swap3A_1071 = tpu.vector_load %arg15[%swap3A_1070] {strides = array<i32>} : memref<128xi32, #tpu.memory_space<vmem>>, vector<16xi32>,
      %swap3A_1072 = vector.shape_cast %swap3A_1071 : vector<16xi32> to vector<16xi32>
      %swap3A_1073 = vector.shape_cast %broadcast_in_dim3A_1046 : vector<16xi32> to vector<16xi32>
      tpu.vector_store %arg15[%swap3A_1070], %swap3A_1073 {strides = array<i32>} : memref<128xi32, #tpu.memory_space<vmem>>, vector<16xi32>,
      %swap3A_1074 = arith.constant 112 : index
      %swap3A_1075 = tpu.vector_load %arg15[%swap3A_1074] {strides = array<i32>} : memref<128xi32, #tpu.memory_space<vmem>>, vector<16xi32>,
      %swap3A_1076 = vector.shape_cast %swap3A_1075 : vector<16xi32> to vector<16xi32>
      %swap3A_1077 = vector.shape_cast %broadcast_in_dim3A_1046 : vector<16xi32> to vector<16xi32>
      tpu.vector_store %arg15[%swap3A_1074], %swap3A_1077 {strides = array<i32>} : memref<128xi32, #tpu.memory_space<vmem>>, vector<16xi32>,
    } else {
    }
    %dma_start3A_470 = arith.constant 0 : i32
    %dma_start3A_471 = arith.constant 0 : i32
    %dma_start3A_472 = tpu.memref_slice %arg33[%dma_start3A_470, %dma_start3A_471] : memref<1024x128xf32, #tpu.memory_space<vmem_shared>> -> memref<1024x128xf32, #tpu.memory_space<vmem_shared>>
    tpu.enqueue_indirect_dma source(%arg12 : memref<128x128xf32, #tpu.memory_space<vmem>>) target(%dma_start3A_472 : memref<1024x128xf32, #tpu.memory_space<vmem_shared>>) offsets(%arg15 : memref<128xi32, #tpu.memory_space<vmem>>) semaphore(%arg29 : memref<!tpu.dma_semaphore, #tpu.memory_space<semaphore_mem>>) {add = true}
    %dma_start3A_473 = arith.constant 0 : i32
    %dma_start3A_474 = arith.constant 0 : i32
    %dma_start3A_475 = tpu.memref_slice %arg34[%dma_start3A_473, %dma_start3A_474] : memref<1024x16xf32, #tpu.memory_space<vmem_shared>> -> memref<1024x16xf32, #tpu.memory_space<vmem_shared>>
    tpu.enqueue_indirect_dma source(%arg19 : memref<128x16xf32, #tpu.memory_space<vmem>>) target(%dma_start3A_475 : memref<1024x16xf32, #tpu.memory_space<vmem_shared>>) offsets(%arg15 : memref<128xi32, #tpu.memory_space<vmem>>) semaphore(%arg31 : memref<!tpu.dma_semaphore, #tpu.memory_space<semaphore_mem>>) {add = true}
    %dma_wait3A_476 = arith.constant 0 : i32
    %dma_wait3A_477 = arith.constant 0 : i32
    %dma_wait3A_478 = tpu.memref_slice %arg33[%dma_wait3A_476, %dma_wait3A_477] : memref<1024x128xf32, #tpu.memory_space<vmem_shared>> -> memref<1024x128xf32, #tpu.memory_space<vmem_shared>>
    tpu.wait_indirect_dma semaphore(%arg29 : memref<!tpu.dma_semaphore, #tpu.memory_space<semaphore_mem>>) src(%arg12 : memref<128x128xf32, #tpu.memory_space<vmem>>) dst(%dma_wait3A_478 : memref<1024x128xf32, #tpu.memory_space<vmem_shared>>)
    %dma_wait3A_479 = arith.constant 0 : i32
    %dma_wait3A_480 = arith.constant 0 : i32
    %dma_wait3A_481 = tpu.memref_slice %arg34[%dma_wait3A_479, %dma_wait3A_480] : memref<1024x16xf32, #tpu.memory_space<vmem_shared>> -> memref<1024x16xf32, #tpu.memory_space<vmem_shared>>
    tpu.wait_indirect_dma semaphore(%arg31 : memref<!tpu.dma_semaphore, #tpu.memory_space<semaphore_mem>>) src(%arg19 : memref<128x16xf32, #tpu.memory_space<vmem>>) dst(%dma_wait3A_481 : memref<1024x16xf32, #tpu.memory_space<vmem_shared>>)
    %add3A_482 = arith.constant 416 : i32
    %add3A_483 = arith.addi %add3A, %add3A_482 : i32
    %min3A_484 = arith.constant 780 : i32
    %min3A_485 = arith.minsi %add3A_483, %min3A_484 : i32
    %mul3A_486 = arith.constant 128 : i32
    %mul3A_487 = arith.muli %min3A_485, %mul3A_486 : i32
    %dma_start3A_488 = arith.constant 0 : i32
    %dma_start3A_489 = tpu.memref_slice %arg2[%mul3A_487, %dma_start3A_488] : memref<100000x128xf32, #tpu.memory_space<hbm>> -> memref<128x128xf32, #tpu.memory_space<hbm>>
    %dma_start3A_490 = arith.constant 0 : i32
    %dma_start3A_491 = tpu.memref_slice %arg2[%mul3A_487, %dma_start3A_490] : memref<100000x128xf32, #tpu.memory_space<hbm>> -> memref<128x128xf32, #tpu.memory_space<hbm>>
    tpu.enqueue_dma source(%dma_start3A_491 : memref<128x128xf32, #tpu.memory_space<hbm>>) target(%arg12 : memref<128x128xf32, #tpu.memory_space<vmem>>) target_semaphore(%arg24 : memref<!tpu.dma_semaphore, #tpu.memory_space<semaphore_mem>>)
    %dma_start3A_492 = tpu.memref_slice %arg3[%mul3A_487] : memref<100000xi32, #tpu.memory_space<hbm>> -> memref<128xi32, #tpu.memory_space<hbm>>
    %dma_start3A_493 = tpu.memref_slice %arg3[%mul3A_487] : memref<100000xi32, #tpu.memory_space<hbm>> -> memref<128xi32, #tpu.memory_space<hbm>>
    tpu.enqueue_dma source(%dma_start3A_493 : memref<128xi32, #tpu.memory_space<hbm>>) target(%arg15 : memref<128xi32, #tpu.memory_space<vmem>>) target_semaphore(%arg27 : memref<!tpu.dma_semaphore, #tpu.memory_space<semaphore_mem>>)
    %dma_wait3A_494 = arith.constant 0 : i32
    %dma_wait3A_495 = arith.constant 0 : i32
    %dma_wait3A_496 = tpu.memref_slice %arg2[%dma_wait3A_494, %dma_wait3A_495] : memref<100000x128xf32, #tpu.memory_space<hbm>> -> memref<128x128xf32, #tpu.memory_space<hbm>>
    %dma_wait3A_497 = arith.constant 0 : i32
    %dma_wait3A_498 = arith.constant 0 : i32
    %dma_wait3A_499 = tpu.memref_slice %arg2[%dma_wait3A_497, %dma_wait3A_498] : memref<100000x128xf32, #tpu.memory_space<hbm>> -> memref<128x128xf32, #tpu.memory_space<hbm>>
    tpu.wait_dma2 semaphore(%arg25 : memref<!tpu.dma_semaphore, #tpu.memory_space<semaphore_mem>>) src(%dma_wait3A_499 : memref<128x128xf32, #tpu.memory_space<hbm>>) dst(%arg13 : memref<128x128xf32, #tpu.memory_space<vmem>>)
    %dma_wait3A_500 = arith.constant 0 : i32
    %dma_wait3A_501 = tpu.memref_slice %arg3[%dma_wait3A_500] : memref<100000xi32, #tpu.memory_space<hbm>> -> memref<128xi32, #tpu.memory_space<hbm>>
    %dma_wait3A_502 = arith.constant 0 : i32
    %dma_wait3A_503 = tpu.memref_slice %arg3[%dma_wait3A_502] : memref<100000xi32, #tpu.memory_space<hbm>> -> memref<128xi32, #tpu.memory_space<hbm>>
    tpu.wait_dma2 semaphore(%arg28 : memref<!tpu.dma_semaphore, #tpu.memory_space<semaphore_mem>>) src(%dma_wait3A_503 : memref<128xi32, #tpu.memory_space<hbm>>) dst(%arg16 : memref<128xi32, #tpu.memory_space<vmem>>)
    %add3A_504 = arith.constant 352 : i32
    %add3A_505 = arith.addi %add3A, %add3A_504 : i32
    %ge3A_506 = arith.constant 781 : i32
    %ge3A_507 = arith.cmpi sge, %add3A_505, %ge3A_506 : i32
    %convert_element_type3A_508 = arith.extui %ge3A_507 : i1 to i32
    %cond3A_509 = arith.constant 0 : i32
    %cond3A_510 = arith.cmpi ne, %convert_element_type3A_508, %cond3A_509 : i32
    scf.if %cond3A_510 {
      %broadcast_in_dim3A = arith.constant 1023 : i32
      %broadcast_in_dim3A_1046 = vector.broadcast %broadcast_in_dim3A : i32 to vector<16xi32>
      %swap3A = arith.constant 0 : index
      %swap3A_1047 = tpu.vector_load %arg16[%swap3A] {strides = array<i32>} : memref<128xi32, #tpu.memory_space<vmem>>, vector<16xi32>,
      %swap3A_1048 = vector.shape_cast %swap3A_1047 : vector<16xi32> to vector<16xi32>
      %swap3A_1049 = vector.shape_cast %broadcast_in_dim3A_1046 : vector<16xi32> to vector<16xi32>
      tpu.vector_store %arg16[%swap3A], %swap3A_1049 {strides = array<i32>} : memref<128xi32, #tpu.memory_space<vmem>>, vector<16xi32>,
      %swap3A_1050 = arith.constant 16 : index
      %swap3A_1051 = tpu.vector_load %arg16[%swap3A_1050] {strides = array<i32>} : memref<128xi32, #tpu.memory_space<vmem>>, vector<16xi32>,
      %swap3A_1052 = vector.shape_cast %swap3A_1051 : vector<16xi32> to vector<16xi32>
      %swap3A_1053 = vector.shape_cast %broadcast_in_dim3A_1046 : vector<16xi32> to vector<16xi32>
      tpu.vector_store %arg16[%swap3A_1050], %swap3A_1053 {strides = array<i32>} : memref<128xi32, #tpu.memory_space<vmem>>, vector<16xi32>,
      %swap3A_1054 = arith.constant 32 : index
      %swap3A_1055 = tpu.vector_load %arg16[%swap3A_1054] {strides = array<i32>} : memref<128xi32, #tpu.memory_space<vmem>>, vector<16xi32>,
      %swap3A_1056 = vector.shape_cast %swap3A_1055 : vector<16xi32> to vector<16xi32>
      %swap3A_1057 = vector.shape_cast %broadcast_in_dim3A_1046 : vector<16xi32> to vector<16xi32>
      tpu.vector_store %arg16[%swap3A_1054], %swap3A_1057 {strides = array<i32>} : memref<128xi32, #tpu.memory_space<vmem>>, vector<16xi32>,
      %swap3A_1058 = arith.constant 48 : index
      %swap3A_1059 = tpu.vector_load %arg16[%swap3A_1058] {strides = array<i32>} : memref<128xi32, #tpu.memory_space<vmem>>, vector<16xi32>,
      %swap3A_1060 = vector.shape_cast %swap3A_1059 : vector<16xi32> to vector<16xi32>
      %swap3A_1061 = vector.shape_cast %broadcast_in_dim3A_1046 : vector<16xi32> to vector<16xi32>
      tpu.vector_store %arg16[%swap3A_1058], %swap3A_1061 {strides = array<i32>} : memref<128xi32, #tpu.memory_space<vmem>>, vector<16xi32>,
      %swap3A_1062 = arith.constant 64 : index
      %swap3A_1063 = tpu.vector_load %arg16[%swap3A_1062] {strides = array<i32>} : memref<128xi32, #tpu.memory_space<vmem>>, vector<16xi32>,
      %swap3A_1064 = vector.shape_cast %swap3A_1063 : vector<16xi32> to vector<16xi32>
      %swap3A_1065 = vector.shape_cast %broadcast_in_dim3A_1046 : vector<16xi32> to vector<16xi32>
      tpu.vector_store %arg16[%swap3A_1062], %swap3A_1065 {strides = array<i32>} : memref<128xi32, #tpu.memory_space<vmem>>, vector<16xi32>,
      %swap3A_1066 = arith.constant 80 : index
      %swap3A_1067 = tpu.vector_load %arg16[%swap3A_1066] {strides = array<i32>} : memref<128xi32, #tpu.memory_space<vmem>>, vector<16xi32>,
      %swap3A_1068 = vector.shape_cast %swap3A_1067 : vector<16xi32> to vector<16xi32>
      %swap3A_1069 = vector.shape_cast %broadcast_in_dim3A_1046 : vector<16xi32> to vector<16xi32>
      tpu.vector_store %arg16[%swap3A_1066], %swap3A_1069 {strides = array<i32>} : memref<128xi32, #tpu.memory_space<vmem>>, vector<16xi32>,
      %swap3A_1070 = arith.constant 96 : index
      %swap3A_1071 = tpu.vector_load %arg16[%swap3A_1070] {strides = array<i32>} : memref<128xi32, #tpu.memory_space<vmem>>, vector<16xi32>,
      %swap3A_1072 = vector.shape_cast %swap3A_1071 : vector<16xi32> to vector<16xi32>
      %swap3A_1073 = vector.shape_cast %broadcast_in_dim3A_1046 : vector<16xi32> to vector<16xi32>
      tpu.vector_store %arg16[%swap3A_1070], %swap3A_1073 {strides = array<i32>} : memref<128xi32, #tpu.memory_space<vmem>>, vector<16xi32>,
      %swap3A_1074 = arith.constant 112 : index
      %swap3A_1075 = tpu.vector_load %arg16[%swap3A_1074] {strides = array<i32>} : memref<128xi32, #tpu.memory_space<vmem>>, vector<16xi32>,
      %swap3A_1076 = vector.shape_cast %swap3A_1075 : vector<16xi32> to vector<16xi32>
      %swap3A_1077 = vector.shape_cast %broadcast_in_dim3A_1046 : vector<16xi32> to vector<16xi32>
      tpu.vector_store %arg16[%swap3A_1074], %swap3A_1077 {strides = array<i32>} : memref<128xi32, #tpu.memory_space<vmem>>, vector<16xi32>,
    } else {
    }
    %dma_start3A_511 = arith.constant 0 : i32
    %dma_start3A_512 = arith.constant 0 : i32
    %dma_start3A_513 = tpu.memref_slice %arg33[%dma_start3A_511, %dma_start3A_512] : memref<1024x128xf32, #tpu.memory_space<vmem_shared>> -> memref<1024x128xf32, #tpu.memory_space<vmem_shared>>
    tpu.enqueue_indirect_dma source(%arg13 : memref<128x128xf32, #tpu.memory_space<vmem>>) target(%dma_start3A_513 : memref<1024x128xf32, #tpu.memory_space<vmem_shared>>) offsets(%arg16 : memref<128xi32, #tpu.memory_space<vmem>>) semaphore(%arg30 : memref<!tpu.dma_semaphore, #tpu.memory_space<semaphore_mem>>) {add = true}
    %dma_start3A_514 = arith.constant 0 : i32
    %dma_start3A_515 = arith.constant 0 : i32
    %dma_start3A_516 = tpu.memref_slice %arg34[%dma_start3A_514, %dma_start3A_515] : memref<1024x16xf32, #tpu.memory_space<vmem_shared>> -> memref<1024x16xf32, #tpu.memory_space<vmem_shared>>
    tpu.enqueue_indirect_dma source(%arg19 : memref<128x16xf32, #tpu.memory_space<vmem>>) target(%dma_start3A_516 : memref<1024x16xf32, #tpu.memory_space<vmem_shared>>) offsets(%arg16 : memref<128xi32, #tpu.memory_space<vmem>>) semaphore(%arg32 : memref<!tpu.dma_semaphore, #tpu.memory_space<semaphore_mem>>) {add = true}
    %dma_wait3A_517 = arith.constant 0 : i32
    %dma_wait3A_518 = arith.constant 0 : i32
    %dma_wait3A_519 = tpu.memref_slice %arg33[%dma_wait3A_517, %dma_wait3A_518] : memref<1024x128xf32, #tpu.memory_space<vmem_shared>> -> memref<1024x128xf32, #tpu.memory_space<vmem_shared>>
    tpu.wait_indirect_dma semaphore(%arg30 : memref<!tpu.dma_semaphore, #tpu.memory_space<semaphore_mem>>) src(%arg13 : memref<128x128xf32, #tpu.memory_space<vmem>>) dst(%dma_wait3A_519 : memref<1024x128xf32, #tpu.memory_space<vmem_shared>>)
    %dma_wait3A_520 = arith.constant 0 : i32
    %dma_wait3A_521 = arith.constant 0 : i32
    %dma_wait3A_522 = tpu.memref_slice %arg34[%dma_wait3A_520, %dma_wait3A_521] : memref<1024x16xf32, #tpu.memory_space<vmem_shared>> -> memref<1024x16xf32, #tpu.memory_space<vmem_shared>>
    tpu.wait_indirect_dma semaphore(%arg32 : memref<!tpu.dma_semaphore, #tpu.memory_space<semaphore_mem>>) src(%arg19 : memref<128x16xf32, #tpu.memory_space<vmem>>) dst(%dma_wait3A_522 : memref<1024x16xf32, #tpu.memory_space<vmem_shared>>)
    %add3A_523 = arith.constant 448 : i32
    %add3A_524 = arith.addi %add3A, %add3A_523 : i32
    %min3A_525 = arith.constant 780 : i32
    %min3A_526 = arith.minsi %add3A_524, %min3A_525 : i32
    %mul3A_527 = arith.constant 128 : i32
    %mul3A_528 = arith.muli %min3A_526, %mul3A_527 : i32
    %dma_start3A_529 = arith.constant 0 : i32
    %dma_start3A_530 = tpu.memref_slice %arg2[%mul3A_528, %dma_start3A_529] : memref<100000x128xf32, #tpu.memory_space<hbm>> -> memref<128x128xf32, #tpu.memory_space<hbm>>
    %dma_start3A_531 = arith.constant 0 : i32
    %dma_start3A_532 = tpu.memref_slice %arg2[%mul3A_528, %dma_start3A_531] : memref<100000x128xf32, #tpu.memory_space<hbm>> -> memref<128x128xf32, #tpu.memory_space<hbm>>
    tpu.enqueue_dma source(%dma_start3A_532 : memref<128x128xf32, #tpu.memory_space<hbm>>) target(%arg13 : memref<128x128xf32, #tpu.memory_space<vmem>>) target_semaphore(%arg25 : memref<!tpu.dma_semaphore, #tpu.memory_space<semaphore_mem>>)
    %dma_start3A_533 = tpu.memref_slice %arg3[%mul3A_528] : memref<100000xi32, #tpu.memory_space<hbm>> -> memref<128xi32, #tpu.memory_space<hbm>>
    %dma_start3A_534 = tpu.memref_slice %arg3[%mul3A_528] : memref<100000xi32, #tpu.memory_space<hbm>> -> memref<128xi32, #tpu.memory_space<hbm>>
    tpu.enqueue_dma source(%dma_start3A_534 : memref<128xi32, #tpu.memory_space<hbm>>) target(%arg16 : memref<128xi32, #tpu.memory_space<vmem>>) target_semaphore(%arg28 : memref<!tpu.dma_semaphore, #tpu.memory_space<semaphore_mem>>)
    %dma_wait3A_535 = arith.constant 0 : i32
    %dma_wait3A_536 = arith.constant 0 : i32
    %dma_wait3A_537 = tpu.memref_slice %arg2[%dma_wait3A_535, %dma_wait3A_536] : memref<100000x128xf32, #tpu.memory_space<hbm>> -> memref<128x128xf32, #tpu.memory_space<hbm>>
    %dma_wait3A_538 = arith.constant 0 : i32
    %dma_wait3A_539 = arith.constant 0 : i32
    %dma_wait3A_540 = tpu.memref_slice %arg2[%dma_wait3A_538, %dma_wait3A_539] : memref<100000x128xf32, #tpu.memory_space<hbm>> -> memref<128x128xf32, #tpu.memory_space<hbm>>
    tpu.wait_dma2 semaphore(%arg23 : memref<!tpu.dma_semaphore, #tpu.memory_space<semaphore_mem>>) src(%dma_wait3A_540 : memref<128x128xf32, #tpu.memory_space<hbm>>) dst(%arg11 : memref<128x128xf32, #tpu.memory_space<vmem>>)
    %dma_wait3A_541 = arith.constant 0 : i32
    %dma_wait3A_542 = tpu.memref_slice %arg3[%dma_wait3A_541] : memref<100000xi32, #tpu.memory_space<hbm>> -> memref<128xi32, #tpu.memory_space<hbm>>
    %dma_wait3A_543 = arith.constant 0 : i32
    %dma_wait3A_544 = tpu.memref_slice %arg3[%dma_wait3A_543] : memref<100000xi32, #tpu.memory_space<hbm>> -> memref<128xi32, #tpu.memory_space<hbm>>
    tpu.wait_dma2 semaphore(%arg26 : memref<!tpu.dma_semaphore, #tpu.memory_space<semaphore_mem>>) src(%dma_wait3A_544 : memref<128xi32, #tpu.memory_space<hbm>>) dst(%arg14 : memref<128xi32, #tpu.memory_space<vmem>>)
    %add3A_545 = arith.constant 384 : i32
    %add3A_546 = arith.addi %add3A, %add3A_545 : i32
    %ge3A_547 = arith.constant 781 : i32
    %ge3A_548 = arith.cmpi sge, %add3A_546, %ge3A_547 : i32
    %convert_element_type3A_549 = arith.extui %ge3A_548 : i1 to i32
    %cond3A_550 = arith.constant 0 : i32
    %cond3A_551 = arith.cmpi ne, %convert_element_type3A_549, %cond3A_550 : i32
    scf.if %cond3A_551 {
      %broadcast_in_dim3A = arith.constant 1023 : i32
      %broadcast_in_dim3A_1046 = vector.broadcast %broadcast_in_dim3A : i32 to vector<16xi32>
      %swap3A = arith.constant 0 : index
      %swap3A_1047 = tpu.vector_load %arg14[%swap3A] {strides = array<i32>} : memref<128xi32, #tpu.memory_space<vmem>>, vector<16xi32>,
      %swap3A_1048 = vector.shape_cast %swap3A_1047 : vector<16xi32> to vector<16xi32>
      %swap3A_1049 = vector.shape_cast %broadcast_in_dim3A_1046 : vector<16xi32> to vector<16xi32>
      tpu.vector_store %arg14[%swap3A], %swap3A_1049 {strides = array<i32>} : memref<128xi32, #tpu.memory_space<vmem>>, vector<16xi32>,
      %swap3A_1050 = arith.constant 16 : index
      %swap3A_1051 = tpu.vector_load %arg14[%swap3A_1050] {strides = array<i32>} : memref<128xi32, #tpu.memory_space<vmem>>, vector<16xi32>,
      %swap3A_1052 = vector.shape_cast %swap3A_1051 : vector<16xi32> to vector<16xi32>
      %swap3A_1053 = vector.shape_cast %broadcast_in_dim3A_1046 : vector<16xi32> to vector<16xi32>
      tpu.vector_store %arg14[%swap3A_1050], %swap3A_1053 {strides = array<i32>} : memref<128xi32, #tpu.memory_space<vmem>>, vector<16xi32>,
      %swap3A_1054 = arith.constant 32 : index
      %swap3A_1055 = tpu.vector_load %arg14[%swap3A_1054] {strides = array<i32>} : memref<128xi32, #tpu.memory_space<vmem>>, vector<16xi32>,
      %swap3A_1056 = vector.shape_cast %swap3A_1055 : vector<16xi32> to vector<16xi32>
      %swap3A_1057 = vector.shape_cast %broadcast_in_dim3A_1046 : vector<16xi32> to vector<16xi32>
      tpu.vector_store %arg14[%swap3A_1054], %swap3A_1057 {strides = array<i32>} : memref<128xi32, #tpu.memory_space<vmem>>, vector<16xi32>,
      %swap3A_1058 = arith.constant 48 : index
      %swap3A_1059 = tpu.vector_load %arg14[%swap3A_1058] {strides = array<i32>} : memref<128xi32, #tpu.memory_space<vmem>>, vector<16xi32>,
      %swap3A_1060 = vector.shape_cast %swap3A_1059 : vector<16xi32> to vector<16xi32>
      %swap3A_1061 = vector.shape_cast %broadcast_in_dim3A_1046 : vector<16xi32> to vector<16xi32>
      tpu.vector_store %arg14[%swap3A_1058], %swap3A_1061 {strides = array<i32>} : memref<128xi32, #tpu.memory_space<vmem>>, vector<16xi32>,
      %swap3A_1062 = arith.constant 64 : index
      %swap3A_1063 = tpu.vector_load %arg14[%swap3A_1062] {strides = array<i32>} : memref<128xi32, #tpu.memory_space<vmem>>, vector<16xi32>,
      %swap3A_1064 = vector.shape_cast %swap3A_1063 : vector<16xi32> to vector<16xi32>
      %swap3A_1065 = vector.shape_cast %broadcast_in_dim3A_1046 : vector<16xi32> to vector<16xi32>
      tpu.vector_store %arg14[%swap3A_1062], %swap3A_1065 {strides = array<i32>} : memref<128xi32, #tpu.memory_space<vmem>>, vector<16xi32>,
      %swap3A_1066 = arith.constant 80 : index
      %swap3A_1067 = tpu.vector_load %arg14[%swap3A_1066] {strides = array<i32>} : memref<128xi32, #tpu.memory_space<vmem>>, vector<16xi32>,
      %swap3A_1068 = vector.shape_cast %swap3A_1067 : vector<16xi32> to vector<16xi32>
      %swap3A_1069 = vector.shape_cast %broadcast_in_dim3A_1046 : vector<16xi32> to vector<16xi32>
      tpu.vector_store %arg14[%swap3A_1066], %swap3A_1069 {strides = array<i32>} : memref<128xi32, #tpu.memory_space<vmem>>, vector<16xi32>,
      %swap3A_1070 = arith.constant 96 : index
      %swap3A_1071 = tpu.vector_load %arg14[%swap3A_1070] {strides = array<i32>} : memref<128xi32, #tpu.memory_space<vmem>>, vector<16xi32>,
      %swap3A_1072 = vector.shape_cast %swap3A_1071 : vector<16xi32> to vector<16xi32>
      %swap3A_1073 = vector.shape_cast %broadcast_in_dim3A_1046 : vector<16xi32> to vector<16xi32>
      tpu.vector_store %arg14[%swap3A_1070], %swap3A_1073 {strides = array<i32>} : memref<128xi32, #tpu.memory_space<vmem>>, vector<16xi32>,
      %swap3A_1074 = arith.constant 112 : index
      %swap3A_1075 = tpu.vector_load %arg14[%swap3A_1074] {strides = array<i32>} : memref<128xi32, #tpu.memory_space<vmem>>, vector<16xi32>,
      %swap3A_1076 = vector.shape_cast %swap3A_1075 : vector<16xi32> to vector<16xi32>
      %swap3A_1077 = vector.shape_cast %broadcast_in_dim3A_1046 : vector<16xi32> to vector<16xi32>
      tpu.vector_store %arg14[%swap3A_1074], %swap3A_1077 {strides = array<i32>} : memref<128xi32, #tpu.memory_space<vmem>>, vector<16xi32>,
    } else {
    }
    %dma_start3A_552 = arith.constant 0 : i32
    %dma_start3A_553 = arith.constant 0 : i32
    %dma_start3A_554 = tpu.memref_slice %arg33[%dma_start3A_552, %dma_start3A_553] : memref<1024x128xf32, #tpu.memory_space<vmem_shared>> -> memref<1024x128xf32, #tpu.memory_space<vmem_shared>>
    tpu.enqueue_indirect_dma source(%arg11 : memref<128x128xf32, #tpu.memory_space<vmem>>) target(%dma_start3A_554 : memref<1024x128xf32, #tpu.memory_space<vmem_shared>>) offsets(%arg14 : memref<128xi32, #tpu.memory_space<vmem>>) semaphore(%arg29 : memref<!tpu.dma_semaphore, #tpu.memory_space<semaphore_mem>>) {add = true}
    %dma_start3A_555 = arith.constant 0 : i32
    %dma_start3A_556 = arith.constant 0 : i32
    %dma_start3A_557 = tpu.memref_slice %arg34[%dma_start3A_555, %dma_start3A_556] : memref<1024x16xf32, #tpu.memory_space<vmem_shared>> -> memref<1024x16xf32, #tpu.memory_space<vmem_shared>>
    tpu.enqueue_indirect_dma source(%arg19 : memref<128x16xf32, #tpu.memory_space<vmem>>) target(%dma_start3A_557 : memref<1024x16xf32, #tpu.memory_space<vmem_shared>>) offsets(%arg14 : memref<128xi32, #tpu.memory_space<vmem>>) semaphore(%arg31 : memref<!tpu.dma_semaphore, #tpu.memory_space<semaphore_mem>>) {add = true}
    %dma_wait3A_558 = arith.constant 0 : i32
    %dma_wait3A_559 = arith.constant 0 : i32
    %dma_wait3A_560 = tpu.memref_slice %arg33[%dma_wait3A_558, %dma_wait3A_559] : memref<1024x128xf32, #tpu.memory_space<vmem_shared>> -> memref<1024x128xf32, #tpu.memory_space<vmem_shared>>
    tpu.wait_indirect_dma semaphore(%arg29 : memref<!tpu.dma_semaphore, #tpu.memory_space<semaphore_mem>>) src(%arg11 : memref<128x128xf32, #tpu.memory_space<vmem>>) dst(%dma_wait3A_560 : memref<1024x128xf32, #tpu.memory_space<vmem_shared>>)
    %dma_wait3A_561 = arith.constant 0 : i32
    %dma_wait3A_562 = arith.constant 0 : i32
    %dma_wait3A_563 = tpu.memref_slice %arg34[%dma_wait3A_561, %dma_wait3A_562] : memref<1024x16xf32, #tpu.memory_space<vmem_shared>> -> memref<1024x16xf32, #tpu.memory_space<vmem_shared>>
    tpu.wait_indirect_dma semaphore(%arg31 : memref<!tpu.dma_semaphore, #tpu.memory_space<semaphore_mem>>) src(%arg19 : memref<128x16xf32, #tpu.memory_space<vmem>>) dst(%dma_wait3A_563 : memref<1024x16xf32, #tpu.memory_space<vmem_shared>>)
    %add3A_564 = arith.constant 480 : i32
    %add3A_565 = arith.addi %add3A, %add3A_564 : i32
    %min3A_566 = arith.constant 780 : i32
    %min3A_567 = arith.minsi %add3A_565, %min3A_566 : i32
    %mul3A_568 = arith.constant 128 : i32
    %mul3A_569 = arith.muli %min3A_567, %mul3A_568 : i32
    %dma_start3A_570 = arith.constant 0 : i32
    %dma_start3A_571 = tpu.memref_slice %arg2[%mul3A_569, %dma_start3A_570] : memref<100000x128xf32, #tpu.memory_space<hbm>> -> memref<128x128xf32, #tpu.memory_space<hbm>>
    %dma_start3A_572 = arith.constant 0 : i32
    %dma_start3A_573 = tpu.memref_slice %arg2[%mul3A_569, %dma_start3A_572] : memref<100000x128xf32, #tpu.memory_space<hbm>> -> memref<128x128xf32, #tpu.memory_space<hbm>>
    tpu.enqueue_dma source(%dma_start3A_573 : memref<128x128xf32, #tpu.memory_space<hbm>>) target(%arg11 : memref<128x128xf32, #tpu.memory_space<vmem>>) target_semaphore(%arg23 : memref<!tpu.dma_semaphore, #tpu.memory_space<semaphore_mem>>)
    %dma_start3A_574 = tpu.memref_slice %arg3[%mul3A_569] : memref<100000xi32, #tpu.memory_space<hbm>> -> memref<128xi32, #tpu.memory_space<hbm>>
    %dma_start3A_575 = tpu.memref_slice %arg3[%mul3A_569] : memref<100000xi32, #tpu.memory_space<hbm>> -> memref<128xi32, #tpu.memory_space<hbm>>
    tpu.enqueue_dma source(%dma_start3A_575 : memref<128xi32, #tpu.memory_space<hbm>>) target(%arg14 : memref<128xi32, #tpu.memory_space<vmem>>) target_semaphore(%arg26 : memref<!tpu.dma_semaphore, #tpu.memory_space<semaphore_mem>>)
    %dma_wait3A_576 = arith.constant 0 : i32
    %dma_wait3A_577 = arith.constant 0 : i32
    %dma_wait3A_578 = tpu.memref_slice %arg2[%dma_wait3A_576, %dma_wait3A_577] : memref<100000x128xf32, #tpu.memory_space<hbm>> -> memref<128x128xf32, #tpu.memory_space<hbm>>
    %dma_wait3A_579 = arith.constant 0 : i32
    %dma_wait3A_580 = arith.constant 0 : i32
    %dma_wait3A_581 = tpu.memref_slice %arg2[%dma_wait3A_579, %dma_wait3A_580] : memref<100000x128xf32, #tpu.memory_space<hbm>> -> memref<128x128xf32, #tpu.memory_space<hbm>>
    tpu.wait_dma2 semaphore(%arg24 : memref<!tpu.dma_semaphore, #tpu.memory_space<semaphore_mem>>) src(%dma_wait3A_581 : memref<128x128xf32, #tpu.memory_space<hbm>>) dst(%arg12 : memref<128x128xf32, #tpu.memory_space<vmem>>)
    %dma_wait3A_582 = arith.constant 0 : i32
    %dma_wait3A_583 = tpu.memref_slice %arg3[%dma_wait3A_582] : memref<100000xi32, #tpu.memory_space<hbm>> -> memref<128xi32, #tpu.memory_space<hbm>>
    %dma_wait3A_584 = arith.constant 0 : i32
    %dma_wait3A_585 = tpu.memref_slice %arg3[%dma_wait3A_584] : memref<100000xi32, #tpu.memory_space<hbm>> -> memref<128xi32, #tpu.memory_space<hbm>>
    tpu.wait_dma2 semaphore(%arg27 : memref<!tpu.dma_semaphore, #tpu.memory_space<semaphore_mem>>) src(%dma_wait3A_585 : memref<128xi32, #tpu.memory_space<hbm>>) dst(%arg15 : memref<128xi32, #tpu.memory_space<vmem>>)
    %add3A_586 = arith.constant 416 : i32
    %add3A_587 = arith.addi %add3A, %add3A_586 : i32
    %ge3A_588 = arith.constant 781 : i32
    %ge3A_589 = arith.cmpi sge, %add3A_587, %ge3A_588 : i32
    %convert_element_type3A_590 = arith.extui %ge3A_589 : i1 to i32
    %cond3A_591 = arith.constant 0 : i32
    %cond3A_592 = arith.cmpi ne, %convert_element_type3A_590, %cond3A_591 : i32
    scf.if %cond3A_592 {
      %broadcast_in_dim3A = arith.constant 1023 : i32
      %broadcast_in_dim3A_1046 = vector.broadcast %broadcast_in_dim3A : i32 to vector<16xi32>
      %swap3A = arith.constant 0 : index
      %swap3A_1047 = tpu.vector_load %arg15[%swap3A] {strides = array<i32>} : memref<128xi32, #tpu.memory_space<vmem>>, vector<16xi32>,
      %swap3A_1048 = vector.shape_cast %swap3A_1047 : vector<16xi32> to vector<16xi32>
      %swap3A_1049 = vector.shape_cast %broadcast_in_dim3A_1046 : vector<16xi32> to vector<16xi32>
      tpu.vector_store %arg15[%swap3A], %swap3A_1049 {strides = array<i32>} : memref<128xi32, #tpu.memory_space<vmem>>, vector<16xi32>,
      %swap3A_1050 = arith.constant 16 : index
      %swap3A_1051 = tpu.vector_load %arg15[%swap3A_1050] {strides = array<i32>} : memref<128xi32, #tpu.memory_space<vmem>>, vector<16xi32>,
      %swap3A_1052 = vector.shape_cast %swap3A_1051 : vector<16xi32> to vector<16xi32>
      %swap3A_1053 = vector.shape_cast %broadcast_in_dim3A_1046 : vector<16xi32> to vector<16xi32>
      tpu.vector_store %arg15[%swap3A_1050], %swap3A_1053 {strides = array<i32>} : memref<128xi32, #tpu.memory_space<vmem>>, vector<16xi32>,
      %swap3A_1054 = arith.constant 32 : index
      %swap3A_1055 = tpu.vector_load %arg15[%swap3A_1054] {strides = array<i32>} : memref<128xi32, #tpu.memory_space<vmem>>, vector<16xi32>,
      %swap3A_1056 = vector.shape_cast %swap3A_1055 : vector<16xi32> to vector<16xi32>
      %swap3A_1057 = vector.shape_cast %broadcast_in_dim3A_1046 : vector<16xi32> to vector<16xi32>
      tpu.vector_store %arg15[%swap3A_1054], %swap3A_1057 {strides = array<i32>} : memref<128xi32, #tpu.memory_space<vmem>>, vector<16xi32>,
      %swap3A_1058 = arith.constant 48 : index
      %swap3A_1059 = tpu.vector_load %arg15[%swap3A_1058] {strides = array<i32>} : memref<128xi32, #tpu.memory_space<vmem>>, vector<16xi32>,
      %swap3A_1060 = vector.shape_cast %swap3A_1059 : vector<16xi32> to vector<16xi32>
      %swap3A_1061 = vector.shape_cast %broadcast_in_dim3A_1046 : vector<16xi32> to vector<16xi32>
      tpu.vector_store %arg15[%swap3A_1058], %swap3A_1061 {strides = array<i32>} : memref<128xi32, #tpu.memory_space<vmem>>, vector<16xi32>,
      %swap3A_1062 = arith.constant 64 : index
      %swap3A_1063 = tpu.vector_load %arg15[%swap3A_1062] {strides = array<i32>} : memref<128xi32, #tpu.memory_space<vmem>>, vector<16xi32>,
      %swap3A_1064 = vector.shape_cast %swap3A_1063 : vector<16xi32> to vector<16xi32>
      %swap3A_1065 = vector.shape_cast %broadcast_in_dim3A_1046 : vector<16xi32> to vector<16xi32>
      tpu.vector_store %arg15[%swap3A_1062], %swap3A_1065 {strides = array<i32>} : memref<128xi32, #tpu.memory_space<vmem>>, vector<16xi32>,
      %swap3A_1066 = arith.constant 80 : index
      %swap3A_1067 = tpu.vector_load %arg15[%swap3A_1066] {strides = array<i32>} : memref<128xi32, #tpu.memory_space<vmem>>, vector<16xi32>,
      %swap3A_1068 = vector.shape_cast %swap3A_1067 : vector<16xi32> to vector<16xi32>
      %swap3A_1069 = vector.shape_cast %broadcast_in_dim3A_1046 : vector<16xi32> to vector<16xi32>
      tpu.vector_store %arg15[%swap3A_1066], %swap3A_1069 {strides = array<i32>} : memref<128xi32, #tpu.memory_space<vmem>>, vector<16xi32>,
      %swap3A_1070 = arith.constant 96 : index
      %swap3A_1071 = tpu.vector_load %arg15[%swap3A_1070] {strides = array<i32>} : memref<128xi32, #tpu.memory_space<vmem>>, vector<16xi32>,
      %swap3A_1072 = vector.shape_cast %swap3A_1071 : vector<16xi32> to vector<16xi32>
      %swap3A_1073 = vector.shape_cast %broadcast_in_dim3A_1046 : vector<16xi32> to vector<16xi32>
      tpu.vector_store %arg15[%swap3A_1070], %swap3A_1073 {strides = array<i32>} : memref<128xi32, #tpu.memory_space<vmem>>, vector<16xi32>,
      %swap3A_1074 = arith.constant 112 : index
      %swap3A_1075 = tpu.vector_load %arg15[%swap3A_1074] {strides = array<i32>} : memref<128xi32, #tpu.memory_space<vmem>>, vector<16xi32>,
      %swap3A_1076 = vector.shape_cast %swap3A_1075 : vector<16xi32> to vector<16xi32>
      %swap3A_1077 = vector.shape_cast %broadcast_in_dim3A_1046 : vector<16xi32> to vector<16xi32>
      tpu.vector_store %arg15[%swap3A_1074], %swap3A_1077 {strides = array<i32>} : memref<128xi32, #tpu.memory_space<vmem>>, vector<16xi32>,
    } else {
    }
    %dma_start3A_593 = arith.constant 0 : i32
    %dma_start3A_594 = arith.constant 0 : i32
    %dma_start3A_595 = tpu.memref_slice %arg33[%dma_start3A_593, %dma_start3A_594] : memref<1024x128xf32, #tpu.memory_space<vmem_shared>> -> memref<1024x128xf32, #tpu.memory_space<vmem_shared>>
    tpu.enqueue_indirect_dma source(%arg12 : memref<128x128xf32, #tpu.memory_space<vmem>>) target(%dma_start3A_595 : memref<1024x128xf32, #tpu.memory_space<vmem_shared>>) offsets(%arg15 : memref<128xi32, #tpu.memory_space<vmem>>) semaphore(%arg30 : memref<!tpu.dma_semaphore, #tpu.memory_space<semaphore_mem>>) {add = true}
    %dma_start3A_596 = arith.constant 0 : i32
    %dma_start3A_597 = arith.constant 0 : i32
    %dma_start3A_598 = tpu.memref_slice %arg34[%dma_start3A_596, %dma_start3A_597] : memref<1024x16xf32, #tpu.memory_space<vmem_shared>> -> memref<1024x16xf32, #tpu.memory_space<vmem_shared>>
    tpu.enqueue_indirect_dma source(%arg19 : memref<128x16xf32, #tpu.memory_space<vmem>>) target(%dma_start3A_598 : memref<1024x16xf32, #tpu.memory_space<vmem_shared>>) offsets(%arg15 : memref<128xi32, #tpu.memory_space<vmem>>) semaphore(%arg32 : memref<!tpu.dma_semaphore, #tpu.memory_space<semaphore_mem>>) {add = true}
    %dma_wait3A_599 = arith.constant 0 : i32
    %dma_wait3A_600 = arith.constant 0 : i32
    %dma_wait3A_601 = tpu.memref_slice %arg33[%dma_wait3A_599, %dma_wait3A_600] : memref<1024x128xf32, #tpu.memory_space<vmem_shared>> -> memref<1024x128xf32, #tpu.memory_space<vmem_shared>>
    tpu.wait_indirect_dma semaphore(%arg30 : memref<!tpu.dma_semaphore, #tpu.memory_space<semaphore_mem>>) src(%arg12 : memref<128x128xf32, #tpu.memory_space<vmem>>) dst(%dma_wait3A_601 : memref<1024x128xf32, #tpu.memory_space<vmem_shared>>)
    %dma_wait3A_602 = arith.constant 0 : i32
    %dma_wait3A_603 = arith.constant 0 : i32
    %dma_wait3A_604 = tpu.memref_slice %arg34[%dma_wait3A_602, %dma_wait3A_603] : memref<1024x16xf32, #tpu.memory_space<vmem_shared>> -> memref<1024x16xf32, #tpu.memory_space<vmem_shared>>
    tpu.wait_indirect_dma semaphore(%arg32 : memref<!tpu.dma_semaphore, #tpu.memory_space<semaphore_mem>>) src(%arg19 : memref<128x16xf32, #tpu.memory_space<vmem>>) dst(%dma_wait3A_604 : memref<1024x16xf32, #tpu.memory_space<vmem_shared>>)
    %add3A_605 = arith.constant 512 : i32
    %add3A_606 = arith.addi %add3A, %add3A_605 : i32
    %min3A_607 = arith.constant 780 : i32
    %min3A_608 = arith.minsi %add3A_606, %min3A_607 : i32
    %mul3A_609 = arith.constant 128 : i32
    %mul3A_610 = arith.muli %min3A_608, %mul3A_609 : i32
    %dma_start3A_611 = arith.constant 0 : i32
    %dma_start3A_612 = tpu.memref_slice %arg2[%mul3A_610, %dma_start3A_611] : memref<100000x128xf32, #tpu.memory_space<hbm>> -> memref<128x128xf32, #tpu.memory_space<hbm>>
    %dma_start3A_613 = arith.constant 0 : i32
    %dma_start3A_614 = tpu.memref_slice %arg2[%mul3A_610, %dma_start3A_613] : memref<100000x128xf32, #tpu.memory_space<hbm>> -> memref<128x128xf32, #tpu.memory_space<hbm>>
    tpu.enqueue_dma source(%dma_start3A_614 : memref<128x128xf32, #tpu.memory_space<hbm>>) target(%arg12 : memref<128x128xf32, #tpu.memory_space<vmem>>) target_semaphore(%arg24 : memref<!tpu.dma_semaphore, #tpu.memory_space<semaphore_mem>>)
    %dma_start3A_615 = tpu.memref_slice %arg3[%mul3A_610] : memref<100000xi32, #tpu.memory_space<hbm>> -> memref<128xi32, #tpu.memory_space<hbm>>
    %dma_start3A_616 = tpu.memref_slice %arg3[%mul3A_610] : memref<100000xi32, #tpu.memory_space<hbm>> -> memref<128xi32, #tpu.memory_space<hbm>>
    tpu.enqueue_dma source(%dma_start3A_616 : memref<128xi32, #tpu.memory_space<hbm>>) target(%arg15 : memref<128xi32, #tpu.memory_space<vmem>>) target_semaphore(%arg27 : memref<!tpu.dma_semaphore, #tpu.memory_space<semaphore_mem>>)
    %dma_wait3A_617 = arith.constant 0 : i32
    %dma_wait3A_618 = arith.constant 0 : i32
    %dma_wait3A_619 = tpu.memref_slice %arg2[%dma_wait3A_617, %dma_wait3A_618] : memref<100000x128xf32, #tpu.memory_space<hbm>> -> memref<128x128xf32, #tpu.memory_space<hbm>>
    %dma_wait3A_620 = arith.constant 0 : i32
    %dma_wait3A_621 = arith.constant 0 : i32
    %dma_wait3A_622 = tpu.memref_slice %arg2[%dma_wait3A_620, %dma_wait3A_621] : memref<100000x128xf32, #tpu.memory_space<hbm>> -> memref<128x128xf32, #tpu.memory_space<hbm>>
    tpu.wait_dma2 semaphore(%arg25 : memref<!tpu.dma_semaphore, #tpu.memory_space<semaphore_mem>>) src(%dma_wait3A_622 : memref<128x128xf32, #tpu.memory_space<hbm>>) dst(%arg13 : memref<128x128xf32, #tpu.memory_space<vmem>>)
    %dma_wait3A_623 = arith.constant 0 : i32
    %dma_wait3A_624 = tpu.memref_slice %arg3[%dma_wait3A_623] : memref<100000xi32, #tpu.memory_space<hbm>> -> memref<128xi32, #tpu.memory_space<hbm>>
    %dma_wait3A_625 = arith.constant 0 : i32
    %dma_wait3A_626 = tpu.memref_slice %arg3[%dma_wait3A_625] : memref<100000xi32, #tpu.memory_space<hbm>> -> memref<128xi32, #tpu.memory_space<hbm>>
    tpu.wait_dma2 semaphore(%arg28 : memref<!tpu.dma_semaphore, #tpu.memory_space<semaphore_mem>>) src(%dma_wait3A_626 : memref<128xi32, #tpu.memory_space<hbm>>) dst(%arg16 : memref<128xi32, #tpu.memory_space<vmem>>)
    %add3A_627 = arith.constant 448 : i32
    %add3A_628 = arith.addi %add3A, %add3A_627 : i32
    %ge3A_629 = arith.constant 781 : i32
    %ge3A_630 = arith.cmpi sge, %add3A_628, %ge3A_629 : i32
    %convert_element_type3A_631 = arith.extui %ge3A_630 : i1 to i32
    %cond3A_632 = arith.constant 0 : i32
    %cond3A_633 = arith.cmpi ne, %convert_element_type3A_631, %cond3A_632 : i32
    scf.if %cond3A_633 {
      %broadcast_in_dim3A = arith.constant 1023 : i32
      %broadcast_in_dim3A_1046 = vector.broadcast %broadcast_in_dim3A : i32 to vector<16xi32>
      %swap3A = arith.constant 0 : index
      %swap3A_1047 = tpu.vector_load %arg16[%swap3A] {strides = array<i32>} : memref<128xi32, #tpu.memory_space<vmem>>, vector<16xi32>,
      %swap3A_1048 = vector.shape_cast %swap3A_1047 : vector<16xi32> to vector<16xi32>
      %swap3A_1049 = vector.shape_cast %broadcast_in_dim3A_1046 : vector<16xi32> to vector<16xi32>
      tpu.vector_store %arg16[%swap3A], %swap3A_1049 {strides = array<i32>} : memref<128xi32, #tpu.memory_space<vmem>>, vector<16xi32>,
      %swap3A_1050 = arith.constant 16 : index
      %swap3A_1051 = tpu.vector_load %arg16[%swap3A_1050] {strides = array<i32>} : memref<128xi32, #tpu.memory_space<vmem>>, vector<16xi32>,
      %swap3A_1052 = vector.shape_cast %swap3A_1051 : vector<16xi32> to vector<16xi32>
      %swap3A_1053 = vector.shape_cast %broadcast_in_dim3A_1046 : vector<16xi32> to vector<16xi32>
      tpu.vector_store %arg16[%swap3A_1050], %swap3A_1053 {strides = array<i32>} : memref<128xi32, #tpu.memory_space<vmem>>, vector<16xi32>,
      %swap3A_1054 = arith.constant 32 : index
      %swap3A_1055 = tpu.vector_load %arg16[%swap3A_1054] {strides = array<i32>} : memref<128xi32, #tpu.memory_space<vmem>>, vector<16xi32>,
      %swap3A_1056 = vector.shape_cast %swap3A_1055 : vector<16xi32> to vector<16xi32>
      %swap3A_1057 = vector.shape_cast %broadcast_in_dim3A_1046 : vector<16xi32> to vector<16xi32>
      tpu.vector_store %arg16[%swap3A_1054], %swap3A_1057 {strides = array<i32>} : memref<128xi32, #tpu.memory_space<vmem>>, vector<16xi32>,
      %swap3A_1058 = arith.constant 48 : index
      %swap3A_1059 = tpu.vector_load %arg16[%swap3A_1058] {strides = array<i32>} : memref<128xi32, #tpu.memory_space<vmem>>, vector<16xi32>,
      %swap3A_1060 = vector.shape_cast %swap3A_1059 : vector<16xi32> to vector<16xi32>
      %swap3A_1061 = vector.shape_cast %broadcast_in_dim3A_1046 : vector<16xi32> to vector<16xi32>
      tpu.vector_store %arg16[%swap3A_1058], %swap3A_1061 {strides = array<i32>} : memref<128xi32, #tpu.memory_space<vmem>>, vector<16xi32>,
      %swap3A_1062 = arith.constant 64 : index
      %swap3A_1063 = tpu.vector_load %arg16[%swap3A_1062] {strides = array<i32>} : memref<128xi32, #tpu.memory_space<vmem>>, vector<16xi32>,
      %swap3A_1064 = vector.shape_cast %swap3A_1063 : vector<16xi32> to vector<16xi32>
      %swap3A_1065 = vector.shape_cast %broadcast_in_dim3A_1046 : vector<16xi32> to vector<16xi32>
      tpu.vector_store %arg16[%swap3A_1062], %swap3A_1065 {strides = array<i32>} : memref<128xi32, #tpu.memory_space<vmem>>, vector<16xi32>,
      %swap3A_1066 = arith.constant 80 : index
      %swap3A_1067 = tpu.vector_load %arg16[%swap3A_1066] {strides = array<i32>} : memref<128xi32, #tpu.memory_space<vmem>>, vector<16xi32>,
      %swap3A_1068 = vector.shape_cast %swap3A_1067 : vector<16xi32> to vector<16xi32>
      %swap3A_1069 = vector.shape_cast %broadcast_in_dim3A_1046 : vector<16xi32> to vector<16xi32>
      tpu.vector_store %arg16[%swap3A_1066], %swap3A_1069 {strides = array<i32>} : memref<128xi32, #tpu.memory_space<vmem>>, vector<16xi32>,
      %swap3A_1070 = arith.constant 96 : index
      %swap3A_1071 = tpu.vector_load %arg16[%swap3A_1070] {strides = array<i32>} : memref<128xi32, #tpu.memory_space<vmem>>, vector<16xi32>,
      %swap3A_1072 = vector.shape_cast %swap3A_1071 : vector<16xi32> to vector<16xi32>
      %swap3A_1073 = vector.shape_cast %broadcast_in_dim3A_1046 : vector<16xi32> to vector<16xi32>
      tpu.vector_store %arg16[%swap3A_1070], %swap3A_1073 {strides = array<i32>} : memref<128xi32, #tpu.memory_space<vmem>>, vector<16xi32>,
      %swap3A_1074 = arith.constant 112 : index
      %swap3A_1075 = tpu.vector_load %arg16[%swap3A_1074] {strides = array<i32>} : memref<128xi32, #tpu.memory_space<vmem>>, vector<16xi32>,
      %swap3A_1076 = vector.shape_cast %swap3A_1075 : vector<16xi32> to vector<16xi32>
      %swap3A_1077 = vector.shape_cast %broadcast_in_dim3A_1046 : vector<16xi32> to vector<16xi32>
      tpu.vector_store %arg16[%swap3A_1074], %swap3A_1077 {strides = array<i32>} : memref<128xi32, #tpu.memory_space<vmem>>, vector<16xi32>,
    } else {
    }
    %dma_start3A_634 = arith.constant 0 : i32
    %dma_start3A_635 = arith.constant 0 : i32
    %dma_start3A_636 = tpu.memref_slice %arg33[%dma_start3A_634, %dma_start3A_635] : memref<1024x128xf32, #tpu.memory_space<vmem_shared>> -> memref<1024x128xf32, #tpu.memory_space<vmem_shared>>
    tpu.enqueue_indirect_dma source(%arg13 : memref<128x128xf32, #tpu.memory_space<vmem>>) target(%dma_start3A_636 : memref<1024x128xf32, #tpu.memory_space<vmem_shared>>) offsets(%arg16 : memref<128xi32, #tpu.memory_space<vmem>>) semaphore(%arg29 : memref<!tpu.dma_semaphore, #tpu.memory_space<semaphore_mem>>) {add = true}
    %dma_start3A_637 = arith.constant 0 : i32
    %dma_start3A_638 = arith.constant 0 : i32
    %dma_start3A_639 = tpu.memref_slice %arg34[%dma_start3A_637, %dma_start3A_638] : memref<1024x16xf32, #tpu.memory_space<vmem_shared>> -> memref<1024x16xf32, #tpu.memory_space<vmem_shared>>
    tpu.enqueue_indirect_dma source(%arg19 : memref<128x16xf32, #tpu.memory_space<vmem>>) target(%dma_start3A_639 : memref<1024x16xf32, #tpu.memory_space<vmem_shared>>) offsets(%arg16 : memref<128xi32, #tpu.memory_space<vmem>>) semaphore(%arg31 : memref<!tpu.dma_semaphore, #tpu.memory_space<semaphore_mem>>) {add = true}
    %dma_wait3A_640 = arith.constant 0 : i32
    %dma_wait3A_641 = arith.constant 0 : i32
    %dma_wait3A_642 = tpu.memref_slice %arg33[%dma_wait3A_640, %dma_wait3A_641] : memref<1024x128xf32, #tpu.memory_space<vmem_shared>> -> memref<1024x128xf32, #tpu.memory_space<vmem_shared>>
    tpu.wait_indirect_dma semaphore(%arg29 : memref<!tpu.dma_semaphore, #tpu.memory_space<semaphore_mem>>) src(%arg13 : memref<128x128xf32, #tpu.memory_space<vmem>>) dst(%dma_wait3A_642 : memref<1024x128xf32, #tpu.memory_space<vmem_shared>>)
    %dma_wait3A_643 = arith.constant 0 : i32
    %dma_wait3A_644 = arith.constant 0 : i32
    %dma_wait3A_645 = tpu.memref_slice %arg34[%dma_wait3A_643, %dma_wait3A_644] : memref<1024x16xf32, #tpu.memory_space<vmem_shared>> -> memref<1024x16xf32, #tpu.memory_space<vmem_shared>>
    tpu.wait_indirect_dma semaphore(%arg31 : memref<!tpu.dma_semaphore, #tpu.memory_space<semaphore_mem>>) src(%arg19 : memref<128x16xf32, #tpu.memory_space<vmem>>) dst(%dma_wait3A_645 : memref<1024x16xf32, #tpu.memory_space<vmem_shared>>)
    %add3A_646 = arith.constant 544 : i32
    %add3A_647 = arith.addi %add3A, %add3A_646 : i32
    %min3A_648 = arith.constant 780 : i32
    %min3A_649 = arith.minsi %add3A_647, %min3A_648 : i32
    %mul3A_650 = arith.constant 128 : i32
    %mul3A_651 = arith.muli %min3A_649, %mul3A_650 : i32
    %dma_start3A_652 = arith.constant 0 : i32
    %dma_start3A_653 = tpu.memref_slice %arg2[%mul3A_651, %dma_start3A_652] : memref<100000x128xf32, #tpu.memory_space<hbm>> -> memref<128x128xf32, #tpu.memory_space<hbm>>
    %dma_start3A_654 = arith.constant 0 : i32
    %dma_start3A_655 = tpu.memref_slice %arg2[%mul3A_651, %dma_start3A_654] : memref<100000x128xf32, #tpu.memory_space<hbm>> -> memref<128x128xf32, #tpu.memory_space<hbm>>
    tpu.enqueue_dma source(%dma_start3A_655 : memref<128x128xf32, #tpu.memory_space<hbm>>) target(%arg13 : memref<128x128xf32, #tpu.memory_space<vmem>>) target_semaphore(%arg25 : memref<!tpu.dma_semaphore, #tpu.memory_space<semaphore_mem>>)
    %dma_start3A_656 = tpu.memref_slice %arg3[%mul3A_651] : memref<100000xi32, #tpu.memory_space<hbm>> -> memref<128xi32, #tpu.memory_space<hbm>>
    %dma_start3A_657 = tpu.memref_slice %arg3[%mul3A_651] : memref<100000xi32, #tpu.memory_space<hbm>> -> memref<128xi32, #tpu.memory_space<hbm>>
    tpu.enqueue_dma source(%dma_start3A_657 : memref<128xi32, #tpu.memory_space<hbm>>) target(%arg16 : memref<128xi32, #tpu.memory_space<vmem>>) target_semaphore(%arg28 : memref<!tpu.dma_semaphore, #tpu.memory_space<semaphore_mem>>)
    %dma_wait3A_658 = arith.constant 0 : i32
    %dma_wait3A_659 = arith.constant 0 : i32
    %dma_wait3A_660 = tpu.memref_slice %arg2[%dma_wait3A_658, %dma_wait3A_659] : memref<100000x128xf32, #tpu.memory_space<hbm>> -> memref<128x128xf32, #tpu.memory_space<hbm>>
    %dma_wait3A_661 = arith.constant 0 : i32
    %dma_wait3A_662 = arith.constant 0 : i32
    %dma_wait3A_663 = tpu.memref_slice %arg2[%dma_wait3A_661, %dma_wait3A_662] : memref<100000x128xf32, #tpu.memory_space<hbm>> -> memref<128x128xf32, #tpu.memory_space<hbm>>
    tpu.wait_dma2 semaphore(%arg23 : memref<!tpu.dma_semaphore, #tpu.memory_space<semaphore_mem>>) src(%dma_wait3A_663 : memref<128x128xf32, #tpu.memory_space<hbm>>) dst(%arg11 : memref<128x128xf32, #tpu.memory_space<vmem>>)
    %dma_wait3A_664 = arith.constant 0 : i32
    %dma_wait3A_665 = tpu.memref_slice %arg3[%dma_wait3A_664] : memref<100000xi32, #tpu.memory_space<hbm>> -> memref<128xi32, #tpu.memory_space<hbm>>
    %dma_wait3A_666 = arith.constant 0 : i32
    %dma_wait3A_667 = tpu.memref_slice %arg3[%dma_wait3A_666] : memref<100000xi32, #tpu.memory_space<hbm>> -> memref<128xi32, #tpu.memory_space<hbm>>
    tpu.wait_dma2 semaphore(%arg26 : memref<!tpu.dma_semaphore, #tpu.memory_space<semaphore_mem>>) src(%dma_wait3A_667 : memref<128xi32, #tpu.memory_space<hbm>>) dst(%arg14 : memref<128xi32, #tpu.memory_space<vmem>>)
    %add3A_668 = arith.constant 480 : i32
    %add3A_669 = arith.addi %add3A, %add3A_668 : i32
    %ge3A_670 = arith.constant 781 : i32
    %ge3A_671 = arith.cmpi sge, %add3A_669, %ge3A_670 : i32
    %convert_element_type3A_672 = arith.extui %ge3A_671 : i1 to i32
    %cond3A_673 = arith.constant 0 : i32
    %cond3A_674 = arith.cmpi ne, %convert_element_type3A_672, %cond3A_673 : i32
    scf.if %cond3A_674 {
      %broadcast_in_dim3A = arith.constant 1023 : i32
      %broadcast_in_dim3A_1046 = vector.broadcast %broadcast_in_dim3A : i32 to vector<16xi32>
      %swap3A = arith.constant 0 : index
      %swap3A_1047 = tpu.vector_load %arg14[%swap3A] {strides = array<i32>} : memref<128xi32, #tpu.memory_space<vmem>>, vector<16xi32>,
      %swap3A_1048 = vector.shape_cast %swap3A_1047 : vector<16xi32> to vector<16xi32>
      %swap3A_1049 = vector.shape_cast %broadcast_in_dim3A_1046 : vector<16xi32> to vector<16xi32>
      tpu.vector_store %arg14[%swap3A], %swap3A_1049 {strides = array<i32>} : memref<128xi32, #tpu.memory_space<vmem>>, vector<16xi32>,
      %swap3A_1050 = arith.constant 16 : index
      %swap3A_1051 = tpu.vector_load %arg14[%swap3A_1050] {strides = array<i32>} : memref<128xi32, #tpu.memory_space<vmem>>, vector<16xi32>,
      %swap3A_1052 = vector.shape_cast %swap3A_1051 : vector<16xi32> to vector<16xi32>
      %swap3A_1053 = vector.shape_cast %broadcast_in_dim3A_1046 : vector<16xi32> to vector<16xi32>
      tpu.vector_store %arg14[%swap3A_1050], %swap3A_1053 {strides = array<i32>} : memref<128xi32, #tpu.memory_space<vmem>>, vector<16xi32>,
      %swap3A_1054 = arith.constant 32 : index
      %swap3A_1055 = tpu.vector_load %arg14[%swap3A_1054] {strides = array<i32>} : memref<128xi32, #tpu.memory_space<vmem>>, vector<16xi32>,
      %swap3A_1056 = vector.shape_cast %swap3A_1055 : vector<16xi32> to vector<16xi32>
      %swap3A_1057 = vector.shape_cast %broadcast_in_dim3A_1046 : vector<16xi32> to vector<16xi32>
      tpu.vector_store %arg14[%swap3A_1054], %swap3A_1057 {strides = array<i32>} : memref<128xi32, #tpu.memory_space<vmem>>, vector<16xi32>,
      %swap3A_1058 = arith.constant 48 : index
      %swap3A_1059 = tpu.vector_load %arg14[%swap3A_1058] {strides = array<i32>} : memref<128xi32, #tpu.memory_space<vmem>>, vector<16xi32>,
      %swap3A_1060 = vector.shape_cast %swap3A_1059 : vector<16xi32> to vector<16xi32>
      %swap3A_1061 = vector.shape_cast %broadcast_in_dim3A_1046 : vector<16xi32> to vector<16xi32>
      tpu.vector_store %arg14[%swap3A_1058], %swap3A_1061 {strides = array<i32>} : memref<128xi32, #tpu.memory_space<vmem>>, vector<16xi32>,
      %swap3A_1062 = arith.constant 64 : index
      %swap3A_1063 = tpu.vector_load %arg14[%swap3A_1062] {strides = array<i32>} : memref<128xi32, #tpu.memory_space<vmem>>, vector<16xi32>,
      %swap3A_1064 = vector.shape_cast %swap3A_1063 : vector<16xi32> to vector<16xi32>
      %swap3A_1065 = vector.shape_cast %broadcast_in_dim3A_1046 : vector<16xi32> to vector<16xi32>
      tpu.vector_store %arg14[%swap3A_1062], %swap3A_1065 {strides = array<i32>} : memref<128xi32, #tpu.memory_space<vmem>>, vector<16xi32>,
      %swap3A_1066 = arith.constant 80 : index
      %swap3A_1067 = tpu.vector_load %arg14[%swap3A_1066] {strides = array<i32>} : memref<128xi32, #tpu.memory_space<vmem>>, vector<16xi32>,
      %swap3A_1068 = vector.shape_cast %swap3A_1067 : vector<16xi32> to vector<16xi32>
      %swap3A_1069 = vector.shape_cast %broadcast_in_dim3A_1046 : vector<16xi32> to vector<16xi32>
      tpu.vector_store %arg14[%swap3A_1066], %swap3A_1069 {strides = array<i32>} : memref<128xi32, #tpu.memory_space<vmem>>, vector<16xi32>,
      %swap3A_1070 = arith.constant 96 : index
      %swap3A_1071 = tpu.vector_load %arg14[%swap3A_1070] {strides = array<i32>} : memref<128xi32, #tpu.memory_space<vmem>>, vector<16xi32>,
      %swap3A_1072 = vector.shape_cast %swap3A_1071 : vector<16xi32> to vector<16xi32>
      %swap3A_1073 = vector.shape_cast %broadcast_in_dim3A_1046 : vector<16xi32> to vector<16xi32>
      tpu.vector_store %arg14[%swap3A_1070], %swap3A_1073 {strides = array<i32>} : memref<128xi32, #tpu.memory_space<vmem>>, vector<16xi32>,
      %swap3A_1074 = arith.constant 112 : index
      %swap3A_1075 = tpu.vector_load %arg14[%swap3A_1074] {strides = array<i32>} : memref<128xi32, #tpu.memory_space<vmem>>, vector<16xi32>,
      %swap3A_1076 = vector.shape_cast %swap3A_1075 : vector<16xi32> to vector<16xi32>
      %swap3A_1077 = vector.shape_cast %broadcast_in_dim3A_1046 : vector<16xi32> to vector<16xi32>
      tpu.vector_store %arg14[%swap3A_1074], %swap3A_1077 {strides = array<i32>} : memref<128xi32, #tpu.memory_space<vmem>>, vector<16xi32>,
    } else {
    }
    %dma_start3A_675 = arith.constant 0 : i32
    %dma_start3A_676 = arith.constant 0 : i32
    %dma_start3A_677 = tpu.memref_slice %arg33[%dma_start3A_675, %dma_start3A_676] : memref<1024x128xf32, #tpu.memory_space<vmem_shared>> -> memref<1024x128xf32, #tpu.memory_space<vmem_shared>>
    tpu.enqueue_indirect_dma source(%arg11 : memref<128x128xf32, #tpu.memory_space<vmem>>) target(%dma_start3A_677 : memref<1024x128xf32, #tpu.memory_space<vmem_shared>>) offsets(%arg14 : memref<128xi32, #tpu.memory_space<vmem>>) semaphore(%arg30 : memref<!tpu.dma_semaphore, #tpu.memory_space<semaphore_mem>>) {add = true}
    %dma_start3A_678 = arith.constant 0 : i32
    %dma_start3A_679 = arith.constant 0 : i32
    %dma_start3A_680 = tpu.memref_slice %arg34[%dma_start3A_678, %dma_start3A_679] : memref<1024x16xf32, #tpu.memory_space<vmem_shared>> -> memref<1024x16xf32, #tpu.memory_space<vmem_shared>>
    tpu.enqueue_indirect_dma source(%arg19 : memref<128x16xf32, #tpu.memory_space<vmem>>) target(%dma_start3A_680 : memref<1024x16xf32, #tpu.memory_space<vmem_shared>>) offsets(%arg14 : memref<128xi32, #tpu.memory_space<vmem>>) semaphore(%arg32 : memref<!tpu.dma_semaphore, #tpu.memory_space<semaphore_mem>>) {add = true}
    %dma_wait3A_681 = arith.constant 0 : i32
    %dma_wait3A_682 = arith.constant 0 : i32
    %dma_wait3A_683 = tpu.memref_slice %arg33[%dma_wait3A_681, %dma_wait3A_682] : memref<1024x128xf32, #tpu.memory_space<vmem_shared>> -> memref<1024x128xf32, #tpu.memory_space<vmem_shared>>
    tpu.wait_indirect_dma semaphore(%arg30 : memref<!tpu.dma_semaphore, #tpu.memory_space<semaphore_mem>>) src(%arg11 : memref<128x128xf32, #tpu.memory_space<vmem>>) dst(%dma_wait3A_683 : memref<1024x128xf32, #tpu.memory_space<vmem_shared>>)
    %dma_wait3A_684 = arith.constant 0 : i32
    %dma_wait3A_685 = arith.constant 0 : i32
    %dma_wait3A_686 = tpu.memref_slice %arg34[%dma_wait3A_684, %dma_wait3A_685] : memref<1024x16xf32, #tpu.memory_space<vmem_shared>> -> memref<1024x16xf32, #tpu.memory_space<vmem_shared>>
    tpu.wait_indirect_dma semaphore(%arg32 : memref<!tpu.dma_semaphore, #tpu.memory_space<semaphore_mem>>) src(%arg19 : memref<128x16xf32, #tpu.memory_space<vmem>>) dst(%dma_wait3A_686 : memref<1024x16xf32, #tpu.memory_space<vmem_shared>>)
    %add3A_687 = arith.constant 576 : i32
    %add3A_688 = arith.addi %add3A, %add3A_687 : i32
    %min3A_689 = arith.constant 780 : i32
    %min3A_690 = arith.minsi %add3A_688, %min3A_689 : i32
    %mul3A_691 = arith.constant 128 : i32
    %mul3A_692 = arith.muli %min3A_690, %mul3A_691 : i32
    %dma_start3A_693 = arith.constant 0 : i32
    %dma_start3A_694 = tpu.memref_slice %arg2[%mul3A_692, %dma_start3A_693] : memref<100000x128xf32, #tpu.memory_space<hbm>> -> memref<128x128xf32, #tpu.memory_space<hbm>>
    %dma_start3A_695 = arith.constant 0 : i32
    %dma_start3A_696 = tpu.memref_slice %arg2[%mul3A_692, %dma_start3A_695] : memref<100000x128xf32, #tpu.memory_space<hbm>> -> memref<128x128xf32, #tpu.memory_space<hbm>>
    tpu.enqueue_dma source(%dma_start3A_696 : memref<128x128xf32, #tpu.memory_space<hbm>>) target(%arg11 : memref<128x128xf32, #tpu.memory_space<vmem>>) target_semaphore(%arg23 : memref<!tpu.dma_semaphore, #tpu.memory_space<semaphore_mem>>)
    %dma_start3A_697 = tpu.memref_slice %arg3[%mul3A_692] : memref<100000xi32, #tpu.memory_space<hbm>> -> memref<128xi32, #tpu.memory_space<hbm>>
    %dma_start3A_698 = tpu.memref_slice %arg3[%mul3A_692] : memref<100000xi32, #tpu.memory_space<hbm>> -> memref<128xi32, #tpu.memory_space<hbm>>
    tpu.enqueue_dma source(%dma_start3A_698 : memref<128xi32, #tpu.memory_space<hbm>>) target(%arg14 : memref<128xi32, #tpu.memory_space<vmem>>) target_semaphore(%arg26 : memref<!tpu.dma_semaphore, #tpu.memory_space<semaphore_mem>>)
    %dma_wait3A_699 = arith.constant 0 : i32
    %dma_wait3A_700 = arith.constant 0 : i32
    %dma_wait3A_701 = tpu.memref_slice %arg2[%dma_wait3A_699, %dma_wait3A_700] : memref<100000x128xf32, #tpu.memory_space<hbm>> -> memref<128x128xf32, #tpu.memory_space<hbm>>
    %dma_wait3A_702 = arith.constant 0 : i32
    %dma_wait3A_703 = arith.constant 0 : i32
    %dma_wait3A_704 = tpu.memref_slice %arg2[%dma_wait3A_702, %dma_wait3A_703] : memref<100000x128xf32, #tpu.memory_space<hbm>> -> memref<128x128xf32, #tpu.memory_space<hbm>>
    tpu.wait_dma2 semaphore(%arg24 : memref<!tpu.dma_semaphore, #tpu.memory_space<semaphore_mem>>) src(%dma_wait3A_704 : memref<128x128xf32, #tpu.memory_space<hbm>>) dst(%arg12 : memref<128x128xf32, #tpu.memory_space<vmem>>)
    %dma_wait3A_705 = arith.constant 0 : i32
    %dma_wait3A_706 = tpu.memref_slice %arg3[%dma_wait3A_705] : memref<100000xi32, #tpu.memory_space<hbm>> -> memref<128xi32, #tpu.memory_space<hbm>>
    %dma_wait3A_707 = arith.constant 0 : i32
    %dma_wait3A_708 = tpu.memref_slice %arg3[%dma_wait3A_707] : memref<100000xi32, #tpu.memory_space<hbm>> -> memref<128xi32, #tpu.memory_space<hbm>>
    tpu.wait_dma2 semaphore(%arg27 : memref<!tpu.dma_semaphore, #tpu.memory_space<semaphore_mem>>) src(%dma_wait3A_708 : memref<128xi32, #tpu.memory_space<hbm>>) dst(%arg15 : memref<128xi32, #tpu.memory_space<vmem>>)
    %add3A_709 = arith.constant 512 : i32
    %add3A_710 = arith.addi %add3A, %add3A_709 : i32
    %ge3A_711 = arith.constant 781 : i32
    %ge3A_712 = arith.cmpi sge, %add3A_710, %ge3A_711 : i32
    %convert_element_type3A_713 = arith.extui %ge3A_712 : i1 to i32
    %cond3A_714 = arith.constant 0 : i32
    %cond3A_715 = arith.cmpi ne, %convert_element_type3A_713, %cond3A_714 : i32
    scf.if %cond3A_715 {
      %broadcast_in_dim3A = arith.constant 1023 : i32
      %broadcast_in_dim3A_1046 = vector.broadcast %broadcast_in_dim3A : i32 to vector<16xi32>
      %swap3A = arith.constant 0 : index
      %swap3A_1047 = tpu.vector_load %arg15[%swap3A] {strides = array<i32>} : memref<128xi32, #tpu.memory_space<vmem>>, vector<16xi32>,
      %swap3A_1048 = vector.shape_cast %swap3A_1047 : vector<16xi32> to vector<16xi32>
      %swap3A_1049 = vector.shape_cast %broadcast_in_dim3A_1046 : vector<16xi32> to vector<16xi32>
      tpu.vector_store %arg15[%swap3A], %swap3A_1049 {strides = array<i32>} : memref<128xi32, #tpu.memory_space<vmem>>, vector<16xi32>,
      %swap3A_1050 = arith.constant 16 : index
      %swap3A_1051 = tpu.vector_load %arg15[%swap3A_1050] {strides = array<i32>} : memref<128xi32, #tpu.memory_space<vmem>>, vector<16xi32>,
      %swap3A_1052 = vector.shape_cast %swap3A_1051 : vector<16xi32> to vector<16xi32>
      %swap3A_1053 = vector.shape_cast %broadcast_in_dim3A_1046 : vector<16xi32> to vector<16xi32>
      tpu.vector_store %arg15[%swap3A_1050], %swap3A_1053 {strides = array<i32>} : memref<128xi32, #tpu.memory_space<vmem>>, vector<16xi32>,
      %swap3A_1054 = arith.constant 32 : index
      %swap3A_1055 = tpu.vector_load %arg15[%swap3A_1054] {strides = array<i32>} : memref<128xi32, #tpu.memory_space<vmem>>, vector<16xi32>,
      %swap3A_1056 = vector.shape_cast %swap3A_1055 : vector<16xi32> to vector<16xi32>
      %swap3A_1057 = vector.shape_cast %broadcast_in_dim3A_1046 : vector<16xi32> to vector<16xi32>
      tpu.vector_store %arg15[%swap3A_1054], %swap3A_1057 {strides = array<i32>} : memref<128xi32, #tpu.memory_space<vmem>>, vector<16xi32>,
      %swap3A_1058 = arith.constant 48 : index
      %swap3A_1059 = tpu.vector_load %arg15[%swap3A_1058] {strides = array<i32>} : memref<128xi32, #tpu.memory_space<vmem>>, vector<16xi32>,
      %swap3A_1060 = vector.shape_cast %swap3A_1059 : vector<16xi32> to vector<16xi32>
      %swap3A_1061 = vector.shape_cast %broadcast_in_dim3A_1046 : vector<16xi32> to vector<16xi32>
      tpu.vector_store %arg15[%swap3A_1058], %swap3A_1061 {strides = array<i32>} : memref<128xi32, #tpu.memory_space<vmem>>, vector<16xi32>,
      %swap3A_1062 = arith.constant 64 : index
      %swap3A_1063 = tpu.vector_load %arg15[%swap3A_1062] {strides = array<i32>} : memref<128xi32, #tpu.memory_space<vmem>>, vector<16xi32>,
      %swap3A_1064 = vector.shape_cast %swap3A_1063 : vector<16xi32> to vector<16xi32>
      %swap3A_1065 = vector.shape_cast %broadcast_in_dim3A_1046 : vector<16xi32> to vector<16xi32>
      tpu.vector_store %arg15[%swap3A_1062], %swap3A_1065 {strides = array<i32>} : memref<128xi32, #tpu.memory_space<vmem>>, vector<16xi32>,
      %swap3A_1066 = arith.constant 80 : index
      %swap3A_1067 = tpu.vector_load %arg15[%swap3A_1066] {strides = array<i32>} : memref<128xi32, #tpu.memory_space<vmem>>, vector<16xi32>,
      %swap3A_1068 = vector.shape_cast %swap3A_1067 : vector<16xi32> to vector<16xi32>
      %swap3A_1069 = vector.shape_cast %broadcast_in_dim3A_1046 : vector<16xi32> to vector<16xi32>
      tpu.vector_store %arg15[%swap3A_1066], %swap3A_1069 {strides = array<i32>} : memref<128xi32, #tpu.memory_space<vmem>>, vector<16xi32>,
      %swap3A_1070 = arith.constant 96 : index
      %swap3A_1071 = tpu.vector_load %arg15[%swap3A_1070] {strides = array<i32>} : memref<128xi32, #tpu.memory_space<vmem>>, vector<16xi32>,
      %swap3A_1072 = vector.shape_cast %swap3A_1071 : vector<16xi32> to vector<16xi32>
      %swap3A_1073 = vector.shape_cast %broadcast_in_dim3A_1046 : vector<16xi32> to vector<16xi32>
      tpu.vector_store %arg15[%swap3A_1070], %swap3A_1073 {strides = array<i32>} : memref<128xi32, #tpu.memory_space<vmem>>, vector<16xi32>,
      %swap3A_1074 = arith.constant 112 : index
      %swap3A_1075 = tpu.vector_load %arg15[%swap3A_1074] {strides = array<i32>} : memref<128xi32, #tpu.memory_space<vmem>>, vector<16xi32>,
      %swap3A_1076 = vector.shape_cast %swap3A_1075 : vector<16xi32> to vector<16xi32>
      %swap3A_1077 = vector.shape_cast %broadcast_in_dim3A_1046 : vector<16xi32> to vector<16xi32>
      tpu.vector_store %arg15[%swap3A_1074], %swap3A_1077 {strides = array<i32>} : memref<128xi32, #tpu.memory_space<vmem>>, vector<16xi32>,
    } else {
    }
    %dma_start3A_716 = arith.constant 0 : i32
    %dma_start3A_717 = arith.constant 0 : i32
    %dma_start3A_718 = tpu.memref_slice %arg33[%dma_start3A_716, %dma_start3A_717] : memref<1024x128xf32, #tpu.memory_space<vmem_shared>> -> memref<1024x128xf32, #tpu.memory_space<vmem_shared>>
    tpu.enqueue_indirect_dma source(%arg12 : memref<128x128xf32, #tpu.memory_space<vmem>>) target(%dma_start3A_718 : memref<1024x128xf32, #tpu.memory_space<vmem_shared>>) offsets(%arg15 : memref<128xi32, #tpu.memory_space<vmem>>) semaphore(%arg29 : memref<!tpu.dma_semaphore, #tpu.memory_space<semaphore_mem>>) {add = true}
    %dma_start3A_719 = arith.constant 0 : i32
    %dma_start3A_720 = arith.constant 0 : i32
    %dma_start3A_721 = tpu.memref_slice %arg34[%dma_start3A_719, %dma_start3A_720] : memref<1024x16xf32, #tpu.memory_space<vmem_shared>> -> memref<1024x16xf32, #tpu.memory_space<vmem_shared>>
    tpu.enqueue_indirect_dma source(%arg19 : memref<128x16xf32, #tpu.memory_space<vmem>>) target(%dma_start3A_721 : memref<1024x16xf32, #tpu.memory_space<vmem_shared>>) offsets(%arg15 : memref<128xi32, #tpu.memory_space<vmem>>) semaphore(%arg31 : memref<!tpu.dma_semaphore, #tpu.memory_space<semaphore_mem>>) {add = true}
    %dma_wait3A_722 = arith.constant 0 : i32
    %dma_wait3A_723 = arith.constant 0 : i32
    %dma_wait3A_724 = tpu.memref_slice %arg33[%dma_wait3A_722, %dma_wait3A_723] : memref<1024x128xf32, #tpu.memory_space<vmem_shared>> -> memref<1024x128xf32, #tpu.memory_space<vmem_shared>>
    tpu.wait_indirect_dma semaphore(%arg29 : memref<!tpu.dma_semaphore, #tpu.memory_space<semaphore_mem>>) src(%arg12 : memref<128x128xf32, #tpu.memory_space<vmem>>) dst(%dma_wait3A_724 : memref<1024x128xf32, #tpu.memory_space<vmem_shared>>)
    %dma_wait3A_725 = arith.constant 0 : i32
    %dma_wait3A_726 = arith.constant 0 : i32
    %dma_wait3A_727 = tpu.memref_slice %arg34[%dma_wait3A_725, %dma_wait3A_726] : memref<1024x16xf32, #tpu.memory_space<vmem_shared>> -> memref<1024x16xf32, #tpu.memory_space<vmem_shared>>
    tpu.wait_indirect_dma semaphore(%arg31 : memref<!tpu.dma_semaphore, #tpu.memory_space<semaphore_mem>>) src(%arg19 : memref<128x16xf32, #tpu.memory_space<vmem>>) dst(%dma_wait3A_727 : memref<1024x16xf32, #tpu.memory_space<vmem_shared>>)
    %add3A_728 = arith.constant 608 : i32
    %add3A_729 = arith.addi %add3A, %add3A_728 : i32
    %min3A_730 = arith.constant 780 : i32
    %min3A_731 = arith.minsi %add3A_729, %min3A_730 : i32
    %mul3A_732 = arith.constant 128 : i32
    %mul3A_733 = arith.muli %min3A_731, %mul3A_732 : i32
    %dma_start3A_734 = arith.constant 0 : i32
    %dma_start3A_735 = tpu.memref_slice %arg2[%mul3A_733, %dma_start3A_734] : memref<100000x128xf32, #tpu.memory_space<hbm>> -> memref<128x128xf32, #tpu.memory_space<hbm>>
    %dma_start3A_736 = arith.constant 0 : i32
    %dma_start3A_737 = tpu.memref_slice %arg2[%mul3A_733, %dma_start3A_736] : memref<100000x128xf32, #tpu.memory_space<hbm>> -> memref<128x128xf32, #tpu.memory_space<hbm>>
    tpu.enqueue_dma source(%dma_start3A_737 : memref<128x128xf32, #tpu.memory_space<hbm>>) target(%arg12 : memref<128x128xf32, #tpu.memory_space<vmem>>) target_semaphore(%arg24 : memref<!tpu.dma_semaphore, #tpu.memory_space<semaphore_mem>>)
    %dma_start3A_738 = tpu.memref_slice %arg3[%mul3A_733] : memref<100000xi32, #tpu.memory_space<hbm>> -> memref<128xi32, #tpu.memory_space<hbm>>
    %dma_start3A_739 = tpu.memref_slice %arg3[%mul3A_733] : memref<100000xi32, #tpu.memory_space<hbm>> -> memref<128xi32, #tpu.memory_space<hbm>>
    tpu.enqueue_dma source(%dma_start3A_739 : memref<128xi32, #tpu.memory_space<hbm>>) target(%arg15 : memref<128xi32, #tpu.memory_space<vmem>>) target_semaphore(%arg27 : memref<!tpu.dma_semaphore, #tpu.memory_space<semaphore_mem>>)
    %dma_wait3A_740 = arith.constant 0 : i32
    %dma_wait3A_741 = arith.constant 0 : i32
    %dma_wait3A_742 = tpu.memref_slice %arg2[%dma_wait3A_740, %dma_wait3A_741] : memref<100000x128xf32, #tpu.memory_space<hbm>> -> memref<128x128xf32, #tpu.memory_space<hbm>>
    %dma_wait3A_743 = arith.constant 0 : i32
    %dma_wait3A_744 = arith.constant 0 : i32
    %dma_wait3A_745 = tpu.memref_slice %arg2[%dma_wait3A_743, %dma_wait3A_744] : memref<100000x128xf32, #tpu.memory_space<hbm>> -> memref<128x128xf32, #tpu.memory_space<hbm>>
    tpu.wait_dma2 semaphore(%arg25 : memref<!tpu.dma_semaphore, #tpu.memory_space<semaphore_mem>>) src(%dma_wait3A_745 : memref<128x128xf32, #tpu.memory_space<hbm>>) dst(%arg13 : memref<128x128xf32, #tpu.memory_space<vmem>>)
    %dma_wait3A_746 = arith.constant 0 : i32
    %dma_wait3A_747 = tpu.memref_slice %arg3[%dma_wait3A_746] : memref<100000xi32, #tpu.memory_space<hbm>> -> memref<128xi32, #tpu.memory_space<hbm>>
    %dma_wait3A_748 = arith.constant 0 : i32
    %dma_wait3A_749 = tpu.memref_slice %arg3[%dma_wait3A_748] : memref<100000xi32, #tpu.memory_space<hbm>> -> memref<128xi32, #tpu.memory_space<hbm>>
    tpu.wait_dma2 semaphore(%arg28 : memref<!tpu.dma_semaphore, #tpu.memory_space<semaphore_mem>>) src(%dma_wait3A_749 : memref<128xi32, #tpu.memory_space<hbm>>) dst(%arg16 : memref<128xi32, #tpu.memory_space<vmem>>)
    %add3A_750 = arith.constant 544 : i32
    %add3A_751 = arith.addi %add3A, %add3A_750 : i32
    %ge3A_752 = arith.constant 781 : i32
    %ge3A_753 = arith.cmpi sge, %add3A_751, %ge3A_752 : i32
    %convert_element_type3A_754 = arith.extui %ge3A_753 : i1 to i32
    %cond3A_755 = arith.constant 0 : i32
    %cond3A_756 = arith.cmpi ne, %convert_element_type3A_754, %cond3A_755 : i32
    scf.if %cond3A_756 {
      %broadcast_in_dim3A = arith.constant 1023 : i32
      %broadcast_in_dim3A_1046 = vector.broadcast %broadcast_in_dim3A : i32 to vector<16xi32>
      %swap3A = arith.constant 0 : index
      %swap3A_1047 = tpu.vector_load %arg16[%swap3A] {strides = array<i32>} : memref<128xi32, #tpu.memory_space<vmem>>, vector<16xi32>,
      %swap3A_1048 = vector.shape_cast %swap3A_1047 : vector<16xi32> to vector<16xi32>
      %swap3A_1049 = vector.shape_cast %broadcast_in_dim3A_1046 : vector<16xi32> to vector<16xi32>
      tpu.vector_store %arg16[%swap3A], %swap3A_1049 {strides = array<i32>} : memref<128xi32, #tpu.memory_space<vmem>>, vector<16xi32>,
      %swap3A_1050 = arith.constant 16 : index
      %swap3A_1051 = tpu.vector_load %arg16[%swap3A_1050] {strides = array<i32>} : memref<128xi32, #tpu.memory_space<vmem>>, vector<16xi32>,
      %swap3A_1052 = vector.shape_cast %swap3A_1051 : vector<16xi32> to vector<16xi32>
      %swap3A_1053 = vector.shape_cast %broadcast_in_dim3A_1046 : vector<16xi32> to vector<16xi32>
      tpu.vector_store %arg16[%swap3A_1050], %swap3A_1053 {strides = array<i32>} : memref<128xi32, #tpu.memory_space<vmem>>, vector<16xi32>,
      %swap3A_1054 = arith.constant 32 : index
      %swap3A_1055 = tpu.vector_load %arg16[%swap3A_1054] {strides = array<i32>} : memref<128xi32, #tpu.memory_space<vmem>>, vector<16xi32>,
      %swap3A_1056 = vector.shape_cast %swap3A_1055 : vector<16xi32> to vector<16xi32>
      %swap3A_1057 = vector.shape_cast %broadcast_in_dim3A_1046 : vector<16xi32> to vector<16xi32>
      tpu.vector_store %arg16[%swap3A_1054], %swap3A_1057 {strides = array<i32>} : memref<128xi32, #tpu.memory_space<vmem>>, vector<16xi32>,
      %swap3A_1058 = arith.constant 48 : index
      %swap3A_1059 = tpu.vector_load %arg16[%swap3A_1058] {strides = array<i32>} : memref<128xi32, #tpu.memory_space<vmem>>, vector<16xi32>,
      %swap3A_1060 = vector.shape_cast %swap3A_1059 : vector<16xi32> to vector<16xi32>
      %swap3A_1061 = vector.shape_cast %broadcast_in_dim3A_1046 : vector<16xi32> to vector<16xi32>
      tpu.vector_store %arg16[%swap3A_1058], %swap3A_1061 {strides = array<i32>} : memref<128xi32, #tpu.memory_space<vmem>>, vector<16xi32>,
      %swap3A_1062 = arith.constant 64 : index
      %swap3A_1063 = tpu.vector_load %arg16[%swap3A_1062] {strides = array<i32>} : memref<128xi32, #tpu.memory_space<vmem>>, vector<16xi32>,
      %swap3A_1064 = vector.shape_cast %swap3A_1063 : vector<16xi32> to vector<16xi32>
      %swap3A_1065 = vector.shape_cast %broadcast_in_dim3A_1046 : vector<16xi32> to vector<16xi32>
      tpu.vector_store %arg16[%swap3A_1062], %swap3A_1065 {strides = array<i32>} : memref<128xi32, #tpu.memory_space<vmem>>, vector<16xi32>,
      %swap3A_1066 = arith.constant 80 : index
      %swap3A_1067 = tpu.vector_load %arg16[%swap3A_1066] {strides = array<i32>} : memref<128xi32, #tpu.memory_space<vmem>>, vector<16xi32>,
      %swap3A_1068 = vector.shape_cast %swap3A_1067 : vector<16xi32> to vector<16xi32>
      %swap3A_1069 = vector.shape_cast %broadcast_in_dim3A_1046 : vector<16xi32> to vector<16xi32>
      tpu.vector_store %arg16[%swap3A_1066], %swap3A_1069 {strides = array<i32>} : memref<128xi32, #tpu.memory_space<vmem>>, vector<16xi32>,
      %swap3A_1070 = arith.constant 96 : index
      %swap3A_1071 = tpu.vector_load %arg16[%swap3A_1070] {strides = array<i32>} : memref<128xi32, #tpu.memory_space<vmem>>, vector<16xi32>,
      %swap3A_1072 = vector.shape_cast %swap3A_1071 : vector<16xi32> to vector<16xi32>
      %swap3A_1073 = vector.shape_cast %broadcast_in_dim3A_1046 : vector<16xi32> to vector<16xi32>
      tpu.vector_store %arg16[%swap3A_1070], %swap3A_1073 {strides = array<i32>} : memref<128xi32, #tpu.memory_space<vmem>>, vector<16xi32>,
      %swap3A_1074 = arith.constant 112 : index
      %swap3A_1075 = tpu.vector_load %arg16[%swap3A_1074] {strides = array<i32>} : memref<128xi32, #tpu.memory_space<vmem>>, vector<16xi32>,
      %swap3A_1076 = vector.shape_cast %swap3A_1075 : vector<16xi32> to vector<16xi32>
      %swap3A_1077 = vector.shape_cast %broadcast_in_dim3A_1046 : vector<16xi32> to vector<16xi32>
      tpu.vector_store %arg16[%swap3A_1074], %swap3A_1077 {strides = array<i32>} : memref<128xi32, #tpu.memory_space<vmem>>, vector<16xi32>,
    } else {
    }
    %dma_start3A_757 = arith.constant 0 : i32
    %dma_start3A_758 = arith.constant 0 : i32
    %dma_start3A_759 = tpu.memref_slice %arg33[%dma_start3A_757, %dma_start3A_758] : memref<1024x128xf32, #tpu.memory_space<vmem_shared>> -> memref<1024x128xf32, #tpu.memory_space<vmem_shared>>
    tpu.enqueue_indirect_dma source(%arg13 : memref<128x128xf32, #tpu.memory_space<vmem>>) target(%dma_start3A_759 : memref<1024x128xf32, #tpu.memory_space<vmem_shared>>) offsets(%arg16 : memref<128xi32, #tpu.memory_space<vmem>>) semaphore(%arg30 : memref<!tpu.dma_semaphore, #tpu.memory_space<semaphore_mem>>) {add = true}
    %dma_start3A_760 = arith.constant 0 : i32
    %dma_start3A_761 = arith.constant 0 : i32
    %dma_start3A_762 = tpu.memref_slice %arg34[%dma_start3A_760, %dma_start3A_761] : memref<1024x16xf32, #tpu.memory_space<vmem_shared>> -> memref<1024x16xf32, #tpu.memory_space<vmem_shared>>
    tpu.enqueue_indirect_dma source(%arg19 : memref<128x16xf32, #tpu.memory_space<vmem>>) target(%dma_start3A_762 : memref<1024x16xf32, #tpu.memory_space<vmem_shared>>) offsets(%arg16 : memref<128xi32, #tpu.memory_space<vmem>>) semaphore(%arg32 : memref<!tpu.dma_semaphore, #tpu.memory_space<semaphore_mem>>) {add = true}
    %dma_wait3A_763 = arith.constant 0 : i32
    %dma_wait3A_764 = arith.constant 0 : i32
    %dma_wait3A_765 = tpu.memref_slice %arg33[%dma_wait3A_763, %dma_wait3A_764] : memref<1024x128xf32, #tpu.memory_space<vmem_shared>> -> memref<1024x128xf32, #tpu.memory_space<vmem_shared>>
    tpu.wait_indirect_dma semaphore(%arg30 : memref<!tpu.dma_semaphore, #tpu.memory_space<semaphore_mem>>) src(%arg13 : memref<128x128xf32, #tpu.memory_space<vmem>>) dst(%dma_wait3A_765 : memref<1024x128xf32, #tpu.memory_space<vmem_shared>>)
    %dma_wait3A_766 = arith.constant 0 : i32
    %dma_wait3A_767 = arith.constant 0 : i32
    %dma_wait3A_768 = tpu.memref_slice %arg34[%dma_wait3A_766, %dma_wait3A_767] : memref<1024x16xf32, #tpu.memory_space<vmem_shared>> -> memref<1024x16xf32, #tpu.memory_space<vmem_shared>>
    tpu.wait_indirect_dma semaphore(%arg32 : memref<!tpu.dma_semaphore, #tpu.memory_space<semaphore_mem>>) src(%arg19 : memref<128x16xf32, #tpu.memory_space<vmem>>) dst(%dma_wait3A_768 : memref<1024x16xf32, #tpu.memory_space<vmem_shared>>)
    %add3A_769 = arith.constant 640 : i32
    %add3A_770 = arith.addi %add3A, %add3A_769 : i32
    %min3A_771 = arith.constant 780 : i32
    %min3A_772 = arith.minsi %add3A_770, %min3A_771 : i32
    %mul3A_773 = arith.constant 128 : i32
    %mul3A_774 = arith.muli %min3A_772, %mul3A_773 : i32
    %dma_start3A_775 = arith.constant 0 : i32
    %dma_start3A_776 = tpu.memref_slice %arg2[%mul3A_774, %dma_start3A_775] : memref<100000x128xf32, #tpu.memory_space<hbm>> -> memref<128x128xf32, #tpu.memory_space<hbm>>
    %dma_start3A_777 = arith.constant 0 : i32
    %dma_start3A_778 = tpu.memref_slice %arg2[%mul3A_774, %dma_start3A_777] : memref<100000x128xf32, #tpu.memory_space<hbm>> -> memref<128x128xf32, #tpu.memory_space<hbm>>
    tpu.enqueue_dma source(%dma_start3A_778 : memref<128x128xf32, #tpu.memory_space<hbm>>) target(%arg13 : memref<128x128xf32, #tpu.memory_space<vmem>>) target_semaphore(%arg25 : memref<!tpu.dma_semaphore, #tpu.memory_space<semaphore_mem>>)
    %dma_start3A_779 = tpu.memref_slice %arg3[%mul3A_774] : memref<100000xi32, #tpu.memory_space<hbm>> -> memref<128xi32, #tpu.memory_space<hbm>>
    %dma_start3A_780 = tpu.memref_slice %arg3[%mul3A_774] : memref<100000xi32, #tpu.memory_space<hbm>> -> memref<128xi32, #tpu.memory_space<hbm>>
    tpu.enqueue_dma source(%dma_start3A_780 : memref<128xi32, #tpu.memory_space<hbm>>) target(%arg16 : memref<128xi32, #tpu.memory_space<vmem>>) target_semaphore(%arg28 : memref<!tpu.dma_semaphore, #tpu.memory_space<semaphore_mem>>)
    %dma_wait3A_781 = arith.constant 0 : i32
    %dma_wait3A_782 = arith.constant 0 : i32
    %dma_wait3A_783 = tpu.memref_slice %arg2[%dma_wait3A_781, %dma_wait3A_782] : memref<100000x128xf32, #tpu.memory_space<hbm>> -> memref<128x128xf32, #tpu.memory_space<hbm>>
    %dma_wait3A_784 = arith.constant 0 : i32
    %dma_wait3A_785 = arith.constant 0 : i32
    %dma_wait3A_786 = tpu.memref_slice %arg2[%dma_wait3A_784, %dma_wait3A_785] : memref<100000x128xf32, #tpu.memory_space<hbm>> -> memref<128x128xf32, #tpu.memory_space<hbm>>
    tpu.wait_dma2 semaphore(%arg23 : memref<!tpu.dma_semaphore, #tpu.memory_space<semaphore_mem>>) src(%dma_wait3A_786 : memref<128x128xf32, #tpu.memory_space<hbm>>) dst(%arg11 : memref<128x128xf32, #tpu.memory_space<vmem>>)
    %dma_wait3A_787 = arith.constant 0 : i32
    %dma_wait3A_788 = tpu.memref_slice %arg3[%dma_wait3A_787] : memref<100000xi32, #tpu.memory_space<hbm>> -> memref<128xi32, #tpu.memory_space<hbm>>
    %dma_wait3A_789 = arith.constant 0 : i32
    %dma_wait3A_790 = tpu.memref_slice %arg3[%dma_wait3A_789] : memref<100000xi32, #tpu.memory_space<hbm>> -> memref<128xi32, #tpu.memory_space<hbm>>
    tpu.wait_dma2 semaphore(%arg26 : memref<!tpu.dma_semaphore, #tpu.memory_space<semaphore_mem>>) src(%dma_wait3A_790 : memref<128xi32, #tpu.memory_space<hbm>>) dst(%arg14 : memref<128xi32, #tpu.memory_space<vmem>>)
    %add3A_791 = arith.constant 576 : i32
    %add3A_792 = arith.addi %add3A, %add3A_791 : i32
    %ge3A_793 = arith.constant 781 : i32
    %ge3A_794 = arith.cmpi sge, %add3A_792, %ge3A_793 : i32
    %convert_element_type3A_795 = arith.extui %ge3A_794 : i1 to i32
    %cond3A_796 = arith.constant 0 : i32
    %cond3A_797 = arith.cmpi ne, %convert_element_type3A_795, %cond3A_796 : i32
    scf.if %cond3A_797 {
      %broadcast_in_dim3A = arith.constant 1023 : i32
      %broadcast_in_dim3A_1046 = vector.broadcast %broadcast_in_dim3A : i32 to vector<16xi32>
      %swap3A = arith.constant 0 : index
      %swap3A_1047 = tpu.vector_load %arg14[%swap3A] {strides = array<i32>} : memref<128xi32, #tpu.memory_space<vmem>>, vector<16xi32>,
      %swap3A_1048 = vector.shape_cast %swap3A_1047 : vector<16xi32> to vector<16xi32>
      %swap3A_1049 = vector.shape_cast %broadcast_in_dim3A_1046 : vector<16xi32> to vector<16xi32>
      tpu.vector_store %arg14[%swap3A], %swap3A_1049 {strides = array<i32>} : memref<128xi32, #tpu.memory_space<vmem>>, vector<16xi32>,
      %swap3A_1050 = arith.constant 16 : index
      %swap3A_1051 = tpu.vector_load %arg14[%swap3A_1050] {strides = array<i32>} : memref<128xi32, #tpu.memory_space<vmem>>, vector<16xi32>,
      %swap3A_1052 = vector.shape_cast %swap3A_1051 : vector<16xi32> to vector<16xi32>
      %swap3A_1053 = vector.shape_cast %broadcast_in_dim3A_1046 : vector<16xi32> to vector<16xi32>
      tpu.vector_store %arg14[%swap3A_1050], %swap3A_1053 {strides = array<i32>} : memref<128xi32, #tpu.memory_space<vmem>>, vector<16xi32>,
      %swap3A_1054 = arith.constant 32 : index
      %swap3A_1055 = tpu.vector_load %arg14[%swap3A_1054] {strides = array<i32>} : memref<128xi32, #tpu.memory_space<vmem>>, vector<16xi32>,
      %swap3A_1056 = vector.shape_cast %swap3A_1055 : vector<16xi32> to vector<16xi32>
      %swap3A_1057 = vector.shape_cast %broadcast_in_dim3A_1046 : vector<16xi32> to vector<16xi32>
      tpu.vector_store %arg14[%swap3A_1054], %swap3A_1057 {strides = array<i32>} : memref<128xi32, #tpu.memory_space<vmem>>, vector<16xi32>,
      %swap3A_1058 = arith.constant 48 : index
      %swap3A_1059 = tpu.vector_load %arg14[%swap3A_1058] {strides = array<i32>} : memref<128xi32, #tpu.memory_space<vmem>>, vector<16xi32>,
      %swap3A_1060 = vector.shape_cast %swap3A_1059 : vector<16xi32> to vector<16xi32>
      %swap3A_1061 = vector.shape_cast %broadcast_in_dim3A_1046 : vector<16xi32> to vector<16xi32>
      tpu.vector_store %arg14[%swap3A_1058], %swap3A_1061 {strides = array<i32>} : memref<128xi32, #tpu.memory_space<vmem>>, vector<16xi32>,
      %swap3A_1062 = arith.constant 64 : index
      %swap3A_1063 = tpu.vector_load %arg14[%swap3A_1062] {strides = array<i32>} : memref<128xi32, #tpu.memory_space<vmem>>, vector<16xi32>,
      %swap3A_1064 = vector.shape_cast %swap3A_1063 : vector<16xi32> to vector<16xi32>
      %swap3A_1065 = vector.shape_cast %broadcast_in_dim3A_1046 : vector<16xi32> to vector<16xi32>
      tpu.vector_store %arg14[%swap3A_1062], %swap3A_1065 {strides = array<i32>} : memref<128xi32, #tpu.memory_space<vmem>>, vector<16xi32>,
      %swap3A_1066 = arith.constant 80 : index
      %swap3A_1067 = tpu.vector_load %arg14[%swap3A_1066] {strides = array<i32>} : memref<128xi32, #tpu.memory_space<vmem>>, vector<16xi32>,
      %swap3A_1068 = vector.shape_cast %swap3A_1067 : vector<16xi32> to vector<16xi32>
      %swap3A_1069 = vector.shape_cast %broadcast_in_dim3A_1046 : vector<16xi32> to vector<16xi32>
      tpu.vector_store %arg14[%swap3A_1066], %swap3A_1069 {strides = array<i32>} : memref<128xi32, #tpu.memory_space<vmem>>, vector<16xi32>,
      %swap3A_1070 = arith.constant 96 : index
      %swap3A_1071 = tpu.vector_load %arg14[%swap3A_1070] {strides = array<i32>} : memref<128xi32, #tpu.memory_space<vmem>>, vector<16xi32>,
      %swap3A_1072 = vector.shape_cast %swap3A_1071 : vector<16xi32> to vector<16xi32>
      %swap3A_1073 = vector.shape_cast %broadcast_in_dim3A_1046 : vector<16xi32> to vector<16xi32>
      tpu.vector_store %arg14[%swap3A_1070], %swap3A_1073 {strides = array<i32>} : memref<128xi32, #tpu.memory_space<vmem>>, vector<16xi32>,
      %swap3A_1074 = arith.constant 112 : index
      %swap3A_1075 = tpu.vector_load %arg14[%swap3A_1074] {strides = array<i32>} : memref<128xi32, #tpu.memory_space<vmem>>, vector<16xi32>,
      %swap3A_1076 = vector.shape_cast %swap3A_1075 : vector<16xi32> to vector<16xi32>
      %swap3A_1077 = vector.shape_cast %broadcast_in_dim3A_1046 : vector<16xi32> to vector<16xi32>
      tpu.vector_store %arg14[%swap3A_1074], %swap3A_1077 {strides = array<i32>} : memref<128xi32, #tpu.memory_space<vmem>>, vector<16xi32>,
    } else {
    }
    %dma_start3A_798 = arith.constant 0 : i32
    %dma_start3A_799 = arith.constant 0 : i32
    %dma_start3A_800 = tpu.memref_slice %arg33[%dma_start3A_798, %dma_start3A_799] : memref<1024x128xf32, #tpu.memory_space<vmem_shared>> -> memref<1024x128xf32, #tpu.memory_space<vmem_shared>>
    tpu.enqueue_indirect_dma source(%arg11 : memref<128x128xf32, #tpu.memory_space<vmem>>) target(%dma_start3A_800 : memref<1024x128xf32, #tpu.memory_space<vmem_shared>>) offsets(%arg14 : memref<128xi32, #tpu.memory_space<vmem>>) semaphore(%arg29 : memref<!tpu.dma_semaphore, #tpu.memory_space<semaphore_mem>>) {add = true}
    %dma_start3A_801 = arith.constant 0 : i32
    %dma_start3A_802 = arith.constant 0 : i32
    %dma_start3A_803 = tpu.memref_slice %arg34[%dma_start3A_801, %dma_start3A_802] : memref<1024x16xf32, #tpu.memory_space<vmem_shared>> -> memref<1024x16xf32, #tpu.memory_space<vmem_shared>>
    tpu.enqueue_indirect_dma source(%arg19 : memref<128x16xf32, #tpu.memory_space<vmem>>) target(%dma_start3A_803 : memref<1024x16xf32, #tpu.memory_space<vmem_shared>>) offsets(%arg14 : memref<128xi32, #tpu.memory_space<vmem>>) semaphore(%arg31 : memref<!tpu.dma_semaphore, #tpu.memory_space<semaphore_mem>>) {add = true}
    %dma_wait3A_804 = arith.constant 0 : i32
    %dma_wait3A_805 = arith.constant 0 : i32
    %dma_wait3A_806 = tpu.memref_slice %arg33[%dma_wait3A_804, %dma_wait3A_805] : memref<1024x128xf32, #tpu.memory_space<vmem_shared>> -> memref<1024x128xf32, #tpu.memory_space<vmem_shared>>
    tpu.wait_indirect_dma semaphore(%arg29 : memref<!tpu.dma_semaphore, #tpu.memory_space<semaphore_mem>>) src(%arg11 : memref<128x128xf32, #tpu.memory_space<vmem>>) dst(%dma_wait3A_806 : memref<1024x128xf32, #tpu.memory_space<vmem_shared>>)
    %dma_wait3A_807 = arith.constant 0 : i32
    %dma_wait3A_808 = arith.constant 0 : i32
    %dma_wait3A_809 = tpu.memref_slice %arg34[%dma_wait3A_807, %dma_wait3A_808] : memref<1024x16xf32, #tpu.memory_space<vmem_shared>> -> memref<1024x16xf32, #tpu.memory_space<vmem_shared>>
    tpu.wait_indirect_dma semaphore(%arg31 : memref<!tpu.dma_semaphore, #tpu.memory_space<semaphore_mem>>) src(%arg19 : memref<128x16xf32, #tpu.memory_space<vmem>>) dst(%dma_wait3A_809 : memref<1024x16xf32, #tpu.memory_space<vmem_shared>>)
    %add3A_810 = arith.constant 672 : i32
    %add3A_811 = arith.addi %add3A, %add3A_810 : i32
    %min3A_812 = arith.constant 780 : i32
    %min3A_813 = arith.minsi %add3A_811, %min3A_812 : i32
    %mul3A_814 = arith.constant 128 : i32
    %mul3A_815 = arith.muli %min3A_813, %mul3A_814 : i32
    %dma_start3A_816 = arith.constant 0 : i32
    %dma_start3A_817 = tpu.memref_slice %arg2[%mul3A_815, %dma_start3A_816] : memref<100000x128xf32, #tpu.memory_space<hbm>> -> memref<128x128xf32, #tpu.memory_space<hbm>>
    %dma_start3A_818 = arith.constant 0 : i32
    %dma_start3A_819 = tpu.memref_slice %arg2[%mul3A_815, %dma_start3A_818] : memref<100000x128xf32, #tpu.memory_space<hbm>> -> memref<128x128xf32, #tpu.memory_space<hbm>>
    tpu.enqueue_dma source(%dma_start3A_819 : memref<128x128xf32, #tpu.memory_space<hbm>>) target(%arg11 : memref<128x128xf32, #tpu.memory_space<vmem>>) target_semaphore(%arg23 : memref<!tpu.dma_semaphore, #tpu.memory_space<semaphore_mem>>)
    %dma_start3A_820 = tpu.memref_slice %arg3[%mul3A_815] : memref<100000xi32, #tpu.memory_space<hbm>> -> memref<128xi32, #tpu.memory_space<hbm>>
    %dma_start3A_821 = tpu.memref_slice %arg3[%mul3A_815] : memref<100000xi32, #tpu.memory_space<hbm>> -> memref<128xi32, #tpu.memory_space<hbm>>
    tpu.enqueue_dma source(%dma_start3A_821 : memref<128xi32, #tpu.memory_space<hbm>>) target(%arg14 : memref<128xi32, #tpu.memory_space<vmem>>) target_semaphore(%arg26 : memref<!tpu.dma_semaphore, #tpu.memory_space<semaphore_mem>>)
    %dma_wait3A_822 = arith.constant 0 : i32
    %dma_wait3A_823 = arith.constant 0 : i32
    %dma_wait3A_824 = tpu.memref_slice %arg2[%dma_wait3A_822, %dma_wait3A_823] : memref<100000x128xf32, #tpu.memory_space<hbm>> -> memref<128x128xf32, #tpu.memory_space<hbm>>
    %dma_wait3A_825 = arith.constant 0 : i32
    %dma_wait3A_826 = arith.constant 0 : i32
    %dma_wait3A_827 = tpu.memref_slice %arg2[%dma_wait3A_825, %dma_wait3A_826] : memref<100000x128xf32, #tpu.memory_space<hbm>> -> memref<128x128xf32, #tpu.memory_space<hbm>>
    tpu.wait_dma2 semaphore(%arg24 : memref<!tpu.dma_semaphore, #tpu.memory_space<semaphore_mem>>) src(%dma_wait3A_827 : memref<128x128xf32, #tpu.memory_space<hbm>>) dst(%arg12 : memref<128x128xf32, #tpu.memory_space<vmem>>)
    %dma_wait3A_828 = arith.constant 0 : i32
    %dma_wait3A_829 = tpu.memref_slice %arg3[%dma_wait3A_828] : memref<100000xi32, #tpu.memory_space<hbm>> -> memref<128xi32, #tpu.memory_space<hbm>>
    %dma_wait3A_830 = arith.constant 0 : i32
    %dma_wait3A_831 = tpu.memref_slice %arg3[%dma_wait3A_830] : memref<100000xi32, #tpu.memory_space<hbm>> -> memref<128xi32, #tpu.memory_space<hbm>>
    tpu.wait_dma2 semaphore(%arg27 : memref<!tpu.dma_semaphore, #tpu.memory_space<semaphore_mem>>) src(%dma_wait3A_831 : memref<128xi32, #tpu.memory_space<hbm>>) dst(%arg15 : memref<128xi32, #tpu.memory_space<vmem>>)
    %add3A_832 = arith.constant 608 : i32
    %add3A_833 = arith.addi %add3A, %add3A_832 : i32
    %ge3A_834 = arith.constant 781 : i32
    %ge3A_835 = arith.cmpi sge, %add3A_833, %ge3A_834 : i32
    %convert_element_type3A_836 = arith.extui %ge3A_835 : i1 to i32
    %cond3A_837 = arith.constant 0 : i32
    %cond3A_838 = arith.cmpi ne, %convert_element_type3A_836, %cond3A_837 : i32
    scf.if %cond3A_838 {
      %broadcast_in_dim3A = arith.constant 1023 : i32
      %broadcast_in_dim3A_1046 = vector.broadcast %broadcast_in_dim3A : i32 to vector<16xi32>
      %swap3A = arith.constant 0 : index
      %swap3A_1047 = tpu.vector_load %arg15[%swap3A] {strides = array<i32>} : memref<128xi32, #tpu.memory_space<vmem>>, vector<16xi32>,
      %swap3A_1048 = vector.shape_cast %swap3A_1047 : vector<16xi32> to vector<16xi32>
      %swap3A_1049 = vector.shape_cast %broadcast_in_dim3A_1046 : vector<16xi32> to vector<16xi32>
      tpu.vector_store %arg15[%swap3A], %swap3A_1049 {strides = array<i32>} : memref<128xi32, #tpu.memory_space<vmem>>, vector<16xi32>,
      %swap3A_1050 = arith.constant 16 : index
      %swap3A_1051 = tpu.vector_load %arg15[%swap3A_1050] {strides = array<i32>} : memref<128xi32, #tpu.memory_space<vmem>>, vector<16xi32>,
      %swap3A_1052 = vector.shape_cast %swap3A_1051 : vector<16xi32> to vector<16xi32>
      %swap3A_1053 = vector.shape_cast %broadcast_in_dim3A_1046 : vector<16xi32> to vector<16xi32>
      tpu.vector_store %arg15[%swap3A_1050], %swap3A_1053 {strides = array<i32>} : memref<128xi32, #tpu.memory_space<vmem>>, vector<16xi32>,
      %swap3A_1054 = arith.constant 32 : index
      %swap3A_1055 = tpu.vector_load %arg15[%swap3A_1054] {strides = array<i32>} : memref<128xi32, #tpu.memory_space<vmem>>, vector<16xi32>,
      %swap3A_1056 = vector.shape_cast %swap3A_1055 : vector<16xi32> to vector<16xi32>
      %swap3A_1057 = vector.shape_cast %broadcast_in_dim3A_1046 : vector<16xi32> to vector<16xi32>
      tpu.vector_store %arg15[%swap3A_1054], %swap3A_1057 {strides = array<i32>} : memref<128xi32, #tpu.memory_space<vmem>>, vector<16xi32>,
      %swap3A_1058 = arith.constant 48 : index
      %swap3A_1059 = tpu.vector_load %arg15[%swap3A_1058] {strides = array<i32>} : memref<128xi32, #tpu.memory_space<vmem>>, vector<16xi32>,
      %swap3A_1060 = vector.shape_cast %swap3A_1059 : vector<16xi32> to vector<16xi32>
      %swap3A_1061 = vector.shape_cast %broadcast_in_dim3A_1046 : vector<16xi32> to vector<16xi32>
      tpu.vector_store %arg15[%swap3A_1058], %swap3A_1061 {strides = array<i32>} : memref<128xi32, #tpu.memory_space<vmem>>, vector<16xi32>,
      %swap3A_1062 = arith.constant 64 : index
      %swap3A_1063 = tpu.vector_load %arg15[%swap3A_1062] {strides = array<i32>} : memref<128xi32, #tpu.memory_space<vmem>>, vector<16xi32>,
      %swap3A_1064 = vector.shape_cast %swap3A_1063 : vector<16xi32> to vector<16xi32>
      %swap3A_1065 = vector.shape_cast %broadcast_in_dim3A_1046 : vector<16xi32> to vector<16xi32>
      tpu.vector_store %arg15[%swap3A_1062], %swap3A_1065 {strides = array<i32>} : memref<128xi32, #tpu.memory_space<vmem>>, vector<16xi32>,
      %swap3A_1066 = arith.constant 80 : index
      %swap3A_1067 = tpu.vector_load %arg15[%swap3A_1066] {strides = array<i32>} : memref<128xi32, #tpu.memory_space<vmem>>, vector<16xi32>,
      %swap3A_1068 = vector.shape_cast %swap3A_1067 : vector<16xi32> to vector<16xi32>
      %swap3A_1069 = vector.shape_cast %broadcast_in_dim3A_1046 : vector<16xi32> to vector<16xi32>
      tpu.vector_store %arg15[%swap3A_1066], %swap3A_1069 {strides = array<i32>} : memref<128xi32, #tpu.memory_space<vmem>>, vector<16xi32>,
      %swap3A_1070 = arith.constant 96 : index
      %swap3A_1071 = tpu.vector_load %arg15[%swap3A_1070] {strides = array<i32>} : memref<128xi32, #tpu.memory_space<vmem>>, vector<16xi32>,
      %swap3A_1072 = vector.shape_cast %swap3A_1071 : vector<16xi32> to vector<16xi32>
      %swap3A_1073 = vector.shape_cast %broadcast_in_dim3A_1046 : vector<16xi32> to vector<16xi32>
      tpu.vector_store %arg15[%swap3A_1070], %swap3A_1073 {strides = array<i32>} : memref<128xi32, #tpu.memory_space<vmem>>, vector<16xi32>,
      %swap3A_1074 = arith.constant 112 : index
      %swap3A_1075 = tpu.vector_load %arg15[%swap3A_1074] {strides = array<i32>} : memref<128xi32, #tpu.memory_space<vmem>>, vector<16xi32>,
      %swap3A_1076 = vector.shape_cast %swap3A_1075 : vector<16xi32> to vector<16xi32>
      %swap3A_1077 = vector.shape_cast %broadcast_in_dim3A_1046 : vector<16xi32> to vector<16xi32>
      tpu.vector_store %arg15[%swap3A_1074], %swap3A_1077 {strides = array<i32>} : memref<128xi32, #tpu.memory_space<vmem>>, vector<16xi32>,
    } else {
    }
    %dma_start3A_839 = arith.constant 0 : i32
    %dma_start3A_840 = arith.constant 0 : i32
    %dma_start3A_841 = tpu.memref_slice %arg33[%dma_start3A_839, %dma_start3A_840] : memref<1024x128xf32, #tpu.memory_space<vmem_shared>> -> memref<1024x128xf32, #tpu.memory_space<vmem_shared>>
    tpu.enqueue_indirect_dma source(%arg12 : memref<128x128xf32, #tpu.memory_space<vmem>>) target(%dma_start3A_841 : memref<1024x128xf32, #tpu.memory_space<vmem_shared>>) offsets(%arg15 : memref<128xi32, #tpu.memory_space<vmem>>) semaphore(%arg30 : memref<!tpu.dma_semaphore, #tpu.memory_space<semaphore_mem>>) {add = true}
    %dma_start3A_842 = arith.constant 0 : i32
    %dma_start3A_843 = arith.constant 0 : i32
    %dma_start3A_844 = tpu.memref_slice %arg34[%dma_start3A_842, %dma_start3A_843] : memref<1024x16xf32, #tpu.memory_space<vmem_shared>> -> memref<1024x16xf32, #tpu.memory_space<vmem_shared>>
    tpu.enqueue_indirect_dma source(%arg19 : memref<128x16xf32, #tpu.memory_space<vmem>>) target(%dma_start3A_844 : memref<1024x16xf32, #tpu.memory_space<vmem_shared>>) offsets(%arg15 : memref<128xi32, #tpu.memory_space<vmem>>) semaphore(%arg32 : memref<!tpu.dma_semaphore, #tpu.memory_space<semaphore_mem>>) {add = true}
    %dma_wait3A_845 = arith.constant 0 : i32
    %dma_wait3A_846 = arith.constant 0 : i32
    %dma_wait3A_847 = tpu.memref_slice %arg33[%dma_wait3A_845, %dma_wait3A_846] : memref<1024x128xf32, #tpu.memory_space<vmem_shared>> -> memref<1024x128xf32, #tpu.memory_space<vmem_shared>>
    tpu.wait_indirect_dma semaphore(%arg30 : memref<!tpu.dma_semaphore, #tpu.memory_space<semaphore_mem>>) src(%arg12 : memref<128x128xf32, #tpu.memory_space<vmem>>) dst(%dma_wait3A_847 : memref<1024x128xf32, #tpu.memory_space<vmem_shared>>)
    %dma_wait3A_848 = arith.constant 0 : i32
    %dma_wait3A_849 = arith.constant 0 : i32
    %dma_wait3A_850 = tpu.memref_slice %arg34[%dma_wait3A_848, %dma_wait3A_849] : memref<1024x16xf32, #tpu.memory_space<vmem_shared>> -> memref<1024x16xf32, #tpu.memory_space<vmem_shared>>
    tpu.wait_indirect_dma semaphore(%arg32 : memref<!tpu.dma_semaphore, #tpu.memory_space<semaphore_mem>>) src(%arg19 : memref<128x16xf32, #tpu.memory_space<vmem>>) dst(%dma_wait3A_850 : memref<1024x16xf32, #tpu.memory_space<vmem_shared>>)
    %add3A_851 = arith.constant 704 : i32
    %add3A_852 = arith.addi %add3A, %add3A_851 : i32
    %min3A_853 = arith.constant 780 : i32
    %min3A_854 = arith.minsi %add3A_852, %min3A_853 : i32
    %mul3A_855 = arith.constant 128 : i32
    %mul3A_856 = arith.muli %min3A_854, %mul3A_855 : i32
    %dma_start3A_857 = arith.constant 0 : i32
    %dma_start3A_858 = tpu.memref_slice %arg2[%mul3A_856, %dma_start3A_857] : memref<100000x128xf32, #tpu.memory_space<hbm>> -> memref<128x128xf32, #tpu.memory_space<hbm>>
    %dma_start3A_859 = arith.constant 0 : i32
    %dma_start3A_860 = tpu.memref_slice %arg2[%mul3A_856, %dma_start3A_859] : memref<100000x128xf32, #tpu.memory_space<hbm>> -> memref<128x128xf32, #tpu.memory_space<hbm>>
    tpu.enqueue_dma source(%dma_start3A_860 : memref<128x128xf32, #tpu.memory_space<hbm>>) target(%arg12 : memref<128x128xf32, #tpu.memory_space<vmem>>) target_semaphore(%arg24 : memref<!tpu.dma_semaphore, #tpu.memory_space<semaphore_mem>>)
    %dma_start3A_861 = tpu.memref_slice %arg3[%mul3A_856] : memref<100000xi32, #tpu.memory_space<hbm>> -> memref<128xi32, #tpu.memory_space<hbm>>
    %dma_start3A_862 = tpu.memref_slice %arg3[%mul3A_856] : memref<100000xi32, #tpu.memory_space<hbm>> -> memref<128xi32, #tpu.memory_space<hbm>>
    tpu.enqueue_dma source(%dma_start3A_862 : memref<128xi32, #tpu.memory_space<hbm>>) target(%arg15 : memref<128xi32, #tpu.memory_space<vmem>>) target_semaphore(%arg27 : memref<!tpu.dma_semaphore, #tpu.memory_space<semaphore_mem>>)
    %dma_wait3A_863 = arith.constant 0 : i32
    %dma_wait3A_864 = arith.constant 0 : i32
    %dma_wait3A_865 = tpu.memref_slice %arg2[%dma_wait3A_863, %dma_wait3A_864] : memref<100000x128xf32, #tpu.memory_space<hbm>> -> memref<128x128xf32, #tpu.memory_space<hbm>>
    %dma_wait3A_866 = arith.constant 0 : i32
    %dma_wait3A_867 = arith.constant 0 : i32
    %dma_wait3A_868 = tpu.memref_slice %arg2[%dma_wait3A_866, %dma_wait3A_867] : memref<100000x128xf32, #tpu.memory_space<hbm>> -> memref<128x128xf32, #tpu.memory_space<hbm>>
    tpu.wait_dma2 semaphore(%arg25 : memref<!tpu.dma_semaphore, #tpu.memory_space<semaphore_mem>>) src(%dma_wait3A_868 : memref<128x128xf32, #tpu.memory_space<hbm>>) dst(%arg13 : memref<128x128xf32, #tpu.memory_space<vmem>>)
    %dma_wait3A_869 = arith.constant 0 : i32
    %dma_wait3A_870 = tpu.memref_slice %arg3[%dma_wait3A_869] : memref<100000xi32, #tpu.memory_space<hbm>> -> memref<128xi32, #tpu.memory_space<hbm>>
    %dma_wait3A_871 = arith.constant 0 : i32
    %dma_wait3A_872 = tpu.memref_slice %arg3[%dma_wait3A_871] : memref<100000xi32, #tpu.memory_space<hbm>> -> memref<128xi32, #tpu.memory_space<hbm>>
    tpu.wait_dma2 semaphore(%arg28 : memref<!tpu.dma_semaphore, #tpu.memory_space<semaphore_mem>>) src(%dma_wait3A_872 : memref<128xi32, #tpu.memory_space<hbm>>) dst(%arg16 : memref<128xi32, #tpu.memory_space<vmem>>)
    %add3A_873 = arith.constant 640 : i32
    %add3A_874 = arith.addi %add3A, %add3A_873 : i32
    %ge3A_875 = arith.constant 781 : i32
    %ge3A_876 = arith.cmpi sge, %add3A_874, %ge3A_875 : i32
    %convert_element_type3A_877 = arith.extui %ge3A_876 : i1 to i32
    %cond3A_878 = arith.constant 0 : i32
    %cond3A_879 = arith.cmpi ne, %convert_element_type3A_877, %cond3A_878 : i32
    scf.if %cond3A_879 {
      %broadcast_in_dim3A = arith.constant 1023 : i32
      %broadcast_in_dim3A_1046 = vector.broadcast %broadcast_in_dim3A : i32 to vector<16xi32>
      %swap3A = arith.constant 0 : index
      %swap3A_1047 = tpu.vector_load %arg16[%swap3A] {strides = array<i32>} : memref<128xi32, #tpu.memory_space<vmem>>, vector<16xi32>,
      %swap3A_1048 = vector.shape_cast %swap3A_1047 : vector<16xi32> to vector<16xi32>
      %swap3A_1049 = vector.shape_cast %broadcast_in_dim3A_1046 : vector<16xi32> to vector<16xi32>
      tpu.vector_store %arg16[%swap3A], %swap3A_1049 {strides = array<i32>} : memref<128xi32, #tpu.memory_space<vmem>>, vector<16xi32>,
      %swap3A_1050 = arith.constant 16 : index
      %swap3A_1051 = tpu.vector_load %arg16[%swap3A_1050] {strides = array<i32>} : memref<128xi32, #tpu.memory_space<vmem>>, vector<16xi32>,
      %swap3A_1052 = vector.shape_cast %swap3A_1051 : vector<16xi32> to vector<16xi32>
      %swap3A_1053 = vector.shape_cast %broadcast_in_dim3A_1046 : vector<16xi32> to vector<16xi32>
      tpu.vector_store %arg16[%swap3A_1050], %swap3A_1053 {strides = array<i32>} : memref<128xi32, #tpu.memory_space<vmem>>, vector<16xi32>,
      %swap3A_1054 = arith.constant 32 : index
      %swap3A_1055 = tpu.vector_load %arg16[%swap3A_1054] {strides = array<i32>} : memref<128xi32, #tpu.memory_space<vmem>>, vector<16xi32>,
      %swap3A_1056 = vector.shape_cast %swap3A_1055 : vector<16xi32> to vector<16xi32>
      %swap3A_1057 = vector.shape_cast %broadcast_in_dim3A_1046 : vector<16xi32> to vector<16xi32>
      tpu.vector_store %arg16[%swap3A_1054], %swap3A_1057 {strides = array<i32>} : memref<128xi32, #tpu.memory_space<vmem>>, vector<16xi32>,
      %swap3A_1058 = arith.constant 48 : index
      %swap3A_1059 = tpu.vector_load %arg16[%swap3A_1058] {strides = array<i32>} : memref<128xi32, #tpu.memory_space<vmem>>, vector<16xi32>,
      %swap3A_1060 = vector.shape_cast %swap3A_1059 : vector<16xi32> to vector<16xi32>
      %swap3A_1061 = vector.shape_cast %broadcast_in_dim3A_1046 : vector<16xi32> to vector<16xi32>
      tpu.vector_store %arg16[%swap3A_1058], %swap3A_1061 {strides = array<i32>} : memref<128xi32, #tpu.memory_space<vmem>>, vector<16xi32>,
      %swap3A_1062 = arith.constant 64 : index
      %swap3A_1063 = tpu.vector_load %arg16[%swap3A_1062] {strides = array<i32>} : memref<128xi32, #tpu.memory_space<vmem>>, vector<16xi32>,
      %swap3A_1064 = vector.shape_cast %swap3A_1063 : vector<16xi32> to vector<16xi32>
      %swap3A_1065 = vector.shape_cast %broadcast_in_dim3A_1046 : vector<16xi32> to vector<16xi32>
      tpu.vector_store %arg16[%swap3A_1062], %swap3A_1065 {strides = array<i32>} : memref<128xi32, #tpu.memory_space<vmem>>, vector<16xi32>,
      %swap3A_1066 = arith.constant 80 : index
      %swap3A_1067 = tpu.vector_load %arg16[%swap3A_1066] {strides = array<i32>} : memref<128xi32, #tpu.memory_space<vmem>>, vector<16xi32>,
      %swap3A_1068 = vector.shape_cast %swap3A_1067 : vector<16xi32> to vector<16xi32>
      %swap3A_1069 = vector.shape_cast %broadcast_in_dim3A_1046 : vector<16xi32> to vector<16xi32>
      tpu.vector_store %arg16[%swap3A_1066], %swap3A_1069 {strides = array<i32>} : memref<128xi32, #tpu.memory_space<vmem>>, vector<16xi32>,
      %swap3A_1070 = arith.constant 96 : index
      %swap3A_1071 = tpu.vector_load %arg16[%swap3A_1070] {strides = array<i32>} : memref<128xi32, #tpu.memory_space<vmem>>, vector<16xi32>,
      %swap3A_1072 = vector.shape_cast %swap3A_1071 : vector<16xi32> to vector<16xi32>
      %swap3A_1073 = vector.shape_cast %broadcast_in_dim3A_1046 : vector<16xi32> to vector<16xi32>
      tpu.vector_store %arg16[%swap3A_1070], %swap3A_1073 {strides = array<i32>} : memref<128xi32, #tpu.memory_space<vmem>>, vector<16xi32>,
      %swap3A_1074 = arith.constant 112 : index
      %swap3A_1075 = tpu.vector_load %arg16[%swap3A_1074] {strides = array<i32>} : memref<128xi32, #tpu.memory_space<vmem>>, vector<16xi32>,
      %swap3A_1076 = vector.shape_cast %swap3A_1075 : vector<16xi32> to vector<16xi32>
      %swap3A_1077 = vector.shape_cast %broadcast_in_dim3A_1046 : vector<16xi32> to vector<16xi32>
      tpu.vector_store %arg16[%swap3A_1074], %swap3A_1077 {strides = array<i32>} : memref<128xi32, #tpu.memory_space<vmem>>, vector<16xi32>,
    } else {
    }
    %dma_start3A_880 = arith.constant 0 : i32
    %dma_start3A_881 = arith.constant 0 : i32
    %dma_start3A_882 = tpu.memref_slice %arg33[%dma_start3A_880, %dma_start3A_881] : memref<1024x128xf32, #tpu.memory_space<vmem_shared>> -> memref<1024x128xf32, #tpu.memory_space<vmem_shared>>
    tpu.enqueue_indirect_dma source(%arg13 : memref<128x128xf32, #tpu.memory_space<vmem>>) target(%dma_start3A_882 : memref<1024x128xf32, #tpu.memory_space<vmem_shared>>) offsets(%arg16 : memref<128xi32, #tpu.memory_space<vmem>>) semaphore(%arg29 : memref<!tpu.dma_semaphore, #tpu.memory_space<semaphore_mem>>) {add = true}
    %dma_start3A_883 = arith.constant 0 : i32
    %dma_start3A_884 = arith.constant 0 : i32
    %dma_start3A_885 = tpu.memref_slice %arg34[%dma_start3A_883, %dma_start3A_884] : memref<1024x16xf32, #tpu.memory_space<vmem_shared>> -> memref<1024x16xf32, #tpu.memory_space<vmem_shared>>
    tpu.enqueue_indirect_dma source(%arg19 : memref<128x16xf32, #tpu.memory_space<vmem>>) target(%dma_start3A_885 : memref<1024x16xf32, #tpu.memory_space<vmem_shared>>) offsets(%arg16 : memref<128xi32, #tpu.memory_space<vmem>>) semaphore(%arg31 : memref<!tpu.dma_semaphore, #tpu.memory_space<semaphore_mem>>) {add = true}
    %dma_wait3A_886 = arith.constant 0 : i32
    %dma_wait3A_887 = arith.constant 0 : i32
    %dma_wait3A_888 = tpu.memref_slice %arg33[%dma_wait3A_886, %dma_wait3A_887] : memref<1024x128xf32, #tpu.memory_space<vmem_shared>> -> memref<1024x128xf32, #tpu.memory_space<vmem_shared>>
    tpu.wait_indirect_dma semaphore(%arg29 : memref<!tpu.dma_semaphore, #tpu.memory_space<semaphore_mem>>) src(%arg13 : memref<128x128xf32, #tpu.memory_space<vmem>>) dst(%dma_wait3A_888 : memref<1024x128xf32, #tpu.memory_space<vmem_shared>>)
    %dma_wait3A_889 = arith.constant 0 : i32
    %dma_wait3A_890 = arith.constant 0 : i32
    %dma_wait3A_891 = tpu.memref_slice %arg34[%dma_wait3A_889, %dma_wait3A_890] : memref<1024x16xf32, #tpu.memory_space<vmem_shared>> -> memref<1024x16xf32, #tpu.memory_space<vmem_shared>>
    tpu.wait_indirect_dma semaphore(%arg31 : memref<!tpu.dma_semaphore, #tpu.memory_space<semaphore_mem>>) src(%arg19 : memref<128x16xf32, #tpu.memory_space<vmem>>) dst(%dma_wait3A_891 : memref<1024x16xf32, #tpu.memory_space<vmem_shared>>)
    %add3A_892 = arith.constant 736 : i32
    %add3A_893 = arith.addi %add3A, %add3A_892 : i32
    %min3A_894 = arith.constant 780 : i32
    %min3A_895 = arith.minsi %add3A_893, %min3A_894 : i32
    %mul3A_896 = arith.constant 128 : i32
    %mul3A_897 = arith.muli %min3A_895, %mul3A_896 : i32
    %dma_start3A_898 = arith.constant 0 : i32
    %dma_start3A_899 = tpu.memref_slice %arg2[%mul3A_897, %dma_start3A_898] : memref<100000x128xf32, #tpu.memory_space<hbm>> -> memref<128x128xf32, #tpu.memory_space<hbm>>
    %dma_start3A_900 = arith.constant 0 : i32
    %dma_start3A_901 = tpu.memref_slice %arg2[%mul3A_897, %dma_start3A_900] : memref<100000x128xf32, #tpu.memory_space<hbm>> -> memref<128x128xf32, #tpu.memory_space<hbm>>
    tpu.enqueue_dma source(%dma_start3A_901 : memref<128x128xf32, #tpu.memory_space<hbm>>) target(%arg13 : memref<128x128xf32, #tpu.memory_space<vmem>>) target_semaphore(%arg25 : memref<!tpu.dma_semaphore, #tpu.memory_space<semaphore_mem>>)
    %dma_start3A_902 = tpu.memref_slice %arg3[%mul3A_897] : memref<100000xi32, #tpu.memory_space<hbm>> -> memref<128xi32, #tpu.memory_space<hbm>>
    %dma_start3A_903 = tpu.memref_slice %arg3[%mul3A_897] : memref<100000xi32, #tpu.memory_space<hbm>> -> memref<128xi32, #tpu.memory_space<hbm>>
    tpu.enqueue_dma source(%dma_start3A_903 : memref<128xi32, #tpu.memory_space<hbm>>) target(%arg16 : memref<128xi32, #tpu.memory_space<vmem>>) target_semaphore(%arg28 : memref<!tpu.dma_semaphore, #tpu.memory_space<semaphore_mem>>)
    %dma_wait3A_904 = arith.constant 0 : i32
    %dma_wait3A_905 = arith.constant 0 : i32
    %dma_wait3A_906 = tpu.memref_slice %arg2[%dma_wait3A_904, %dma_wait3A_905] : memref<100000x128xf32, #tpu.memory_space<hbm>> -> memref<128x128xf32, #tpu.memory_space<hbm>>
    %dma_wait3A_907 = arith.constant 0 : i32
    %dma_wait3A_908 = arith.constant 0 : i32
    %dma_wait3A_909 = tpu.memref_slice %arg2[%dma_wait3A_907, %dma_wait3A_908] : memref<100000x128xf32, #tpu.memory_space<hbm>> -> memref<128x128xf32, #tpu.memory_space<hbm>>
    tpu.wait_dma2 semaphore(%arg23 : memref<!tpu.dma_semaphore, #tpu.memory_space<semaphore_mem>>) src(%dma_wait3A_909 : memref<128x128xf32, #tpu.memory_space<hbm>>) dst(%arg11 : memref<128x128xf32, #tpu.memory_space<vmem>>)
    %dma_wait3A_910 = arith.constant 0 : i32
    %dma_wait3A_911 = tpu.memref_slice %arg3[%dma_wait3A_910] : memref<100000xi32, #tpu.memory_space<hbm>> -> memref<128xi32, #tpu.memory_space<hbm>>
    %dma_wait3A_912 = arith.constant 0 : i32
    %dma_wait3A_913 = tpu.memref_slice %arg3[%dma_wait3A_912] : memref<100000xi32, #tpu.memory_space<hbm>> -> memref<128xi32, #tpu.memory_space<hbm>>
    tpu.wait_dma2 semaphore(%arg26 : memref<!tpu.dma_semaphore, #tpu.memory_space<semaphore_mem>>) src(%dma_wait3A_913 : memref<128xi32, #tpu.memory_space<hbm>>) dst(%arg14 : memref<128xi32, #tpu.memory_space<vmem>>)
    %add3A_914 = arith.constant 672 : i32
    %add3A_915 = arith.addi %add3A, %add3A_914 : i32
    %ge3A_916 = arith.constant 781 : i32
    %ge3A_917 = arith.cmpi sge, %add3A_915, %ge3A_916 : i32
    %convert_element_type3A_918 = arith.extui %ge3A_917 : i1 to i32
    %cond3A_919 = arith.constant 0 : i32
    %cond3A_920 = arith.cmpi ne, %convert_element_type3A_918, %cond3A_919 : i32
    scf.if %cond3A_920 {
      %broadcast_in_dim3A = arith.constant 1023 : i32
      %broadcast_in_dim3A_1046 = vector.broadcast %broadcast_in_dim3A : i32 to vector<16xi32>
      %swap3A = arith.constant 0 : index
      %swap3A_1047 = tpu.vector_load %arg14[%swap3A] {strides = array<i32>} : memref<128xi32, #tpu.memory_space<vmem>>, vector<16xi32>,
      %swap3A_1048 = vector.shape_cast %swap3A_1047 : vector<16xi32> to vector<16xi32>
      %swap3A_1049 = vector.shape_cast %broadcast_in_dim3A_1046 : vector<16xi32> to vector<16xi32>
      tpu.vector_store %arg14[%swap3A], %swap3A_1049 {strides = array<i32>} : memref<128xi32, #tpu.memory_space<vmem>>, vector<16xi32>,
      %swap3A_1050 = arith.constant 16 : index
      %swap3A_1051 = tpu.vector_load %arg14[%swap3A_1050] {strides = array<i32>} : memref<128xi32, #tpu.memory_space<vmem>>, vector<16xi32>,
      %swap3A_1052 = vector.shape_cast %swap3A_1051 : vector<16xi32> to vector<16xi32>
      %swap3A_1053 = vector.shape_cast %broadcast_in_dim3A_1046 : vector<16xi32> to vector<16xi32>
      tpu.vector_store %arg14[%swap3A_1050], %swap3A_1053 {strides = array<i32>} : memref<128xi32, #tpu.memory_space<vmem>>, vector<16xi32>,
      %swap3A_1054 = arith.constant 32 : index
      %swap3A_1055 = tpu.vector_load %arg14[%swap3A_1054] {strides = array<i32>} : memref<128xi32, #tpu.memory_space<vmem>>, vector<16xi32>,
      %swap3A_1056 = vector.shape_cast %swap3A_1055 : vector<16xi32> to vector<16xi32>
      %swap3A_1057 = vector.shape_cast %broadcast_in_dim3A_1046 : vector<16xi32> to vector<16xi32>
      tpu.vector_store %arg14[%swap3A_1054], %swap3A_1057 {strides = array<i32>} : memref<128xi32, #tpu.memory_space<vmem>>, vector<16xi32>,
      %swap3A_1058 = arith.constant 48 : index
      %swap3A_1059 = tpu.vector_load %arg14[%swap3A_1058] {strides = array<i32>} : memref<128xi32, #tpu.memory_space<vmem>>, vector<16xi32>,
      %swap3A_1060 = vector.shape_cast %swap3A_1059 : vector<16xi32> to vector<16xi32>
      %swap3A_1061 = vector.shape_cast %broadcast_in_dim3A_1046 : vector<16xi32> to vector<16xi32>
      tpu.vector_store %arg14[%swap3A_1058], %swap3A_1061 {strides = array<i32>} : memref<128xi32, #tpu.memory_space<vmem>>, vector<16xi32>,
      %swap3A_1062 = arith.constant 64 : index
      %swap3A_1063 = tpu.vector_load %arg14[%swap3A_1062] {strides = array<i32>} : memref<128xi32, #tpu.memory_space<vmem>>, vector<16xi32>,
      %swap3A_1064 = vector.shape_cast %swap3A_1063 : vector<16xi32> to vector<16xi32>
      %swap3A_1065 = vector.shape_cast %broadcast_in_dim3A_1046 : vector<16xi32> to vector<16xi32>
      tpu.vector_store %arg14[%swap3A_1062], %swap3A_1065 {strides = array<i32>} : memref<128xi32, #tpu.memory_space<vmem>>, vector<16xi32>,
      %swap3A_1066 = arith.constant 80 : index
      %swap3A_1067 = tpu.vector_load %arg14[%swap3A_1066] {strides = array<i32>} : memref<128xi32, #tpu.memory_space<vmem>>, vector<16xi32>,
      %swap3A_1068 = vector.shape_cast %swap3A_1067 : vector<16xi32> to vector<16xi32>
      %swap3A_1069 = vector.shape_cast %broadcast_in_dim3A_1046 : vector<16xi32> to vector<16xi32>
      tpu.vector_store %arg14[%swap3A_1066], %swap3A_1069 {strides = array<i32>} : memref<128xi32, #tpu.memory_space<vmem>>, vector<16xi32>,
      %swap3A_1070 = arith.constant 96 : index
      %swap3A_1071 = tpu.vector_load %arg14[%swap3A_1070] {strides = array<i32>} : memref<128xi32, #tpu.memory_space<vmem>>, vector<16xi32>,
      %swap3A_1072 = vector.shape_cast %swap3A_1071 : vector<16xi32> to vector<16xi32>
      %swap3A_1073 = vector.shape_cast %broadcast_in_dim3A_1046 : vector<16xi32> to vector<16xi32>
      tpu.vector_store %arg14[%swap3A_1070], %swap3A_1073 {strides = array<i32>} : memref<128xi32, #tpu.memory_space<vmem>>, vector<16xi32>,
      %swap3A_1074 = arith.constant 112 : index
      %swap3A_1075 = tpu.vector_load %arg14[%swap3A_1074] {strides = array<i32>} : memref<128xi32, #tpu.memory_space<vmem>>, vector<16xi32>,
      %swap3A_1076 = vector.shape_cast %swap3A_1075 : vector<16xi32> to vector<16xi32>
      %swap3A_1077 = vector.shape_cast %broadcast_in_dim3A_1046 : vector<16xi32> to vector<16xi32>
      tpu.vector_store %arg14[%swap3A_1074], %swap3A_1077 {strides = array<i32>} : memref<128xi32, #tpu.memory_space<vmem>>, vector<16xi32>,
    } else {
    }
    %dma_start3A_921 = arith.constant 0 : i32
    %dma_start3A_922 = arith.constant 0 : i32
    %dma_start3A_923 = tpu.memref_slice %arg33[%dma_start3A_921, %dma_start3A_922] : memref<1024x128xf32, #tpu.memory_space<vmem_shared>> -> memref<1024x128xf32, #tpu.memory_space<vmem_shared>>
    tpu.enqueue_indirect_dma source(%arg11 : memref<128x128xf32, #tpu.memory_space<vmem>>) target(%dma_start3A_923 : memref<1024x128xf32, #tpu.memory_space<vmem_shared>>) offsets(%arg14 : memref<128xi32, #tpu.memory_space<vmem>>) semaphore(%arg30 : memref<!tpu.dma_semaphore, #tpu.memory_space<semaphore_mem>>) {add = true}
    %dma_start3A_924 = arith.constant 0 : i32
    %dma_start3A_925 = arith.constant 0 : i32
    %dma_start3A_926 = tpu.memref_slice %arg34[%dma_start3A_924, %dma_start3A_925] : memref<1024x16xf32, #tpu.memory_space<vmem_shared>> -> memref<1024x16xf32, #tpu.memory_space<vmem_shared>>
    tpu.enqueue_indirect_dma source(%arg19 : memref<128x16xf32, #tpu.memory_space<vmem>>) target(%dma_start3A_926 : memref<1024x16xf32, #tpu.memory_space<vmem_shared>>) offsets(%arg14 : memref<128xi32, #tpu.memory_space<vmem>>) semaphore(%arg32 : memref<!tpu.dma_semaphore, #tpu.memory_space<semaphore_mem>>) {add = true}
    %dma_wait3A_927 = arith.constant 0 : i32
    %dma_wait3A_928 = arith.constant 0 : i32
    %dma_wait3A_929 = tpu.memref_slice %arg33[%dma_wait3A_927, %dma_wait3A_928] : memref<1024x128xf32, #tpu.memory_space<vmem_shared>> -> memref<1024x128xf32, #tpu.memory_space<vmem_shared>>
    tpu.wait_indirect_dma semaphore(%arg30 : memref<!tpu.dma_semaphore, #tpu.memory_space<semaphore_mem>>) src(%arg11 : memref<128x128xf32, #tpu.memory_space<vmem>>) dst(%dma_wait3A_929 : memref<1024x128xf32, #tpu.memory_space<vmem_shared>>)
    %dma_wait3A_930 = arith.constant 0 : i32
    %dma_wait3A_931 = arith.constant 0 : i32
    %dma_wait3A_932 = tpu.memref_slice %arg34[%dma_wait3A_930, %dma_wait3A_931] : memref<1024x16xf32, #tpu.memory_space<vmem_shared>> -> memref<1024x16xf32, #tpu.memory_space<vmem_shared>>
    tpu.wait_indirect_dma semaphore(%arg32 : memref<!tpu.dma_semaphore, #tpu.memory_space<semaphore_mem>>) src(%arg19 : memref<128x16xf32, #tpu.memory_space<vmem>>) dst(%dma_wait3A_932 : memref<1024x16xf32, #tpu.memory_space<vmem_shared>>)
    %add3A_933 = arith.constant 768 : i32
    %add3A_934 = arith.addi %add3A, %add3A_933 : i32
    %min3A_935 = arith.constant 780 : i32
    %min3A_936 = arith.minsi %add3A_934, %min3A_935 : i32
    %mul3A_937 = arith.constant 128 : i32
    %mul3A_938 = arith.muli %min3A_936, %mul3A_937 : i32
    %dma_start3A_939 = arith.constant 0 : i32
    %dma_start3A_940 = tpu.memref_slice %arg2[%mul3A_938, %dma_start3A_939] : memref<100000x128xf32, #tpu.memory_space<hbm>> -> memref<128x128xf32, #tpu.memory_space<hbm>>
    %dma_start3A_941 = arith.constant 0 : i32
    %dma_start3A_942 = tpu.memref_slice %arg2[%mul3A_938, %dma_start3A_941] : memref<100000x128xf32, #tpu.memory_space<hbm>> -> memref<128x128xf32, #tpu.memory_space<hbm>>
    tpu.enqueue_dma source(%dma_start3A_942 : memref<128x128xf32, #tpu.memory_space<hbm>>) target(%arg11 : memref<128x128xf32, #tpu.memory_space<vmem>>) target_semaphore(%arg23 : memref<!tpu.dma_semaphore, #tpu.memory_space<semaphore_mem>>)
    %dma_start3A_943 = tpu.memref_slice %arg3[%mul3A_938] : memref<100000xi32, #tpu.memory_space<hbm>> -> memref<128xi32, #tpu.memory_space<hbm>>
    %dma_start3A_944 = tpu.memref_slice %arg3[%mul3A_938] : memref<100000xi32, #tpu.memory_space<hbm>> -> memref<128xi32, #tpu.memory_space<hbm>>
    tpu.enqueue_dma source(%dma_start3A_944 : memref<128xi32, #tpu.memory_space<hbm>>) target(%arg14 : memref<128xi32, #tpu.memory_space<vmem>>) target_semaphore(%arg26 : memref<!tpu.dma_semaphore, #tpu.memory_space<semaphore_mem>>)
    %dma_wait3A_945 = arith.constant 0 : i32
    %dma_wait3A_946 = arith.constant 0 : i32
    %dma_wait3A_947 = tpu.memref_slice %arg2[%dma_wait3A_945, %dma_wait3A_946] : memref<100000x128xf32, #tpu.memory_space<hbm>> -> memref<128x128xf32, #tpu.memory_space<hbm>>
    %dma_wait3A_948 = arith.constant 0 : i32
    %dma_wait3A_949 = arith.constant 0 : i32
    %dma_wait3A_950 = tpu.memref_slice %arg2[%dma_wait3A_948, %dma_wait3A_949] : memref<100000x128xf32, #tpu.memory_space<hbm>> -> memref<128x128xf32, #tpu.memory_space<hbm>>
    tpu.wait_dma2 semaphore(%arg24 : memref<!tpu.dma_semaphore, #tpu.memory_space<semaphore_mem>>) src(%dma_wait3A_950 : memref<128x128xf32, #tpu.memory_space<hbm>>) dst(%arg12 : memref<128x128xf32, #tpu.memory_space<vmem>>)
    %dma_wait3A_951 = arith.constant 0 : i32
    %dma_wait3A_952 = tpu.memref_slice %arg3[%dma_wait3A_951] : memref<100000xi32, #tpu.memory_space<hbm>> -> memref<128xi32, #tpu.memory_space<hbm>>
    %dma_wait3A_953 = arith.constant 0 : i32
    %dma_wait3A_954 = tpu.memref_slice %arg3[%dma_wait3A_953] : memref<100000xi32, #tpu.memory_space<hbm>> -> memref<128xi32, #tpu.memory_space<hbm>>
    tpu.wait_dma2 semaphore(%arg27 : memref<!tpu.dma_semaphore, #tpu.memory_space<semaphore_mem>>) src(%dma_wait3A_954 : memref<128xi32, #tpu.memory_space<hbm>>) dst(%arg15 : memref<128xi32, #tpu.memory_space<vmem>>)
    %add3A_955 = arith.constant 704 : i32
    %add3A_956 = arith.addi %add3A, %add3A_955 : i32
    %ge3A_957 = arith.constant 781 : i32
    %ge3A_958 = arith.cmpi sge, %add3A_956, %ge3A_957 : i32
    %convert_element_type3A_959 = arith.extui %ge3A_958 : i1 to i32
    %cond3A_960 = arith.constant 0 : i32
    %cond3A_961 = arith.cmpi ne, %convert_element_type3A_959, %cond3A_960 : i32
    scf.if %cond3A_961 {
      %broadcast_in_dim3A = arith.constant 1023 : i32
      %broadcast_in_dim3A_1046 = vector.broadcast %broadcast_in_dim3A : i32 to vector<16xi32>
      %swap3A = arith.constant 0 : index
      %swap3A_1047 = tpu.vector_load %arg15[%swap3A] {strides = array<i32>} : memref<128xi32, #tpu.memory_space<vmem>>, vector<16xi32>,
      %swap3A_1048 = vector.shape_cast %swap3A_1047 : vector<16xi32> to vector<16xi32>
      %swap3A_1049 = vector.shape_cast %broadcast_in_dim3A_1046 : vector<16xi32> to vector<16xi32>
      tpu.vector_store %arg15[%swap3A], %swap3A_1049 {strides = array<i32>} : memref<128xi32, #tpu.memory_space<vmem>>, vector<16xi32>,
      %swap3A_1050 = arith.constant 16 : index
      %swap3A_1051 = tpu.vector_load %arg15[%swap3A_1050] {strides = array<i32>} : memref<128xi32, #tpu.memory_space<vmem>>, vector<16xi32>,
      %swap3A_1052 = vector.shape_cast %swap3A_1051 : vector<16xi32> to vector<16xi32>
      %swap3A_1053 = vector.shape_cast %broadcast_in_dim3A_1046 : vector<16xi32> to vector<16xi32>
      tpu.vector_store %arg15[%swap3A_1050], %swap3A_1053 {strides = array<i32>} : memref<128xi32, #tpu.memory_space<vmem>>, vector<16xi32>,
      %swap3A_1054 = arith.constant 32 : index
      %swap3A_1055 = tpu.vector_load %arg15[%swap3A_1054] {strides = array<i32>} : memref<128xi32, #tpu.memory_space<vmem>>, vector<16xi32>,
      %swap3A_1056 = vector.shape_cast %swap3A_1055 : vector<16xi32> to vector<16xi32>
      %swap3A_1057 = vector.shape_cast %broadcast_in_dim3A_1046 : vector<16xi32> to vector<16xi32>
      tpu.vector_store %arg15[%swap3A_1054], %swap3A_1057 {strides = array<i32>} : memref<128xi32, #tpu.memory_space<vmem>>, vector<16xi32>,
      %swap3A_1058 = arith.constant 48 : index
      %swap3A_1059 = tpu.vector_load %arg15[%swap3A_1058] {strides = array<i32>} : memref<128xi32, #tpu.memory_space<vmem>>, vector<16xi32>,
      %swap3A_1060 = vector.shape_cast %swap3A_1059 : vector<16xi32> to vector<16xi32>
      %swap3A_1061 = vector.shape_cast %broadcast_in_dim3A_1046 : vector<16xi32> to vector<16xi32>
      tpu.vector_store %arg15[%swap3A_1058], %swap3A_1061 {strides = array<i32>} : memref<128xi32, #tpu.memory_space<vmem>>, vector<16xi32>,
      %swap3A_1062 = arith.constant 64 : index
      %swap3A_1063 = tpu.vector_load %arg15[%swap3A_1062] {strides = array<i32>} : memref<128xi32, #tpu.memory_space<vmem>>, vector<16xi32>,
      %swap3A_1064 = vector.shape_cast %swap3A_1063 : vector<16xi32> to vector<16xi32>
      %swap3A_1065 = vector.shape_cast %broadcast_in_dim3A_1046 : vector<16xi32> to vector<16xi32>
      tpu.vector_store %arg15[%swap3A_1062], %swap3A_1065 {strides = array<i32>} : memref<128xi32, #tpu.memory_space<vmem>>, vector<16xi32>,
      %swap3A_1066 = arith.constant 80 : index
      %swap3A_1067 = tpu.vector_load %arg15[%swap3A_1066] {strides = array<i32>} : memref<128xi32, #tpu.memory_space<vmem>>, vector<16xi32>,
      %swap3A_1068 = vector.shape_cast %swap3A_1067 : vector<16xi32> to vector<16xi32>
      %swap3A_1069 = vector.shape_cast %broadcast_in_dim3A_1046 : vector<16xi32> to vector<16xi32>
      tpu.vector_store %arg15[%swap3A_1066], %swap3A_1069 {strides = array<i32>} : memref<128xi32, #tpu.memory_space<vmem>>, vector<16xi32>,
      %swap3A_1070 = arith.constant 96 : index
      %swap3A_1071 = tpu.vector_load %arg15[%swap3A_1070] {strides = array<i32>} : memref<128xi32, #tpu.memory_space<vmem>>, vector<16xi32>,
      %swap3A_1072 = vector.shape_cast %swap3A_1071 : vector<16xi32> to vector<16xi32>
      %swap3A_1073 = vector.shape_cast %broadcast_in_dim3A_1046 : vector<16xi32> to vector<16xi32>
      tpu.vector_store %arg15[%swap3A_1070], %swap3A_1073 {strides = array<i32>} : memref<128xi32, #tpu.memory_space<vmem>>, vector<16xi32>,
      %swap3A_1074 = arith.constant 112 : index
      %swap3A_1075 = tpu.vector_load %arg15[%swap3A_1074] {strides = array<i32>} : memref<128xi32, #tpu.memory_space<vmem>>, vector<16xi32>,
      %swap3A_1076 = vector.shape_cast %swap3A_1075 : vector<16xi32> to vector<16xi32>
      %swap3A_1077 = vector.shape_cast %broadcast_in_dim3A_1046 : vector<16xi32> to vector<16xi32>
      tpu.vector_store %arg15[%swap3A_1074], %swap3A_1077 {strides = array<i32>} : memref<128xi32, #tpu.memory_space<vmem>>, vector<16xi32>,
    } else {
    }
    %dma_start3A_962 = arith.constant 0 : i32
    %dma_start3A_963 = arith.constant 0 : i32
    %dma_start3A_964 = tpu.memref_slice %arg33[%dma_start3A_962, %dma_start3A_963] : memref<1024x128xf32, #tpu.memory_space<vmem_shared>> -> memref<1024x128xf32, #tpu.memory_space<vmem_shared>>
    tpu.enqueue_indirect_dma source(%arg12 : memref<128x128xf32, #tpu.memory_space<vmem>>) target(%dma_start3A_964 : memref<1024x128xf32, #tpu.memory_space<vmem_shared>>) offsets(%arg15 : memref<128xi32, #tpu.memory_space<vmem>>) semaphore(%arg29 : memref<!tpu.dma_semaphore, #tpu.memory_space<semaphore_mem>>) {add = true}
    %dma_start3A_965 = arith.constant 0 : i32
    %dma_start3A_966 = arith.constant 0 : i32
    %dma_start3A_967 = tpu.memref_slice %arg34[%dma_start3A_965, %dma_start3A_966] : memref<1024x16xf32, #tpu.memory_space<vmem_shared>> -> memref<1024x16xf32, #tpu.memory_space<vmem_shared>>
    tpu.enqueue_indirect_dma source(%arg19 : memref<128x16xf32, #tpu.memory_space<vmem>>) target(%dma_start3A_967 : memref<1024x16xf32, #tpu.memory_space<vmem_shared>>) offsets(%arg15 : memref<128xi32, #tpu.memory_space<vmem>>) semaphore(%arg31 : memref<!tpu.dma_semaphore, #tpu.memory_space<semaphore_mem>>) {add = true}
    %dma_wait3A_968 = arith.constant 0 : i32
    %dma_wait3A_969 = arith.constant 0 : i32
    %dma_wait3A_970 = tpu.memref_slice %arg33[%dma_wait3A_968, %dma_wait3A_969] : memref<1024x128xf32, #tpu.memory_space<vmem_shared>> -> memref<1024x128xf32, #tpu.memory_space<vmem_shared>>
    tpu.wait_indirect_dma semaphore(%arg29 : memref<!tpu.dma_semaphore, #tpu.memory_space<semaphore_mem>>) src(%arg12 : memref<128x128xf32, #tpu.memory_space<vmem>>) dst(%dma_wait3A_970 : memref<1024x128xf32, #tpu.memory_space<vmem_shared>>)
    %dma_wait3A_971 = arith.constant 0 : i32
    %dma_wait3A_972 = arith.constant 0 : i32
    %dma_wait3A_973 = tpu.memref_slice %arg34[%dma_wait3A_971, %dma_wait3A_972] : memref<1024x16xf32, #tpu.memory_space<vmem_shared>> -> memref<1024x16xf32, #tpu.memory_space<vmem_shared>>
    tpu.wait_indirect_dma semaphore(%arg31 : memref<!tpu.dma_semaphore, #tpu.memory_space<semaphore_mem>>) src(%arg19 : memref<128x16xf32, #tpu.memory_space<vmem>>) dst(%dma_wait3A_973 : memref<1024x16xf32, #tpu.memory_space<vmem_shared>>)
    %dma_wait3A_974 = arith.constant 0 : i32
    %dma_wait3A_975 = arith.constant 0 : i32
    %dma_wait3A_976 = tpu.memref_slice %arg2[%dma_wait3A_974, %dma_wait3A_975] : memref<100000x128xf32, #tpu.memory_space<hbm>> -> memref<128x128xf32, #tpu.memory_space<hbm>>
    %dma_wait3A_977 = arith.constant 0 : i32
    %dma_wait3A_978 = arith.constant 0 : i32
    %dma_wait3A_979 = tpu.memref_slice %arg2[%dma_wait3A_977, %dma_wait3A_978] : memref<100000x128xf32, #tpu.memory_space<hbm>> -> memref<128x128xf32, #tpu.memory_space<hbm>>
    tpu.wait_dma2 semaphore(%arg25 : memref<!tpu.dma_semaphore, #tpu.memory_space<semaphore_mem>>) src(%dma_wait3A_979 : memref<128x128xf32, #tpu.memory_space<hbm>>) dst(%arg13 : memref<128x128xf32, #tpu.memory_space<vmem>>)
    %dma_wait3A_980 = arith.constant 0 : i32
    %dma_wait3A_981 = tpu.memref_slice %arg3[%dma_wait3A_980] : memref<100000xi32, #tpu.memory_space<hbm>> -> memref<128xi32, #tpu.memory_space<hbm>>
    %dma_wait3A_982 = arith.constant 0 : i32
    %dma_wait3A_983 = tpu.memref_slice %arg3[%dma_wait3A_982] : memref<100000xi32, #tpu.memory_space<hbm>> -> memref<128xi32, #tpu.memory_space<hbm>>
    tpu.wait_dma2 semaphore(%arg28 : memref<!tpu.dma_semaphore, #tpu.memory_space<semaphore_mem>>) src(%dma_wait3A_983 : memref<128xi32, #tpu.memory_space<hbm>>) dst(%arg16 : memref<128xi32, #tpu.memory_space<vmem>>)
    %add3A_984 = arith.constant 736 : i32
    %add3A_985 = arith.addi %add3A, %add3A_984 : i32
    %ge3A_986 = arith.constant 781 : i32
    %ge3A_987 = arith.cmpi sge, %add3A_985, %ge3A_986 : i32
    %convert_element_type3A_988 = arith.extui %ge3A_987 : i1 to i32
    %cond3A_989 = arith.constant 0 : i32
    %cond3A_990 = arith.cmpi ne, %convert_element_type3A_988, %cond3A_989 : i32
    scf.if %cond3A_990 {
      %broadcast_in_dim3A = arith.constant 1023 : i32
      %broadcast_in_dim3A_1046 = vector.broadcast %broadcast_in_dim3A : i32 to vector<16xi32>
      %swap3A = arith.constant 0 : index
      %swap3A_1047 = tpu.vector_load %arg16[%swap3A] {strides = array<i32>} : memref<128xi32, #tpu.memory_space<vmem>>, vector<16xi32>,
      %swap3A_1048 = vector.shape_cast %swap3A_1047 : vector<16xi32> to vector<16xi32>
      %swap3A_1049 = vector.shape_cast %broadcast_in_dim3A_1046 : vector<16xi32> to vector<16xi32>
      tpu.vector_store %arg16[%swap3A], %swap3A_1049 {strides = array<i32>} : memref<128xi32, #tpu.memory_space<vmem>>, vector<16xi32>,
      %swap3A_1050 = arith.constant 16 : index
      %swap3A_1051 = tpu.vector_load %arg16[%swap3A_1050] {strides = array<i32>} : memref<128xi32, #tpu.memory_space<vmem>>, vector<16xi32>,
      %swap3A_1052 = vector.shape_cast %swap3A_1051 : vector<16xi32> to vector<16xi32>
      %swap3A_1053 = vector.shape_cast %broadcast_in_dim3A_1046 : vector<16xi32> to vector<16xi32>
      tpu.vector_store %arg16[%swap3A_1050], %swap3A_1053 {strides = array<i32>} : memref<128xi32, #tpu.memory_space<vmem>>, vector<16xi32>,
      %swap3A_1054 = arith.constant 32 : index
      %swap3A_1055 = tpu.vector_load %arg16[%swap3A_1054] {strides = array<i32>} : memref<128xi32, #tpu.memory_space<vmem>>, vector<16xi32>,
      %swap3A_1056 = vector.shape_cast %swap3A_1055 : vector<16xi32> to vector<16xi32>
      %swap3A_1057 = vector.shape_cast %broadcast_in_dim3A_1046 : vector<16xi32> to vector<16xi32>
      tpu.vector_store %arg16[%swap3A_1054], %swap3A_1057 {strides = array<i32>} : memref<128xi32, #tpu.memory_space<vmem>>, vector<16xi32>,
      %swap3A_1058 = arith.constant 48 : index
      %swap3A_1059 = tpu.vector_load %arg16[%swap3A_1058] {strides = array<i32>} : memref<128xi32, #tpu.memory_space<vmem>>, vector<16xi32>,
      %swap3A_1060 = vector.shape_cast %swap3A_1059 : vector<16xi32> to vector<16xi32>
      %swap3A_1061 = vector.shape_cast %broadcast_in_dim3A_1046 : vector<16xi32> to vector<16xi32>
      tpu.vector_store %arg16[%swap3A_1058], %swap3A_1061 {strides = array<i32>} : memref<128xi32, #tpu.memory_space<vmem>>, vector<16xi32>,
      %swap3A_1062 = arith.constant 64 : index
      %swap3A_1063 = tpu.vector_load %arg16[%swap3A_1062] {strides = array<i32>} : memref<128xi32, #tpu.memory_space<vmem>>, vector<16xi32>,
      %swap3A_1064 = vector.shape_cast %swap3A_1063 : vector<16xi32> to vector<16xi32>
      %swap3A_1065 = vector.shape_cast %broadcast_in_dim3A_1046 : vector<16xi32> to vector<16xi32>
      tpu.vector_store %arg16[%swap3A_1062], %swap3A_1065 {strides = array<i32>} : memref<128xi32, #tpu.memory_space<vmem>>, vector<16xi32>,
      %swap3A_1066 = arith.constant 80 : index
      %swap3A_1067 = tpu.vector_load %arg16[%swap3A_1066] {strides = array<i32>} : memref<128xi32, #tpu.memory_space<vmem>>, vector<16xi32>,
      %swap3A_1068 = vector.shape_cast %swap3A_1067 : vector<16xi32> to vector<16xi32>
      %swap3A_1069 = vector.shape_cast %broadcast_in_dim3A_1046 : vector<16xi32> to vector<16xi32>
      tpu.vector_store %arg16[%swap3A_1066], %swap3A_1069 {strides = array<i32>} : memref<128xi32, #tpu.memory_space<vmem>>, vector<16xi32>,
      %swap3A_1070 = arith.constant 96 : index
      %swap3A_1071 = tpu.vector_load %arg16[%swap3A_1070] {strides = array<i32>} : memref<128xi32, #tpu.memory_space<vmem>>, vector<16xi32>,
      %swap3A_1072 = vector.shape_cast %swap3A_1071 : vector<16xi32> to vector<16xi32>
      %swap3A_1073 = vector.shape_cast %broadcast_in_dim3A_1046 : vector<16xi32> to vector<16xi32>
      tpu.vector_store %arg16[%swap3A_1070], %swap3A_1073 {strides = array<i32>} : memref<128xi32, #tpu.memory_space<vmem>>, vector<16xi32>,
      %swap3A_1074 = arith.constant 112 : index
      %swap3A_1075 = tpu.vector_load %arg16[%swap3A_1074] {strides = array<i32>} : memref<128xi32, #tpu.memory_space<vmem>>, vector<16xi32>,
      %swap3A_1076 = vector.shape_cast %swap3A_1075 : vector<16xi32> to vector<16xi32>
      %swap3A_1077 = vector.shape_cast %broadcast_in_dim3A_1046 : vector<16xi32> to vector<16xi32>
      tpu.vector_store %arg16[%swap3A_1074], %swap3A_1077 {strides = array<i32>} : memref<128xi32, #tpu.memory_space<vmem>>, vector<16xi32>,
    } else {
    }
    %dma_start3A_991 = arith.constant 0 : i32
    %dma_start3A_992 = arith.constant 0 : i32
    %dma_start3A_993 = tpu.memref_slice %arg33[%dma_start3A_991, %dma_start3A_992] : memref<1024x128xf32, #tpu.memory_space<vmem_shared>> -> memref<1024x128xf32, #tpu.memory_space<vmem_shared>>
    tpu.enqueue_indirect_dma source(%arg13 : memref<128x128xf32, #tpu.memory_space<vmem>>) target(%dma_start3A_993 : memref<1024x128xf32, #tpu.memory_space<vmem_shared>>) offsets(%arg16 : memref<128xi32, #tpu.memory_space<vmem>>) semaphore(%arg30 : memref<!tpu.dma_semaphore, #tpu.memory_space<semaphore_mem>>) {add = true}
    %dma_start3A_994 = arith.constant 0 : i32
    %dma_start3A_995 = arith.constant 0 : i32
    %dma_start3A_996 = tpu.memref_slice %arg34[%dma_start3A_994, %dma_start3A_995] : memref<1024x16xf32, #tpu.memory_space<vmem_shared>> -> memref<1024x16xf32, #tpu.memory_space<vmem_shared>>
    tpu.enqueue_indirect_dma source(%arg19 : memref<128x16xf32, #tpu.memory_space<vmem>>) target(%dma_start3A_996 : memref<1024x16xf32, #tpu.memory_space<vmem_shared>>) offsets(%arg16 : memref<128xi32, #tpu.memory_space<vmem>>) semaphore(%arg32 : memref<!tpu.dma_semaphore, #tpu.memory_space<semaphore_mem>>) {add = true}
    %dma_wait3A_997 = arith.constant 0 : i32
    %dma_wait3A_998 = arith.constant 0 : i32
    %dma_wait3A_999 = tpu.memref_slice %arg33[%dma_wait3A_997, %dma_wait3A_998] : memref<1024x128xf32, #tpu.memory_space<vmem_shared>> -> memref<1024x128xf32, #tpu.memory_space<vmem_shared>>
    tpu.wait_indirect_dma semaphore(%arg30 : memref<!tpu.dma_semaphore, #tpu.memory_space<semaphore_mem>>) src(%arg13 : memref<128x128xf32, #tpu.memory_space<vmem>>) dst(%dma_wait3A_999 : memref<1024x128xf32, #tpu.memory_space<vmem_shared>>)
    %dma_wait3A_1000 = arith.constant 0 : i32
    %dma_wait3A_1001 = arith.constant 0 : i32
    %dma_wait3A_1002 = tpu.memref_slice %arg34[%dma_wait3A_1000, %dma_wait3A_1001] : memref<1024x16xf32, #tpu.memory_space<vmem_shared>> -> memref<1024x16xf32, #tpu.memory_space<vmem_shared>>
    tpu.wait_indirect_dma semaphore(%arg32 : memref<!tpu.dma_semaphore, #tpu.memory_space<semaphore_mem>>) src(%arg19 : memref<128x16xf32, #tpu.memory_space<vmem>>) dst(%dma_wait3A_1002 : memref<1024x16xf32, #tpu.memory_space<vmem_shared>>)
    %dma_wait3A_1003 = arith.constant 0 : i32
    %dma_wait3A_1004 = arith.constant 0 : i32
    %dma_wait3A_1005 = tpu.memref_slice %arg2[%dma_wait3A_1003, %dma_wait3A_1004] : memref<100000x128xf32, #tpu.memory_space<hbm>> -> memref<128x128xf32, #tpu.memory_space<hbm>>
    %dma_wait3A_1006 = arith.constant 0 : i32
    %dma_wait3A_1007 = arith.constant 0 : i32
    %dma_wait3A_1008 = tpu.memref_slice %arg2[%dma_wait3A_1006, %dma_wait3A_1007] : memref<100000x128xf32, #tpu.memory_space<hbm>> -> memref<128x128xf32, #tpu.memory_space<hbm>>
    tpu.wait_dma2 semaphore(%arg23 : memref<!tpu.dma_semaphore, #tpu.memory_space<semaphore_mem>>) src(%dma_wait3A_1008 : memref<128x128xf32, #tpu.memory_space<hbm>>) dst(%arg11 : memref<128x128xf32, #tpu.memory_space<vmem>>)
    %dma_wait3A_1009 = arith.constant 0 : i32
    %dma_wait3A_1010 = tpu.memref_slice %arg3[%dma_wait3A_1009] : memref<100000xi32, #tpu.memory_space<hbm>> -> memref<128xi32, #tpu.memory_space<hbm>>
    %dma_wait3A_1011 = arith.constant 0 : i32
    %dma_wait3A_1012 = tpu.memref_slice %arg3[%dma_wait3A_1011] : memref<100000xi32, #tpu.memory_space<hbm>> -> memref<128xi32, #tpu.memory_space<hbm>>
    tpu.wait_dma2 semaphore(%arg26 : memref<!tpu.dma_semaphore, #tpu.memory_space<semaphore_mem>>) src(%dma_wait3A_1012 : memref<128xi32, #tpu.memory_space<hbm>>) dst(%arg14 : memref<128xi32, #tpu.memory_space<vmem>>)
    %add3A_1013 = arith.constant 768 : i32
    %add3A_1014 = arith.addi %add3A, %add3A_1013 : i32
    %ge3A_1015 = arith.constant 781 : i32
    %ge3A_1016 = arith.cmpi sge, %add3A_1014, %ge3A_1015 : i32
    %convert_element_type3A_1017 = arith.extui %ge3A_1016 : i1 to i32
    %cond3A_1018 = arith.constant 0 : i32
    %cond3A_1019 = arith.cmpi ne, %convert_element_type3A_1017, %cond3A_1018 : i32
    scf.if %cond3A_1019 {
      %broadcast_in_dim3A = arith.constant 1023 : i32
      %broadcast_in_dim3A_1046 = vector.broadcast %broadcast_in_dim3A : i32 to vector<16xi32>
      %swap3A = arith.constant 0 : index
      %swap3A_1047 = tpu.vector_load %arg14[%swap3A] {strides = array<i32>} : memref<128xi32, #tpu.memory_space<vmem>>, vector<16xi32>,
      %swap3A_1048 = vector.shape_cast %swap3A_1047 : vector<16xi32> to vector<16xi32>
      %swap3A_1049 = vector.shape_cast %broadcast_in_dim3A_1046 : vector<16xi32> to vector<16xi32>
      tpu.vector_store %arg14[%swap3A], %swap3A_1049 {strides = array<i32>} : memref<128xi32, #tpu.memory_space<vmem>>, vector<16xi32>,
      %swap3A_1050 = arith.constant 16 : index
      %swap3A_1051 = tpu.vector_load %arg14[%swap3A_1050] {strides = array<i32>} : memref<128xi32, #tpu.memory_space<vmem>>, vector<16xi32>,
      %swap3A_1052 = vector.shape_cast %swap3A_1051 : vector<16xi32> to vector<16xi32>
      %swap3A_1053 = vector.shape_cast %broadcast_in_dim3A_1046 : vector<16xi32> to vector<16xi32>
      tpu.vector_store %arg14[%swap3A_1050], %swap3A_1053 {strides = array<i32>} : memref<128xi32, #tpu.memory_space<vmem>>, vector<16xi32>,
      %swap3A_1054 = arith.constant 32 : index
      %swap3A_1055 = tpu.vector_load %arg14[%swap3A_1054] {strides = array<i32>} : memref<128xi32, #tpu.memory_space<vmem>>, vector<16xi32>,
      %swap3A_1056 = vector.shape_cast %swap3A_1055 : vector<16xi32> to vector<16xi32>
      %swap3A_1057 = vector.shape_cast %broadcast_in_dim3A_1046 : vector<16xi32> to vector<16xi32>
      tpu.vector_store %arg14[%swap3A_1054], %swap3A_1057 {strides = array<i32>} : memref<128xi32, #tpu.memory_space<vmem>>, vector<16xi32>,
      %swap3A_1058 = arith.constant 48 : index
      %swap3A_1059 = tpu.vector_load %arg14[%swap3A_1058] {strides = array<i32>} : memref<128xi32, #tpu.memory_space<vmem>>, vector<16xi32>,
      %swap3A_1060 = vector.shape_cast %swap3A_1059 : vector<16xi32> to vector<16xi32>
      %swap3A_1061 = vector.shape_cast %broadcast_in_dim3A_1046 : vector<16xi32> to vector<16xi32>
      tpu.vector_store %arg14[%swap3A_1058], %swap3A_1061 {strides = array<i32>} : memref<128xi32, #tpu.memory_space<vmem>>, vector<16xi32>,
      %swap3A_1062 = arith.constant 64 : index
      %swap3A_1063 = tpu.vector_load %arg14[%swap3A_1062] {strides = array<i32>} : memref<128xi32, #tpu.memory_space<vmem>>, vector<16xi32>,
      %swap3A_1064 = vector.shape_cast %swap3A_1063 : vector<16xi32> to vector<16xi32>
      %swap3A_1065 = vector.shape_cast %broadcast_in_dim3A_1046 : vector<16xi32> to vector<16xi32>
      tpu.vector_store %arg14[%swap3A_1062], %swap3A_1065 {strides = array<i32>} : memref<128xi32, #tpu.memory_space<vmem>>, vector<16xi32>,
      %swap3A_1066 = arith.constant 80 : index
      %swap3A_1067 = tpu.vector_load %arg14[%swap3A_1066] {strides = array<i32>} : memref<128xi32, #tpu.memory_space<vmem>>, vector<16xi32>,
      %swap3A_1068 = vector.shape_cast %swap3A_1067 : vector<16xi32> to vector<16xi32>
      %swap3A_1069 = vector.shape_cast %broadcast_in_dim3A_1046 : vector<16xi32> to vector<16xi32>
      tpu.vector_store %arg14[%swap3A_1066], %swap3A_1069 {strides = array<i32>} : memref<128xi32, #tpu.memory_space<vmem>>, vector<16xi32>,
      %swap3A_1070 = arith.constant 96 : index
      %swap3A_1071 = tpu.vector_load %arg14[%swap3A_1070] {strides = array<i32>} : memref<128xi32, #tpu.memory_space<vmem>>, vector<16xi32>,
      %swap3A_1072 = vector.shape_cast %swap3A_1071 : vector<16xi32> to vector<16xi32>
      %swap3A_1073 = vector.shape_cast %broadcast_in_dim3A_1046 : vector<16xi32> to vector<16xi32>
      tpu.vector_store %arg14[%swap3A_1070], %swap3A_1073 {strides = array<i32>} : memref<128xi32, #tpu.memory_space<vmem>>, vector<16xi32>,
      %swap3A_1074 = arith.constant 112 : index
      %swap3A_1075 = tpu.vector_load %arg14[%swap3A_1074] {strides = array<i32>} : memref<128xi32, #tpu.memory_space<vmem>>, vector<16xi32>,
      %swap3A_1076 = vector.shape_cast %swap3A_1075 : vector<16xi32> to vector<16xi32>
      %swap3A_1077 = vector.shape_cast %broadcast_in_dim3A_1046 : vector<16xi32> to vector<16xi32>
      tpu.vector_store %arg14[%swap3A_1074], %swap3A_1077 {strides = array<i32>} : memref<128xi32, #tpu.memory_space<vmem>>, vector<16xi32>,
    } else {
    }
    %dma_start3A_1020 = arith.constant 0 : i32
    %dma_start3A_1021 = arith.constant 0 : i32
    %dma_start3A_1022 = tpu.memref_slice %arg33[%dma_start3A_1020, %dma_start3A_1021] : memref<1024x128xf32, #tpu.memory_space<vmem_shared>> -> memref<1024x128xf32, #tpu.memory_space<vmem_shared>>
    tpu.enqueue_indirect_dma source(%arg11 : memref<128x128xf32, #tpu.memory_space<vmem>>) target(%dma_start3A_1022 : memref<1024x128xf32, #tpu.memory_space<vmem_shared>>) offsets(%arg14 : memref<128xi32, #tpu.memory_space<vmem>>) semaphore(%arg29 : memref<!tpu.dma_semaphore, #tpu.memory_space<semaphore_mem>>) {add = true}
    %dma_start3A_1023 = arith.constant 0 : i32
    %dma_start3A_1024 = arith.constant 0 : i32
    %dma_start3A_1025 = tpu.memref_slice %arg34[%dma_start3A_1023, %dma_start3A_1024] : memref<1024x16xf32, #tpu.memory_space<vmem_shared>> -> memref<1024x16xf32, #tpu.memory_space<vmem_shared>>
    tpu.enqueue_indirect_dma source(%arg19 : memref<128x16xf32, #tpu.memory_space<vmem>>) target(%dma_start3A_1025 : memref<1024x16xf32, #tpu.memory_space<vmem_shared>>) offsets(%arg14 : memref<128xi32, #tpu.memory_space<vmem>>) semaphore(%arg31 : memref<!tpu.dma_semaphore, #tpu.memory_space<semaphore_mem>>) {add = true}
    %dma_wait3A_1026 = arith.constant 0 : i32
    %dma_wait3A_1027 = arith.constant 0 : i32
    %dma_wait3A_1028 = tpu.memref_slice %arg33[%dma_wait3A_1026, %dma_wait3A_1027] : memref<1024x128xf32, #tpu.memory_space<vmem_shared>> -> memref<1024x128xf32, #tpu.memory_space<vmem_shared>>
    tpu.wait_indirect_dma semaphore(%arg29 : memref<!tpu.dma_semaphore, #tpu.memory_space<semaphore_mem>>) src(%arg11 : memref<128x128xf32, #tpu.memory_space<vmem>>) dst(%dma_wait3A_1028 : memref<1024x128xf32, #tpu.memory_space<vmem_shared>>)
    %dma_wait3A_1029 = arith.constant 0 : i32
    %dma_wait3A_1030 = arith.constant 0 : i32
    %dma_wait3A_1031 = tpu.memref_slice %arg34[%dma_wait3A_1029, %dma_wait3A_1030] : memref<1024x16xf32, #tpu.memory_space<vmem_shared>> -> memref<1024x16xf32, #tpu.memory_space<vmem_shared>>
    tpu.wait_indirect_dma semaphore(%arg31 : memref<!tpu.dma_semaphore, #tpu.memory_space<semaphore_mem>>) src(%arg19 : memref<128x16xf32, #tpu.memory_space<vmem>>) dst(%dma_wait3A_1031 : memref<1024x16xf32, #tpu.memory_space<vmem_shared>>)
    %eq3A = arith.constant 31 : i32
    %eq3A_1032 = arith.cmpi eq, %add3A, %eq3A : i32
    %convert_element_type3A_1033 = arith.extui %eq3A_1032 : i1 to i32
    %cond3A_1034 = arith.constant 0 : i32
    %cond3A_1035 = arith.cmpi ne, %convert_element_type3A_1033, %cond3A_1034 : i32
    scf.if %cond3A_1035 {
      "tpu.region"() ({
        %run_scoped3A = tpu.sem_alloc : memref<!tpu.dma_semaphore, #tpu.memory_space<semaphore_mem>>
        %dma_start3A_1046 = arith.constant 99968 : i32
        %dma_start3A_1047 = arith.constant 0 : i32
        %dma_start3A_1048 = tpu.memref_slice %arg2[%dma_start3A_1046, %dma_start3A_1047] : memref<100000x128xf32, #tpu.memory_space<hbm>> -> memref<32x128xf32, #tpu.memory_space<hbm>>
        %dma_start3A_1049 = arith.constant 99968 : i32
        %dma_start3A_1050 = arith.constant 0 : i32
        %dma_start3A_1051 = tpu.memref_slice %arg2[%dma_start3A_1049, %dma_start3A_1050] : memref<100000x128xf32, #tpu.memory_space<hbm>> -> memref<32x128xf32, #tpu.memory_space<hbm>>
        tpu.enqueue_dma source(%dma_start3A_1051 : memref<32x128xf32, #tpu.memory_space<hbm>>) target(%arg17 : memref<32x128xf32, #tpu.memory_space<vmem>>) target_semaphore(%run_scoped3A : memref<!tpu.dma_semaphore, #tpu.memory_space<semaphore_mem>>)
        %dma_wait3A_1052 = arith.constant 99968 : i32
        %dma_wait3A_1053 = arith.constant 0 : i32
        %dma_wait3A_1054 = tpu.memref_slice %arg2[%dma_wait3A_1052, %dma_wait3A_1053] : memref<100000x128xf32, #tpu.memory_space<hbm>> -> memref<32x128xf32, #tpu.memory_space<hbm>>
        %dma_wait3A_1055 = arith.constant 99968 : i32
        %dma_wait3A_1056 = arith.constant 0 : i32
        %dma_wait3A_1057 = tpu.memref_slice %arg2[%dma_wait3A_1055, %dma_wait3A_1056] : memref<100000x128xf32, #tpu.memory_space<hbm>> -> memref<32x128xf32, #tpu.memory_space<hbm>>
        tpu.wait_dma2 semaphore(%run_scoped3A : memref<!tpu.dma_semaphore, #tpu.memory_space<semaphore_mem>>) src(%dma_wait3A_1057 : memref<32x128xf32, #tpu.memory_space<hbm>>) dst(%arg17 : memref<32x128xf32, #tpu.memory_space<vmem>>)
        tpu.yield
      }) : () -> ()
      "tpu.region"() ({
        %run_scoped3A = tpu.sem_alloc : memref<!tpu.dma_semaphore, #tpu.memory_space<semaphore_mem>>
        %dma_start3A_1046 = arith.constant 99968 : i32
        %dma_start3A_1047 = tpu.memref_slice %arg3[%dma_start3A_1046] : memref<100000xi32, #tpu.memory_space<hbm>> -> memref<32xi32, #tpu.memory_space<hbm>>
        %dma_start3A_1048 = arith.constant 99968 : i32
        %dma_start3A_1049 = tpu.memref_slice %arg3[%dma_start3A_1048] : memref<100000xi32, #tpu.memory_space<hbm>> -> memref<32xi32, #tpu.memory_space<hbm>>
        tpu.enqueue_dma source(%dma_start3A_1049 : memref<32xi32, #tpu.memory_space<hbm>>) target(%arg18 : memref<32xi32, #tpu.memory_space<vmem>>) target_semaphore(%run_scoped3A : memref<!tpu.dma_semaphore, #tpu.memory_space<semaphore_mem>>)
        %dma_wait3A_1050 = arith.constant 99968 : i32
        %dma_wait3A_1051 = tpu.memref_slice %arg3[%dma_wait3A_1050] : memref<100000xi32, #tpu.memory_space<hbm>> -> memref<32xi32, #tpu.memory_space<hbm>>
        %dma_wait3A_1052 = arith.constant 99968 : i32
        %dma_wait3A_1053 = tpu.memref_slice %arg3[%dma_wait3A_1052] : memref<100000xi32, #tpu.memory_space<hbm>> -> memref<32xi32, #tpu.memory_space<hbm>>
        tpu.wait_dma2 semaphore(%run_scoped3A : memref<!tpu.dma_semaphore, #tpu.memory_space<semaphore_mem>>) src(%dma_wait3A_1053 : memref<32xi32, #tpu.memory_space<hbm>>) dst(%arg18 : memref<32xi32, #tpu.memory_space<vmem>>)
        tpu.yield
      }) : () -> ()
      "tpu.region"() ({
        %run_scoped3A = tpu.sem_alloc : memref<!tpu.dma_semaphore, #tpu.memory_space<semaphore_mem>>
        %dma_start3A_1046 = arith.constant 0 : i32
        %dma_start3A_1047 = arith.constant 0 : i32
        %dma_start3A_1048 = tpu.memref_slice %arg33[%dma_start3A_1046, %dma_start3A_1047] : memref<1024x128xf32, #tpu.memory_space<vmem_shared>> -> memref<1024x128xf32, #tpu.memory_space<vmem_shared>>
        tpu.enqueue_indirect_dma source(%arg17 : memref<32x128xf32, #tpu.memory_space<vmem>>) target(%dma_start3A_1048 : memref<1024x128xf32, #tpu.memory_space<vmem_shared>>) offsets(%arg18 : memref<32xi32, #tpu.memory_space<vmem>>) semaphore(%run_scoped3A : memref<!tpu.dma_semaphore, #tpu.memory_space<semaphore_mem>>) {add = true}
        %dma_wait3A_1049 = arith.constant 0 : i32
        %dma_wait3A_1050 = arith.constant 0 : i32
        %dma_wait3A_1051 = tpu.memref_slice %arg33[%dma_wait3A_1049, %dma_wait3A_1050] : memref<1024x128xf32, #tpu.memory_space<vmem_shared>> -> memref<1024x128xf32, #tpu.memory_space<vmem_shared>>
        tpu.wait_indirect_dma semaphore(%run_scoped3A : memref<!tpu.dma_semaphore, #tpu.memory_space<semaphore_mem>>) src(%arg17 : memref<32x128xf32, #tpu.memory_space<vmem>>) dst(%dma_wait3A_1051 : memref<1024x128xf32, #tpu.memory_space<vmem_shared>>)
        tpu.yield
      }) : () -> ()
      "tpu.region"() ({
        %run_scoped3A = tpu.sem_alloc : memref<!tpu.dma_semaphore, #tpu.memory_space<semaphore_mem>>
        %dma_start3A_1046 = arith.constant 0 : i32
        %dma_start3A_1047 = arith.constant 0 : i32
        %dma_start3A_1048 = tpu.memref_slice %arg19[%dma_start3A_1046, %dma_start3A_1047] : memref<128x16xf32, #tpu.memory_space<vmem>> -> memref<32x16xf32, #tpu.memory_space<vmem>>
        %dma_start3A_1049 = arith.constant 0 : i32
        %dma_start3A_1050 = arith.constant 0 : i32
        %dma_start3A_1051 = tpu.memref_slice %arg34[%dma_start3A_1049, %dma_start3A_1050] : memref<1024x16xf32, #tpu.memory_space<vmem_shared>> -> memref<1024x16xf32, #tpu.memory_space<vmem_shared>>
        tpu.enqueue_indirect_dma source(%dma_start3A_1048 : memref<32x16xf32, #tpu.memory_space<vmem>>) target(%dma_start3A_1051 : memref<1024x16xf32, #tpu.memory_space<vmem_shared>>) offsets(%arg18 : memref<32xi32, #tpu.memory_space<vmem>>) semaphore(%run_scoped3A : memref<!tpu.dma_semaphore, #tpu.memory_space<semaphore_mem>>) {add = true}
        %dma_wait3A_1052 = arith.constant 0 : i32
        %dma_wait3A_1053 = arith.constant 0 : i32
        %dma_wait3A_1054 = tpu.memref_slice %arg19[%dma_wait3A_1052, %dma_wait3A_1053] : memref<128x16xf32, #tpu.memory_space<vmem>> -> memref<32x16xf32, #tpu.memory_space<vmem>>
        %dma_wait3A_1055 = arith.constant 0 : i32
        %dma_wait3A_1056 = arith.constant 0 : i32
        %dma_wait3A_1057 = tpu.memref_slice %arg34[%dma_wait3A_1055, %dma_wait3A_1056] : memref<1024x16xf32, #tpu.memory_space<vmem_shared>> -> memref<1024x16xf32, #tpu.memory_space<vmem_shared>>
        tpu.wait_indirect_dma semaphore(%run_scoped3A : memref<!tpu.dma_semaphore, #tpu.memory_space<semaphore_mem>>) src(%dma_wait3A_1054 : memref<32x16xf32, #tpu.memory_space<vmem>>) dst(%dma_wait3A_1057 : memref<1024x16xf32, #tpu.memory_space<vmem_shared>>)
        tpu.yield
      }) : () -> ()
    } else {
    }
    %barrier3A_1036 = arith.constant 0 : index
    tpu.barrier barrier_id(%barrier3A_1036)
    %mul3A_1037 = arith.constant 1024 : i32
    %mul3A_1038 = arith.muli %arg0, %mul3A_1037 : i32
    %mul3A_1039 = arith.constant 64 : i32
    %mul3A_1040 = arith.muli %arg1, %mul3A_1039 : i32
    %add3A_1041 = arith.addi %mul3A_1038, %mul3A_1040 : i32
    %mul3A_1042 = arith.constant 64 : i32
    %mul3A_1043 = arith.muli %arg1, %mul3A_1042 : i32
    "tpu.region"() ({
      %run_scoped3A = tpu.sem_alloc : memref<!tpu.dma_semaphore, #tpu.memory_space<semaphore_mem>>
      %dma_start3A_1046 = arith.constant 0 : i32
      %dma_start3A_1047 = tpu.memref_slice %arg8[%add3A_1041, %dma_start3A_1046] : memref<2048x128xf32, #tpu.memory_space<hbm>> -> memref<64x128xf32, #tpu.memory_space<hbm>>
      %dma_start3A_1048 = arith.constant 0 : i32
      %dma_start3A_1049 = tpu.memref_slice %arg33[%mul3A_1043, %dma_start3A_1048] : memref<1024x128xf32, #tpu.memory_space<vmem_shared>> -> memref<64x128xf32, #tpu.memory_space<vmem_shared>>
      tpu.enqueue_dma source(%dma_start3A_1049 : memref<64x128xf32, #tpu.memory_space<vmem_shared>>) target(%dma_start3A_1047 : memref<64x128xf32, #tpu.memory_space<hbm>>) target_semaphore(%run_scoped3A : memref<!tpu.dma_semaphore, #tpu.memory_space<semaphore_mem>>)
      %dma_wait3A_1050 = arith.constant 0 : i32
      %dma_wait3A_1051 = tpu.memref_slice %arg8[%add3A_1041, %dma_wait3A_1050] : memref<2048x128xf32, #tpu.memory_space<hbm>> -> memref<64x128xf32, #tpu.memory_space<hbm>>
      %dma_wait3A_1052 = arith.constant 0 : i32
      %dma_wait3A_1053 = tpu.memref_slice %arg33[%mul3A_1043, %dma_wait3A_1052] : memref<1024x128xf32, #tpu.memory_space<vmem_shared>> -> memref<64x128xf32, #tpu.memory_space<vmem_shared>>
      tpu.wait_dma2 semaphore(%run_scoped3A : memref<!tpu.dma_semaphore, #tpu.memory_space<semaphore_mem>>) src(%dma_wait3A_1053 : memref<64x128xf32, #tpu.memory_space<vmem_shared>>) dst(%dma_wait3A_1051 : memref<64x128xf32, #tpu.memory_space<hbm>>)
      tpu.yield
    }) : () -> ()
    %mul3A_1044 = arith.constant 64 : i32
    %mul3A_1045 = arith.muli %arg1, %mul3A_1044 : i32
    "tpu.region"() ({
      %run_scoped3A = tpu.sem_alloc : memref<!tpu.dma_semaphore, #tpu.memory_space<semaphore_mem>>
      %dma_start3A_1046 = arith.constant 0 : i32
      %dma_start3A_1047 = tpu.memref_slice %arg9[%add3A_1041, %dma_start3A_1046] : memref<2048x16xf32, #tpu.memory_space<hbm>> -> memref<64x16xf32, #tpu.memory_space<hbm>>
      %dma_start3A_1048 = arith.constant 0 : i32
      %dma_start3A_1049 = tpu.memref_slice %arg34[%mul3A_1045, %dma_start3A_1048] : memref<1024x16xf32, #tpu.memory_space<vmem_shared>> -> memref<64x16xf32, #tpu.memory_space<vmem_shared>>
      tpu.enqueue_dma source(%dma_start3A_1049 : memref<64x16xf32, #tpu.memory_space<vmem_shared>>) target(%dma_start3A_1047 : memref<64x16xf32, #tpu.memory_space<hbm>>) target_semaphore(%run_scoped3A : memref<!tpu.dma_semaphore, #tpu.memory_space<semaphore_mem>>)
      %dma_wait3A_1050 = arith.constant 0 : i32
      %dma_wait3A_1051 = tpu.memref_slice %arg9[%add3A_1041, %dma_wait3A_1050] : memref<2048x16xf32, #tpu.memory_space<hbm>> -> memref<64x16xf32, #tpu.memory_space<hbm>>
      %dma_wait3A_1052 = arith.constant 0 : i32
      %dma_wait3A_1053 = tpu.memref_slice %arg34[%mul3A_1045, %dma_wait3A_1052] : memref<1024x16xf32, #tpu.memory_space<vmem_shared>> -> memref<64x16xf32, #tpu.memory_space<vmem_shared>>
      tpu.wait_dma2 semaphore(%run_scoped3A : memref<!tpu.dma_semaphore, #tpu.memory_space<semaphore_mem>>) src(%dma_wait3A_1053 : memref<64x16xf32, #tpu.memory_space<vmem_shared>>) dst(%dma_wait3A_1051 : memref<64x16xf32, #tpu.memory_space<hbm>>)
      tpu.yield
    }) : () -> ()
    return
  }
}

module attributes {stable_mosaic.version = 14 : i64} {
  func.func @_tc_body(%arg0: memref<1024x128xf32, #tpu.memory_space<vmem>>, %arg1: memref<2048x128xf32, #tpu.memory_space<vmem>>, %arg2: memref<2048x16xf32, #tpu.memory_space<vmem>>, %arg3: memref<1024xi32, #tpu.memory_space<vmem>>, %arg4: memref<1x1xf32, #tpu.memory_space<vmem>>) attributes {dimension_semantics = [], scalar_prefetch = 0 : i64, scratch_operands = 0 : i64, tpu.core_type = #tpu.core_type<tc>} {
    %get3A = arith.constant 0 : index
    %get3A_0 = arith.constant 0 : index
    %get3A_1 = vector.load %arg1[%get3A, %get3A_0] : memref<2048x128xf32, #tpu.memory_space<vmem>>, vector<1024x128xf32>
    %get3A_2 = arith.constant 1024 : index
    %get3A_3 = arith.constant 0 : index
    %get3A_4 = vector.load %arg1[%get3A_2, %get3A_3] : memref<2048x128xf32, #tpu.memory_space<vmem>>, vector<1024x128xf32>
    %add3A = arith.addf %get3A_1, %get3A_4 : vector<1024x128xf32>
    %get3A_5 = arith.constant 0 : index
    %get3A_6 = arith.constant 0 : index
    %get3A_7 = vector.load %arg2[%get3A_5, %get3A_6] : memref<2048x16xf32, #tpu.memory_space<vmem>>, vector<1024x16xf32>
    %get3A_8 = arith.constant 1024 : index
    %get3A_9 = arith.constant 0 : index
    %get3A_10 = vector.load %arg2[%get3A_8, %get3A_9] : memref<2048x16xf32, #tpu.memory_space<vmem>>, vector<1024x16xf32>
    %add3A_11 = arith.addf %get3A_7, %get3A_10 : vector<1024x16xf32>
    %slice3A = vector.extract_strided_slice %add3A_11 {offsets = [0, 0], sizes = [1024, 1], strides = [1, 1]} : vector<1024x16xf32> to vector<1024x1xf32>
    %iota3A = tpu.iota {dimensions = array<i32: 0>} : vector<1024x1xi32>
    %lt3A = arith.constant 1000 : i32
    %lt3A_12 = vector.broadcast %lt3A : i32 to vector<1024x1xi32>
    %lt3A_13 = arith.cmpi slt, %iota3A, %lt3A_12 : vector<1024x1xi32>
    %gt3A = arith.constant 0.000000e+00 : f32
    %gt3A_14 = vector.broadcast %gt3A : f32 to vector<1024x1xf32>
    %gt3A_15 = arith.cmpf ogt, %slice3A, %gt3A_14 : vector<1024x1xf32>
    %and3A = arith.andi %gt3A_15, %lt3A_13 : vector<1024x1xi1>
    %jit3A = arith.constant 1.000000e+00 : f32
    %broadcast_in_dim3A = vector.broadcast %jit3A : f32 to vector<1024x1xf32>
    %select_n3A = arith.select %and3A, %slice3A, %broadcast_in_dim3A : vector<1024x1xi1>, vector<1024x1xf32>
    %mul3A = arith.constant 5.000000e-02 : f32
    %mul3A_16 = vector.broadcast %mul3A : f32 to vector<1024x1xf32>
    %mul3A_17 = arith.mulf %select_n3A, %mul3A_16 : vector<1024x1xf32>
    %div3A = vector.broadcast %mul3A_17 : vector<1024x1xf32> to vector<1024x128xf32>
    %div3A_18 = arith.divf %add3A, %div3A : vector<1024x128xf32>
    %get3A_19 = arith.constant 0 : index
    %get3A_20 = arith.constant 0 : index
    %get3A_21 = vector.load %arg0[%get3A_19, %get3A_20] : memref<1024x128xf32, #tpu.memory_space<vmem>>, vector<1024x128xf32>
    %dot_general3A = arith.constant dense<0.000000e+00> : vector<1024x1024xf32>
    %dot_general3A_22 = tpu.matmul %div3A_18, %get3A_21, %dot_general3A {dimension_numbers = #tpu.dot_dimension_numbers<[1], [1], [0], [0], [0, 0, 1, 0], [], []>, transpose_lhs_hint = false} : vector<1024x128xf32>, vector<1024x128xf32>, vector<1024x1024xf32> -> vector<1024x1024xf32>
    %exp3A = math.exp %dot_general3A_22 : vector<1024x1024xf32>
    %jit3A_23 = arith.constant 1.000000e+00 : f32
    %jit3A_24 = arith.constant 0.000000e+00 : f32
    %broadcast_in_dim3A_25 = vector.broadcast %jit3A_23 : f32 to vector<1024x1xf32>
    %broadcast_in_dim3A_26 = vector.broadcast %jit3A_24 : f32 to vector<1024x1xf32>
    %select_n3A_27 = arith.select %and3A, %broadcast_in_dim3A_25, %broadcast_in_dim3A_26 : vector<1024x1xi1>, vector<1024x1xf32>
    %mul3A_28 = vector.broadcast %select_n3A_27 : vector<1024x1xf32> to vector<1024x1024xf32>
    %mul3A_29 = arith.mulf %exp3A, %mul3A_28 : vector<1024x1024xf32>
    %reduce_sum3A = arith.constant dense<0.000000e+00> : vector<1024xf32>
    %reduce_sum3A_30 = vector.multi_reduction <add>, %mul3A_29, %reduce_sum3A [0] : vector<1024x1024xf32> to vector<1024xf32>
    %broadcast_in_dim3A_31 = vector.shape_cast %reduce_sum3A_30 : vector<1024xf32> to vector<1x1024xf32>
    %add3A_32 = arith.constant 9.99999997E-7 : f32
    %add3A_33 = vector.broadcast %add3A_32 : f32 to vector<1x1024xf32>
    %add3A_34 = arith.addf %broadcast_in_dim3A_31, %add3A_33 : vector<1x1024xf32>
    %div3A_35 = vector.broadcast %add3A_34 : vector<1x1024xf32> to vector<1024x1024xf32>
    %div3A_36 = arith.divf %mul3A_29, %div3A_35 : vector<1024x1024xf32>
    %add3A_37 = arith.constant 9.99999997E-7 : f32
    %add3A_38 = vector.broadcast %add3A_37 : f32 to vector<1024x1024xf32>
    %add3A_39 = arith.addf %div3A_36, %add3A_38 : vector<1024x1024xf32>
    %log3A = math.log %add3A_39 : vector<1024x1024xf32>
    %get3A_40 = arith.constant 0 : index
    %get3A_41 = vector.load %arg3[%get3A_40] : memref<1024xi32, #tpu.memory_space<vmem>>, vector<1024xi32>
    %iota3A_42 = tpu.iota {dimensions = array<i32: 0>} : vector<1024x1024xi32>
    %broadcast_in_dim3A_43 = vector.shape_cast %get3A_41 : vector<1024xi32> to vector<1x1024xi32>
    %eq3A = vector.broadcast %broadcast_in_dim3A_43 : vector<1x1024xi32> to vector<1024x1024xi32>
    %eq3A_44 = arith.cmpi eq, %iota3A_42, %eq3A : vector<1024x1024xi32>
    %convert_element_type3A = arith.extui %eq3A_44 : vector<1024x1024xi1> to vector<1024x1024xi32>
    %convert_element_type3A_45 = arith.sitofp %convert_element_type3A : vector<1024x1024xi32> to vector<1024x1024xf32>
    %mul3A_46 = arith.mulf %log3A, %convert_element_type3A_45 : vector<1024x1024xf32>
    %reduce_sum3A_47 = arith.constant dense<0.000000e+00> : vector<1024xf32>
    %reduce_sum3A_48 = vector.multi_reduction <add>, %mul3A_46, %reduce_sum3A_47 [0] : vector<1024x1024xf32> to vector<1024xf32>
    %broadcast_in_dim3A_49 = vector.shape_cast %reduce_sum3A_48 : vector<1024xf32> to vector<1x1024xf32>
    %reduce_sum3A_50 = arith.constant dense<0.000000e+00> : vector<1xf32>
    %reduce_sum3A_51 = vector.multi_reduction <add>, %broadcast_in_dim3A_49, %reduce_sum3A_50 [1] : vector<1x1024xf32> to vector<1xf32>
    %broadcast_in_dim3A_52 = vector.shape_cast %reduce_sum3A_51 : vector<1xf32> to vector<1x1xf32>
    %neg3A = arith.constant 0.000000e+00 : f32
    %neg3A_53 = vector.broadcast %neg3A : f32 to vector<1x1xf32>
    %neg3A_54 = arith.subf %neg3A_53, %broadcast_in_dim3A_52 : vector<1x1xf32>
    %div3A_55 = arith.constant 1.024000e+03 : f32
    %div3A_56 = vector.broadcast %div3A_55 : f32 to vector<1x1xf32>
    %div3A_57 = arith.divf %neg3A_54, %div3A_56 : vector<1x1xf32>
    %swap3A = arith.constant 0 : index
    %swap3A_58 = arith.constant 0 : index
    %swap3A_59 = vector.load %arg4[%swap3A, %swap3A_58] : memref<1x1xf32, #tpu.memory_space<vmem>>, vector<1x1xf32>
    tpu.vector_store %arg4[%swap3A, %swap3A_58], %div3A_57 {strides = array<i32>} : memref<1x1xf32, #tpu.memory_space<vmem>>, vector<1x1xf32>,
    return
  }
}

</mosaic_0001>

<sc_bundles>
// kernel: kernel.4.cloned.1.call-start
scs
__scs_entry_jumppad:
0x0: {  	(pc) =	sbr.rel $0x88, $3  }
0x1: {  	(tag) =	ssettag $0x0;
	lr =	simm.s32 $0x1  }
0x2: {  	[smem:$0x3F9D] =	sst lr;
	_ =	strace $0xD0000000  }
0x3: {  	_ = 	snop  }
0x4: {  	_ = 	snop  }
0x5: {  	_ = 	snop  }
0x6: {  	_ = 	snop  }
0x7: {  	_ = 	snop  }
__scs_overlays_trampoline_lowered:
0x8: {  	[smem:$0x3FAC] =	sst s0  }
0x9: {  	[smem:$0x3FAD] =	sst s1  }
0xa: {  	[smem:$0x3FAE] =	sst s2  }
0xb: {  	[smem:$0x3FAF] =	sst s3  }
0xc: {  	[smem:$0x3FB0] =	sst s4  }
0xd: {  	[smem:$0x3FB1] =	sst s5  }
0xe: {  	[smem:$0x3FB2] =	sst s6  }
0xf: {  	[smem:$0x3FB3] =	sst s7  }
0x10: {  	[smem:$0x3FB4] =	sst s8  }
0x11: {  	[smem:$0x3FB5] =	sst s9;
	s0 =	simm.s32 @!p0 $0x0  }
0x12: {  	s1 =	sld [smem:$0x3F9B];
	s0 =	simm.s32 @p0 $0x1  }
0x13: {  	[smem:$0x3FB6] =	sst s0;
	s0 =	simm.s32 @!p1 $0x0  }
0x14: {  	s2 =	sld [smem:$0x3F9A];
	s0 =	simm.s32 @p1 $0x1  }
0x15: {  	[smem:$0x3FB7] =	sst s0;
	s0 =	simm.s32 @!p2 $0x0  }
0x16: {  	s3 =	sld [smem:$0x3FDB];
	s0 =	simm.s32 @p2 $0x1  }
0x17: {  	s4 =	simm.s32 $0x1BF5;
	[smem:$0x3FB9] =	sst s0  }
0x18: {  	s0 =	sld [smem:$0x3F9C];
	_ =	swait.ge [sflag:s4], $0x0  }
0x19: {  	s7 =	sld [smem:$0x3F9D]  }
0x1a: {  	s8 =	sadd.s32 $0xFFFFE003, lr  }
0x1b: {  	s9 =	sadd.s32 $0xFFFFFEF7, lr;
	s5 =	simm.s32 $0xFFFFFFFF;
	p2 =	slt.u32 s8, $0xFFFFF086  }
0x1c: {  	p1 =	slt.u32 s9, $0xF7A;
	s5 =	simm.s32 @!p2 $0x0  }
0x1d: {  	s5 =	simm.s32 @p1 $0x1;
	p0 =	seq.s32 s7, s2  }
0x1e: {  	s7 =	smul.u32 @!p0 $0xF7A, s2;
	p2 =	seq.s32 @!p0 s5, $0x0  }
0x1f: {  	s9 =	smul.u32 $0xF7A, s1;
	s8 =	simm.s32 @!p0 $0x1BF5;
	p2 =	por !p2, p0  }
0x20: {  	[sflag:s8] =	ssyncset.s32 @!p0 $0xFFFFF086;
	s6 =	sadd.s32 @!p0 s3, s7;
	s7 =	simm.s32 @!p0 $0x108  }
0x21: {  	s3 =	sadd.s32 s3, s9;
	s6 =	sadd.s32 @!p0 $0x88, s6;
	s7 =	simm.s32 @p2 $0x1082  }
0x22: {  	[simem:s7], [sflag:s8] =	dma.local @!p0 [hbm:s6], $0xF7A  }
0x23: {  	s9 =	sor.u32 $0xD0000000, s2;
	s6 =	simm.s32 $0x108;
	_ =	swait.ge @!p0 [sflag:s8], $0x0  }
0x24: {  	s3 =	sadd.s32 $0x88, s3;
	s6 =	simm.s32 @!p1 $0x1082;
	[sflag:s4] =	ssyncset.s32 $0xFFFFF086  }
0x25: {  	[simem:s6], [sflag:s4] =	dma.local [hbm:s3], $0xF7A  }
0x26: {  	[smem:$0x3F9D] =	sst s1;
	(tag) =	ssettag s2;
	_ =	strace s9  }
0x27: {  	s1 =	sld [smem:$0x3FAD]  }
0x28: {  	s2 =	sld [smem:$0x3FAE]  }
0x29: {  	s4 =	sld [smem:$0x3FB0]  }
0x2a: {  	p0 =	seq.s32 s5, $0x0;
	s5 =	sld [smem:$0x3FB1]  }
0x2b: {  	s6 =	sld [smem:$0x3FB2]  }
0x2c: {  	s7 =	sld [smem:$0x3FB3]  }
0x2d: {  	s3 =	simm.s32 $0x108;
	s8 =	sld [smem:$0x3FB4]  }
0x2e: {  	s3 =	simm.s32 @!p0 $0x1082;
	s9 =	sld [smem:$0x3FB5]  }
0x2f: {  	lr =	sadd.s32 s0, s3;
	s0 =	sld [smem:$0x3FAC]  }
0x30: {  	s3 =	sld [smem:$0x3FAF]  }
0x31: {  	[smem:$0x3FB8] =	sst s10  }
0x32: {  	s10 =	sld [smem:$0x3FB6];
	_ =	sdelay $0x3  }
0x33: {  	p0 =	seq.s32 s10, $0x1;
	s10 =	sld [smem:$0x3FB8];
	_ =	sdelay $0x3  }
0x34: {  	[smem:$0x3FB8] =	sst s10  }
0x35: {  	s10 =	sld [smem:$0x3FB7];
	_ =	sdelay $0x3  }
0x36: {  	p1 =	seq.s32 s10, $0x1;
	s10 =	sld [smem:$0x3FB8];
	_ =	sdelay $0x3  }
0x37: {  	[smem:$0x3FB8] =	sst s10  }
0x38: {  	s10 =	sld [smem:$0x3FB9]  }
0x39: {  	_ = 	snop;
	(pc) =	sbr.ind lr, $3  }
0x3a: {  	_ = 	snop  }
0x3b: {  	_ = 	snop  }
0x3c: {  	p2 =	seq.s32 s10, $0x1;
	s10 =	sld [smem:$0x3FB8]  }
0x3d: {  	_ =	shalt  }
0x3e: {  	_ =	shalt  }
0x3f: {  	_ =	shalt  }
0x40: {  	_ =	shalt  }
0x41: {  	_ =	shalt  }
0x42: {  	_ =	shalt  }
0x43: {  	_ =	shalt  }
0x44: {  	_ =	shalt  }
0x45: {  	_ =	shalt  }
0x46: {  	_ =	shalt  }
0x47: {  	_ =	shalt  }
0x48: {  	_ =	shalt  }
0x49: {  	_ =	shalt  }
0x4a: {  	_ =	shalt  }
0x4b: {  	_ =	shalt  }
0x4c: {  	_ =	shalt  }
0x4d: {  	_ =	shalt  }
0x4e: {  	_ =	shalt  }
0x4f: {  	_ =	shalt  }
0x50: {  	_ =	shalt  }
0x51: {  	_ =	shalt  }
0x52: {  	_ =	shalt  }
0x53: {  	_ =	shalt  }
0x54: {  	_ =	shalt  }
0x55: {  	_ =	shalt  }
0x56: {  	_ =	shalt  }
0x57: {  	_ =	shalt  }
0x58: {  	_ =	shalt  }
0x59: {  	_ =	shalt  }
0x5a: {  	_ =	shalt  }
0x5b: {  	_ =	shalt  }
0x5c: {  	_ =	shalt  }
0x5d: {  	_ =	shalt  }
0x5e: {  	_ =	shalt  }
0x5f: {  	_ =	shalt  }
0x60: {  	_ =	shalt  }
0x61: {  	_ =	shalt  }
0x62: {  	_ =	shalt  }
0x63: {  	_ =	shalt  }
0x64: {  	_ =	shalt  }
0x65: {  	_ =	shalt  }
0x66: {  	_ =	shalt  }
0x67: {  	_ =	shalt  }
0x68: {  	_ =	shalt  }
0x69: {  	_ =	shalt  }
0x6a: {  	_ =	shalt  }
0x6b: {  	_ =	shalt  }
0x6c: {  	_ =	shalt  }
0x6d: {  	_ =	shalt  }
0x6e: {  	_ =	shalt  }
0x6f: {  	_ =	shalt  }
0x70: {  	_ =	shalt  }
0x71: {  	_ =	shalt  }
0x72: {  	_ =	shalt  }
0x73: {  	_ =	shalt  }
0x74: {  	_ =	shalt  }
0x75: {  	_ =	shalt  }
0x76: {  	_ =	shalt  }
0x77: {  	_ =	shalt  }
0x78: {  	_ =	shalt  }
0x79: {  	_ =	shalt  }
0x7a: {  	_ =	shalt  }
0x7b: {  	_ =	shalt  }
0x7c: {  	_ =	shalt  }
0x7d: {  	_ =	shalt  }
0x7e: {  	_ =	shalt  }
0x7f: {  	_ =	shalt  }
0x80: {  	_ =	shalt  }
0x81: {  	_ =	shalt  }
0x82: {  	_ =	shalt  }
0x83: {  	_ =	shalt  }
0x84: {  	_ =	shalt  }
0x85: {  	_ =	shalt  }
0x86: {  	_ =	shalt  }
0x87: {  	_ =	shalt  }
.Lfunc_end0:
.L_simem_size_0:
called_computation_lowered:
.L_overlay_start_0:
0x88: {  	s2 =	sld [smem:$0x3FD9]  }
0x89: {  	s3 =	sld [smem:$0x3FFE];
	_ =	sdelay $0x1  }
0x8a: {  	s1 =	srdreg.scid  }
0x8b: {  	s0 =	sand.u32 $0x1, s1  }
0x8c: {  	s17 =	sshll.u32 s0, $0xA;
	s2 =	sadd.s32 s3, s2  }
0x8d: {  	s2 =	sadd.s32 s2, s17  }
0x8e: {  	[smem:$0x3FC4] =	sst s2  }
0x8f: {  	_ = 	snop  }
0x90: {  	s2 =	sld [smem:$0x3FC8]  }
0x91: {  	s18 =	sld [smem:$0x3FC7]  }
0x92: {  	s4 =	sld [smem:$0x3FC6];
	(tm) =	ssettm $0x1  }
0x93: {  	s5 =	sld [smem:$0x3FFB];
	_ =	sdelay $0x3  }
0x94: {  	_ =	strace s5  }
0x95: {  	s5 =	sld [smem:$0x3FFC];
	_ =	sdelay $0x3  }
0x96: {  	_ =	strace s5  }
0x97: {  	s5 =	sld [smem:$0x3FFD];
	_ =	sdelay $0x3  }
0x98: {  	_ =	strace s5  }
0x99: {  	_ =	strace $0x8FFFFFFF  }
0x9a: {  	s19 =	sld [smem:$0x3FDB];
	_ =	sdelay $0x1  }
0x9b: {  	s6 =	simm.s32 $_scs_section_size  }
0x9c: {  	s7 =	simm.s32 $_size__tile_overlayer_lowered;
	s8 =	simm.s32 $_tile_overlayer_lowered  }
0x9d: {  	s22 =	simm.s32 $0x1BFF;
	s21 =	sshll.u32 s8, $0x1;
	s5 =	sadd.s32 s6, s19  }
0x9e: {  	s9 =	simm.s32 $0x0;
	s20 =	sshll.u32 s7, $0x1;
	s7 =	sadd.s32 s21, s5  }
0x9f: {  	[timem:s9], [sflag:s22] =	dma.local [hbm:s7], s20  }
0xa0: {  	_ =	swait.ge [sflag:s22], s20  }
0xa1: {  	s6 =	ssub.s32 $0x0, s20;
	[sflag:s22] =	ssyncset.done $0x0  }
0xa2: {  	[sflag:s22] =	ssyncadd.s32 s6;
	_ =	sdelay $0x1  }
0xa3: {  	s23 =	simm.s32 $0x1B8B  }
0xa4: {  	_ =	swait.ge [sflag:s23], $0x1  }
0xa5: {  	[sflag:s23] =	ssyncset.done $0x0  }
0xa6: {  	s25 =	simm.s32 $0x1B8E;
	s24 =	sld [smem:$0x3FFE];
	[sflag:s23] =	ssyncadd.s32 $0xFFFFFFFF  }
0xa7: {  	s26 =	simm.s32 $execute0_lowered;
	[smem:$0x3FD2] =	sst s25  }
0xa8: {  	s7 =	sshll.u32 s26, $0x1;
	_ =	strace $0x80000046;
	[dreg:$0x1] =	wrdreg $0xFFFFFFFF  }
0xa9: {  	s28 =	simm.s32 $_size_execute0_lowered;
	s5 =	sadd.s32 s5, s7;
	[dreg:$0x0] =	wrdreg $0x0  }
0xaa: {  	s7 =	sshll.u32 s28, $0x1;
	[dreg:$0x2] =	wrdreg s5  }
0xab: {  	[dreg:$0x3] =	wrdreg s7  }
0xac: {  	[dreg:$0x4] =	wrdreg $0xC0  }
0xad: {  	_ =	task [dreg:s9], $0x5FFFF  }
0xae: {  	[dreg:$0x1] =	wrdreg $0xFFFFFFFF  }
0xaf: {  	[dreg:$0x0] =	wrdreg $0x60  }
0xb0: {  	[dreg:$0x2] =	wrdreg s18  }
0xb1: {  	[dreg:$0x3] =	wrdreg s4  }
0xb2: {  	[dreg:$0x4] =	wrdreg s2  }
0xb3: {  	[dreg:$0x5] =	wrdreg s24  }
0xb4: {  	[dreg:$0x6] =	wrdreg $0x113000  }
0xb5: {  	[dreg:$0x7] =	wrdreg $0x133000  }
0xb6: {  	[dreg:$0x8] =	wrdreg $0x9  }
0xb7: {  	_ =	task.clear_ibuf [dreg:s9], $0x9FFFF;
	_ =	strace $0x90000046  }
0xb8: {  	s29 =	simm.s32 $0x9;
	_ =	strace $0x80000048  }
0xb9: {  	_ =	swait.ge [sflag:s29], $0x1  }
0xba: {  	[sflag:s29] =	ssyncadd.s32 $0xFFFFFFFF  }
0xbb: {  	_ =	strace $0x90000048  }
0xbc: {  	_ =	sfence  }
0xbd: {  	s30 =	sld [smem:$0x0];
	_ =	sdelay $0x2  }
0xbe: {  	s31 =	sshll.u32 s1, $0xD;
	s1 =	sshrl.u32 s1, $0x2  }
0xbf: {  	s3 =	sand.u32 $0x4000, s31;
	s1 =	sadd.s32 s1, s30  }
0xc0: {  	s0 =	sor.u32 s3, s0;
	s1 =	sshll.u32 s1, $0x11  }
0xc1: {  	s0 =	sor.u32 s1, s0  }
0xc2: {  	s0 =	sadd.s32 $0x8F2B, s0  }
0xc3: {  	[sflag:s0] =	ssyncadd.remote.s32 $0x1  }
0xc4: {  	_ =	sfence.sel $0xFFFF  }
0xc5: {  	[dreg:$0x0] =	wrdreg $0xFFFFFFFF;
	(pc) =	sbr.abs _section_cstart, $3  }
0xc6: {  	[dreg:$0x1] =	wrdreg $0xFFFFFFFF  }
0xc7: {  	_ =	task.clear_ibuf [dreg:s9], $0x2FFFF;
	_ =	strace $0x9FFFFFFF  }
0xc8: {  	(tm) =	ssettm $0x7FFFFFFF  }
0xc9: {  	_ =	shalt  }
tec
execute0_lowered:
.L_overlay_start_1:
0x0: {  	(tag) =	ssettag $0x1  }
0x1: {  	s1 =	rddreg [dreg:$0x0]  }
0x2: {  	s13 =	rddreg [dreg:$0x1]  }
0x3: {  	s6 =	rddreg [dreg:$0x2]  }
0x4: {  	s2 =	rddreg [dreg:$0x3]  }
0x5: {  	s3 =	rddreg [dreg:$0x4]  }
0x6: {  	s4 =	rddreg [dreg:$0x5]  }
0x7: {  	s5 =	simm.s32 $0x0;
	s7 =	srdreg.scid;
	s10 =	stileid.u32  }
0x8: {  	[smem:$0x7FF] =	sst s5;
	s0 =	sadd.s32 $0x1400, s2;
	s31 =	sand.u32 $0x1, s7  }
0x9: {  	s15 =	sadd.s32 $0x1000, s2;
	_ =	strace $0x80000047;
	[dreg:$0x7] =	wrdreg s0  }
0xa: {  	s8 =	sadd.s32 $0x1800, s2;
	s7 =	sshll.u32 s31, $0x4;
	[dreg:$0x8] =	wrdreg s15  }
0xb: {  	[dreg:$0x9] =	wrdreg s8;
	s0 =	sor.u32 s10, s7  }
0xc: {  	s7 =	sshll.u32 s0, $0xB;
	s16 =	sshll.u32 s0, $0x4;
	s9 =	sor.u32 $0x20, s0  }
0xd: {  	s21 =	sshll.u32 s0, $0x2;
	s30 =	sor.u32 $0x40, s0;
	s7 =	sadd.s32 s1, s7  }
0xe: {  	s15 =	sor.u32 $0x60, s0;
	s17 =	sadd.s32 s13, s16;
	[dreg:$0xa] =	wrdreg s7  }
0xf: {  	s18 =	sshll.u32 s9, $0xB;
	s24 =	sadd.s32 s6, s21;
	[dreg:$0xb] =	wrdreg s17  }
0x10: {  	s20 =	sshll.u32 s9, $0x4;
	s19 =	sadd.s32 s1, s18;
	[dreg:$0xe] =	wrdreg s24  }
0x11: {  	s23 =	sadd.s32 s21, s2;
	s22 =	sadd.s32 s13, s20;
	[dreg:$0xc] =	wrdreg s19  }
0x12: {  	s6 =	sshll.u32 s10, $0xD;
	s25 =	sadd.s32 $0x12000, s23;
	[dreg:$0xd] =	wrdreg s22  }
0x13: {  	s11 =	sshll.u32 s30, $0xB;
	s26 =	sadd.s32 s6, s3;
	[dreg:$0xf] =	wrdreg s25  }
0x14: {  	s8 =	sshll.u32 s30, $0x4;
	s9 =	sadd.s32 s6, s4;
	[dreg:$0x10] =	wrdreg s26  }
0x15: {  	s16 =	sshll.u32 s15, $0xB;
	s12 =	sadd.s32 s1, s11;
	[dreg:$0x11] =	wrdreg s9  }
0x16: {  	s14 =	sadd.s32 s13, s8;
	s7 =	sadd.s32 s1, s16;
	[dreg:$0x12] =	wrdreg s12  }
0x17: {  	s8 =	sshll.u32 s15, $0x4;
	s17 =	sor.u32 $0x80, s0;
	[dreg:$0x13] =	wrdreg s14  }
0x18: {  	s23 =	sor.u32 $0xA0, s0;
	s15 =	sor.u32 $0xE0, s0;
	[dreg:$0x14] =	wrdreg s7  }
0x19: {  	s18 =	sadd.s32 s13, s8;
	s19 =	sshll.u32 s17, $0xB;
	s21 =	sshll.u32 s17, $0x4  }
0x1a: {  	s24 =	sshll.u32 s23, $0xB;
	s8 =	sshll.u32 s23, $0x4;
	s25 =	sor.u32 $0xC0, s0  }
0x1b: {  	s16 =	sshll.u32 s15, $0xB;
	s17 =	sor.u32 $0x100, s0;
	s23 =	sor.u32 $0x120, s0  }
0x1c: {  	[dreg:$0x15] =	wrdreg s18;
	s20 =	sadd.s32 s1, s19;
	s22 =	sadd.s32 s13, s21  }
0x1d: {  	s7 =	sadd.s32 s1, s24;
	s26 =	sadd.s32 s13, s8;
	s30 =	sshll.u32 s25, $0xB  }
0x1e: {  	s12 =	sshll.u32 s25, $0x4;
	s8 =	sshll.u32 s15, $0x4;
	[dreg:$0x16] =	wrdreg s20  }
0x1f: {  	s19 =	sshll.u32 s17, $0xB;
	s21 =	sshll.u32 s17, $0x4;
	[dreg:$0x17] =	wrdreg s22  }
0x20: {  	s24 =	sshll.u32 s23, $0xB;
	s25 =	sor.u32 $0x140, s0;
	[dreg:$0x18] =	wrdreg s7  }
0x21: {  	s15 =	sor.u32 $0x160, s0;
	s17 =	sor.u32 $0x180, s0;
	[dreg:$0x19] =	wrdreg s26  }
0x22: {  	s11 =	sadd.s32 s1, s30;
	s14 =	sadd.s32 s13, s12;
	s7 =	sadd.s32 s1, s16  }
0x23: {  	s18 =	sadd.s32 s13, s8;
	s20 =	sadd.s32 s1, s19;
	[dreg:$0x1a] =	wrdreg s11  }
0x24: {  	s22 =	sadd.s32 s13, s21;
	s8 =	sshll.u32 s23, $0x4;
	[dreg:$0x1b] =	wrdreg s14  }
0x25: {  	s30 =	sshll.u32 s25, $0xB;
	s12 =	sshll.u32 s25, $0x4;
	[dreg:$0x1c] =	wrdreg s7  }
0x26: {  	s16 =	sshll.u32 s15, $0xB;
	s19 =	sshll.u32 s17, $0xB;
	[dreg:$0x1d] =	wrdreg s18  }
0x27: {  	s21 =	sshll.u32 s17, $0x4;
	s23 =	sor.u32 $0x1A0, s0;
	[dreg:$0x1e] =	wrdreg s20  }
0x28: {  	s25 =	sor.u32 $0x1C0, s0;
	[dreg:$0x1f] =	wrdreg s22;
	s7 =	sadd.s32 s1, s24  }
0x29: {  	s26 =	sadd.s32 s13, s8;
	s11 =	sadd.s32 s1, s30;
	s14 =	sadd.s32 s13, s12  }
0x2a: {  	s8 =	sshll.u32 s15, $0x4;
	s20 =	sadd.s32 s1, s19;
	[smem:$0x7DB] =	sst s7  }
0x2b: {  	s22 =	sadd.s32 s13, s21;
	s24 =	sshll.u32 s23, $0xB;
	[smem:$0x7DC] =	sst s26  }
0x2c: {  	s30 =	sshll.u32 s25, $0xB;
	s9 =	sshll.u32 s25, $0x4;
	[smem:$0x7DD] =	sst s11  }
0x2d: {  	s12 =	sor.u32 $0x1E0, s0;
	s15 =	sor.u32 $0x200, s0;
	[smem:$0x7DE] =	sst s14  }
0x2e: {  	s21 =	sor.u32 $0x220, s0;
	s7 =	sadd.s32 s1, s16;
	[smem:$0x7E1] =	sst s20  }
0x2f: {  	s18 =	sadd.s32 s13, s8;
	[smem:$0x7E2] =	sst s22;
	s8 =	sshll.u32 s23, $0x4  }
0x30: {  	s11 =	sadd.s32 s13, s9;
	s14 =	sshll.u32 s12, $0xB;
	[smem:$0x7DF] =	sst s7  }
0x31: {  	s17 =	sshll.u32 s15, $0xB;
	s19 =	sshll.u32 s15, $0x4;
	[smem:$0x7E0] =	sst s18  }
0x32: {  	s22 =	sshll.u32 s21, $0xB;
	s7 =	sadd.s32 s1, s24;
	[smem:$0x7E6] =	sst s11  }
0x33: {  	s23 =	sor.u32 $0x240, s0;
	s26 =	sadd.s32 s13, s8;
	[smem:$0x7E3] =	sst s7  }
0x34: {  	s9 =	sor.u32 $0x260, s0;
	s8 =	sadd.s32 s1, s30;
	[smem:$0x7E4] =	sst s26  }
0x35: {  	s18 =	sadd.s32 s1, s17;
	s20 =	sadd.s32 s13, s19;
	[smem:$0x7E5] =	sst s8  }
0x36: {  	s25 =	sshll.u32 s23, $0xB;
	s30 =	sshll.u32 s23, $0x4;
	[smem:$0x7E9] =	sst s18  }
0x37: {  	s11 =	sshll.u32 s9, $0xB;
	s7 =	sadd.s32 s1, s14;
	[smem:$0x7EA] =	sst s20  }
0x38: {  	s8 =	sshll.u32 s12, $0x4;
	s26 =	sadd.s32 s1, s25;
	[smem:$0x7E7] =	sst s7  }
0x39: {  	s19 =	sor.u32 $0x2A0, s0;
	s16 =	sadd.s32 s13, s8;
	[smem:$0x7ED] =	sst s26  }
0x3a: {  	s7 =	sadd.s32 s1, s22;
	s8 =	sshll.u32 s21, $0x4;
	[smem:$0x7E8] =	sst s16  }
0x3b: {  	s12 =	sor.u32 $0x280, s0;
	[smem:$0x7EB] =	sst s7;
	s24 =	sadd.s32 s13, s8  }
0x3c: {  	s20 =	sshll.u32 s31, $0x11;
	s8 =	sadd.s32 s13, s30;
	[smem:$0x7EC] =	sst s24  }
0x3d: {  	s15 =	sshll.u32 s12, $0xB;
	s7 =	sadd.s32 s1, s11;
	[smem:$0x7EE] =	sst s8  }
0x3e: {  	s17 =	sshll.u32 s12, $0x4;
	s16 =	sadd.s32 s1, s15;
	[smem:$0x7EF] =	sst s7  }
0x3f: {  	s21 =	sshll.u32 s19, $0xB;
	s18 =	sadd.s32 s13, s17;
	[smem:$0x7F1] =	sst s16  }
0x40: {  	s11 =	sor.u32 $0x2C0, s0;
	[smem:$0x7F2] =	sst s18;
	s7 =	sadd.s32 s1, s21  }
0x41: {  	s8 =	sshll.u32 s9, $0x4;
	s23 =	sshll.u32 s11, $0xB;
	[smem:$0x7F3] =	sst s7  }
0x42: {  	s25 =	sshll.u32 s11, $0x4;
	s24 =	sadd.s32 s1, s23;
	s23 =	rddreg [dreg:$0xb]  }
0x43: {  	s14 =	sadd.s32 s13, s8;
	s26 =	sadd.s32 s13, s25;
	s25 =	rddreg [dreg:$0xd]  }
0x44: {  	s6 =	sor.u32 s6, s20;
	s30 =	sor.u32 $0x2E0, s0;
	[smem:$0x7F0] =	sst s14  }
0x45: {  	s6 =	sshrl.u32 s6, $0x3;
	s11 =	sshll.u32 s30, $0xB;
	[smem:$0x7F5] =	sst s24  }
0x46: {  	s2 =	sadd.s32 s6, s2;
	s7 =	sadd.s32 s1, s11;
	[smem:$0x7F6] =	sst s26  }
0x47: {  	s8 =	sshll.u32 s19, $0x4;
	s19 =	sadd.s32 $0x30D0, s13;
	[smem:$0x7F7] =	sst s7  }
0x48: {  	s20 =	sadd.s32 $0x2000, s2;
	[smem:$0x7FC] =	sst s19  }
0x49: {  	s21 =	sadd.s32 $0xA000, s2;
	[smem:$0x7FD] =	sst s20  }
0x4a: {  	[smem:$0x7D9] =	sst s21  }
0x4b: {  	s12 =	smin.u32 s0, $0xC;
	s24 =	rddreg [dreg:$0xc]  }
0x4c: {  	s22 =	sadd.s32 s13, s8;
	s8 =	sshll.u32 s30, $0x4;
	s30 =	rddreg [dreg:$0xe]  }
0x4d: {  	s11 =	sor.u32 $0x300, s12;
	[smem:$0x7F4] =	sst s22  }
0x4e: {  	s15 =	sshll.u32 s11, $0xB;
	s26 =	simm.s32 $0x20;
	s22 =	rddreg [dreg:$0xa]  }
0x4f: {  	s17 =	sshll.u32 s11, $0x4;
	s14 =	sadd.s32 s13, s8;
	[smem:$0x7DA] =	sst s26  }
0x50: {  	[tilespmem:s5], [sflag:$0x2] =	stream.linear.gather [hbm4b:s22+s5], $0x4000, $0x38;
	[tilespmem:$0x13700] =	vst v63  }
0x51: {  	s7 =	simm.s32 $0xC000;
	s16 =	sadd.s32 s1, s15;
	[smem:$0x7F8] =	sst s14  }
0x52: {  	[tilespmem:s7], [sflag:$0x5] =	stream.linear.gather [hbm4b:s23+s5], $0x80, $0x38;
	[tilespmem:$0x13700] =	vst v63  }
0x53: {  	s18 =	sadd.s32 s13, s17;
	s8 =	simm.s32 $0x4000;
	[smem:$0x7F9] =	sst s16  }
0x54: {  	[tilespmem:s8], [sflag:$0x3] =	stream.linear.gather [hbm4b:s24+s5], $0x4000, $0x38;
	[tilespmem:$0x13700] =	vst v63  }
0x55: {  	s9 =	simm.s32 $0xC080;
	s1 =	sadd.s32 $0x186800, s1;
	[smem:$0x7FA] =	sst s18  }
0x56: {  	[tilespmem:s9], [sflag:$0x6] =	stream.linear.gather [hbm4b:s25+s5], $0x80, $0x38;
	[tilespmem:$0x13700] =	vst v63  }
0x57: {  	s6 =	simm.s32 $0xC;
	[smem:$0x7FB] =	sst s1;
	s14 =	simm.s32 $0x11200  }
0x58: {  	[tilespmem:s14], [sflag:$0xC] =	stream.linear.gather [hbm4b:s30+s5], $0x20, $0x38;
	[tilespmem:$0x13700] =	vst v63  }
0x59: {  	_ =	swait.ge [sflag:s6], $0x20  }
0x5a: {  	s11 =	sld [smem:$0x7DA]  }
0x5b: {  	[sflag:s6] =	ssyncset.done $0x0  }
0x5c: {  	s12 =	simm.s32 $0x1;
	s15 =	simm.s32 $0x11280;
	[sflag:s6] =	ssyncadd.s32 $0xFFFFFFE0  }
0x5d: {  	[tilespmem:s15], [sflag:$0x1] =	stream.indirect.gather [hbm4b:s13+s11], $0x1, s14, s11, $0xb8;
	[tilespmem:$0x13700] =	vst v63  }
0x5e: {  	_ =	swait.ge [sflag:s12], $0x20  }
0x5f: {  	[sflag:s12] =	ssyncset.done $0x0  }
0x60: {  	s16 =	rddreg [dreg:$0xf];
	[sflag:s12] =	ssyncadd.s32 $0xFFFFFFE0  }
0x61: {  	[hbm4b:s16+s5] =	stream.linear.scatter [tilespmem:s15], [sflag:$0xC], $0x20, $0x38;
	[tilespmem:$0x13700] =	vst v63  }
0x62: {  	s19 =	sshll.u32 s10, $0x6;
	_ =	swait.ge [sflag:s6], $0x20  }
0x63: {  	s13 =	sor.u32 $0x1C0C, s19;
	s17 =	rddreg [dreg:$0x10];
	[sflag:s6] =	ssyncset.done $0x0  }
0x64: {  	s18 =	rddreg [dreg:$0x7];
	[sflag:s6] =	ssyncadd.s32 $0xFFFFFFE0;
	s11 =	sshrl.u32 s17, $0x3  }
0x65: {  	[spmem:s11], [sflag:s13] =	dma.local [hbm:s18], $0x400  }
0x66: {  	_ =	swait.ge [sflag:s6], $0x400  }
0x67: {  	s20 =	rddreg [dreg:$0x11];
	[sflag:s6] =	ssyncset.done $0x0  }
0x68: {  	s21 =	rddreg [dreg:$0x8];
	[sflag:s6] =	ssyncadd.s32 $0xFFFFFC00;
	s26 =	sshrl.u32 s20, $0x3  }
0x69: {  	[spmem:s26], [sflag:s13] =	dma.local [hbm:s21], $0x400  }
0x6a: {  	_ =	swait.ge [sflag:s6], $0x400  }
0x6b: {  	[sflag:s6] =	ssyncset.done $0x0  }
0x6c: {  	s14 =	simm.s32 $0xD200;
	s22 =	rddreg [dreg:$0x9];
	[sflag:s6] =	ssyncadd.s32 $0xFFFFFC00  }
0x6d: {  	[tilespmem:s14], [sflag:$0xC] =	stream.linear.gather [hbm4b:s22+s5], $0x4000, $0x38;
	[tilespmem:$0x13700] =	vst v63  }
0x6e: {  	_ =	swait.ge [sflag:s6], $0x4000  }
0x6f: {  	[sflag:s6] =	ssyncset.done $0x0  }
0x70: {  	[sflag:s6] =	ssyncadd.s32 $0xFFFFC000  }
0x71: {  	[bflag:$0x0] =	sbarrier.arrive $0xFFFF  }
0x72: {  	s15 =	simm.s32 $0x8000;
	s23 =	rddreg [dreg:$0x12]  }
0x73: {  	[tilespmem:s15], [sflag:$0x4] =	stream.linear.gather [hbm4b:s23+s5], $0x4000, $0x38;
	[tilespmem:$0x13700] =	vst v63  }
0x74: {  	s16 =	simm.s32 $0xC100;
	s17 =	simm.s32 $0x2;
	s24 =	rddreg [dreg:$0x13]  }
0x75: {  	[tilespmem:s16], [sflag:$0x7] =	stream.linear.gather [hbm4b:s24+s5], $0x80, $0x38;
	[tilespmem:$0x13700] =	vst v63  }
0x76: {  	_ =	swait.ge [sflag:s17], $0x4000  }
0x77: {  	[sflag:s17] =	ssyncset.done $0x0  }
0x78: {  	s18 =	simm.s32 $0x5;
	[sflag:s17] =	ssyncadd.s32 $0xFFFFC000  }
0x79: {  	_ =	swait.ge [sflag:s18], $0x80  }
0x7a: {  	[sflag:s18] =	ssyncset.done $0x0  }
0x7b: {  	s19 =	simm.s32 $0x80;
	[sflag:s18] =	ssyncadd.s32 $0xFFFFFF80  }
0x7c: {  	[spmem:s3] =	stream.indirect.scatter.add.f32 [tilespmem:s5], [sflag:$0x8], $0x80, s7, s19, $0xb8;
	[tilespmem:$0x13700] =	vst v63  }
0x7d: {  	s20 =	simm.s32 $0x8  }
0x7e: {  	[spmem:s4] =	stream.indirect.scatter.add.f32 [tilespmem:s14], [sflag:$0xA], $0x10, s7, s19, $0xb8;
	[tilespmem:$0x13700] =	vst v63  }
0x7f: {  	_ =	swait.ge [sflag:s20], $0x4000  }
0x80: {  	[sflag:s20] =	ssyncset.done $0x0  }
0x81: {  	s21 =	simm.s32 $0xA;
	[sflag:s20] =	ssyncadd.s32 $0xFFFFC000  }
0x82: {  	_ =	swait.ge [sflag:s21], $0x800  }
0x83: {  	[sflag:s21] =	ssyncset.done $0x0  }
0x84: {  	s25 =	rddreg [dreg:$0x14];
	[sflag:s21] =	ssyncadd.s32 $0xFFFFF800  }
0x85: {  	[tilespmem:s5], [sflag:$0x2] =	stream.linear.gather [hbm4b:s25+s5], $0x4000, $0x38;
	[tilespmem:$0x13700] =	vst v63  }
0x86: {  	s22 =	simm.s32 $0x3;
	s30 =	rddreg [dreg:$0x15]  }
0x87: {  	[tilespmem:s7], [sflag:$0x5] =	stream.linear.gather [hbm4b:s30+s5], $0x80, $0x38;
	[tilespmem:$0x13700] =	vst v63  }
0x88: {  	_ =	swait.ge [sflag:s22], $0x4000  }
0x89: {  	[sflag:s22] =	ssyncset.done $0x0  }
0x8a: {  	s23 =	simm.s32 $0x6;
	[sflag:s22] =	ssyncadd.s32 $0xFFFFC000  }
0x8b: {  	_ =	swait.ge [sflag:s23], $0x80  }
0x8c: {  	[sflag:s23] =	ssyncset.done $0x0  }
0x8d: {  	[sflag:s23] =	ssyncadd.s32 $0xFFFFFF80  }
0x8e: {  	[spmem:s3] =	stream.indirect.scatter.add.f32 [tilespmem:s8], [sflag:$0x9], $0x80, s9, s19, $0xb8;
	[tilespmem:$0x13700] =	vst v63  }
0x8f: {  	s24 =	simm.s32 $0x9  }
0x90: {  	[spmem:s4] =	stream.indirect.scatter.add.f32 [tilespmem:s14], [sflag:$0xB], $0x10, s9, s19, $0xb8;
	[tilespmem:$0x13700] =	vst v63  }
0x91: {  	_ =	swait.ge [sflag:s24], $0x4000  }
0x92: {  	[sflag:s24] =	ssyncset.done $0x0  }
0x93: {  	s25 =	simm.s32 $0xB;
	[sflag:s24] =	ssyncadd.s32 $0xFFFFC000  }
0x94: {  	_ =	swait.ge [sflag:s25], $0x800  }
0x95: {  	[sflag:s25] =	ssyncset.done $0x0  }
0x96: {  	s10 =	rddreg [dreg:$0x16];
	[sflag:s25] =	ssyncadd.s32 $0xFFFFF800  }
0x97: {  	[tilespmem:s8], [sflag:$0x3] =	stream.linear.gather [hbm4b:s10+s5], $0x4000, $0x38;
	[tilespmem:$0x13700] =	vst v63  }
0x98: {  	s28 =	simm.s32 $0x4;
	s30 =	rddreg [dreg:$0x17]  }
0x99: {  	[tilespmem:s9], [sflag:$0x6] =	stream.linear.gather [hbm4b:s30+s5], $0x80, $0x38;
	[tilespmem:$0x13700] =	vst v63  }
0x9a: {  	_ =	swait.ge [sflag:s28], $0x4000  }
0x9b: {  	[sflag:s28] =	ssyncset.done $0x0  }
0x9c: {  	s29 =	simm.s32 $0x7;
	[sflag:s28] =	ssyncadd.s32 $0xFFFFC000  }
0x9d: {  	_ =	swait.ge [sflag:s29], $0x80  }
0x9e: {  	[sflag:s29] =	ssyncset.done $0x0  }
0x9f: {  	[sflag:s29] =	ssyncadd.s32 $0xFFFFFF80  }
0xa0: {  	[spmem:s3] =	stream.indirect.scatter.add.f32 [tilespmem:s15], [sflag:$0x8], $0x80, s16, s19, $0xb8;
	[tilespmem:$0x13700] =	vst v63  }
0xa1: {  	_ = 	snop  }
0xa2: {  	[spmem:s4] =	stream.indirect.scatter.add.f32 [tilespmem:s14], [sflag:$0xA], $0x10, s16, s19, $0xb8;
	[tilespmem:$0x13700] =	vst v63  }
0xa3: {  	_ =	swait.ge [sflag:s20], $0x4000  }
0xa4: {  	[sflag:s20] =	ssyncset.done $0x0  }
0xa5: {  	[sflag:s20] =	ssyncadd.s32 $0xFFFFC000  }
0xa6: {  	_ =	swait.ge [sflag:s21], $0x800  }
0xa7: {  	[sflag:s21] =	ssyncset.done $0x0  }
0xa8: {  	s10 =	rddreg [dreg:$0x18];
	[sflag:s21] =	ssyncadd.s32 $0xFFFFF800  }
0xa9: {  	[tilespmem:s15], [sflag:$0x4] =	stream.linear.gather [hbm4b:s10+s5], $0x4000, $0x38;
	[tilespmem:$0x13700] =	vst v63  }
0xaa: {  	s30 =	rddreg [dreg:$0x19]  }
0xab: {  	[tilespmem:s16], [sflag:$0x7] =	stream.linear.gather [hbm4b:s30+s5], $0x80, $0x38;
	[tilespmem:$0x13700] =	vst v63  }
0xac: {  	_ =	swait.ge [sflag:s17], $0x4000  }
0xad: {  	[sflag:s17] =	ssyncset.done $0x0  }
0xae: {  	[sflag:s17] =	ssyncadd.s32 $0xFFFFC000  }
0xaf: {  	_ =	swait.ge [sflag:s18], $0x80  }
0xb0: {  	[sflag:s18] =	ssyncset.done $0x0  }
0xb1: {  	[sflag:s18] =	ssyncadd.s32 $0xFFFFFF80  }
0xb2: {  	[spmem:s3] =	stream.indirect.scatter.add.f32 [tilespmem:s5], [sflag:$0x9], $0x80, s7, s19, $0xb8;
	[tilespmem:$0x13700] =	vst v63  }
0xb3: {  	_ = 	snop  }
0xb4: {  	[spmem:s4] =	stream.indirect.scatter.add.f32 [tilespmem:s14], [sflag:$0xB], $0x10, s7, s19, $0xb8;
	[tilespmem:$0x13700] =	vst v63  }
0xb5: {  	_ =	swait.ge [sflag:s24], $0x4000  }
0xb6: {  	[sflag:s24] =	ssyncset.done $0x0  }
0xb7: {  	[sflag:s24] =	ssyncadd.s32 $0xFFFFC000  }
0xb8: {  	_ =	swait.ge [sflag:s25], $0x800  }
0xb9: {  	[sflag:s25] =	ssyncset.done $0x0  }
0xba: {  	s10 =	rddreg [dreg:$0x1a];
	[sflag:s25] =	ssyncadd.s32 $0xFFFFF800  }
0xbb: {  	[tilespmem:s5], [sflag:$0x2] =	stream.linear.gather [hbm4b:s10+s5], $0x4000, $0x38;
	[tilespmem:$0x13700] =	vst v63  }
0xbc: {  	s30 =	rddreg [dreg:$0x1b]  }
0xbd: {  	[tilespmem:s7], [sflag:$0x5] =	stream.linear.gather [hbm4b:s30+s5], $0x80, $0x38;
	[tilespmem:$0x13700] =	vst v63  }
0xbe: {  	_ =	swait.ge [sflag:s22], $0x4000  }
0xbf: {  	[sflag:s22] =	ssyncset.done $0x0  }
0xc0: {  	[sflag:s22] =	ssyncadd.s32 $0xFFFFC000  }
0xc1: {  	_ =	swait.ge [sflag:s23], $0x80  }
0xc2: {  	[sflag:s23] =	ssyncset.done $0x0  }
0xc3: {  	[sflag:s23] =	ssyncadd.s32 $0xFFFFFF80  }
0xc4: {  	[spmem:s3] =	stream.indirect.scatter.add.f32 [tilespmem:s8], [sflag:$0x8], $0x80, s9, s19, $0xb8;
	[tilespmem:$0x13700] =	vst v63  }
0xc5: {  	_ = 	snop  }
0xc6: {  	[spmem:s4] =	stream.indirect.scatter.add.f32 [tilespmem:s14], [sflag:$0xA], $0x10, s9, s19, $0xb8;
	[tilespmem:$0x13700] =	vst v63  }
0xc7: {  	_ =	swait.ge [sflag:s20], $0x4000  }
0xc8: {  	[sflag:s20] =	ssyncset.done $0x0  }
0xc9: {  	[sflag:s20] =	ssyncadd.s32 $0xFFFFC000  }
0xca: {  	_ =	swait.ge [sflag:s21], $0x800  }
0xcb: {  	[sflag:s21] =	ssyncset.done $0x0  }
0xcc: {  	s10 =	rddreg [dreg:$0x1c];
	[sflag:s21] =	ssyncadd.s32 $0xFFFFF800  }
0xcd: {  	[tilespmem:s8], [sflag:$0x3] =	stream.linear.gather [hbm4b:s10+s5], $0x4000, $0x38;
	[tilespmem:$0x13700] =	vst v63  }
0xce: {  	s30 =	rddreg [dreg:$0x1d]  }
0xcf: {  	[tilespmem:s9], [sflag:$0x6] =	stream.linear.gather [hbm4b:s30+s5], $0x80, $0x38;
	[tilespmem:$0x13700] =	vst v63  }
0xd0: {  	_ =	swait.ge [sflag:s28], $0x4000  }
0xd1: {  	[sflag:s28] =	ssyncset.done $0x0  }
0xd2: {  	[sflag:s28] =	ssyncadd.s32 $0xFFFFC000  }
0xd3: {  	_ =	swait.ge [sflag:s29], $0x80  }
0xd4: {  	[sflag:s29] =	ssyncset.done $0x0  }
0xd5: {  	[sflag:s29] =	ssyncadd.s32 $0xFFFFFF80  }
0xd6: {  	[spmem:s3] =	stream.indirect.scatter.add.f32 [tilespmem:s15], [sflag:$0x9], $0x80, s16, s19, $0xb8;
	[tilespmem:$0x13700] =	vst v63  }
0xd7: {  	_ = 	snop  }
0xd8: {  	[spmem:s4] =	stream.indirect.scatter.add.f32 [tilespmem:s14], [sflag:$0xB], $0x10, s16, s19, $0xb8;
	[tilespmem:$0x13700] =	vst v63  }
0xd9: {  	_ =	swait.ge [sflag:s24], $0x4000  }
0xda: {  	[sflag:s24] =	ssyncset.done $0x0  }
0xdb: {  	[sflag:s24] =	ssyncadd.s32 $0xFFFFC000  }
0xdc: {  	_ =	swait.ge [sflag:s25], $0x800  }
0xdd: {  	[sflag:s25] =	ssyncset.done $0x0  }
0xde: {  	s10 =	rddreg [dreg:$0x1e];
	[sflag:s25] =	ssyncadd.s32 $0xFFFFF800  }
0xdf: {  	[tilespmem:s15], [sflag:$0x4] =	stream.linear.gather [hbm4b:s10+s5], $0x4000, $0x38;
	[tilespmem:$0x13700] =	vst v63  }
0xe0: {  	s30 =	rddreg [dreg:$0x1f]  }
0xe1: {  	[tilespmem:s16], [sflag:$0x7] =	stream.linear.gather [hbm4b:s30+s5], $0x80, $0x38;
	[tilespmem:$0x13700] =	vst v63  }
0xe2: {  	_ =	swait.ge [sflag:s17], $0x4000  }
0xe3: {  	[sflag:s17] =	ssyncset.done $0x0  }
0xe4: {  	[sflag:s17] =	ssyncadd.s32 $0xFFFFC000  }
0xe5: {  	_ =	swait.ge [sflag:s18], $0x80  }
0xe6: {  	[sflag:s18] =	ssyncset.done $0x0  }
0xe7: {  	[sflag:s18] =	ssyncadd.s32 $0xFFFFFF80  }
0xe8: {  	[spmem:s3] =	stream.indirect.scatter.add.f32 [tilespmem:s5], [sflag:$0x8], $0x80, s7, s19, $0xb8;
	[tilespmem:$0x13700] =	vst v63  }
0xe9: {  	_ = 	snop  }
0xea: {  	[spmem:s4] =	stream.indirect.scatter.add.f32 [tilespmem:s14], [sflag:$0xA], $0x10, s7, s19, $0xb8;
	[tilespmem:$0x13700] =	vst v63  }
0xeb: {  	_ =	swait.ge [sflag:s20], $0x4000  }
0xec: {  	[sflag:s20] =	ssyncset.done $0x0  }
0xed: {  	[sflag:s20] =	ssyncadd.s32 $0xFFFFC000  }
0xee: {  	_ =	swait.ge [sflag:s21], $0x800  }
0xef: {  	s10 =	sld [smem:$0x7DB]  }
0xf0: {  	[sflag:s21] =	ssyncset.done $0x0  }
0xf1: {  	s30 =	sld [smem:$0x7DC];
	[sflag:s21] =	ssyncadd.s32 $0xFFFFF800  }
0xf2: {  	[tilespmem:s5], [sflag:$0x2] =	stream.linear.gather [hbm4b:s10+s5], $0x4000, $0x38;
	[tilespmem:$0x13700] =	vst v63  }
0xf3: {  	_ = 	snop  }
0xf4: {  	[tilespmem:s7], [sflag:$0x5] =	stream.linear.gather [hbm4b:s30+s5], $0x80, $0x38;
	[tilespmem:$0x13700] =	vst v63  }
0xf5: {  	_ =	swait.ge [sflag:s22], $0x4000  }
0xf6: {  	[sflag:s22] =	ssyncset.done $0x0  }
0xf7: {  	[sflag:s22] =	ssyncadd.s32 $0xFFFFC000  }
0xf8: {  	_ =	swait.ge [sflag:s23], $0x80  }
0xf9: {  	[sflag:s23] =	ssyncset.done $0x0  }
0xfa: {  	[sflag:s23] =	ssyncadd.s32 $0xFFFFFF80  }
0xfb: {  	[spmem:s3] =	stream.indirect.scatter.add.f32 [tilespmem:s8], [sflag:$0x9], $0x80, s9, s19, $0xb8;
	[tilespmem:$0x13700] =	vst v63  }
0xfc: {  	_ = 	snop  }
0xfd: {  	[spmem:s4] =	stream.indirect.scatter.add.f32 [tilespmem:s14], [sflag:$0xB], $0x10, s9, s19, $0xb8;
	[tilespmem:$0x13700] =	vst v63  }
0xfe: {  	_ =	swait.ge [sflag:s24], $0x4000  }
0xff: {  	[sflag:s24] =	ssyncset.done $0x0  }
0x100: {  	[sflag:s24] =	ssyncadd.s32 $0xFFFFC000  }
0x101: {  	_ =	swait.ge [sflag:s25], $0x800  }
0x102: {  	s10 =	sld [smem:$0x7DD]  }
0x103: {  	[sflag:s25] =	ssyncset.done $0x0  }
0x104: {  	s30 =	sld [smem:$0x7DE];
	[sflag:s25] =	ssyncadd.s32 $0xFFFFF800  }
0x105: {  	[tilespmem:s8], [sflag:$0x3] =	stream.linear.gather [hbm4b:s10+s5], $0x4000, $0x38;
	[tilespmem:$0x13700] =	vst v63  }
0x106: {  	_ = 	snop  }
0x107: {  	[tilespmem:s9], [sflag:$0x6] =	stream.linear.gather [hbm4b:s30+s5], $0x80, $0x38;
	[tilespmem:$0x13700] =	vst v63  }
0x108: {  	_ =	swait.ge [sflag:s28], $0x4000  }
0x109: {  	[sflag:s28] =	ssyncset.done $0x0  }
0x10a: {  	[sflag:s28] =	ssyncadd.s32 $0xFFFFC000  }
0x10b: {  	_ =	swait.ge [sflag:s29], $0x80  }
0x10c: {  	[sflag:s29] =	ssyncset.done $0x0  }
0x10d: {  	[sflag:s29] =	ssyncadd.s32 $0xFFFFFF80  }
0x10e: {  	[spmem:s3] =	stream.indirect.scatter.add.f32 [tilespmem:s15], [sflag:$0x8], $0x80, s16, s19, $0xb8;
	[tilespmem:$0x13700] =	vst v63  }
0x10f: {  	_ = 	snop  }
0x110: {  	[spmem:s4] =	stream.indirect.scatter.add.f32 [tilespmem:s14], [sflag:$0xA], $0x10, s16, s19, $0xb8;
	[tilespmem:$0x13700] =	vst v63  }
0x111: {  	_ =	swait.ge [sflag:s20], $0x4000  }
0x112: {  	[sflag:s20] =	ssyncset.done $0x0  }
0x113: {  	[sflag:s20] =	ssyncadd.s32 $0xFFFFC000  }
0x114: {  	_ =	swait.ge [sflag:s21], $0x800  }
0x115: {  	s10 =	sld [smem:$0x7DF]  }
0x116: {  	[sflag:s21] =	ssyncset.done $0x0  }
0x117: {  	s30 =	sld [smem:$0x7E0];
	[sflag:s21] =	ssyncadd.s32 $0xFFFFF800  }
0x118: {  	[tilespmem:s15], [sflag:$0x4] =	stream.linear.gather [hbm4b:s10+s5], $0x4000, $0x38;
	[tilespmem:$0x13700] =	vst v63  }
0x119: {  	_ = 	snop  }
0x11a: {  	[tilespmem:s16], [sflag:$0x7] =	stream.linear.gather [hbm4b:s30+s5], $0x80, $0x38;
	[tilespmem:$0x13700] =	vst v63  }
0x11b: {  	_ =	swait.ge [sflag:s17], $0x4000  }
0x11c: {  	[sflag:s17] =	ssyncset.done $0x0  }
0x11d: {  	[sflag:s17] =	ssyncadd.s32 $0xFFFFC000  }
0x11e: {  	_ =	swait.ge [sflag:s18], $0x80  }
0x11f: {  	[sflag:s18] =	ssyncset.done $0x0  }
0x120: {  	[sflag:s18] =	ssyncadd.s32 $0xFFFFFF80  }
0x121: {  	[spmem:s3] =	stream.indirect.scatter.add.f32 [tilespmem:s5], [sflag:$0x9], $0x80, s7, s19, $0xb8;
	[tilespmem:$0x13700] =	vst v63  }
0x122: {  	_ = 	snop  }
0x123: {  	[spmem:s4] =	stream.indirect.scatter.add.f32 [tilespmem:s14], [sflag:$0xB], $0x10, s7, s19, $0xb8;
	[tilespmem:$0x13700] =	vst v63  }
0x124: {  	_ =	swait.ge [sflag:s24], $0x4000  }
0x125: {  	[sflag:s24] =	ssyncset.done $0x0  }
0x126: {  	[sflag:s24] =	ssyncadd.s32 $0xFFFFC000  }
0x127: {  	_ =	swait.ge [sflag:s25], $0x800  }
0x128: {  	s10 =	sld [smem:$0x7E1]  }
0x129: {  	[sflag:s25] =	ssyncset.done $0x0  }
0x12a: {  	s30 =	sld [smem:$0x7E2];
	[sflag:s25] =	ssyncadd.s32 $0xFFFFF800  }
0x12b: {  	[tilespmem:s5], [sflag:$0x2] =	stream.linear.gather [hbm4b:s10+s5], $0x4000, $0x38;
	[tilespmem:$0x13700] =	vst v63  }
0x12c: {  	_ = 	snop  }
0x12d: {  	[tilespmem:s7], [sflag:$0x5] =	stream.linear.gather [hbm4b:s30+s5], $0x80, $0x38;
	[tilespmem:$0x13700] =	vst v63  }
0x12e: {  	_ =	swait.ge [sflag:s22], $0x4000  }
0x12f: {  	[sflag:s22] =	ssyncset.done $0x0  }
0x130: {  	[sflag:s22] =	ssyncadd.s32 $0xFFFFC000  }
0x131: {  	_ =	swait.ge [sflag:s23], $0x80  }
0x132: {  	[sflag:s23] =	ssyncset.done $0x0  }
0x133: {  	[sflag:s23] =	ssyncadd.s32 $0xFFFFFF80  }
0x134: {  	[spmem:s3] =	stream.indirect.scatter.add.f32 [tilespmem:s8], [sflag:$0x8], $0x80, s9, s19, $0xb8;
	[tilespmem:$0x13700] =	vst v63  }
0x135: {  	_ = 	snop  }
0x136: {  	[spmem:s4] =	stream.indirect.scatter.add.f32 [tilespmem:s14], [sflag:$0xA], $0x10, s9, s19, $0xb8;
	[tilespmem:$0x13700] =	vst v63  }
0x137: {  	_ =	swait.ge [sflag:s20], $0x4000  }
0x138: {  	[sflag:s20] =	ssyncset.done $0x0  }
0x139: {  	[sflag:s20] =	ssyncadd.s32 $0xFFFFC000  }
0x13a: {  	_ =	swait.ge [sflag:s21], $0x800  }
0x13b: {  	s10 =	sld [smem:$0x7E3]  }
0x13c: {  	[sflag:s21] =	ssyncset.done $0x0  }
0x13d: {  	s30 =	sld [smem:$0x7E4];
	[sflag:s21] =	ssyncadd.s32 $0xFFFFF800  }
0x13e: {  	[tilespmem:s8], [sflag:$0x3] =	stream.linear.gather [hbm4b:s10+s5], $0x4000, $0x38;
	[tilespmem:$0x13700] =	vst v63  }
0x13f: {  	_ = 	snop  }
0x140: {  	[tilespmem:s9], [sflag:$0x6] =	stream.linear.gather [hbm4b:s30+s5], $0x80, $0x38;
	[tilespmem:$0x13700] =	vst v63  }
0x141: {  	_ =	swait.ge [sflag:s28], $0x4000  }
0x142: {  	[sflag:s28] =	ssyncset.done $0x0  }
0x143: {  	[sflag:s28] =	ssyncadd.s32 $0xFFFFC000  }
0x144: {  	_ =	swait.ge [sflag:s29], $0x80  }
0x145: {  	[sflag:s29] =	ssyncset.done $0x0  }
0x146: {  	[sflag:s29] =	ssyncadd.s32 $0xFFFFFF80  }
0x147: {  	[spmem:s3] =	stream.indirect.scatter.add.f32 [tilespmem:s15], [sflag:$0x9], $0x80, s16, s19, $0xb8;
	[tilespmem:$0x13700] =	vst v63  }
0x148: {  	_ = 	snop  }
0x149: {  	[spmem:s4] =	stream.indirect.scatter.add.f32 [tilespmem:s14], [sflag:$0xB], $0x10, s16, s19, $0xb8;
	[tilespmem:$0x13700] =	vst v63  }
0x14a: {  	_ =	swait.ge [sflag:s24], $0x4000  }
0x14b: {  	[sflag:s24] =	ssyncset.done $0x0  }
0x14c: {  	[sflag:s24] =	ssyncadd.s32 $0xFFFFC000  }
0x14d: {  	_ =	swait.ge [sflag:s25], $0x800  }
0x14e: {  	s10 =	sld [smem:$0x7E5]  }
0x14f: {  	[sflag:s25] =	ssyncset.done $0x0  }
0x150: {  	s30 =	sld [smem:$0x7E6];
	[sflag:s25] =	ssyncadd.s32 $0xFFFFF800  }
0x151: {  	[tilespmem:s15], [sflag:$0x4] =	stream.linear.gather [hbm4b:s10+s5], $0x4000, $0x38;
	[tilespmem:$0x13700] =	vst v63  }
0x152: {  	_ = 	snop  }
0x153: {  	[tilespmem:s16], [sflag:$0x7] =	stream.linear.gather [hbm4b:s30+s5], $0x80, $0x38;
	[tilespmem:$0x13700] =	vst v63  }
0x154: {  	_ =	swait.ge [sflag:s17], $0x4000  }
0x155: {  	[sflag:s17] =	ssyncset.done $0x0  }
0x156: {  	[sflag:s17] =	ssyncadd.s32 $0xFFFFC000  }
0x157: {  	_ =	swait.ge [sflag:s18], $0x80  }
0x158: {  	[sflag:s18] =	ssyncset.done $0x0  }
0x159: {  	[sflag:s18] =	ssyncadd.s32 $0xFFFFFF80  }
0x15a: {  	[spmem:s3] =	stream.indirect.scatter.add.f32 [tilespmem:s5], [sflag:$0x8], $0x80, s7, s19, $0xb8;
	[tilespmem:$0x13700] =	vst v63  }
0x15b: {  	_ = 	snop  }
0x15c: {  	[spmem:s4] =	stream.indirect.scatter.add.f32 [tilespmem:s14], [sflag:$0xA], $0x10, s7, s19, $0xb8;
	[tilespmem:$0x13700] =	vst v63  }
0x15d: {  	_ =	swait.ge [sflag:s20], $0x4000  }
0x15e: {  	[sflag:s20] =	ssyncset.done $0x0  }
0x15f: {  	[sflag:s20] =	ssyncadd.s32 $0xFFFFC000  }
0x160: {  	_ =	swait.ge [sflag:s21], $0x800  }
0x161: {  	s10 =	sld [smem:$0x7E7]  }
0x162: {  	[sflag:s21] =	ssyncset.done $0x0  }
0x163: {  	s30 =	sld [smem:$0x7E8];
	[sflag:s21] =	ssyncadd.s32 $0xFFFFF800  }
0x164: {  	[tilespmem:s5], [sflag:$0x2] =	stream.linear.gather [hbm4b:s10+s5], $0x4000, $0x38;
	[tilespmem:$0x13700] =	vst v63  }
0x165: {  	_ = 	snop  }
0x166: {  	[tilespmem:s7], [sflag:$0x5] =	stream.linear.gather [hbm4b:s30+s5], $0x80, $0x38;
	[tilespmem:$0x13700] =	vst v63  }
0x167: {  	_ =	swait.ge [sflag:s22], $0x4000  }
0x168: {  	[sflag:s22] =	ssyncset.done $0x0  }
0x169: {  	[sflag:s22] =	ssyncadd.s32 $0xFFFFC000  }
0x16a: {  	_ =	swait.ge [sflag:s23], $0x80  }
0x16b: {  	[sflag:s23] =	ssyncset.done $0x0  }
0x16c: {  	[sflag:s23] =	ssyncadd.s32 $0xFFFFFF80  }
0x16d: {  	[spmem:s3] =	stream.indirect.scatter.add.f32 [tilespmem:s8], [sflag:$0x9], $0x80, s9, s19, $0xb8;
	[tilespmem:$0x13700] =	vst v63  }
0x16e: {  	_ = 	snop  }
0x16f: {  	[spmem:s4] =	stream.indirect.scatter.add.f32 [tilespmem:s14], [sflag:$0xB], $0x10, s9, s19, $0xb8;
	[tilespmem:$0x13700] =	vst v63  }
0x170: {  	_ =	swait.ge [sflag:s24], $0x4000  }
0x171: {  	[sflag:s24] =	ssyncset.done $0x0  }
0x172: {  	[sflag:s24] =	ssyncadd.s32 $0xFFFFC000  }
0x173: {  	_ =	swait.ge [sflag:s25], $0x800  }
0x174: {  	s10 =	sld [smem:$0x7E9]  }
0x175: {  	[sflag:s25] =	ssyncset.done $0x0  }
0x176: {  	s30 =	sld [smem:$0x7EA];
	[sflag:s25] =	ssyncadd.s32 $0xFFFFF800  }
0x177: {  	[tilespmem:s8], [sflag:$0x3] =	stream.linear.gather [hbm4b:s10+s5], $0x4000, $0x38;
	[tilespmem:$0x13700] =	vst v63  }
0x178: {  	_ = 	snop  }
0x179: {  	[tilespmem:s9], [sflag:$0x6] =	stream.linear.gather [hbm4b:s30+s5], $0x80, $0x38;
	[tilespmem:$0x13700] =	vst v63  }
0x17a: {  	_ =	swait.ge [sflag:s28], $0x4000  }
0x17b: {  	[sflag:s28] =	ssyncset.done $0x0  }
0x17c: {  	[sflag:s28] =	ssyncadd.s32 $0xFFFFC000  }
0x17d: {  	_ =	swait.ge [sflag:s29], $0x80  }
0x17e: {  	[sflag:s29] =	ssyncset.done $0x0  }
0x17f: {  	[sflag:s29] =	ssyncadd.s32 $0xFFFFFF80  }
0x180: {  	[spmem:s3] =	stream.indirect.scatter.add.f32 [tilespmem:s15], [sflag:$0x8], $0x80, s16, s19, $0xb8;
	[tilespmem:$0x13700] =	vst v63  }
0x181: {  	_ = 	snop  }
0x182: {  	[spmem:s4] =	stream.indirect.scatter.add.f32 [tilespmem:s14], [sflag:$0xA], $0x10, s16, s19, $0xb8;
	[tilespmem:$0x13700] =	vst v63  }
0x183: {  	_ =	swait.ge [sflag:s20], $0x4000  }
0x184: {  	[sflag:s20] =	ssyncset.done $0x0  }
0x185: {  	[sflag:s20] =	ssyncadd.s32 $0xFFFFC000  }
0x186: {  	_ =	swait.ge [sflag:s21], $0x800  }
0x187: {  	s10 =	sld [smem:$0x7EB]  }
0x188: {  	[sflag:s21] =	ssyncset.done $0x0  }
0x189: {  	s30 =	sld [smem:$0x7EC];
	[sflag:s21] =	ssyncadd.s32 $0xFFFFF800  }
0x18a: {  	[tilespmem:s15], [sflag:$0x4] =	stream.linear.gather [hbm4b:s10+s5], $0x4000, $0x38;
	[tilespmem:$0x13700] =	vst v63  }
0x18b: {  	_ = 	snop  }
0x18c: {  	[tilespmem:s16], [sflag:$0x7] =	stream.linear.gather [hbm4b:s30+s5], $0x80, $0x38;
	[tilespmem:$0x13700] =	vst v63  }
0x18d: {  	_ =	swait.ge [sflag:s17], $0x4000  }
0x18e: {  	[sflag:s17] =	ssyncset.done $0x0  }
0x18f: {  	[sflag:s17] =	ssyncadd.s32 $0xFFFFC000  }
0x190: {  	_ =	swait.ge [sflag:s18], $0x80  }
0x191: {  	[sflag:s18] =	ssyncset.done $0x0  }
0x192: {  	[sflag:s18] =	ssyncadd.s32 $0xFFFFFF80  }
0x193: {  	[spmem:s3] =	stream.indirect.scatter.add.f32 [tilespmem:s5], [sflag:$0x9], $0x80, s7, s19, $0xb8;
	[tilespmem:$0x13700] =	vst v63  }
0x194: {  	_ = 	snop  }
0x195: {  	[spmem:s4] =	stream.indirect.scatter.add.f32 [tilespmem:s14], [sflag:$0xB], $0x10, s7, s19, $0xb8;
	[tilespmem:$0x13700] =	vst v63  }
0x196: {  	_ =	swait.ge [sflag:s24], $0x4000  }
0x197: {  	[sflag:s24] =	ssyncset.done $0x0  }
0x198: {  	[sflag:s24] =	ssyncadd.s32 $0xFFFFC000  }
0x199: {  	_ =	swait.ge [sflag:s25], $0x800  }
0x19a: {  	s10 =	sld [smem:$0x7ED]  }
0x19b: {  	[sflag:s25] =	ssyncset.done $0x0  }
0x19c: {  	s30 =	sld [smem:$0x7EE];
	[sflag:s25] =	ssyncadd.s32 $0xFFFFF800  }
0x19d: {  	[tilespmem:s5], [sflag:$0x2] =	stream.linear.gather [hbm4b:s10+s5], $0x4000, $0x38;
	[tilespmem:$0x13700] =	vst v63  }
0x19e: {  	_ = 	snop  }
0x19f: {  	[tilespmem:s7], [sflag:$0x5] =	stream.linear.gather [hbm4b:s30+s5], $0x80, $0x38;
	[tilespmem:$0x13700] =	vst v63  }
0x1a0: {  	_ =	swait.ge [sflag:s22], $0x4000  }
0x1a1: {  	[sflag:s22] =	ssyncset.done $0x0  }
0x1a2: {  	[sflag:s22] =	ssyncadd.s32 $0xFFFFC000  }
0x1a3: {  	_ =	swait.ge [sflag:s23], $0x80  }
0x1a4: {  	[sflag:s23] =	ssyncset.done $0x0  }
0x1a5: {  	[sflag:s23] =	ssyncadd.s32 $0xFFFFFF80  }
0x1a6: {  	[spmem:s3] =	stream.indirect.scatter.add.f32 [tilespmem:s8], [sflag:$0x8], $0x80, s9, s19, $0xb8;
	[tilespmem:$0x13700] =	vst v63  }
0x1a7: {  	_ = 	snop  }
0x1a8: {  	[spmem:s4] =	stream.indirect.scatter.add.f32 [tilespmem:s14], [sflag:$0xA], $0x10, s9, s19, $0xb8;
	[tilespmem:$0x13700] =	vst v63  }
0x1a9: {  	_ =	swait.ge [sflag:s20], $0x4000  }
0x1aa: {  	[sflag:s20] =	ssyncset.done $0x0  }
0x1ab: {  	[sflag:s20] =	ssyncadd.s32 $0xFFFFC000  }
0x1ac: {  	_ =	swait.ge [sflag:s21], $0x800  }
0x1ad: {  	s10 =	sld [smem:$0x7EF]  }
0x1ae: {  	[sflag:s21] =	ssyncset.done $0x0  }
0x1af: {  	s30 =	sld [smem:$0x7F0];
	[sflag:s21] =	ssyncadd.s32 $0xFFFFF800  }
0x1b0: {  	[tilespmem:s8], [sflag:$0x3] =	stream.linear.gather [hbm4b:s10+s5], $0x4000, $0x38;
	[tilespmem:$0x13700] =	vst v63  }
0x1b1: {  	_ = 	snop  }
0x1b2: {  	[tilespmem:s9], [sflag:$0x6] =	stream.linear.gather [hbm4b:s30+s5], $0x80, $0x38;
	[tilespmem:$0x13700] =	vst v63  }
0x1b3: {  	_ =	swait.ge [sflag:s28], $0x4000  }
0x1b4: {  	[sflag:s28] =	ssyncset.done $0x0  }
0x1b5: {  	[sflag:s28] =	ssyncadd.s32 $0xFFFFC000  }
0x1b6: {  	_ =	swait.ge [sflag:s29], $0x80  }
0x1b7: {  	[sflag:s29] =	ssyncset.done $0x0  }
0x1b8: {  	[sflag:s29] =	ssyncadd.s32 $0xFFFFFF80  }
0x1b9: {  	[spmem:s3] =	stream.indirect.scatter.add.f32 [tilespmem:s15], [sflag:$0x9], $0x80, s16, s19, $0xb8;
	[tilespmem:$0x13700] =	vst v63  }
0x1ba: {  	_ = 	snop  }
0x1bb: {  	[spmem:s4] =	stream.indirect.scatter.add.f32 [tilespmem:s14], [sflag:$0xB], $0x10, s16, s19, $0xb8;
	[tilespmem:$0x13700] =	vst v63  }
0x1bc: {  	_ =	swait.ge [sflag:s24], $0x4000  }
0x1bd: {  	[sflag:s24] =	ssyncset.done $0x0  }
0x1be: {  	[sflag:s24] =	ssyncadd.s32 $0xFFFFC000  }
0x1bf: {  	_ =	swait.ge [sflag:s25], $0x800  }
0x1c0: {  	s10 =	sld [smem:$0x7F1]  }
0x1c1: {  	[sflag:s25] =	ssyncset.done $0x0  }
0x1c2: {  	s30 =	sld [smem:$0x7F2];
	[sflag:s25] =	ssyncadd.s32 $0xFFFFF800  }
0x1c3: {  	[tilespmem:s15], [sflag:$0x4] =	stream.linear.gather [hbm4b:s10+s5], $0x4000, $0x38;
	[tilespmem:$0x13700] =	vst v63  }
0x1c4: {  	_ = 	snop  }
0x1c5: {  	[tilespmem:s16], [sflag:$0x7] =	stream.linear.gather [hbm4b:s30+s5], $0x80, $0x38;
	[tilespmem:$0x13700] =	vst v63  }
0x1c6: {  	_ =	swait.ge [sflag:s17], $0x4000  }
0x1c7: {  	[sflag:s17] =	ssyncset.done $0x0  }
0x1c8: {  	[sflag:s17] =	ssyncadd.s32 $0xFFFFC000  }
0x1c9: {  	_ =	swait.ge [sflag:s18], $0x80  }
0x1ca: {  	[sflag:s18] =	ssyncset.done $0x0  }
0x1cb: {  	[sflag:s18] =	ssyncadd.s32 $0xFFFFFF80  }
0x1cc: {  	[spmem:s3] =	stream.indirect.scatter.add.f32 [tilespmem:s5], [sflag:$0x8], $0x80, s7, s19, $0xb8;
	[tilespmem:$0x13700] =	vst v63  }
0x1cd: {  	_ = 	snop  }
0x1ce: {  	[spmem:s4] =	stream.indirect.scatter.add.f32 [tilespmem:s14], [sflag:$0xA], $0x10, s7, s19, $0xb8;
	[tilespmem:$0x13700] =	vst v63  }
0x1cf: {  	_ =	swait.ge [sflag:s20], $0x4000  }
0x1d0: {  	[sflag:s20] =	ssyncset.done $0x0  }
0x1d1: {  	[sflag:s20] =	ssyncadd.s32 $0xFFFFC000  }
0x1d2: {  	_ =	swait.ge [sflag:s21], $0x800  }
0x1d3: {  	s10 =	sld [smem:$0x7F3]  }
0x1d4: {  	[sflag:s21] =	ssyncset.done $0x0  }
0x1d5: {  	s30 =	sld [smem:$0x7F4];
	[sflag:s21] =	ssyncadd.s32 $0xFFFFF800  }
0x1d6: {  	[tilespmem:s5], [sflag:$0x2] =	stream.linear.gather [hbm4b:s10+s5], $0x4000, $0x38;
	[tilespmem:$0x13700] =	vst v63  }
0x1d7: {  	_ = 	snop  }
0x1d8: {  	[tilespmem:s7], [sflag:$0x5] =	stream.linear.gather [hbm4b:s30+s5], $0x80, $0x38;
	[tilespmem:$0x13700] =	vst v63  }
0x1d9: {  	_ =	swait.ge [sflag:s22], $0x4000  }
0x1da: {  	[sflag:s22] =	ssyncset.done $0x0  }
0x1db: {  	[sflag:s22] =	ssyncadd.s32 $0xFFFFC000  }
0x1dc: {  	_ =	swait.ge [sflag:s23], $0x80  }
0x1dd: {  	[sflag:s23] =	ssyncset.done $0x0  }
0x1de: {  	[sflag:s23] =	ssyncadd.s32 $0xFFFFFF80  }
0x1df: {  	[spmem:s3] =	stream.indirect.scatter.add.f32 [tilespmem:s8], [sflag:$0x9], $0x80, s9, s19, $0xb8;
	[tilespmem:$0x13700] =	vst v63  }
0x1e0: {  	_ = 	snop  }
0x1e1: {  	[spmem:s4] =	stream.indirect.scatter.add.f32 [tilespmem:s14], [sflag:$0xB], $0x10, s9, s19, $0xb8;
	[tilespmem:$0x13700] =	vst v63  }
0x1e2: {  	_ =	swait.ge [sflag:s24], $0x4000  }
0x1e3: {  	[sflag:s24] =	ssyncset.done $0x0  }
0x1e4: {  	[sflag:s24] =	ssyncadd.s32 $0xFFFFC000  }
0x1e5: {  	_ =	swait.ge [sflag:s25], $0x800  }
0x1e6: {  	s10 =	sld [smem:$0x7F5]  }
0x1e7: {  	[sflag:s25] =	ssyncset.done $0x0  }
0x1e8: {  	s30 =	sld [smem:$0x7F6];
	[sflag:s25] =	ssyncadd.s32 $0xFFFFF800  }
0x1e9: {  	[tilespmem:s8], [sflag:$0x3] =	stream.linear.gather [hbm4b:s10+s5], $0x4000, $0x38;
	[tilespmem:$0x13700] =	vst v63  }
0x1ea: {  	_ = 	snop  }
0x1eb: {  	[tilespmem:s9], [sflag:$0x6] =	stream.linear.gather [hbm4b:s30+s5], $0x80, $0x38;
	[tilespmem:$0x13700] =	vst v63  }
0x1ec: {  	_ =	swait.ge [sflag:s28], $0x4000  }
0x1ed: {  	[sflag:s28] =	ssyncset.done $0x0  }
0x1ee: {  	[sflag:s28] =	ssyncadd.s32 $0xFFFFC000  }
0x1ef: {  	_ =	swait.ge [sflag:s29], $0x80  }
0x1f0: {  	[sflag:s29] =	ssyncset.done $0x0  }
0x1f1: {  	[sflag:s29] =	ssyncadd.s32 $0xFFFFFF80  }
0x1f2: {  	[spmem:s3] =	stream.indirect.scatter.add.f32 [tilespmem:s15], [sflag:$0x8], $0x80, s16, s19, $0xb8;
	[tilespmem:$0x13700] =	vst v63  }
0x1f3: {  	_ = 	snop  }
0x1f4: {  	[spmem:s4] =	stream.indirect.scatter.add.f32 [tilespmem:s14], [sflag:$0xA], $0x10, s16, s19, $0xb8;
	[tilespmem:$0x13700] =	vst v63  }
0x1f5: {  	_ =	swait.ge [sflag:s20], $0x4000  }
0x1f6: {  	[sflag:s20] =	ssyncset.done $0x0  }
0x1f7: {  	[sflag:s20] =	ssyncadd.s32 $0xFFFFC000  }
0x1f8: {  	_ =	swait.ge [sflag:s21], $0x800  }
0x1f9: {  	s10 =	sld [smem:$0x7F7]  }
0x1fa: {  	[sflag:s21] =	ssyncset.done $0x0  }
0x1fb: {  	s30 =	sld [smem:$0x7F8];
	[sflag:s21] =	ssyncadd.s32 $0xFFFFF800  }
0x1fc: {  	[tilespmem:s15], [sflag:$0x4] =	stream.linear.gather [hbm4b:s10+s5], $0x4000, $0x38;
	[tilespmem:$0x13700] =	vst v63  }
0x1fd: {  	_ = 	snop  }
0x1fe: {  	[tilespmem:s16], [sflag:$0x7] =	stream.linear.gather [hbm4b:s30+s5], $0x80, $0x38;
	[tilespmem:$0x13700] =	vst v63  }
0x1ff: {  	_ =	swait.ge [sflag:s17], $0x4000  }
0x200: {  	[sflag:s17] =	ssyncset.done $0x0  }
0x201: {  	[sflag:s17] =	ssyncadd.s32 $0xFFFFC000  }
0x202: {  	_ =	swait.ge [sflag:s18], $0x80  }
0x203: {  	[sflag:s18] =	ssyncset.done $0x0  }
0x204: {  	[sflag:s18] =	ssyncadd.s32 $0xFFFFFF80  }
0x205: {  	[spmem:s3] =	stream.indirect.scatter.add.f32 [tilespmem:s5], [sflag:$0x9], $0x80, s7, s19, $0xb8;
	[tilespmem:$0x13700] =	vst v63  }
0x206: {  	_ = 	snop  }
0x207: {  	[spmem:s4] =	stream.indirect.scatter.add.f32 [tilespmem:s14], [sflag:$0xB], $0x10, s7, s19, $0xb8;
	[tilespmem:$0x13700] =	vst v63  }
0x208: {  	_ =	swait.ge [sflag:s24], $0x4000  }
0x209: {  	[sflag:s24] =	ssyncset.done $0x0  }
0x20a: {  	[sflag:s24] =	ssyncadd.s32 $0xFFFFC000  }
0x20b: {  	_ =	swait.ge [sflag:s25], $0x800  }
0x20c: {  	s10 =	sld [smem:$0x7F9]  }
0x20d: {  	[sflag:s25] =	ssyncset.done $0x0  }
0x20e: {  	s30 =	sld [smem:$0x7FA];
	[sflag:s25] =	ssyncadd.s32 $0xFFFFF800  }
0x20f: {  	[tilespmem:s5], [sflag:$0x2] =	stream.linear.gather [hbm4b:s10+s5], $0x4000, $0x38;
	[tilespmem:$0x13700] =	vst v63  }
0x210: {  	_ = 	snop  }
0x211: {  	[tilespmem:s7], [sflag:$0x5] =	stream.linear.gather [hbm4b:s30+s5], $0x80, $0x38;
	[tilespmem:$0x13700] =	vst v63  }
0x212: {  	_ =	swait.ge [sflag:s22], $0x4000  }
0x213: {  	[sflag:s22] =	ssyncset.done $0x0  }
0x214: {  	[sflag:s22] =	ssyncadd.s32 $0xFFFFC000  }
0x215: {  	_ =	swait.ge [sflag:s23], $0x80  }
0x216: {  	[sflag:s23] =	ssyncset.done $0x0  }
0x217: {  	[sflag:s23] =	ssyncadd.s32 $0xFFFFFF80  }
0x218: {  	[spmem:s3] =	stream.indirect.scatter.add.f32 [tilespmem:s8], [sflag:$0x8], $0x80, s9, s19, $0xb8;
	[tilespmem:$0x13700] =	vst v63  }
0x219: {  	_ = 	snop  }
0x21a: {  	[spmem:s4] =	stream.indirect.scatter.add.f32 [tilespmem:s14], [sflag:$0xA], $0x10, s9, s19, $0xb8;
	[tilespmem:$0x13700] =	vst v63  }
0x21b: {  	_ =	swait.ge [sflag:s20], $0x4000  }
0x21c: {  	[sflag:s20] =	ssyncset.done $0x0  }
0x21d: {  	[sflag:s20] =	ssyncadd.s32 $0xFFFFC000  }
0x21e: {  	_ =	swait.ge [sflag:s21], $0x800  }
0x21f: {  	[sflag:s21] =	ssyncset.done $0x0  }
0x220: {  	[sflag:s21] =	ssyncadd.s32 $0xFFFFF800  }
0x221: {  	_ =	swait.ge [sflag:s28], $0x4000  }
0x222: {  	[sflag:s28] =	ssyncset.done $0x0  }
0x223: {  	[sflag:s28] =	ssyncadd.s32 $0xFFFFC000  }
0x224: {  	_ =	swait.ge [sflag:s29], $0x80  }
0x225: {  	[sflag:s29] =	ssyncset.done $0x0  }
0x226: {  	[sflag:s29] =	ssyncadd.s32 $0xFFFFFF80  }
0x227: {  	[spmem:s3] =	stream.indirect.scatter.add.f32 [tilespmem:s15], [sflag:$0x9], $0x80, s16, s19, $0xb8;
	[tilespmem:$0x13700] =	vst v63  }
0x228: {  	_ = 	snop  }
0x229: {  	[spmem:s4] =	stream.indirect.scatter.add.f32 [tilespmem:s14], [sflag:$0xB], $0x10, s16, s19, $0xb8;
	[tilespmem:$0x13700] =	vst v63  }
0x22a: {  	_ =	swait.ge [sflag:s24], $0x4000  }
0x22b: {  	[sflag:s24] =	ssyncset.done $0x0  }
0x22c: {  	[sflag:s24] =	ssyncadd.s32 $0xFFFFC000  }
0x22d: {  	_ =	swait.ge [sflag:s25], $0x800  }
0x22e: {  	[sflag:s25] =	ssyncset.done $0x0  }
0x22f: {  	[sflag:s25] =	ssyncadd.s32 $0xFFFFF800  }
0x230: {  	_ =	swait.ge [sflag:s17], $0x4000  }
0x231: {  	[sflag:s17] =	ssyncset.done $0x0  }
0x232: {  	[sflag:s17] =	ssyncadd.s32 $0xFFFFC000  }
0x233: {  	_ =	swait.ge [sflag:s18], $0x80  }
0x234: {  	p0 =	slt.u32 s0, $0xD;
	[sflag:s18] =	ssyncset.done $0x0  }
0x235: {  	v0 =	vimm.s32 @!p0 $0x3FF;
	[sflag:s18] =	ssyncadd.s32 $0xFFFFFF80  }
0x236: {  	[tilespmem:$0xC070] =	vst @!p0 v0  }
0x237: {  	[tilespmem:$0xC060] =	vst @!p0 v0  }
0x238: {  	[tilespmem:$0xC050] =	vst @!p0 v0  }
0x239: {  	[tilespmem:$0xC040] =	vst @!p0 v0  }
0x23a: {  	[tilespmem:$0xC030] =	vst @!p0 v0  }
0x23b: {  	[tilespmem:$0xC020] =	vst @!p0 v0  }
0x23c: {  	[tilespmem:$0xC000] =	vst @!p0 v0  }
0x23d: {  	[tilespmem:$0xC010] =	vst @!p0 v0  }
0x23e: {  	[spmem:s3] =	stream.indirect.scatter.add.f32 [tilespmem:s5], [sflag:$0x8], $0x80, s7, s19, $0xb8;
	[tilespmem:$0x13700] =	vst v63  }
0x23f: {  	_ = 	snop  }
0x240: {  	[spmem:s4] =	stream.indirect.scatter.add.f32 [tilespmem:s14], [sflag:$0xA], $0x10, s7, s19, $0xb8;
	[tilespmem:$0x13700] =	vst v63  }
0x241: {  	_ =	swait.ge [sflag:s20], $0x4000  }
0x242: {  	[sflag:s20] =	ssyncset.done $0x0  }
0x243: {  	[sflag:s20] =	ssyncadd.s32 $0xFFFFC000  }
0x244: {  	_ =	swait.ge [sflag:s21], $0x800  }
0x245: {  	p1 =	sne.s32 s0, $0x1F;
	s1 =	sld [smem:$0x7FB]  }
0x246: {  	s0 =	simm.s32 @!p1 $0xC;
	[sflag:s21] =	ssyncset.done $0x0  }
0x247: {  	s10 =	simm.s32 @!p1 $0x0;
	s30 =	simm.s32 @!p1 $0xC180;
	[sflag:s21] =	ssyncadd.s32 $0xFFFFF800  }
0x248: {  	[tilespmem:s30], [sflag:$0xC] =	stream.linear.gather @!p1 [hbm4b:s1+s10], $0x1000, $0x38;
	[tilespmem:$0x13700] =	vst v63  }
0x249: {  	_ =	swait.ge @!p1 [sflag:s0], $0x1000  }
0x24a: {  	s2 =	sld [smem:$0x7FC]  }
0x24b: {  	[sflag:s0] =	ssyncset.done @!p1 $0x0  }
0x24c: {  	s1 =	simm.s32 @!p1 $0xD180;
	[sflag:s0] =	ssyncadd.s32 @!p1 $0xFFFFF000  }
0x24d: {  	[tilespmem:s1], [sflag:$0xC] =	stream.linear.gather @!p1 [hbm4b:s2+s10], $0x20, $0x38;
	[tilespmem:$0x13700] =	vst v63  }
0x24e: {  	_ =	swait.ge @!p1 [sflag:s0], $0x20  }
0x24f: {  	[sflag:s0] =	ssyncset.done @!p1 $0x0  }
0x250: {  	s2 =	simm.s32 @!p1 $0x20;
	[sflag:s0] =	ssyncadd.s32 @!p1 $0xFFFFFFE0  }
0x251: {  	[spmem:s3] =	stream.indirect.scatter.add.f32 @!p1 [tilespmem:s30], [sflag:$0xC], $0x80, s1, s2, $0xb8;
	[tilespmem:$0x13700] =	vst v63  }
0x252: {  	_ =	swait.ge @!p1 [sflag:s0], $0x1000  }
0x253: {  	s30 =	ssub.s32 $0x2, s31;
	[sflag:s0] =	ssyncset.done @!p1 $0x0  }
0x254: {  	s10 =	simm.s32 @!p1 $0xD200;
	s31 =	sshrl.u32 s30, $0x1;
	[sflag:s0] =	ssyncadd.s32 @!p1 $0xFFFFF000  }
0x255: {  	[spmem:s4] =	stream.indirect.scatter.add.f32 @!p1 [tilespmem:s10], [sflag:$0xC], $0x10, s1, s2, $0xb8;
	[tilespmem:$0x13700] =	vst v63  }
0x256: {  	s10 =	ssub.s32 s30, s31  }
0x257: {  	_ =	swait.ge @!p1 [sflag:s0], $0x200;
	s10 =	smax.u32 s10, $0x1  }
0x258: {  	[sflag:s0] =	ssyncset.done @!p1 $0x0;
	s10 =	sadd.s32 $0xFFFFFFFF, s10  }
0x259: {  	[sflag:s0] =	ssyncadd.s32 @!p1 $0xFFFFFE00;
	p2 =	sne.s32 s10, $0x0  }
.Ltmp0:
0x25a: {  	[bflag:$0x0] =	sbarrier.arrive $0xFFFF;
	(pc) =	sbr.rel @!p2 .LBB2_2-.Ltmp0, $2  }
0x25b: {  	s2 =	sld [smem:$0x7FD];
	_ =	sdelay $0x2  }
0x25c: {  	[hbm:s2], [sflag:s13] =	dma.local [spmem:s11], $0x400  }
.LBB2_1:
0x25d: {  	_ =	swait.ge [sflag:s6], $0x400  }
0x25e: {  	s11 =	sld [smem:$0x7D9]  }
0x25f: {  	[sflag:s6] =	ssyncset.done $0x0  }
0x260: {  	[sflag:s6] =	ssyncadd.s32 $0xFFFFFC00  }
0x261: {  	[hbm:s11], [sflag:s13] =	dma.local [spmem:s26], $0x400  }
0x262: {  	_ =	swait.ge [sflag:s6], $0x400  }
0x263: {  	[sflag:s6] =	ssyncset.done $0x0  }
0x264: {  	s31 =	rddreg [dreg:$0xa];
	[sflag:s6] =	ssyncadd.s32 $0xFFFFFC00  }
0x265: {  	[tilespmem:s5], [sflag:$0x2] =	stream.linear.gather [hbm4b:s31+s5], $0x4000, $0x38;
	[tilespmem:$0x13700] =	vst v63  }
0x266: {  	s2 =	rddreg [dreg:$0xb]  }
0x267: {  	[tilespmem:s7], [sflag:$0x5] =	stream.linear.gather [hbm4b:s2+s5], $0x80, $0x38;
	[tilespmem:$0x13700] =	vst v63  }
0x268: {  	s30 =	rddreg [dreg:$0xc]  }
0x269: {  	[tilespmem:s8], [sflag:$0x3] =	stream.linear.gather [hbm4b:s30+s5], $0x4000, $0x38;
	[tilespmem:$0x13700] =	vst v63  }
0x26a: {  	s31 =	rddreg [dreg:$0xd]  }
0x26b: {  	[tilespmem:s9], [sflag:$0x6] =	stream.linear.gather [hbm4b:s31+s5], $0x80, $0x38;
	[tilespmem:$0x13700] =	vst v63  }
0x26c: {  	s2 =	rddreg [dreg:$0xe];
	s30 =	simm.s32 $0x11200  }
0x26d: {  	[tilespmem:s30], [sflag:$0xC] =	stream.linear.gather [hbm4b:s2+s5], $0x20, $0x38;
	[tilespmem:$0x13700] =	vst v63  }
0x26e: {  	_ =	swait.ge [sflag:s6], $0x20  }
0x26f: {  	s26 =	sld [smem:$0x7DA];
	[sflag:s6] =	ssyncset.done $0x0  }
0x270: {  	[sflag:s6] =	ssyncadd.s32 $0xFFFFFFE0  }
0x271: {  	s31 =	simm.s32 $0x11280;
	s2 =	rddreg [dreg:$0x1]  }
0x272: {  	[tilespmem:s31], [sflag:$0x1] =	stream.indirect.gather [hbm4b:s2+s26], $0x1, s30, s26, $0xb8;
	[tilespmem:$0x13700] =	vst v63  }
0x273: {  	_ =	swait.ge [sflag:s12], $0x20  }
0x274: {  	[sflag:s12] =	ssyncset.done $0x0  }
0x275: {  	s2 =	rddreg [dreg:$0xf];
	[sflag:s12] =	ssyncadd.s32 $0xFFFFFFE0  }
0x276: {  	[hbm4b:s2+s5] =	stream.linear.scatter [tilespmem:s31], [sflag:$0xC], $0x20, $0x38;
	[tilespmem:$0x13700] =	vst v63  }
0x277: {  	_ =	swait.ge [sflag:s6], $0x20  }
0x278: {  	[sflag:s6] =	ssyncset.done $0x0;
	s26 =	rddreg [dreg:$0x10]  }
0x279: {  	s30 =	rddreg [dreg:$0x7];
	[sflag:s6] =	ssyncadd.s32 $0xFFFFFFE0;
	s11 =	sshrl.u32 s26, $0x3  }
0x27a: {  	[spmem:s11], [sflag:s13] =	dma.local [hbm:s30], $0x400  }
0x27b: {  	_ =	swait.ge [sflag:s6], $0x400  }
0x27c: {  	[sflag:s6] =	ssyncset.done $0x0;
	s31 =	rddreg [dreg:$0x11]  }
0x27d: {  	s2 =	rddreg [dreg:$0x8];
	[sflag:s6] =	ssyncadd.s32 $0xFFFFFC00;
	s26 =	sshrl.u32 s31, $0x3  }
0x27e: {  	[spmem:s26], [sflag:s13] =	dma.local [hbm:s2], $0x400  }
0x27f: {  	_ =	swait.ge [sflag:s6], $0x400  }
0x280: {  	[sflag:s6] =	ssyncset.done $0x0  }
0x281: {  	s31 =	rddreg [dreg:$0x9];
	[sflag:s6] =	ssyncadd.s32 $0xFFFFFC00  }
0x282: {  	[tilespmem:s14], [sflag:$0xC] =	stream.linear.gather [hbm4b:s31+s5], $0x4000, $0x38;
	[tilespmem:$0x13700] =	vst v63  }
0x283: {  	_ =	swait.ge [sflag:s6], $0x4000  }
0x284: {  	[sflag:s6] =	ssyncset.done $0x0  }
0x285: {  	[sflag:s6] =	ssyncadd.s32 $0xFFFFC000  }
0x286: {  	[bflag:$0x0] =	sbarrier.arrive $0xFFFF  }
0x287: {  	s30 =	rddreg [dreg:$0x12]  }
0x288: {  	[tilespmem:s15], [sflag:$0x4] =	stream.linear.gather [hbm4b:s30+s5], $0x4000, $0x38;
	[tilespmem:$0x13700] =	vst v63  }
0x289: {  	s2 =	rddreg [dreg:$0x13]  }
0x28a: {  	[tilespmem:s16], [sflag:$0x7] =	stream.linear.gather [hbm4b:s2+s5], $0x80, $0x38;
	[tilespmem:$0x13700] =	vst v63  }
0x28b: {  	_ =	swait.ge [sflag:s17], $0x4000  }
0x28c: {  	[sflag:s17] =	ssyncset.done $0x0  }
0x28d: {  	[sflag:s17] =	ssyncadd.s32 $0xFFFFC000  }
0x28e: {  	_ =	swait.ge [sflag:s18], $0x80  }
0x28f: {  	[sflag:s18] =	ssyncset.done $0x0  }
0x290: {  	[sflag:s18] =	ssyncadd.s32 $0xFFFFFF80  }
0x291: {  	[spmem:s3] =	stream.indirect.scatter.add.f32 [tilespmem:s5], [sflag:$0x8], $0x80, s7, s19, $0xb8;
	[tilespmem:$0x13700] =	vst v63  }
0x292: {  	_ = 	snop  }
0x293: {  	[spmem:s4] =	stream.indirect.scatter.add.f32 [tilespmem:s14], [sflag:$0xA], $0x10, s7, s19, $0xb8;
	[tilespmem:$0x13700] =	vst v63  }
0x294: {  	_ =	swait.ge [sflag:s20], $0x4000  }
0x295: {  	[sflag:s20] =	ssyncset.done $0x0  }
0x296: {  	[sflag:s20] =	ssyncadd.s32 $0xFFFFC000  }
0x297: {  	_ =	swait.ge [sflag:s21], $0x800  }
0x298: {  	[sflag:s21] =	ssyncset.done $0x0  }
0x299: {  	s30 =	rddreg [dreg:$0x14];
	[sflag:s21] =	ssyncadd.s32 $0xFFFFF800  }
0x29a: {  	[tilespmem:s5], [sflag:$0x2] =	stream.linear.gather [hbm4b:s30+s5], $0x4000, $0x38;
	[tilespmem:$0x13700] =	vst v63  }
0x29b: {  	s2 =	rddreg [dreg:$0x15]  }
0x29c: {  	[tilespmem:s7], [sflag:$0x5] =	stream.linear.gather [hbm4b:s2+s5], $0x80, $0x38;
	[tilespmem:$0x13700] =	vst v63  }
0x29d: {  	_ =	swait.ge [sflag:s22], $0x4000  }
0x29e: {  	[sflag:s22] =	ssyncset.done $0x0  }
0x29f: {  	[sflag:s22] =	ssyncadd.s32 $0xFFFFC000  }
0x2a0: {  	_ =	swait.ge [sflag:s23], $0x80  }
0x2a1: {  	[sflag:s23] =	ssyncset.done $0x0  }
0x2a2: {  	[sflag:s23] =	ssyncadd.s32 $0xFFFFFF80  }
0x2a3: {  	[spmem:s3] =	stream.indirect.scatter.add.f32 [tilespmem:s8], [sflag:$0x9], $0x80, s9, s19, $0xb8;
	[tilespmem:$0x13700] =	vst v63  }
0x2a4: {  	_ = 	snop  }
0x2a5: {  	[spmem:s4] =	stream.indirect.scatter.add.f32 [tilespmem:s14], [sflag:$0xB], $0x10, s9, s19, $0xb8;
	[tilespmem:$0x13700] =	vst v63  }
0x2a6: {  	_ =	swait.ge [sflag:s24], $0x4000  }
0x2a7: {  	[sflag:s24] =	ssyncset.done $0x0  }
0x2a8: {  	[sflag:s24] =	ssyncadd.s32 $0xFFFFC000  }
0x2a9: {  	_ =	swait.ge [sflag:s25], $0x800  }
0x2aa: {  	[sflag:s25] =	ssyncset.done $0x0  }
0x2ab: {  	s30 =	rddreg [dreg:$0x16];
	[sflag:s25] =	ssyncadd.s32 $0xFFFFF800  }
0x2ac: {  	[tilespmem:s8], [sflag:$0x3] =	stream.linear.gather [hbm4b:s30+s5], $0x4000, $0x38;
	[tilespmem:$0x13700] =	vst v63  }
0x2ad: {  	s2 =	rddreg [dreg:$0x17]  }
0x2ae: {  	[tilespmem:s9], [sflag:$0x6] =	stream.linear.gather [hbm4b:s2+s5], $0x80, $0x38;
	[tilespmem:$0x13700] =	vst v63  }
0x2af: {  	_ =	swait.ge [sflag:s28], $0x4000  }
0x2b0: {  	[sflag:s28] =	ssyncset.done $0x0  }
0x2b1: {  	[sflag:s28] =	ssyncadd.s32 $0xFFFFC000  }
0x2b2: {  	_ =	swait.ge [sflag:s29], $0x80  }
0x2b3: {  	[sflag:s29] =	ssyncset.done $0x0  }
0x2b4: {  	[sflag:s29] =	ssyncadd.s32 $0xFFFFFF80  }
0x2b5: {  	[spmem:s3] =	stream.indirect.scatter.add.f32 [tilespmem:s15], [sflag:$0x8], $0x80, s16, s19, $0xb8;
	[tilespmem:$0x13700] =	vst v63  }
0x2b6: {  	_ = 	snop  }
0x2b7: {  	[spmem:s4] =	stream.indirect.scatter.add.f32 [tilespmem:s14], [sflag:$0xA], $0x10, s16, s19, $0xb8;
	[tilespmem:$0x13700] =	vst v63  }
0x2b8: {  	_ =	swait.ge [sflag:s20], $0x4000  }
0x2b9: {  	[sflag:s20] =	ssyncset.done $0x0  }
0x2ba: {  	[sflag:s20] =	ssyncadd.s32 $0xFFFFC000  }
0x2bb: {  	_ =	swait.ge [sflag:s21], $0x800  }
0x2bc: {  	[sflag:s21] =	ssyncset.done $0x0  }
0x2bd: {  	s30 =	rddreg [dreg:$0x18];
	[sflag:s21] =	ssyncadd.s32 $0xFFFFF800  }
0x2be: {  	[tilespmem:s15], [sflag:$0x4] =	stream.linear.gather [hbm4b:s30+s5], $0x4000, $0x38;
	[tilespmem:$0x13700] =	vst v63  }
0x2bf: {  	s2 =	rddreg [dreg:$0x19]  }
0x2c0: {  	[tilespmem:s16], [sflag:$0x7] =	stream.linear.gather [hbm4b:s2+s5], $0x80, $0x38;
	[tilespmem:$0x13700] =	vst v63  }
0x2c1: {  	_ =	swait.ge [sflag:s17], $0x4000  }
0x2c2: {  	[sflag:s17] =	ssyncset.done $0x0  }
0x2c3: {  	[sflag:s17] =	ssyncadd.s32 $0xFFFFC000  }
0x2c4: {  	_ =	swait.ge [sflag:s18], $0x80  }
0x2c5: {  	[sflag:s18] =	ssyncset.done $0x0  }
0x2c6: {  	[sflag:s18] =	ssyncadd.s32 $0xFFFFFF80  }
0x2c7: {  	[spmem:s3] =	stream.indirect.scatter.add.f32 [tilespmem:s5], [sflag:$0x9], $0x80, s7, s19, $0xb8;
	[tilespmem:$0x13700] =	vst v63  }
0x2c8: {  	_ = 	snop  }
0x2c9: {  	[spmem:s4] =	stream.indirect.scatter.add.f32 [tilespmem:s14], [sflag:$0xB], $0x10, s7, s19, $0xb8;
	[tilespmem:$0x13700] =	vst v63  }
0x2ca: {  	_ =	swait.ge [sflag:s24], $0x4000  }
0x2cb: {  	[sflag:s24] =	ssyncset.done $0x0  }
0x2cc: {  	[sflag:s24] =	ssyncadd.s32 $0xFFFFC000  }
0x2cd: {  	_ =	swait.ge [sflag:s25], $0x800  }
0x2ce: {  	[sflag:s25] =	ssyncset.done $0x0  }
0x2cf: {  	s30 =	rddreg [dreg:$0x1a];
	[sflag:s25] =	ssyncadd.s32 $0xFFFFF800  }
0x2d0: {  	[tilespmem:s5], [sflag:$0x2] =	stream.linear.gather [hbm4b:s30+s5], $0x4000, $0x38;
	[tilespmem:$0x13700] =	vst v63  }
0x2d1: {  	s2 =	rddreg [dreg:$0x1b]  }
0x2d2: {  	[tilespmem:s7], [sflag:$0x5] =	stream.linear.gather [hbm4b:s2+s5], $0x80, $0x38;
	[tilespmem:$0x13700] =	vst v63  }
0x2d3: {  	_ =	swait.ge [sflag:s22], $0x4000  }
0x2d4: {  	[sflag:s22] =	ssyncset.done $0x0  }
0x2d5: {  	[sflag:s22] =	ssyncadd.s32 $0xFFFFC000  }
0x2d6: {  	_ =	swait.ge [sflag:s23], $0x80  }
0x2d7: {  	[sflag:s23] =	ssyncset.done $0x0  }
0x2d8: {  	[sflag:s23] =	ssyncadd.s32 $0xFFFFFF80  }
0x2d9: {  	[spmem:s3] =	stream.indirect.scatter.add.f32 [tilespmem:s8], [sflag:$0x8], $0x80, s9, s19, $0xb8;
	[tilespmem:$0x13700] =	vst v63  }
0x2da: {  	_ = 	snop  }
0x2db: {  	[spmem:s4] =	stream.indirect.scatter.add.f32 [tilespmem:s14], [sflag:$0xA], $0x10, s9, s19, $0xb8;
	[tilespmem:$0x13700] =	vst v63  }
0x2dc: {  	_ =	swait.ge [sflag:s20], $0x4000  }
0x2dd: {  	[sflag:s20] =	ssyncset.done $0x0  }
0x2de: {  	[sflag:s20] =	ssyncadd.s32 $0xFFFFC000  }
0x2df: {  	_ =	swait.ge [sflag:s21], $0x800  }
0x2e0: {  	[sflag:s21] =	ssyncset.done $0x0  }
0x2e1: {  	s30 =	rddreg [dreg:$0x1c];
	[sflag:s21] =	ssyncadd.s32 $0xFFFFF800  }
0x2e2: {  	[tilespmem:s8], [sflag:$0x3] =	stream.linear.gather [hbm4b:s30+s5], $0x4000, $0x38;
	[tilespmem:$0x13700] =	vst v63  }
0x2e3: {  	s2 =	rddreg [dreg:$0x1d]  }
0x2e4: {  	[tilespmem:s9], [sflag:$0x6] =	stream.linear.gather [hbm4b:s2+s5], $0x80, $0x38;
	[tilespmem:$0x13700] =	vst v63  }
0x2e5: {  	_ =	swait.ge [sflag:s28], $0x4000  }
0x2e6: {  	[sflag:s28] =	ssyncset.done $0x0  }
0x2e7: {  	[sflag:s28] =	ssyncadd.s32 $0xFFFFC000  }
0x2e8: {  	_ =	swait.ge [sflag:s29], $0x80  }
0x2e9: {  	[sflag:s29] =	ssyncset.done $0x0  }
0x2ea: {  	[sflag:s29] =	ssyncadd.s32 $0xFFFFFF80  }
0x2eb: {  	[spmem:s3] =	stream.indirect.scatter.add.f32 [tilespmem:s15], [sflag:$0x9], $0x80, s16, s19, $0xb8;
	[tilespmem:$0x13700] =	vst v63  }
0x2ec: {  	_ = 	snop  }
0x2ed: {  	[spmem:s4] =	stream.indirect.scatter.add.f32 [tilespmem:s14], [sflag:$0xB], $0x10, s16, s19, $0xb8;
	[tilespmem:$0x13700] =	vst v63  }
0x2ee: {  	_ =	swait.ge [sflag:s24], $0x4000  }
0x2ef: {  	[sflag:s24] =	ssyncset.done $0x0  }
0x2f0: {  	[sflag:s24] =	ssyncadd.s32 $0xFFFFC000  }
0x2f1: {  	_ =	swait.ge [sflag:s25], $0x800  }
0x2f2: {  	[sflag:s25] =	ssyncset.done $0x0  }
0x2f3: {  	s30 =	rddreg [dreg:$0x1e];
	[sflag:s25] =	ssyncadd.s32 $0xFFFFF800  }
0x2f4: {  	[tilespmem:s15], [sflag:$0x4] =	stream.linear.gather [hbm4b:s30+s5], $0x4000, $0x38;
	[tilespmem:$0x13700] =	vst v63  }
0x2f5: {  	s2 =	rddreg [dreg:$0x1f]  }
0x2f6: {  	[tilespmem:s16], [sflag:$0x7] =	stream.linear.gather [hbm4b:s2+s5], $0x80, $0x38;
	[tilespmem:$0x13700] =	vst v63  }
0x2f7: {  	_ =	swait.ge [sflag:s17], $0x4000  }
0x2f8: {  	[sflag:s17] =	ssyncset.done $0x0  }
0x2f9: {  	[sflag:s17] =	ssyncadd.s32 $0xFFFFC000  }
0x2fa: {  	_ =	swait.ge [sflag:s18], $0x80  }
0x2fb: {  	[sflag:s18] =	ssyncset.done $0x0  }
0x2fc: {  	[sflag:s18] =	ssyncadd.s32 $0xFFFFFF80  }
0x2fd: {  	[spmem:s3] =	stream.indirect.scatter.add.f32 [tilespmem:s5], [sflag:$0x8], $0x80, s7, s19, $0xb8;
	[tilespmem:$0x13700] =	vst v63  }
0x2fe: {  	_ = 	snop  }
0x2ff: {  	[spmem:s4] =	stream.indirect.scatter.add.f32 [tilespmem:s14], [sflag:$0xA], $0x10, s7, s19, $0xb8;
	[tilespmem:$0x13700] =	vst v63  }
0x300: {  	_ =	swait.ge [sflag:s20], $0x4000  }
0x301: {  	[sflag:s20] =	ssyncset.done $0x0  }
0x302: {  	[sflag:s20] =	ssyncadd.s32 $0xFFFFC000  }
0x303: {  	_ =	swait.ge [sflag:s21], $0x800  }
0x304: {  	s30 =	sld [smem:$0x7DB]  }
0x305: {  	[sflag:s21] =	ssyncset.done $0x0  }
0x306: {  	s2 =	sld [smem:$0x7DC];
	[sflag:s21] =	ssyncadd.s32 $0xFFFFF800  }
0x307: {  	[tilespmem:s5], [sflag:$0x2] =	stream.linear.gather [hbm4b:s30+s5], $0x4000, $0x38;
	[tilespmem:$0x13700] =	vst v63  }
0x308: {  	_ = 	snop  }
0x309: {  	[tilespmem:s7], [sflag:$0x5] =	stream.linear.gather [hbm4b:s2+s5], $0x80, $0x38;
	[tilespmem:$0x13700] =	vst v63  }
0x30a: {  	_ =	swait.ge [sflag:s22], $0x4000  }
0x30b: {  	[sflag:s22] =	ssyncset.done $0x0  }
0x30c: {  	[sflag:s22] =	ssyncadd.s32 $0xFFFFC000  }
0x30d: {  	_ =	swait.ge [sflag:s23], $0x80  }
0x30e: {  	[sflag:s23] =	ssyncset.done $0x0  }
0x30f: {  	[sflag:s23] =	ssyncadd.s32 $0xFFFFFF80  }
0x310: {  	[spmem:s3] =	stream.indirect.scatter.add.f32 [tilespmem:s8], [sflag:$0x9], $0x80, s9, s19, $0xb8;
	[tilespmem:$0x13700] =	vst v63  }
0x311: {  	_ = 	snop  }
0x312: {  	[spmem:s4] =	stream.indirect.scatter.add.f32 [tilespmem:s14], [sflag:$0xB], $0x10, s9, s19, $0xb8;
	[tilespmem:$0x13700] =	vst v63  }
0x313: {  	_ =	swait.ge [sflag:s24], $0x4000  }
0x314: {  	[sflag:s24] =	ssyncset.done $0x0  }
0x315: {  	[sflag:s24] =	ssyncadd.s32 $0xFFFFC000  }
0x316: {  	_ =	swait.ge [sflag:s25], $0x800  }
0x317: {  	s30 =	sld [smem:$0x7DD]  }
0x318: {  	[sflag:s25] =	ssyncset.done $0x0  }
0x319: {  	s2 =	sld [smem:$0x7DE];
	[sflag:s25] =	ssyncadd.s32 $0xFFFFF800  }
0x31a: {  	[tilespmem:s8], [sflag:$0x3] =	stream.linear.gather [hbm4b:s30+s5], $0x4000, $0x38;
	[tilespmem:$0x13700] =	vst v63  }
0x31b: {  	_ = 	snop  }
0x31c: {  	[tilespmem:s9], [sflag:$0x6] =	stream.linear.gather [hbm4b:s2+s5], $0x80, $0x38;
	[tilespmem:$0x13700] =	vst v63  }
0x31d: {  	_ =	swait.ge [sflag:s28], $0x4000  }
0x31e: {  	[sflag:s28] =	ssyncset.done $0x0  }
0x31f: {  	[sflag:s28] =	ssyncadd.s32 $0xFFFFC000  }
0x320: {  	_ =	swait.ge [sflag:s29], $0x80  }
0x321: {  	[sflag:s29] =	ssyncset.done $0x0  }
0x322: {  	[sflag:s29] =	ssyncadd.s32 $0xFFFFFF80  }
0x323: {  	[spmem:s3] =	stream.indirect.scatter.add.f32 [tilespmem:s15], [sflag:$0x8], $0x80, s16, s19, $0xb8;
	[tilespmem:$0x13700] =	vst v63  }
0x324: {  	_ = 	snop  }
0x325: {  	[spmem:s4] =	stream.indirect.scatter.add.f32 [tilespmem:s14], [sflag:$0xA], $0x10, s16, s19, $0xb8;
	[tilespmem:$0x13700] =	vst v63  }
0x326: {  	_ =	swait.ge [sflag:s20], $0x4000  }
0x327: {  	[sflag:s20] =	ssyncset.done $0x0  }
0x328: {  	[sflag:s20] =	ssyncadd.s32 $0xFFFFC000  }
0x329: {  	_ =	swait.ge [sflag:s21], $0x800  }
0x32a: {  	s30 =	sld [smem:$0x7DF]  }
0x32b: {  	[sflag:s21] =	ssyncset.done $0x0  }
0x32c: {  	s2 =	sld [smem:$0x7E0];
	[sflag:s21] =	ssyncadd.s32 $0xFFFFF800  }
0x32d: {  	[tilespmem:s15], [sflag:$0x4] =	stream.linear.gather [hbm4b:s30+s5], $0x4000, $0x38;
	[tilespmem:$0x13700] =	vst v63  }
0x32e: {  	_ = 	snop  }
0x32f: {  	[tilespmem:s16], [sflag:$0x7] =	stream.linear.gather [hbm4b:s2+s5], $0x80, $0x38;
	[tilespmem:$0x13700] =	vst v63  }
0x330: {  	_ =	swait.ge [sflag:s17], $0x4000  }
0x331: {  	[sflag:s17] =	ssyncset.done $0x0  }
0x332: {  	[sflag:s17] =	ssyncadd.s32 $0xFFFFC000  }
0x333: {  	_ =	swait.ge [sflag:s18], $0x80  }
0x334: {  	[sflag:s18] =	ssyncset.done $0x0  }
0x335: {  	[sflag:s18] =	ssyncadd.s32 $0xFFFFFF80  }
0x336: {  	[spmem:s3] =	stream.indirect.scatter.add.f32 [tilespmem:s5], [sflag:$0x9], $0x80, s7, s19, $0xb8;
	[tilespmem:$0x13700] =	vst v63  }
0x337: {  	_ = 	snop  }
0x338: {  	[spmem:s4] =	stream.indirect.scatter.add.f32 [tilespmem:s14], [sflag:$0xB], $0x10, s7, s19, $0xb8;
	[tilespmem:$0x13700] =	vst v63  }
0x339: {  	_ =	swait.ge [sflag:s24], $0x4000  }
0x33a: {  	[sflag:s24] =	ssyncset.done $0x0  }
0x33b: {  	[sflag:s24] =	ssyncadd.s32 $0xFFFFC000  }
0x33c: {  	_ =	swait.ge [sflag:s25], $0x800  }
0x33d: {  	s30 =	sld [smem:$0x7E1]  }
0x33e: {  	[sflag:s25] =	ssyncset.done $0x0  }
0x33f: {  	s2 =	sld [smem:$0x7E2];
	[sflag:s25] =	ssyncadd.s32 $0xFFFFF800  }
0x340: {  	[tilespmem:s5], [sflag:$0x2] =	stream.linear.gather [hbm4b:s30+s5], $0x4000, $0x38;
	[tilespmem:$0x13700] =	vst v63  }
0x341: {  	_ = 	snop  }
0x342: {  	[tilespmem:s7], [sflag:$0x5] =	stream.linear.gather [hbm4b:s2+s5], $0x80, $0x38;
	[tilespmem:$0x13700] =	vst v63  }
0x343: {  	_ =	swait.ge [sflag:s22], $0x4000  }
0x344: {  	[sflag:s22] =	ssyncset.done $0x0  }
0x345: {  	[sflag:s22] =	ssyncadd.s32 $0xFFFFC000  }
0x346: {  	_ =	swait.ge [sflag:s23], $0x80  }
0x347: {  	[sflag:s23] =	ssyncset.done $0x0  }
0x348: {  	[sflag:s23] =	ssyncadd.s32 $0xFFFFFF80  }
0x349: {  	[spmem:s3] =	stream.indirect.scatter.add.f32 [tilespmem:s8], [sflag:$0x8], $0x80, s9, s19, $0xb8;
	[tilespmem:$0x13700] =	vst v63  }
0x34a: {  	_ = 	snop  }
0x34b: {  	[spmem:s4] =	stream.indirect.scatter.add.f32 [tilespmem:s14], [sflag:$0xA], $0x10, s9, s19, $0xb8;
	[tilespmem:$0x13700] =	vst v63  }
0x34c: {  	_ =	swait.ge [sflag:s20], $0x4000  }
0x34d: {  	[sflag:s20] =	ssyncset.done $0x0  }
0x34e: {  	[sflag:s20] =	ssyncadd.s32 $0xFFFFC000  }
0x34f: {  	_ =	swait.ge [sflag:s21], $0x800  }
0x350: {  	s30 =	sld [smem:$0x7E3]  }
0x351: {  	[sflag:s21] =	ssyncset.done $0x0  }
0x352: {  	s2 =	sld [smem:$0x7E4];
	[sflag:s21] =	ssyncadd.s32 $0xFFFFF800  }
0x353: {  	[tilespmem:s8], [sflag:$0x3] =	stream.linear.gather [hbm4b:s30+s5], $0x4000, $0x38;
	[tilespmem:$0x13700] =	vst v63  }
0x354: {  	_ = 	snop  }
0x355: {  	[tilespmem:s9], [sflag:$0x6] =	stream.linear.gather [hbm4b:s2+s5], $0x80, $0x38;
	[tilespmem:$0x13700] =	vst v63  }
0x356: {  	_ =	swait.ge [sflag:s28], $0x4000  }
0x357: {  	[sflag:s28] =	ssyncset.done $0x0  }
0x358: {  	[sflag:s28] =	ssyncadd.s32 $0xFFFFC000  }
0x359: {  	_ =	swait.ge [sflag:s29], $0x80  }
0x35a: {  	[sflag:s29] =	ssyncset.done $0x0  }
0x35b: {  	[sflag:s29] =	ssyncadd.s32 $0xFFFFFF80  }
0x35c: {  	[spmem:s3] =	stream.indirect.scatter.add.f32 [tilespmem:s15], [sflag:$0x9], $0x80, s16, s19, $0xb8;
	[tilespmem:$0x13700] =	vst v63  }
0x35d: {  	_ = 	snop  }
0x35e: {  	[spmem:s4] =	stream.indirect.scatter.add.f32 [tilespmem:s14], [sflag:$0xB], $0x10, s16, s19, $0xb8;
	[tilespmem:$0x13700] =	vst v63  }
0x35f: {  	_ =	swait.ge [sflag:s24], $0x4000  }
0x360: {  	[sflag:s24] =	ssyncset.done $0x0  }
0x361: {  	[sflag:s24] =	ssyncadd.s32 $0xFFFFC000  }
0x362: {  	_ =	swait.ge [sflag:s25], $0x800  }
0x363: {  	s30 =	sld [smem:$0x7E5]  }
0x364: {  	[sflag:s25] =	ssyncset.done $0x0  }
0x365: {  	s2 =	sld [smem:$0x7E6];
	[sflag:s25] =	ssyncadd.s32 $0xFFFFF800  }
0x366: {  	[tilespmem:s15], [sflag:$0x4] =	stream.linear.gather [hbm4b:s30+s5], $0x4000, $0x38;
	[tilespmem:$0x13700] =	vst v63  }
0x367: {  	_ = 	snop  }
0x368: {  	[tilespmem:s16], [sflag:$0x7] =	stream.linear.gather [hbm4b:s2+s5], $0x80, $0x38;
	[tilespmem:$0x13700] =	vst v63  }
0x369: {  	_ =	swait.ge [sflag:s17], $0x4000  }
0x36a: {  	[sflag:s17] =	ssyncset.done $0x0  }
0x36b: {  	[sflag:s17] =	ssyncadd.s32 $0xFFFFC000  }
0x36c: {  	_ =	swait.ge [sflag:s18], $0x80  }
0x36d: {  	[sflag:s18] =	ssyncset.done $0x0  }
0x36e: {  	[sflag:s18] =	ssyncadd.s32 $0xFFFFFF80  }
0x36f: {  	[spmem:s3] =	stream.indirect.scatter.add.f32 [tilespmem:s5], [sflag:$0x8], $0x80, s7, s19, $0xb8;
	[tilespmem:$0x13700] =	vst v63  }
0x370: {  	_ = 	snop  }
0x371: {  	[spmem:s4] =	stream.indirect.scatter.add.f32 [tilespmem:s14], [sflag:$0xA], $0x10, s7, s19, $0xb8;
	[tilespmem:$0x13700] =	vst v63  }
0x372: {  	_ =	swait.ge [sflag:s20], $0x4000  }
0x373: {  	[sflag:s20] =	ssyncset.done $0x0  }
0x374: {  	[sflag:s20] =	ssyncadd.s32 $0xFFFFC000  }
0x375: {  	_ =	swait.ge [sflag:s21], $0x800  }
0x376: {  	s30 =	sld [smem:$0x7E7]  }
0x377: {  	[sflag:s21] =	ssyncset.done $0x0  }
0x378: {  	s2 =	sld [smem:$0x7E8];
	[sflag:s21] =	ssyncadd.s32 $0xFFFFF800  }
0x379: {  	[tilespmem:s5], [sflag:$0x2] =	stream.linear.gather [hbm4b:s30+s5], $0x4000, $0x38;
	[tilespmem:$0x13700] =	vst v63  }
0x37a: {  	_ = 	snop  }
0x37b: {  	[tilespmem:s7], [sflag:$0x5] =	stream.linear.gather [hbm4b:s2+s5], $0x80, $0x38;
	[tilespmem:$0x13700] =	vst v63  }
0x37c: {  	_ =	swait.ge [sflag:s22], $0x4000  }
0x37d: {  	[sflag:s22] =	ssyncset.done $0x0  }
0x37e: {  	[sflag:s22] =	ssyncadd.s32 $0xFFFFC000  }
0x37f: {  	_ =	swait.ge [sflag:s23], $0x80  }
0x380: {  	[sflag:s23] =	ssyncset.done $0x0  }
0x381: {  	[sflag:s23] =	ssyncadd.s32 $0xFFFFFF80  }
0x382: {  	[spmem:s3] =	stream.indirect.scatter.add.f32 [tilespmem:s8], [sflag:$0x9], $0x80, s9, s19, $0xb8;
	[tilespmem:$0x13700] =	vst v63  }
0x383: {  	_ = 	snop  }
0x384: {  	[spmem:s4] =	stream.indirect.scatter.add.f32 [tilespmem:s14], [sflag:$0xB], $0x10, s9, s19, $0xb8;
	[tilespmem:$0x13700] =	vst v63  }
0x385: {  	_ =	swait.ge [sflag:s24], $0x4000  }
0x386: {  	[sflag:s24] =	ssyncset.done $0x0  }
0x387: {  	[sflag:s24] =	ssyncadd.s32 $0xFFFFC000  }
0x388: {  	_ =	swait.ge [sflag:s25], $0x800  }
0x389: {  	s30 =	sld [smem:$0x7E9]  }
0x38a: {  	[sflag:s25] =	ssyncset.done $0x0  }
0x38b: {  	s2 =	sld [smem:$0x7EA];
	[sflag:s25] =	ssyncadd.s32 $0xFFFFF800  }
0x38c: {  	[tilespmem:s8], [sflag:$0x3] =	stream.linear.gather [hbm4b:s30+s5], $0x4000, $0x38;
	[tilespmem:$0x13700] =	vst v63  }
0x38d: {  	_ = 	snop  }
0x38e: {  	[tilespmem:s9], [sflag:$0x6] =	stream.linear.gather [hbm4b:s2+s5], $0x80, $0x38;
	[tilespmem:$0x13700] =	vst v63  }
0x38f: {  	_ =	swait.ge [sflag:s28], $0x4000  }
0x390: {  	[sflag:s28] =	ssyncset.done $0x0  }
0x391: {  	[sflag:s28] =	ssyncadd.s32 $0xFFFFC000  }
0x392: {  	_ =	swait.ge [sflag:s29], $0x80  }
0x393: {  	[sflag:s29] =	ssyncset.done $0x0  }
0x394: {  	[sflag:s29] =	ssyncadd.s32 $0xFFFFFF80  }
0x395: {  	[spmem:s3] =	stream.indirect.scatter.add.f32 [tilespmem:s15], [sflag:$0x8], $0x80, s16, s19, $0xb8;
	[tilespmem:$0x13700] =	vst v63  }
0x396: {  	_ = 	snop  }
0x397: {  	[spmem:s4] =	stream.indirect.scatter.add.f32 [tilespmem:s14], [sflag:$0xA], $0x10, s16, s19, $0xb8;
	[tilespmem:$0x13700] =	vst v63  }
0x398: {  	_ =	swait.ge [sflag:s20], $0x4000  }
0x399: {  	[sflag:s20] =	ssyncset.done $0x0  }
0x39a: {  	[sflag:s20] =	ssyncadd.s32 $0xFFFFC000  }
0x39b: {  	_ =	swait.ge [sflag:s21], $0x800  }
0x39c: {  	s30 =	sld [smem:$0x7EB]  }
0x39d: {  	[sflag:s21] =	ssyncset.done $0x0  }
0x39e: {  	s2 =	sld [smem:$0x7EC];
	[sflag:s21] =	ssyncadd.s32 $0xFFFFF800  }
0x39f: {  	[tilespmem:s15], [sflag:$0x4] =	stream.linear.gather [hbm4b:s30+s5], $0x4000, $0x38;
	[tilespmem:$0x13700] =	vst v63  }
0x3a0: {  	_ = 	snop  }
0x3a1: {  	[tilespmem:s16], [sflag:$0x7] =	stream.linear.gather [hbm4b:s2+s5], $0x80, $0x38;
	[tilespmem:$0x13700] =	vst v63  }
0x3a2: {  	_ =	swait.ge [sflag:s17], $0x4000  }
0x3a3: {  	[sflag:s17] =	ssyncset.done $0x0  }
0x3a4: {  	[sflag:s17] =	ssyncadd.s32 $0xFFFFC000  }
0x3a5: {  	_ =	swait.ge [sflag:s18], $0x80  }
0x3a6: {  	[sflag:s18] =	ssyncset.done $0x0  }
0x3a7: {  	[sflag:s18] =	ssyncadd.s32 $0xFFFFFF80  }
0x3a8: {  	[spmem:s3] =	stream.indirect.scatter.add.f32 [tilespmem:s5], [sflag:$0x9], $0x80, s7, s19, $0xb8;
	[tilespmem:$0x13700] =	vst v63  }
0x3a9: {  	_ = 	snop  }
0x3aa: {  	[spmem:s4] =	stream.indirect.scatter.add.f32 [tilespmem:s14], [sflag:$0xB], $0x10, s7, s19, $0xb8;
	[tilespmem:$0x13700] =	vst v63  }
0x3ab: {  	_ =	swait.ge [sflag:s24], $0x4000  }
0x3ac: {  	[sflag:s24] =	ssyncset.done $0x0  }
0x3ad: {  	[sflag:s24] =	ssyncadd.s32 $0xFFFFC000  }
0x3ae: {  	_ =	swait.ge [sflag:s25], $0x800  }
0x3af: {  	s30 =	sld [smem:$0x7ED]  }
0x3b0: {  	[sflag:s25] =	ssyncset.done $0x0  }
0x3b1: {  	s2 =	sld [smem:$0x7EE];
	[sflag:s25] =	ssyncadd.s32 $0xFFFFF800  }
0x3b2: {  	[tilespmem:s5], [sflag:$0x2] =	stream.linear.gather [hbm4b:s30+s5], $0x4000, $0x38;
	[tilespmem:$0x13700] =	vst v63  }
0x3b3: {  	_ = 	snop  }
0x3b4: {  	[tilespmem:s7], [sflag:$0x5] =	stream.linear.gather [hbm4b:s2+s5], $0x80, $0x38;
	[tilespmem:$0x13700] =	vst v63  }
0x3b5: {  	_ =	swait.ge [sflag:s22], $0x4000  }
0x3b6: {  	[sflag:s22] =	ssyncset.done $0x0  }
0x3b7: {  	[sflag:s22] =	ssyncadd.s32 $0xFFFFC000  }
0x3b8: {  	_ =	swait.ge [sflag:s23], $0x80  }
0x3b9: {  	[sflag:s23] =	ssyncset.done $0x0  }
0x3ba: {  	[sflag:s23] =	ssyncadd.s32 $0xFFFFFF80  }
0x3bb: {  	[spmem:s3] =	stream.indirect.scatter.add.f32 [tilespmem:s8], [sflag:$0x8], $0x80, s9, s19, $0xb8;
	[tilespmem:$0x13700] =	vst v63  }
0x3bc: {  	_ = 	snop  }
0x3bd: {  	[spmem:s4] =	stream.indirect.scatter.add.f32 [tilespmem:s14], [sflag:$0xA], $0x10, s9, s19, $0xb8;
	[tilespmem:$0x13700] =	vst v63  }
0x3be: {  	_ =	swait.ge [sflag:s20], $0x4000  }
0x3bf: {  	[sflag:s20] =	ssyncset.done $0x0  }
0x3c0: {  	[sflag:s20] =	ssyncadd.s32 $0xFFFFC000  }
0x3c1: {  	_ =	swait.ge [sflag:s21], $0x800  }
0x3c2: {  	s30 =	sld [smem:$0x7EF]  }
0x3c3: {  	[sflag:s21] =	ssyncset.done $0x0  }
0x3c4: {  	s2 =	sld [smem:$0x7F0];
	[sflag:s21] =	ssyncadd.s32 $0xFFFFF800  }
0x3c5: {  	[tilespmem:s8], [sflag:$0x3] =	stream.linear.gather [hbm4b:s30+s5], $0x4000, $0x38;
	[tilespmem:$0x13700] =	vst v63  }
0x3c6: {  	_ = 	snop  }
0x3c7: {  	[tilespmem:s9], [sflag:$0x6] =	stream.linear.gather [hbm4b:s2+s5], $0x80, $0x38;
	[tilespmem:$0x13700] =	vst v63  }
0x3c8: {  	_ =	swait.ge [sflag:s28], $0x4000  }
0x3c9: {  	[sflag:s28] =	ssyncset.done $0x0  }
0x3ca: {  	[sflag:s28] =	ssyncadd.s32 $0xFFFFC000  }
0x3cb: {  	_ =	swait.ge [sflag:s29], $0x80  }
0x3cc: {  	[sflag:s29] =	ssyncset.done $0x0  }
0x3cd: {  	[sflag:s29] =	ssyncadd.s32 $0xFFFFFF80  }
0x3ce: {  	[spmem:s3] =	stream.indirect.scatter.add.f32 [tilespmem:s15], [sflag:$0x9], $0x80, s16, s19, $0xb8;
	[tilespmem:$0x13700] =	vst v63  }
0x3cf: {  	_ = 	snop  }
0x3d0: {  	[spmem:s4] =	stream.indirect.scatter.add.f32 [tilespmem:s14], [sflag:$0xB], $0x10, s16, s19, $0xb8;
	[tilespmem:$0x13700] =	vst v63  }
0x3d1: {  	_ =	swait.ge [sflag:s24], $0x4000  }
0x3d2: {  	[sflag:s24] =	ssyncset.done $0x0  }
0x3d3: {  	[sflag:s24] =	ssyncadd.s32 $0xFFFFC000  }
0x3d4: {  	_ =	swait.ge [sflag:s25], $0x800  }
0x3d5: {  	s30 =	sld [smem:$0x7F1]  }
0x3d6: {  	[sflag:s25] =	ssyncset.done $0x0  }
0x3d7: {  	s2 =	sld [smem:$0x7F2];
	[sflag:s25] =	ssyncadd.s32 $0xFFFFF800  }
0x3d8: {  	[tilespmem:s15], [sflag:$0x4] =	stream.linear.gather [hbm4b:s30+s5], $0x4000, $0x38;
	[tilespmem:$0x13700] =	vst v63  }
0x3d9: {  	_ = 	snop  }
0x3da: {  	[tilespmem:s16], [sflag:$0x7] =	stream.linear.gather [hbm4b:s2+s5], $0x80, $0x38;
	[tilespmem:$0x13700] =	vst v63  }
0x3db: {  	_ =	swait.ge [sflag:s17], $0x4000  }
0x3dc: {  	[sflag:s17] =	ssyncset.done $0x0  }
0x3dd: {  	[sflag:s17] =	ssyncadd.s32 $0xFFFFC000  }
0x3de: {  	_ =	swait.ge [sflag:s18], $0x80  }
0x3df: {  	[sflag:s18] =	ssyncset.done $0x0  }
0x3e0: {  	[sflag:s18] =	ssyncadd.s32 $0xFFFFFF80  }
0x3e1: {  	[spmem:s3] =	stream.indirect.scatter.add.f32 [tilespmem:s5], [sflag:$0x8], $0x80, s7, s19, $0xb8;
	[tilespmem:$0x13700] =	vst v63  }
0x3e2: {  	_ = 	snop  }
0x3e3: {  	[spmem:s4] =	stream.indirect.scatter.add.f32 [tilespmem:s14], [sflag:$0xA], $0x10, s7, s19, $0xb8;
	[tilespmem:$0x13700] =	vst v63  }
0x3e4: {  	_ =	swait.ge [sflag:s20], $0x4000  }
0x3e5: {  	[sflag:s20] =	ssyncset.done $0x0  }
0x3e6: {  	[sflag:s20] =	ssyncadd.s32 $0xFFFFC000  }
0x3e7: {  	_ =	swait.ge [sflag:s21], $0x800  }
0x3e8: {  	s30 =	sld [smem:$0x7F3]  }
0x3e9: {  	[sflag:s21] =	ssyncset.done $0x0  }
0x3ea: {  	s2 =	sld [smem:$0x7F4];
	[sflag:s21] =	ssyncadd.s32 $0xFFFFF800  }
0x3eb: {  	[tilespmem:s5], [sflag:$0x2] =	stream.linear.gather [hbm4b:s30+s5], $0x4000, $0x38;
	[tilespmem:$0x13700] =	vst v63  }
0x3ec: {  	_ = 	snop  }
0x3ed: {  	[tilespmem:s7], [sflag:$0x5] =	stream.linear.gather [hbm4b:s2+s5], $0x80, $0x38;
	[tilespmem:$0x13700] =	vst v63  }
0x3ee: {  	_ =	swait.ge [sflag:s22], $0x4000  }
0x3ef: {  	[sflag:s22] =	ssyncset.done $0x0  }
0x3f0: {  	[sflag:s22] =	ssyncadd.s32 $0xFFFFC000  }
0x3f1: {  	_ =	swait.ge [sflag:s23], $0x80  }
0x3f2: {  	[sflag:s23] =	ssyncset.done $0x0  }
0x3f3: {  	[sflag:s23] =	ssyncadd.s32 $0xFFFFFF80  }
0x3f4: {  	[spmem:s3] =	stream.indirect.scatter.add.f32 [tilespmem:s8], [sflag:$0x9], $0x80, s9, s19, $0xb8;
	[tilespmem:$0x13700] =	vst v63  }
0x3f5: {  	_ = 	snop  }
0x3f6: {  	[spmem:s4] =	stream.indirect.scatter.add.f32 [tilespmem:s14], [sflag:$0xB], $0x10, s9, s19, $0xb8;
	[tilespmem:$0x13700] =	vst v63  }
0x3f7: {  	_ =	swait.ge [sflag:s24], $0x4000  }
0x3f8: {  	[sflag:s24] =	ssyncset.done $0x0  }
0x3f9: {  	[sflag:s24] =	ssyncadd.s32 $0xFFFFC000  }
0x3fa: {  	_ =	swait.ge [sflag:s25], $0x800  }
0x3fb: {  	s30 =	sld [smem:$0x7F5]  }
0x3fc: {  	[sflag:s25] =	ssyncset.done $0x0  }
0x3fd: {  	s2 =	sld [smem:$0x7F6];
	[sflag:s25] =	ssyncadd.s32 $0xFFFFF800  }
0x3fe: {  	[tilespmem:s8], [sflag:$0x3] =	stream.linear.gather [hbm4b:s30+s5], $0x4000, $0x38;
	[tilespmem:$0x13700] =	vst v63  }
0x3ff: {  	_ = 	snop  }
0x400: {  	[tilespmem:s9], [sflag:$0x6] =	stream.linear.gather [hbm4b:s2+s5], $0x80, $0x38;
	[tilespmem:$0x13700] =	vst v63  }
0x401: {  	_ =	swait.ge [sflag:s28], $0x4000  }
0x402: {  	[sflag:s28] =	ssyncset.done $0x0  }
0x403: {  	[sflag:s28] =	ssyncadd.s32 $0xFFFFC000  }
0x404: {  	_ =	swait.ge [sflag:s29], $0x80  }
0x405: {  	[sflag:s29] =	ssyncset.done $0x0  }
0x406: {  	[sflag:s29] =	ssyncadd.s32 $0xFFFFFF80  }
0x407: {  	[spmem:s3] =	stream.indirect.scatter.add.f32 [tilespmem:s15], [sflag:$0x8], $0x80, s16, s19, $0xb8;
	[tilespmem:$0x13700] =	vst v63  }
0x408: {  	_ = 	snop  }
0x409: {  	[spmem:s4] =	stream.indirect.scatter.add.f32 [tilespmem:s14], [sflag:$0xA], $0x10, s16, s19, $0xb8;
	[tilespmem:$0x13700] =	vst v63  }
0x40a: {  	_ =	swait.ge [sflag:s20], $0x4000  }
0x40b: {  	[sflag:s20] =	ssyncset.done $0x0  }
0x40c: {  	[sflag:s20] =	ssyncadd.s32 $0xFFFFC000  }
0x40d: {  	_ =	swait.ge [sflag:s21], $0x800  }
0x40e: {  	s30 =	sld [smem:$0x7F7]  }
0x40f: {  	[sflag:s21] =	ssyncset.done $0x0  }
0x410: {  	s2 =	sld [smem:$0x7F8];
	[sflag:s21] =	ssyncadd.s32 $0xFFFFF800  }
0x411: {  	[tilespmem:s15], [sflag:$0x4] =	stream.linear.gather [hbm4b:s30+s5], $0x4000, $0x38;
	[tilespmem:$0x13700] =	vst v63  }
0x412: {  	_ = 	snop  }
0x413: {  	[tilespmem:s16], [sflag:$0x7] =	stream.linear.gather [hbm4b:s2+s5], $0x80, $0x38;
	[tilespmem:$0x13700] =	vst v63  }
0x414: {  	_ =	swait.ge [sflag:s17], $0x4000  }
0x415: {  	[sflag:s17] =	ssyncset.done $0x0  }
0x416: {  	[sflag:s17] =	ssyncadd.s32 $0xFFFFC000  }
0x417: {  	_ =	swait.ge [sflag:s18], $0x80  }
0x418: {  	[sflag:s18] =	ssyncset.done $0x0  }
0x419: {  	[sflag:s18] =	ssyncadd.s32 $0xFFFFFF80  }
0x41a: {  	[spmem:s3] =	stream.indirect.scatter.add.f32 [tilespmem:s5], [sflag:$0x9], $0x80, s7, s19, $0xb8;
	[tilespmem:$0x13700] =	vst v63  }
0x41b: {  	_ = 	snop  }
0x41c: {  	[spmem:s4] =	stream.indirect.scatter.add.f32 [tilespmem:s14], [sflag:$0xB], $0x10, s7, s19, $0xb8;
	[tilespmem:$0x13700] =	vst v63  }
0x41d: {  	_ =	swait.ge [sflag:s24], $0x4000  }
0x41e: {  	[sflag:s24] =	ssyncset.done $0x0  }
0x41f: {  	[sflag:s24] =	ssyncadd.s32 $0xFFFFC000  }
0x420: {  	_ =	swait.ge [sflag:s25], $0x800  }
0x421: {  	s30 =	sld [smem:$0x7F9]  }
0x422: {  	[sflag:s25] =	ssyncset.done $0x0  }
0x423: {  	s2 =	sld [smem:$0x7FA];
	[sflag:s25] =	ssyncadd.s32 $0xFFFFF800  }
0x424: {  	[tilespmem:s5], [sflag:$0x2] =	stream.linear.gather [hbm4b:s30+s5], $0x4000, $0x38;
	[tilespmem:$0x13700] =	vst v63  }
0x425: {  	_ = 	snop  }
0x426: {  	[tilespmem:s7], [sflag:$0x5] =	stream.linear.gather [hbm4b:s2+s5], $0x80, $0x38;
	[tilespmem:$0x13700] =	vst v63  }
0x427: {  	_ =	swait.ge [sflag:s22], $0x4000  }
0x428: {  	[sflag:s22] =	ssyncset.done $0x0  }
0x429: {  	[sflag:s22] =	ssyncadd.s32 $0xFFFFC000  }
0x42a: {  	_ =	swait.ge [sflag:s23], $0x80  }
0x42b: {  	[sflag:s23] =	ssyncset.done $0x0  }
0x42c: {  	[sflag:s23] =	ssyncadd.s32 $0xFFFFFF80  }
0x42d: {  	[spmem:s3] =	stream.indirect.scatter.add.f32 [tilespmem:s8], [sflag:$0x8], $0x80, s9, s19, $0xb8;
	[tilespmem:$0x13700] =	vst v63  }
0x42e: {  	_ = 	snop  }
0x42f: {  	[spmem:s4] =	stream.indirect.scatter.add.f32 [tilespmem:s14], [sflag:$0xA], $0x10, s9, s19, $0xb8;
	[tilespmem:$0x13700] =	vst v63  }
0x430: {  	_ =	swait.ge [sflag:s20], $0x4000  }
0x431: {  	[sflag:s20] =	ssyncset.done $0x0  }
0x432: {  	[sflag:s20] =	ssyncadd.s32 $0xFFFFC000  }
0x433: {  	_ =	swait.ge [sflag:s21], $0x800  }
0x434: {  	[sflag:s21] =	ssyncset.done $0x0  }
0x435: {  	[sflag:s21] =	ssyncadd.s32 $0xFFFFF800  }
0x436: {  	_ =	swait.ge [sflag:s28], $0x4000  }
0x437: {  	[sflag:s28] =	ssyncset.done $0x0  }
0x438: {  	[sflag:s28] =	ssyncadd.s32 $0xFFFFC000  }
0x439: {  	_ =	swait.ge [sflag:s29], $0x80  }
0x43a: {  	[sflag:s29] =	ssyncset.done $0x0  }
0x43b: {  	[sflag:s29] =	ssyncadd.s32 $0xFFFFFF80  }
0x43c: {  	[spmem:s3] =	stream.indirect.scatter.add.f32 [tilespmem:s15], [sflag:$0x9], $0x80, s16, s19, $0xb8;
	[tilespmem:$0x13700] =	vst v63  }
0x43d: {  	_ = 	snop  }
0x43e: {  	[spmem:s4] =	stream.indirect.scatter.add.f32 [tilespmem:s14], [sflag:$0xB], $0x10, s16, s19, $0xb8;
	[tilespmem:$0x13700] =	vst v63  }
0x43f: {  	_ =	swait.ge [sflag:s24], $0x4000  }
0x440: {  	[sflag:s24] =	ssyncset.done $0x0  }
0x441: {  	[sflag:s24] =	ssyncadd.s32 $0xFFFFC000  }
0x442: {  	_ =	swait.ge [sflag:s25], $0x800  }
0x443: {  	[sflag:s25] =	ssyncset.done $0x0  }
0x444: {  	[sflag:s25] =	ssyncadd.s32 $0xFFFFF800  }
0x445: {  	_ =	swait.ge [sflag:s17], $0x4000  }
0x446: {  	[sflag:s17] =	ssyncset.done $0x0  }
0x447: {  	[sflag:s17] =	ssyncadd.s32 $0xFFFFC000  }
0x448: {  	_ =	swait.ge [sflag:s18], $0x80  }
0x449: {  	[sflag:s18] =	ssyncset.done $0x0  }
0x44a: {  	[sflag:s18] =	ssyncadd.s32 $0xFFFFFF80  }
0x44b: {  	[tilespmem:$0xC070] =	vst @!p0 v0  }
0x44c: {  	[tilespmem:$0xC060] =	vst @!p0 v0  }
0x44d: {  	[tilespmem:$0xC050] =	vst @!p0 v0  }
0x44e: {  	[tilespmem:$0xC040] =	vst @!p0 v0  }
0x44f: {  	[tilespmem:$0xC030] =	vst @!p0 v0  }
0x450: {  	[tilespmem:$0xC020] =	vst @!p0 v0  }
0x451: {  	[tilespmem:$0xC000] =	vst @!p0 v0  }
0x452: {  	[tilespmem:$0xC010] =	vst @!p0 v0  }
0x453: {  	[spmem:s3] =	stream.indirect.scatter.add.f32 [tilespmem:s5], [sflag:$0x8], $0x80, s7, s19, $0xb8;
	[tilespmem:$0x13700] =	vst v63  }
0x454: {  	_ = 	snop  }
0x455: {  	[spmem:s4] =	stream.indirect.scatter.add.f32 [tilespmem:s14], [sflag:$0xA], $0x10, s7, s19, $0xb8;
	[tilespmem:$0x13700] =	vst v63  }
0x456: {  	_ =	swait.ge [sflag:s20], $0x4000  }
0x457: {  	[sflag:s20] =	ssyncset.done $0x0  }
0x458: {  	[sflag:s20] =	ssyncadd.s32 $0xFFFFC000  }
0x459: {  	_ =	swait.ge [sflag:s21], $0x800  }
0x45a: {  	s30 =	sld [smem:$0x7FB]  }
0x45b: {  	[sflag:s21] =	ssyncset.done $0x0  }
0x45c: {  	s31 =	simm.s32 @!p1 $0x0;
	s2 =	simm.s32 @!p1 $0xC180;
	[sflag:s21] =	ssyncadd.s32 $0xFFFFF800  }
0x45d: {  	[tilespmem:s2], [sflag:$0xC] =	stream.linear.gather @!p1 [hbm4b:s30+s31], $0x1000, $0x38;
	[tilespmem:$0x13700] =	vst v63  }
0x45e: {  	_ =	swait.ge @!p1 [sflag:s0], $0x1000  }
0x45f: {  	s30 =	sld [smem:$0x7FC]  }
0x460: {  	[sflag:s0] =	ssyncset.done @!p1 $0x0  }
0x461: {  	[sflag:s0] =	ssyncadd.s32 @!p1 $0xFFFFF000  }
0x462: {  	[tilespmem:s1], [sflag:$0xC] =	stream.linear.gather @!p1 [hbm4b:s30+s31], $0x20, $0x38;
	[tilespmem:$0x13700] =	vst v63  }
0x463: {  	_ =	swait.ge @!p1 [sflag:s0], $0x20  }
0x464: {  	[sflag:s0] =	ssyncset.done @!p1 $0x0  }
0x465: {  	s30 =	simm.s32 @!p1 $0x20;
	[sflag:s0] =	ssyncadd.s32 @!p1 $0xFFFFFFE0  }
0x466: {  	[spmem:s3] =	stream.indirect.scatter.add.f32 @!p1 [tilespmem:s2], [sflag:$0xC], $0x80, s1, s30, $0xb8;
	[tilespmem:$0x13700] =	vst v63  }
0x467: {  	_ =	swait.ge @!p1 [sflag:s0], $0x1000  }
0x468: {  	[sflag:s0] =	ssyncset.done @!p1 $0x0  }
0x469: {  	s2 =	simm.s32 @!p1 $0xD200;
	[sflag:s0] =	ssyncadd.s32 @!p1 $0xFFFFF000  }
0x46a: {  	[spmem:s4] =	stream.indirect.scatter.add.f32 @!p1 [tilespmem:s2], [sflag:$0xC], $0x10, s1, s30, $0xb8;
	[tilespmem:$0x13700] =	vst v63  }
0x46b: {  	_ =	swait.ge @!p1 [sflag:s0], $0x200  }
0x46c: {  	s10 =	sadd.s32 $0xFFFFFFFF, s10;
	[sflag:s0] =	ssyncset.done @!p1 $0x0  }
0x46d: {  	p2 =	sne.s32 s10, $0x0;
	[sflag:s0] =	ssyncadd.s32 @!p1 $0xFFFFFE00  }
.Ltmp1:
0x46e: {  	[bflag:$0x0] =	sbarrier.arrive $0xFFFF;
	(pc) =	sbr.rel @p2 .LBB2_1-.Ltmp1, $2  }
0x46f: {  	s31 =	sld [smem:$0x7FD];
	_ =	sdelay $0x2  }
0x470: {  	[hbm:s31], [sflag:s13] =	dma.local [spmem:s11], $0x400  }
.LBB2_2:
0x471: {  	_ =	swait.ge [sflag:s6], $0x400  }
0x472: {  	s0 =	sld [smem:$0x7D9]  }
0x473: {  	[sflag:s6] =	ssyncset.done $0x0  }
0x474: {  	[sflag:s6] =	ssyncadd.s32 $0xFFFFFC00  }
0x475: {  	[hbm:s0], [sflag:s13] =	dma.local [spmem:s26], $0x400  }
0x476: {  	_ =	swait.ge [sflag:s6], $0x400  }
0x477: {  	[sflag:s6] =	ssyncset.done $0x0  }
0x478: {  	[sflag:s6] =	ssyncadd.s32 $0xFFFFFC00  }
0x479: {  	_ =	sfence.sel $0x180000  }
0x47a: {  	[bflag:$0x0] =	sbarrier.arrive $0xFFFF  }
0x47b: {  	_ =	strace $0x90000047  }
0x47c: {  	s31 =	stileid.u32;
	[bflag:$0x2] =	sbarrier.arrive $0xFFFF  }
0x47d: {  	p0 =	sne.s32 s31, $0x0;
	s0 =	rddreg [dreg:$0x6]  }
0x47e: {  	s0 =	sadd.s32 @!p0 $0x100000, s0  }
0x47f: {  	[sflag:s0] =	ssyncadd.tile.s32 @!p0 $0x1;
	_ =	shalt  }
.Lfunc_end2:
_tile_overlayer_lowered:
.L_overlay_start_2:
0x480: {  	(tag) =	ssettag $0x2  }
0x481: {  	s0 =	rddreg [dreg:$0x0];
	s2 =	stileid.u32  }
0x482: {  	s1 =	rddreg [dreg:$0x1];
	p0 =	sne.s32 s2, $0x0  }
0x483: {  	s3 =	rddreg [dreg:$0x2];
	[bflag:$0x3] =	sbarrier.arrive $0xFFFF;
	s2 =	simm.s32 @!p0 $0x1C0C  }
0x484: {  	[timem:s3], [sflag:s2] =	dma.local @!p0 [hbm:s0], s1  }
0x485: {  	s0 =	simm.s32 @!p0 $0xC  }
0x486: {  	_ =	swait.ge @!p0 [sflag:s0], s1  }
0x487: {  	s1 =	ssub.s32 @!p0 $0x0, s1;
	[sflag:s0] =	ssyncset.done @!p0 $0x0  }
0x488: {  	[sflag:s0] =	ssyncadd.s32 @!p0 s1  }
0x489: {  	[bflag:$0x3] =	sbarrier.arrive $0xFFFF  }
0x48a: {  	_ =	shalt  }

</sc_bundles>
